<compile_context>
chip_gen: v7x
topology: tpu7x:2x2x1
jax: 0.10.2.dev20260603
libtpu: 0.0.44.dev20260713+nightly
codegen_flags: <defaults>
</compile_context>

<pallas_src>
import functools

import jax
import jax.numpy as jnp
from jax import lax
from jax.experimental import pallas as pl
from jax.experimental.pallas import tpu as pltpu
from jax.experimental.pallas import tpu_sc as plsc

_NC = 2
_NS = 16
_NW = _NC * _NS
_L = 16

_CHUNK = 128

_LN2 = 0.6931471805599453
_SQRT2 = 1.4142135623730951

_LOG_COEF = (
    -1.1755002720659213e-06,
    1.0000100225303417,
    -0.49977363669620845,
    0.33242491214076697,
    -0.2560272317472436,
    0.2217475756298205,
    -0.13623688471333067,
)


def _log16(v):
    bits = lax.bitcast_convert_type(v, jnp.int32)
    e = (bits >> 23) - 127
    m = lax.bitcast_convert_type((bits & 0x007FFFFF) | 0x3F800000, jnp.float32)
    big = m > _SQRT2
    m = jnp.where(big, m * 0.5, m)
    e = jnp.where(big, e + 1, e)
    u = m - 1.0
    p = jnp.full((_L,), _LOG_COEF[-1], jnp.float32)
    for c in _LOG_COEF[-2::-1]:
        p = p * u + c
    return e.astype(jnp.float32) * _LN2 + p


def kernel(x, ket_gs):
    B, S = x.shape
    assert B % (_NW * _CHUNK) == 0
    bpw = B // _NW
    n_chunks = bpw // _CHUNK
    gpc = _CHUNK // _L
    xt = lax.optimization_barrier(x.astype(jnp.int32).T)
    ket = ket_gs.astype(jnp.float32)

    mesh = plsc.VectorSubcoreMesh(core_axis_name="c", subcore_axis_name="s")

    @functools.partial(
        pl.kernel,
        mesh=mesh,
        out_type=jax.ShapeDtypeStruct((B,), jnp.float32),
        scratch_types=[
            pltpu.VMEM((S, bpw), jnp.int32),
            pltpu.VMEM((bpw,), jnp.int32),
            pltpu.VMEM((bpw,), jnp.float32),
        ]
        + [pltpu.SemaphoreType.DMA] * (2 * n_chunks + 1),
    )
    def sc_log_lookup(x_hbm, ket_hbm, out_hbm, x_v, idx_v, vals_v, *sems):
        sem_x = sems[:n_chunks]
        sem_g = sems[n_chunks:2 * n_chunks]
        sem_o = sems[2 * n_chunks]
        wid = lax.axis_index("s") * _NC + lax.axis_index("c")
        base = wid * bpw

        x_cp = [
            pltpu.async_copy(
                x_hbm.at[:, pl.ds(base + c * _CHUNK, _CHUNK)],
                x_v.at[:, pl.ds(c * _CHUNK, _CHUNK)],
                sem_x[c],
            )
            for c in range(n_chunks)
        ]

        g_cp = []
        for c in range(n_chunks):
            x_cp[c].wait()

            def idx_group(g, carry, c=c):
                off = c * _CHUNK + g * _L
                acc = jnp.zeros((_L,), jnp.int32)
                for j in range(S):
                    acc = acc * 2 + x_v[j, pl.ds(off, _L)]
                idx_v[pl.ds(off, _L)] = acc
                return carry

            lax.fori_loop(0, gpc, idx_group, 0, unroll=4)
            g_cp.append(
                pltpu.async_copy(
                    ket_hbm.at[idx_v.at[pl.ds(c * _CHUNK, _CHUNK)]],
                    vals_v.at[pl.ds(c * _CHUNK, _CHUNK)],
                    sem_g[c],
                )
            )

        o_cp = []
        for c in range(n_chunks):
            g_cp[c].wait()

            def log_group(g, carry, c=c):
                off = c * _CHUNK + g * _L
                vals_v[pl.ds(off, _L)] = _log16(vals_v[pl.ds(off, _L)])
                return carry

            lax.fori_loop(0, gpc, log_group, 0, unroll=4)
            o_cp.append(
                pltpu.async_copy(
                    vals_v.at[pl.ds(c * _CHUNK, _CHUNK)],
                    out_hbm.at[pl.ds(base + c * _CHUNK, _CHUNK)],
                    sem_o,
                )
            )
        for cp in o_cp:
            cp.wait()

    out = sc_log_lookup(xt, ket)
    return out.astype(jnp.complex64)

# --- scband reference (transcript-rebuilt; emitter-appended) ---
"""Pipeline reference for scband-exact-model-71708773974371 (READ-ONLY COPY).

The authoritative reference and input builder live on the scoring server;
editing this copy changes nothing except your own understanding.
"""

import jax, jax.numpy as jnp
import numpy as np

N_SITES = 20
N_STATES = 2 ** N_SITES  # 1048576
BATCH = 16384


def states_to_numbers(x):
    # Emulates nk.hilbert.Qubit(N).states_to_numbers: big-endian binary encoding
    powers = (2 ** jnp.arange(N_SITES - 1, -1, -1)).astype(jnp.int32)
    return (x.astype(jnp.int32) * powers).sum(axis=-1)


def setup_inputs(seed: int = 0) -> dict:
    key = jax.random.key(seed)
    k1, k2 = jax.random.split(key)
    # batch of qubit configurations, entries in {0, 1}
    x = jax.random.randint(k1, (BATCH, N_SITES), 0, 2)
    # exact ground-state wavefunction amplitudes (the 'learned' table / HashableArray)
    # bounded away from zero so log() is well-conditioned
    ket_gs = jax.random.uniform(k2, (N_STATES,), dtype=jnp.float32, minval=0.1, maxval=1.0)
    return {"x": x, "ket_gs": ket_gs}


def reference(x, ket_gs):
    # dummy param in original contributes nothing to the output; omitted
    indices = states_to_numbers(x)
    vals = jnp.take(ket_gs, indices, axis=0)
    return jnp.log(vals.astype(jnp.complex64))

if __name__ == "__main__":
    import jax
    _d = setup_inputs()
    print(jax.jit(kernel)(*tuple(_d.values())))

</pallas_src>

<mosaic_0001>
#map = affine_map<(d0, d1) -> (0, 0)>
#map1 = affine_map<(d0, d1) -> (0)>
module attributes {stable_mosaic.version = 14 : i64} {
  func.func @sc_log_lookup(%arg0: i32, %arg1: i32, %arg2: memref<20x16384xi32, #tpu.memory_space<hbm>>, %arg3: memref<1048576xf32, #tpu.memory_space<hbm>>, %arg4: memref<16384xf32, #tpu.memory_space<hbm>>, %arg5: memref<20x512xi32, #tpu.memory_space<vmem>>, %arg6: memref<512xi32, #tpu.memory_space<vmem>>, %arg7: memref<512xf32, #tpu.memory_space<vmem>>, %arg8: memref<!tpu.dma_semaphore, #tpu.memory_space<semaphore_mem>>, %arg9: memref<!tpu.dma_semaphore, #tpu.memory_space<semaphore_mem>>, %arg10: memref<!tpu.dma_semaphore, #tpu.memory_space<semaphore_mem>>, %arg11: memref<!tpu.dma_semaphore, #tpu.memory_space<semaphore_mem>>, %arg12: memref<!tpu.dma_semaphore, #tpu.memory_space<semaphore_mem>>, %arg13: memref<!tpu.dma_semaphore, #tpu.memory_space<semaphore_mem>>, %arg14: memref<!tpu.dma_semaphore, #tpu.memory_space<semaphore_mem>>, %arg15: memref<!tpu.dma_semaphore, #tpu.memory_space<semaphore_mem>>, %arg16: memref<!tpu.dma_semaphore, #tpu.memory_space<semaphore_mem>>) attributes {dimension_semantics = [#tpu.dimension_semantics<core_parallel>, #tpu.dimension_semantics<subcore_parallel>], iteration_bounds = array<i64: 2, 16>, scalar_prefetch = 0 : i64, scratch_operands = 12 : i64, tpu.core_type = #tpu.core_type<sc_vector_subcore>, window_params = [{transform_indices = #map}, {transform_indices = #map1}, {transform_indices = #map1}]} {
    %mul3A = arith.constant 2 : i32
    %mul3A_0 = arith.muli %arg1, %mul3A : i32
    %add3A = arith.addi %mul3A_0, %arg0 : i32
    %mul3A_1 = arith.constant 512 : i32
    %mul3A_2 = arith.muli %add3A, %mul3A_1 : i32
    %add3A_3 = arith.constant 0 : i32
    %add3A_4 = arith.addi %mul3A_2, %add3A_3 : i32
    %dma_start3A = arith.constant 0 : i32
    %dma_start3A_5 = arith.constant 0 : i32
    %dma_start3A_6 = tpu.memref_slice %arg5[%dma_start3A, %dma_start3A_5] : memref<20x512xi32, #tpu.memory_space<vmem>> -> memref<20x128xi32, #tpu.memory_space<vmem>>
    %dma_start3A_7 = arith.constant 0 : i32
    %dma_start3A_8 = tpu.memref_slice %arg2[%dma_start3A_7, %add3A_4] : memref<20x16384xi32, #tpu.memory_space<hbm>> -> memref<20x128xi32, #tpu.memory_space<hbm>>
    %dma_start3A_9 = arith.constant 0 : i32
    %dma_start3A_10 = arith.constant 0 : i32
    %dma_start3A_11 = tpu.memref_slice %arg5[%dma_start3A_9, %dma_start3A_10] : memref<20x512xi32, #tpu.memory_space<vmem>> -> memref<20x128xi32, #tpu.memory_space<vmem>>
    %dma_start3A_12 = arith.constant 0 : i32
    %dma_start3A_13 = tpu.memref_slice %arg2[%dma_start3A_12, %add3A_4] : memref<20x16384xi32, #tpu.memory_space<hbm>> -> memref<20x128xi32, #tpu.memory_space<hbm>>
    tpu.enqueue_dma source(%dma_start3A_13 : memref<20x128xi32, #tpu.memory_space<hbm>>) target(%dma_start3A_11 : memref<20x128xi32, #tpu.memory_space<vmem>>) target_semaphore(%arg8 : memref<!tpu.dma_semaphore, #tpu.memory_space<semaphore_mem>>)
    %add3A_14 = arith.constant 128 : i32
    %add3A_15 = arith.addi %mul3A_2, %add3A_14 : i32
    %dma_start3A_16 = arith.constant 0 : i32
    %dma_start3A_17 = arith.constant 128 : i32
    %dma_start3A_18 = tpu.memref_slice %arg5[%dma_start3A_16, %dma_start3A_17] : memref<20x512xi32, #tpu.memory_space<vmem>> -> memref<20x128xi32, #tpu.memory_space<vmem>>
    %dma_start3A_19 = arith.constant 0 : i32
    %dma_start3A_20 = tpu.memref_slice %arg2[%dma_start3A_19, %add3A_15] : memref<20x16384xi32, #tpu.memory_space<hbm>> -> memref<20x128xi32, #tpu.memory_space<hbm>>
    %dma_start3A_21 = arith.constant 0 : i32
    %dma_start3A_22 = arith.constant 128 : i32
    %dma_start3A_23 = tpu.memref_slice %arg5[%dma_start3A_21, %dma_start3A_22] : memref<20x512xi32, #tpu.memory_space<vmem>> -> memref<20x128xi32, #tpu.memory_space<vmem>>
    %dma_start3A_24 = arith.constant 0 : i32
    %dma_start3A_25 = tpu.memref_slice %arg2[%dma_start3A_24, %add3A_15] : memref<20x16384xi32, #tpu.memory_space<hbm>> -> memref<20x128xi32, #tpu.memory_space<hbm>>
    tpu.enqueue_dma source(%dma_start3A_25 : memref<20x128xi32, #tpu.memory_space<hbm>>) target(%dma_start3A_23 : memref<20x128xi32, #tpu.memory_space<vmem>>) target_semaphore(%arg9 : memref<!tpu.dma_semaphore, #tpu.memory_space<semaphore_mem>>)
    %add3A_26 = arith.constant 256 : i32
    %add3A_27 = arith.addi %mul3A_2, %add3A_26 : i32
    %dma_start3A_28 = arith.constant 0 : i32
    %dma_start3A_29 = arith.constant 256 : i32
    %dma_start3A_30 = tpu.memref_slice %arg5[%dma_start3A_28, %dma_start3A_29] : memref<20x512xi32, #tpu.memory_space<vmem>> -> memref<20x128xi32, #tpu.memory_space<vmem>>
    %dma_start3A_31 = arith.constant 0 : i32
    %dma_start3A_32 = tpu.memref_slice %arg2[%dma_start3A_31, %add3A_27] : memref<20x16384xi32, #tpu.memory_space<hbm>> -> memref<20x128xi32, #tpu.memory_space<hbm>>
    %dma_start3A_33 = arith.constant 0 : i32
    %dma_start3A_34 = arith.constant 256 : i32
    %dma_start3A_35 = tpu.memref_slice %arg5[%dma_start3A_33, %dma_start3A_34] : memref<20x512xi32, #tpu.memory_space<vmem>> -> memref<20x128xi32, #tpu.memory_space<vmem>>
    %dma_start3A_36 = arith.constant 0 : i32
    %dma_start3A_37 = tpu.memref_slice %arg2[%dma_start3A_36, %add3A_27] : memref<20x16384xi32, #tpu.memory_space<hbm>> -> memref<20x128xi32, #tpu.memory_space<hbm>>
    tpu.enqueue_dma source(%dma_start3A_37 : memref<20x128xi32, #tpu.memory_space<hbm>>) target(%dma_start3A_35 : memref<20x128xi32, #tpu.memory_space<vmem>>) target_semaphore(%arg10 : memref<!tpu.dma_semaphore, #tpu.memory_space<semaphore_mem>>)
    %add3A_38 = arith.constant 384 : i32
    %add3A_39 = arith.addi %mul3A_2, %add3A_38 : i32
    %dma_start3A_40 = arith.constant 0 : i32
    %dma_start3A_41 = arith.constant 384 : i32
    %dma_start3A_42 = tpu.memref_slice %arg5[%dma_start3A_40, %dma_start3A_41] : memref<20x512xi32, #tpu.memory_space<vmem>> -> memref<20x128xi32, #tpu.memory_space<vmem>>
    %dma_start3A_43 = arith.constant 0 : i32
    %dma_start3A_44 = tpu.memref_slice %arg2[%dma_start3A_43, %add3A_39] : memref<20x16384xi32, #tpu.memory_space<hbm>> -> memref<20x128xi32, #tpu.memory_space<hbm>>
    %dma_start3A_45 = arith.constant 0 : i32
    %dma_start3A_46 = arith.constant 384 : i32
    %dma_start3A_47 = tpu.memref_slice %arg5[%dma_start3A_45, %dma_start3A_46] : memref<20x512xi32, #tpu.memory_space<vmem>> -> memref<20x128xi32, #tpu.memory_space<vmem>>
    %dma_start3A_48 = arith.constant 0 : i32
    %dma_start3A_49 = tpu.memref_slice %arg2[%dma_start3A_48, %add3A_39] : memref<20x16384xi32, #tpu.memory_space<hbm>> -> memref<20x128xi32, #tpu.memory_space<hbm>>
    tpu.enqueue_dma source(%dma_start3A_49 : memref<20x128xi32, #tpu.memory_space<hbm>>) target(%dma_start3A_47 : memref<20x128xi32, #tpu.memory_space<vmem>>) target_semaphore(%arg11 : memref<!tpu.dma_semaphore, #tpu.memory_space<semaphore_mem>>)
    %dma_wait3A = arith.constant 0 : i32
    %dma_wait3A_50 = arith.constant 0 : i32
    %dma_wait3A_51 = tpu.memref_slice %arg5[%dma_wait3A, %dma_wait3A_50] : memref<20x512xi32, #tpu.memory_space<vmem>> -> memref<20x128xi32, #tpu.memory_space<vmem>>
    %dma_wait3A_52 = arith.constant 0 : i32
    %dma_wait3A_53 = tpu.memref_slice %arg2[%dma_wait3A_52, %add3A_4] : memref<20x16384xi32, #tpu.memory_space<hbm>> -> memref<20x128xi32, #tpu.memory_space<hbm>>
    %dma_wait3A_54 = arith.constant 0 : i32
    %dma_wait3A_55 = arith.constant 0 : i32
    %dma_wait3A_56 = tpu.memref_slice %arg5[%dma_wait3A_54, %dma_wait3A_55] : memref<20x512xi32, #tpu.memory_space<vmem>> -> memref<20x128xi32, #tpu.memory_space<vmem>>
    %dma_wait3A_57 = arith.constant 0 : i32
    %dma_wait3A_58 = tpu.memref_slice %arg2[%dma_wait3A_57, %add3A_4] : memref<20x16384xi32, #tpu.memory_space<hbm>> -> memref<20x128xi32, #tpu.memory_space<hbm>>
    tpu.wait_dma2 semaphore(%arg8 : memref<!tpu.dma_semaphore, #tpu.memory_space<semaphore_mem>>) src(%dma_wait3A_58 : memref<20x128xi32, #tpu.memory_space<hbm>>) dst(%dma_wait3A_56 : memref<20x128xi32, #tpu.memory_space<vmem>>)
    %scan3A = arith.constant 0 : i32
    %scan3A_59 = arith.constant 0 : i32
    %scan3A_60 = arith.constant 8 : i32
    %scan3A_61 = arith.addi %scan3A_59, %scan3A_60 : i32
    %scan3A_62 = arith.constant 4 : i32
    scf.for %scan3A_240 = %scan3A_59 to %scan3A_61 step %scan3A_62  : i32 {
      %mul3A_241 = arith.constant 16 : i32
      %mul3A_242 = arith.muli %scan3A_240, %mul3A_241 : i32
      %add3A_243 = arith.constant 0 : i32
      %add3A_244 = arith.addi %add3A_243, %mul3A_242 : i32
      %broadcast_in_dim3A = arith.constant 0 : i32
      %broadcast_in_dim3A_245 = vector.broadcast %broadcast_in_dim3A : i32 to vector<16xi32>
      %mul3A_246 = arith.constant 2 : i32
      %mul3A_247 = vector.broadcast %mul3A_246 : i32 to vector<16xi32>
      %mul3A_248 = arith.muli %broadcast_in_dim3A_245, %mul3A_247 : vector<16xi32>
      %get3A = arith.constant 0 : i32
      %get3A_249 = arith.index_cast %get3A : i32 to index
      %get3A_250 = arith.index_cast %add3A_244 : i32 to index
      %get3A_251 = tpu.vector_load %arg5[%get3A_249, %get3A_250] {strides = array<i32>} : memref<20x512xi32, #tpu.memory_space<vmem>>, vector<1x16xi32>,
      %get3A_252 = vector.shape_cast %get3A_251 : vector<1x16xi32> to vector<16xi32>
      %add3A_253 = arith.addi %mul3A_248, %get3A_252 : vector<16xi32>
      %mul3A_254 = arith.constant 2 : i32
      %mul3A_255 = vector.broadcast %mul3A_254 : i32 to vector<16xi32>
      %mul3A_256 = arith.muli %add3A_253, %mul3A_255 : vector<16xi32>
      %get3A_257 = arith.constant 1 : i32
      %get3A_258 = arith.index_cast %get3A_257 : i32 to index
      %get3A_259 = arith.index_cast %add3A_244 : i32 to index
      %get3A_260 = tpu.vector_load %arg5[%get3A_258, %get3A_259] {strides = array<i32>} : memref<20x512xi32, #tpu.memory_space<vmem>>, vector<1x16xi32>,
      %get3A_261 = vector.shape_cast %get3A_260 : vector<1x16xi32> to vector<16xi32>
      %add3A_262 = arith.addi %mul3A_256, %get3A_261 : vector<16xi32>
      %mul3A_263 = arith.constant 2 : i32
      %mul3A_264 = vector.broadcast %mul3A_263 : i32 to vector<16xi32>
      %mul3A_265 = arith.muli %add3A_262, %mul3A_264 : vector<16xi32>
      %get3A_266 = arith.constant 2 : i32
      %get3A_267 = arith.index_cast %get3A_266 : i32 to index
      %get3A_268 = arith.index_cast %add3A_244 : i32 to index
      %get3A_269 = tpu.vector_load %arg5[%get3A_267, %get3A_268] {strides = array<i32>} : memref<20x512xi32, #tpu.memory_space<vmem>>, vector<1x16xi32>,
      %get3A_270 = vector.shape_cast %get3A_269 : vector<1x16xi32> to vector<16xi32>
      %add3A_271 = arith.addi %mul3A_265, %get3A_270 : vector<16xi32>
      %mul3A_272 = arith.constant 2 : i32
      %mul3A_273 = vector.broadcast %mul3A_272 : i32 to vector<16xi32>
      %mul3A_274 = arith.muli %add3A_271, %mul3A_273 : vector<16xi32>
      %get3A_275 = arith.constant 3 : i32
      %get3A_276 = arith.index_cast %get3A_275 : i32 to index
      %get3A_277 = arith.index_cast %add3A_244 : i32 to index
      %get3A_278 = tpu.vector_load %arg5[%get3A_276, %get3A_277] {strides = array<i32>} : memref<20x512xi32, #tpu.memory_space<vmem>>, vector<1x16xi32>,
      %get3A_279 = vector.shape_cast %get3A_278 : vector<1x16xi32> to vector<16xi32>
      %add3A_280 = arith.addi %mul3A_274, %get3A_279 : vector<16xi32>
      %mul3A_281 = arith.constant 2 : i32
      %mul3A_282 = vector.broadcast %mul3A_281 : i32 to vector<16xi32>
      %mul3A_283 = arith.muli %add3A_280, %mul3A_282 : vector<16xi32>
      %get3A_284 = arith.constant 4 : i32
      %get3A_285 = arith.index_cast %get3A_284 : i32 to index
      %get3A_286 = arith.index_cast %add3A_244 : i32 to index
      %get3A_287 = tpu.vector_load %arg5[%get3A_285, %get3A_286] {strides = array<i32>} : memref<20x512xi32, #tpu.memory_space<vmem>>, vector<1x16xi32>,
      %get3A_288 = vector.shape_cast %get3A_287 : vector<1x16xi32> to vector<16xi32>
      %add3A_289 = arith.addi %mul3A_283, %get3A_288 : vector<16xi32>
      %mul3A_290 = arith.constant 2 : i32
      %mul3A_291 = vector.broadcast %mul3A_290 : i32 to vector<16xi32>
      %mul3A_292 = arith.muli %add3A_289, %mul3A_291 : vector<16xi32>
      %get3A_293 = arith.constant 5 : i32
      %get3A_294 = arith.index_cast %get3A_293 : i32 to index
      %get3A_295 = arith.index_cast %add3A_244 : i32 to index
      %get3A_296 = tpu.vector_load %arg5[%get3A_294, %get3A_295] {strides = array<i32>} : memref<20x512xi32, #tpu.memory_space<vmem>>, vector<1x16xi32>,
      %get3A_297 = vector.shape_cast %get3A_296 : vector<1x16xi32> to vector<16xi32>
      %add3A_298 = arith.addi %mul3A_292, %get3A_297 : vector<16xi32>
      %mul3A_299 = arith.constant 2 : i32
      %mul3A_300 = vector.broadcast %mul3A_299 : i32 to vector<16xi32>
      %mul3A_301 = arith.muli %add3A_298, %mul3A_300 : vector<16xi32>
      %get3A_302 = arith.constant 6 : i32
      %get3A_303 = arith.index_cast %get3A_302 : i32 to index
      %get3A_304 = arith.index_cast %add3A_244 : i32 to index
      %get3A_305 = tpu.vector_load %arg5[%get3A_303, %get3A_304] {strides = array<i32>} : memref<20x512xi32, #tpu.memory_space<vmem>>, vector<1x16xi32>,
      %get3A_306 = vector.shape_cast %get3A_305 : vector<1x16xi32> to vector<16xi32>
      %add3A_307 = arith.addi %mul3A_301, %get3A_306 : vector<16xi32>
      %mul3A_308 = arith.constant 2 : i32
      %mul3A_309 = vector.broadcast %mul3A_308 : i32 to vector<16xi32>
      %mul3A_310 = arith.muli %add3A_307, %mul3A_309 : vector<16xi32>
      %get3A_311 = arith.constant 7 : i32
      %get3A_312 = arith.index_cast %get3A_311 : i32 to index
      %get3A_313 = arith.index_cast %add3A_244 : i32 to index
      %get3A_314 = tpu.vector_load %arg5[%get3A_312, %get3A_313] {strides = array<i32>} : memref<20x512xi32, #tpu.memory_space<vmem>>, vector<1x16xi32>,
      %get3A_315 = vector.shape_cast %get3A_314 : vector<1x16xi32> to vector<16xi32>
      %add3A_316 = arith.addi %mul3A_310, %get3A_315 : vector<16xi32>
      %mul3A_317 = arith.constant 2 : i32
      %mul3A_318 = vector.broadcast %mul3A_317 : i32 to vector<16xi32>
      %mul3A_319 = arith.muli %add3A_316, %mul3A_318 : vector<16xi32>
      %get3A_320 = arith.constant 8 : i32
      %get3A_321 = arith.index_cast %get3A_320 : i32 to index
      %get3A_322 = arith.index_cast %add3A_244 : i32 to index
      %get3A_323 = tpu.vector_load %arg5[%get3A_321, %get3A_322] {strides = array<i32>} : memref<20x512xi32, #tpu.memory_space<vmem>>, vector<1x16xi32>,
      %get3A_324 = vector.shape_cast %get3A_323 : vector<1x16xi32> to vector<16xi32>
      %add3A_325 = arith.addi %mul3A_319, %get3A_324 : vector<16xi32>
      %mul3A_326 = arith.constant 2 : i32
      %mul3A_327 = vector.broadcast %mul3A_326 : i32 to vector<16xi32>
      %mul3A_328 = arith.muli %add3A_325, %mul3A_327 : vector<16xi32>
      %get3A_329 = arith.constant 9 : i32
      %get3A_330 = arith.index_cast %get3A_329 : i32 to index
      %get3A_331 = arith.index_cast %add3A_244 : i32 to index
      %get3A_332 = tpu.vector_load %arg5[%get3A_330, %get3A_331] {strides = array<i32>} : memref<20x512xi32, #tpu.memory_space<vmem>>, vector<1x16xi32>,
      %get3A_333 = vector.shape_cast %get3A_332 : vector<1x16xi32> to vector<16xi32>
      %add3A_334 = arith.addi %mul3A_328, %get3A_333 : vector<16xi32>
      %mul3A_335 = arith.constant 2 : i32
      %mul3A_336 = vector.broadcast %mul3A_335 : i32 to vector<16xi32>
      %mul3A_337 = arith.muli %add3A_334, %mul3A_336 : vector<16xi32>
      %get3A_338 = arith.constant 10 : i32
      %get3A_339 = arith.index_cast %get3A_338 : i32 to index
      %get3A_340 = arith.index_cast %add3A_244 : i32 to index
      %get3A_341 = tpu.vector_load %arg5[%get3A_339, %get3A_340] {strides = array<i32>} : memref<20x512xi32, #tpu.memory_space<vmem>>, vector<1x16xi32>,
      %get3A_342 = vector.shape_cast %get3A_341 : vector<1x16xi32> to vector<16xi32>
      %add3A_343 = arith.addi %mul3A_337, %get3A_342 : vector<16xi32>
      %mul3A_344 = arith.constant 2 : i32
      %mul3A_345 = vector.broadcast %mul3A_344 : i32 to vector<16xi32>
      %mul3A_346 = arith.muli %add3A_343, %mul3A_345 : vector<16xi32>
      %get3A_347 = arith.constant 11 : i32
      %get3A_348 = arith.index_cast %get3A_347 : i32 to index
      %get3A_349 = arith.index_cast %add3A_244 : i32 to index
      %get3A_350 = tpu.vector_load %arg5[%get3A_348, %get3A_349] {strides = array<i32>} : memref<20x512xi32, #tpu.memory_space<vmem>>, vector<1x16xi32>,
      %get3A_351 = vector.shape_cast %get3A_350 : vector<1x16xi32> to vector<16xi32>
      %add3A_352 = arith.addi %mul3A_346, %get3A_351 : vector<16xi32>
      %mul3A_353 = arith.constant 2 : i32
      %mul3A_354 = vector.broadcast %mul3A_353 : i32 to vector<16xi32>
      %mul3A_355 = arith.muli %add3A_352, %mul3A_354 : vector<16xi32>
      %get3A_356 = arith.constant 12 : i32
      %get3A_357 = arith.index_cast %get3A_356 : i32 to index
      %get3A_358 = arith.index_cast %add3A_244 : i32 to index
      %get3A_359 = tpu.vector_load %arg5[%get3A_357, %get3A_358] {strides = array<i32>} : memref<20x512xi32, #tpu.memory_space<vmem>>, vector<1x16xi32>,
      %get3A_360 = vector.shape_cast %get3A_359 : vector<1x16xi32> to vector<16xi32>
      %add3A_361 = arith.addi %mul3A_355, %get3A_360 : vector<16xi32>
      %mul3A_362 = arith.constant 2 : i32
      %mul3A_363 = vector.broadcast %mul3A_362 : i32 to vector<16xi32>
      %mul3A_364 = arith.muli %add3A_361, %mul3A_363 : vector<16xi32>
      %get3A_365 = arith.constant 13 : i32
      %get3A_366 = arith.index_cast %get3A_365 : i32 to index
      %get3A_367 = arith.index_cast %add3A_244 : i32 to index
      %get3A_368 = tpu.vector_load %arg5[%get3A_366, %get3A_367] {strides = array<i32>} : memref<20x512xi32, #tpu.memory_space<vmem>>, vector<1x16xi32>,
      %get3A_369 = vector.shape_cast %get3A_368 : vector<1x16xi32> to vector<16xi32>
      %add3A_370 = arith.addi %mul3A_364, %get3A_369 : vector<16xi32>
      %mul3A_371 = arith.constant 2 : i32
      %mul3A_372 = vector.broadcast %mul3A_371 : i32 to vector<16xi32>
      %mul3A_373 = arith.muli %add3A_370, %mul3A_372 : vector<16xi32>
      %get3A_374 = arith.constant 14 : i32
      %get3A_375 = arith.index_cast %get3A_374 : i32 to index
      %get3A_376 = arith.index_cast %add3A_244 : i32 to index
      %get3A_377 = tpu.vector_load %arg5[%get3A_375, %get3A_376] {strides = array<i32>} : memref<20x512xi32, #tpu.memory_space<vmem>>, vector<1x16xi32>,
      %get3A_378 = vector.shape_cast %get3A_377 : vector<1x16xi32> to vector<16xi32>
      %add3A_379 = arith.addi %mul3A_373, %get3A_378 : vector<16xi32>
      %mul3A_380 = arith.constant 2 : i32
      %mul3A_381 = vector.broadcast %mul3A_380 : i32 to vector<16xi32>
      %mul3A_382 = arith.muli %add3A_379, %mul3A_381 : vector<16xi32>
      %get3A_383 = arith.constant 15 : i32
      %get3A_384 = arith.index_cast %get3A_383 : i32 to index
      %get3A_385 = arith.index_cast %add3A_244 : i32 to index
      %get3A_386 = tpu.vector_load %arg5[%get3A_384, %get3A_385] {strides = array<i32>} : memref<20x512xi32, #tpu.memory_space<vmem>>, vector<1x16xi32>,
      %get3A_387 = vector.shape_cast %get3A_386 : vector<1x16xi32> to vector<16xi32>
      %add3A_388 = arith.addi %mul3A_382, %get3A_387 : vector<16xi32>
      %mul3A_389 = arith.constant 2 : i32
      %mul3A_390 = vector.broadcast %mul3A_389 : i32 to vector<16xi32>
      %mul3A_391 = arith.muli %add3A_388, %mul3A_390 : vector<16xi32>
      %get3A_392 = arith.constant 16 : i32
      %get3A_393 = arith.index_cast %get3A_392 : i32 to index
      %get3A_394 = arith.index_cast %add3A_244 : i32 to index
      %get3A_395 = tpu.vector_load %arg5[%get3A_393, %get3A_394] {strides = array<i32>} : memref<20x512xi32, #tpu.memory_space<vmem>>, vector<1x16xi32>,
      %get3A_396 = vector.shape_cast %get3A_395 : vector<1x16xi32> to vector<16xi32>
      %add3A_397 = arith.addi %mul3A_391, %get3A_396 : vector<16xi32>
      %mul3A_398 = arith.constant 2 : i32
      %mul3A_399 = vector.broadcast %mul3A_398 : i32 to vector<16xi32>
      %mul3A_400 = arith.muli %add3A_397, %mul3A_399 : vector<16xi32>
      %get3A_401 = arith.constant 17 : i32
      %get3A_402 = arith.index_cast %get3A_401 : i32 to index
      %get3A_403 = arith.index_cast %add3A_244 : i32 to index
      %get3A_404 = tpu.vector_load %arg5[%get3A_402, %get3A_403] {strides = array<i32>} : memref<20x512xi32, #tpu.memory_space<vmem>>, vector<1x16xi32>,
      %get3A_405 = vector.shape_cast %get3A_404 : vector<1x16xi32> to vector<16xi32>
      %add3A_406 = arith.addi %mul3A_400, %get3A_405 : vector<16xi32>
      %mul3A_407 = arith.constant 2 : i32
      %mul3A_408 = vector.broadcast %mul3A_407 : i32 to vector<16xi32>
      %mul3A_409 = arith.muli %add3A_406, %mul3A_408 : vector<16xi32>
      %get3A_410 = arith.constant 18 : i32
      %get3A_411 = arith.index_cast %get3A_410 : i32 to index
      %get3A_412 = arith.index_cast %add3A_244 : i32 to index
      %get3A_413 = tpu.vector_load %arg5[%get3A_411, %get3A_412] {strides = array<i32>} : memref<20x512xi32, #tpu.memory_space<vmem>>, vector<1x16xi32>,
      %get3A_414 = vector.shape_cast %get3A_413 : vector<1x16xi32> to vector<16xi32>
      %add3A_415 = arith.addi %mul3A_409, %get3A_414 : vector<16xi32>
      %mul3A_416 = arith.constant 2 : i32
      %mul3A_417 = vector.broadcast %mul3A_416 : i32 to vector<16xi32>
      %mul3A_418 = arith.muli %add3A_415, %mul3A_417 : vector<16xi32>
      %get3A_419 = arith.constant 19 : i32
      %get3A_420 = arith.index_cast %get3A_419 : i32 to index
      %get3A_421 = arith.index_cast %add3A_244 : i32 to index
      %get3A_422 = tpu.vector_load %arg5[%get3A_420, %get3A_421] {strides = array<i32>} : memref<20x512xi32, #tpu.memory_space<vmem>>, vector<1x16xi32>,
      %get3A_423 = vector.shape_cast %get3A_422 : vector<1x16xi32> to vector<16xi32>
      %add3A_424 = arith.addi %mul3A_418, %get3A_423 : vector<16xi32>
      %swap3A = arith.index_cast %add3A_244 : i32 to index
      %swap3A_425 = tpu.vector_load %arg6[%swap3A] {strides = array<i32>} : memref<512xi32, #tpu.memory_space<vmem>>, vector<16xi32>,
      %swap3A_426 = vector.shape_cast %swap3A_425 : vector<16xi32> to vector<16xi32>
      %swap3A_427 = vector.shape_cast %add3A_424 : vector<16xi32> to vector<16xi32>
      tpu.vector_store %arg6[%swap3A], %swap3A_427 {strides = array<i32>} : memref<512xi32, #tpu.memory_space<vmem>>, vector<16xi32>,
      %scan3A_428 = arith.constant 1 : i32
      %scan3A_429 = arith.addi %scan3A_240, %scan3A_428 : i32
      %mul3A_430 = arith.constant 16 : i32
      %mul3A_431 = arith.muli %scan3A_429, %mul3A_430 : i32
      %add3A_432 = arith.constant 0 : i32
      %add3A_433 = arith.addi %add3A_432, %mul3A_431 : i32
      %broadcast_in_dim3A_434 = arith.constant 0 : i32
      %broadcast_in_dim3A_435 = vector.broadcast %broadcast_in_dim3A_434 : i32 to vector<16xi32>
      %mul3A_436 = arith.constant 2 : i32
      %mul3A_437 = vector.broadcast %mul3A_436 : i32 to vector<16xi32>
      %mul3A_438 = arith.muli %broadcast_in_dim3A_435, %mul3A_437 : vector<16xi32>
      %get3A_439 = arith.constant 0 : i32
      %get3A_440 = arith.index_cast %get3A_439 : i32 to index
      %get3A_441 = arith.index_cast %add3A_433 : i32 to index
      %get3A_442 = tpu.vector_load %arg5[%get3A_440, %get3A_441] {strides = array<i32>} : memref<20x512xi32, #tpu.memory_space<vmem>>, vector<1x16xi32>,
      %get3A_443 = vector.shape_cast %get3A_442 : vector<1x16xi32> to vector<16xi32>
      %add3A_444 = arith.addi %mul3A_438, %get3A_443 : vector<16xi32>
      %mul3A_445 = arith.constant 2 : i32
      %mul3A_446 = vector.broadcast %mul3A_445 : i32 to vector<16xi32>
      %mul3A_447 = arith.muli %add3A_444, %mul3A_446 : vector<16xi32>
      %get3A_448 = arith.constant 1 : i32
      %get3A_449 = arith.index_cast %get3A_448 : i32 to index
      %get3A_450 = arith.index_cast %add3A_433 : i32 to index
      %get3A_451 = tpu.vector_load %arg5[%get3A_449, %get3A_450] {strides = array<i32>} : memref<20x512xi32, #tpu.memory_space<vmem>>, vector<1x16xi32>,
      %get3A_452 = vector.shape_cast %get3A_451 : vector<1x16xi32> to vector<16xi32>
      %add3A_453 = arith.addi %mul3A_447, %get3A_452 : vector<16xi32>
      %mul3A_454 = arith.constant 2 : i32
      %mul3A_455 = vector.broadcast %mul3A_454 : i32 to vector<16xi32>
      %mul3A_456 = arith.muli %add3A_453, %mul3A_455 : vector<16xi32>
      %get3A_457 = arith.constant 2 : i32
      %get3A_458 = arith.index_cast %get3A_457 : i32 to index
      %get3A_459 = arith.index_cast %add3A_433 : i32 to index
      %get3A_460 = tpu.vector_load %arg5[%get3A_458, %get3A_459] {strides = array<i32>} : memref<20x512xi32, #tpu.memory_space<vmem>>, vector<1x16xi32>,
      %get3A_461 = vector.shape_cast %get3A_460 : vector<1x16xi32> to vector<16xi32>
      %add3A_462 = arith.addi %mul3A_456, %get3A_461 : vector<16xi32>
      %mul3A_463 = arith.constant 2 : i32
      %mul3A_464 = vector.broadcast %mul3A_463 : i32 to vector<16xi32>
      %mul3A_465 = arith.muli %add3A_462, %mul3A_464 : vector<16xi32>
      %get3A_466 = arith.constant 3 : i32
      %get3A_467 = arith.index_cast %get3A_466 : i32 to index
      %get3A_468 = arith.index_cast %add3A_433 : i32 to index
      %get3A_469 = tpu.vector_load %arg5[%get3A_467, %get3A_468] {strides = array<i32>} : memref<20x512xi32, #tpu.memory_space<vmem>>, vector<1x16xi32>,
      %get3A_470 = vector.shape_cast %get3A_469 : vector<1x16xi32> to vector<16xi32>
      %add3A_471 = arith.addi %mul3A_465, %get3A_470 : vector<16xi32>
      %mul3A_472 = arith.constant 2 : i32
      %mul3A_473 = vector.broadcast %mul3A_472 : i32 to vector<16xi32>
      %mul3A_474 = arith.muli %add3A_471, %mul3A_473 : vector<16xi32>
      %get3A_475 = arith.constant 4 : i32
      %get3A_476 = arith.index_cast %get3A_475 : i32 to index
      %get3A_477 = arith.index_cast %add3A_433 : i32 to index
      %get3A_478 = tpu.vector_load %arg5[%get3A_476, %get3A_477] {strides = array<i32>} : memref<20x512xi32, #tpu.memory_space<vmem>>, vector<1x16xi32>,
      %get3A_479 = vector.shape_cast %get3A_478 : vector<1x16xi32> to vector<16xi32>
      %add3A_480 = arith.addi %mul3A_474, %get3A_479 : vector<16xi32>
      %mul3A_481 = arith.constant 2 : i32
      %mul3A_482 = vector.broadcast %mul3A_481 : i32 to vector<16xi32>
      %mul3A_483 = arith.muli %add3A_480, %mul3A_482 : vector<16xi32>
      %get3A_484 = arith.constant 5 : i32
      %get3A_485 = arith.index_cast %get3A_484 : i32 to index
      %get3A_486 = arith.index_cast %add3A_433 : i32 to index
      %get3A_487 = tpu.vector_load %arg5[%get3A_485, %get3A_486] {strides = array<i32>} : memref<20x512xi32, #tpu.memory_space<vmem>>, vector<1x16xi32>,
      %get3A_488 = vector.shape_cast %get3A_487 : vector<1x16xi32> to vector<16xi32>
      %add3A_489 = arith.addi %mul3A_483, %get3A_488 : vector<16xi32>
      %mul3A_490 = arith.constant 2 : i32
      %mul3A_491 = vector.broadcast %mul3A_490 : i32 to vector<16xi32>
      %mul3A_492 = arith.muli %add3A_489, %mul3A_491 : vector<16xi32>
      %get3A_493 = arith.constant 6 : i32
      %get3A_494 = arith.index_cast %get3A_493 : i32 to index
      %get3A_495 = arith.index_cast %add3A_433 : i32 to index
      %get3A_496 = tpu.vector_load %arg5[%get3A_494, %get3A_495] {strides = array<i32>} : memref<20x512xi32, #tpu.memory_space<vmem>>, vector<1x16xi32>,
      %get3A_497 = vector.shape_cast %get3A_496 : vector<1x16xi32> to vector<16xi32>
      %add3A_498 = arith.addi %mul3A_492, %get3A_497 : vector<16xi32>
      %mul3A_499 = arith.constant 2 : i32
      %mul3A_500 = vector.broadcast %mul3A_499 : i32 to vector<16xi32>
      %mul3A_501 = arith.muli %add3A_498, %mul3A_500 : vector<16xi32>
      %get3A_502 = arith.constant 7 : i32
      %get3A_503 = arith.index_cast %get3A_502 : i32 to index
      %get3A_504 = arith.index_cast %add3A_433 : i32 to index
      %get3A_505 = tpu.vector_load %arg5[%get3A_503, %get3A_504] {strides = array<i32>} : memref<20x512xi32, #tpu.memory_space<vmem>>, vector<1x16xi32>,
      %get3A_506 = vector.shape_cast %get3A_505 : vector<1x16xi32> to vector<16xi32>
      %add3A_507 = arith.addi %mul3A_501, %get3A_506 : vector<16xi32>
      %mul3A_508 = arith.constant 2 : i32
      %mul3A_509 = vector.broadcast %mul3A_508 : i32 to vector<16xi32>
      %mul3A_510 = arith.muli %add3A_507, %mul3A_509 : vector<16xi32>
      %get3A_511 = arith.constant 8 : i32
      %get3A_512 = arith.index_cast %get3A_511 : i32 to index
      %get3A_513 = arith.index_cast %add3A_433 : i32 to index
      %get3A_514 = tpu.vector_load %arg5[%get3A_512, %get3A_513] {strides = array<i32>} : memref<20x512xi32, #tpu.memory_space<vmem>>, vector<1x16xi32>,
      %get3A_515 = vector.shape_cast %get3A_514 : vector<1x16xi32> to vector<16xi32>
      %add3A_516 = arith.addi %mul3A_510, %get3A_515 : vector<16xi32>
      %mul3A_517 = arith.constant 2 : i32
      %mul3A_518 = vector.broadcast %mul3A_517 : i32 to vector<16xi32>
      %mul3A_519 = arith.muli %add3A_516, %mul3A_518 : vector<16xi32>
      %get3A_520 = arith.constant 9 : i32
      %get3A_521 = arith.index_cast %get3A_520 : i32 to index
      %get3A_522 = arith.index_cast %add3A_433 : i32 to index
      %get3A_523 = tpu.vector_load %arg5[%get3A_521, %get3A_522] {strides = array<i32>} : memref<20x512xi32, #tpu.memory_space<vmem>>, vector<1x16xi32>,
      %get3A_524 = vector.shape_cast %get3A_523 : vector<1x16xi32> to vector<16xi32>
      %add3A_525 = arith.addi %mul3A_519, %get3A_524 : vector<16xi32>
      %mul3A_526 = arith.constant 2 : i32
      %mul3A_527 = vector.broadcast %mul3A_526 : i32 to vector<16xi32>
      %mul3A_528 = arith.muli %add3A_525, %mul3A_527 : vector<16xi32>
      %get3A_529 = arith.constant 10 : i32
      %get3A_530 = arith.index_cast %get3A_529 : i32 to index
      %get3A_531 = arith.index_cast %add3A_433 : i32 to index
      %get3A_532 = tpu.vector_load %arg5[%get3A_530, %get3A_531] {strides = array<i32>} : memref<20x512xi32, #tpu.memory_space<vmem>>, vector<1x16xi32>,
      %get3A_533 = vector.shape_cast %get3A_532 : vector<1x16xi32> to vector<16xi32>
      %add3A_534 = arith.addi %mul3A_528, %get3A_533 : vector<16xi32>
      %mul3A_535 = arith.constant 2 : i32
      %mul3A_536 = vector.broadcast %mul3A_535 : i32 to vector<16xi32>
      %mul3A_537 = arith.muli %add3A_534, %mul3A_536 : vector<16xi32>
      %get3A_538 = arith.constant 11 : i32
      %get3A_539 = arith.index_cast %get3A_538 : i32 to index
      %get3A_540 = arith.index_cast %add3A_433 : i32 to index
      %get3A_541 = tpu.vector_load %arg5[%get3A_539, %get3A_540] {strides = array<i32>} : memref<20x512xi32, #tpu.memory_space<vmem>>, vector<1x16xi32>,
      %get3A_542 = vector.shape_cast %get3A_541 : vector<1x16xi32> to vector<16xi32>
      %add3A_543 = arith.addi %mul3A_537, %get3A_542 : vector<16xi32>
      %mul3A_544 = arith.constant 2 : i32
      %mul3A_545 = vector.broadcast %mul3A_544 : i32 to vector<16xi32>
      %mul3A_546 = arith.muli %add3A_543, %mul3A_545 : vector<16xi32>
      %get3A_547 = arith.constant 12 : i32
      %get3A_548 = arith.index_cast %get3A_547 : i32 to index
      %get3A_549 = arith.index_cast %add3A_433 : i32 to index
      %get3A_550 = tpu.vector_load %arg5[%get3A_548, %get3A_549] {strides = array<i32>} : memref<20x512xi32, #tpu.memory_space<vmem>>, vector<1x16xi32>,
      %get3A_551 = vector.shape_cast %get3A_550 : vector<1x16xi32> to vector<16xi32>
      %add3A_552 = arith.addi %mul3A_546, %get3A_551 : vector<16xi32>
      %mul3A_553 = arith.constant 2 : i32
      %mul3A_554 = vector.broadcast %mul3A_553 : i32 to vector<16xi32>
      %mul3A_555 = arith.muli %add3A_552, %mul3A_554 : vector<16xi32>
      %get3A_556 = arith.constant 13 : i32
      %get3A_557 = arith.index_cast %get3A_556 : i32 to index
      %get3A_558 = arith.index_cast %add3A_433 : i32 to index
      %get3A_559 = tpu.vector_load %arg5[%get3A_557, %get3A_558] {strides = array<i32>} : memref<20x512xi32, #tpu.memory_space<vmem>>, vector<1x16xi32>,
      %get3A_560 = vector.shape_cast %get3A_559 : vector<1x16xi32> to vector<16xi32>
      %add3A_561 = arith.addi %mul3A_555, %get3A_560 : vector<16xi32>
      %mul3A_562 = arith.constant 2 : i32
      %mul3A_563 = vector.broadcast %mul3A_562 : i32 to vector<16xi32>
      %mul3A_564 = arith.muli %add3A_561, %mul3A_563 : vector<16xi32>
      %get3A_565 = arith.constant 14 : i32
      %get3A_566 = arith.index_cast %get3A_565 : i32 to index
      %get3A_567 = arith.index_cast %add3A_433 : i32 to index
      %get3A_568 = tpu.vector_load %arg5[%get3A_566, %get3A_567] {strides = array<i32>} : memref<20x512xi32, #tpu.memory_space<vmem>>, vector<1x16xi32>,
      %get3A_569 = vector.shape_cast %get3A_568 : vector<1x16xi32> to vector<16xi32>
      %add3A_570 = arith.addi %mul3A_564, %get3A_569 : vector<16xi32>
      %mul3A_571 = arith.constant 2 : i32
      %mul3A_572 = vector.broadcast %mul3A_571 : i32 to vector<16xi32>
      %mul3A_573 = arith.muli %add3A_570, %mul3A_572 : vector<16xi32>
      %get3A_574 = arith.constant 15 : i32
      %get3A_575 = arith.index_cast %get3A_574 : i32 to index
      %get3A_576 = arith.index_cast %add3A_433 : i32 to index
      %get3A_577 = tpu.vector_load %arg5[%get3A_575, %get3A_576] {strides = array<i32>} : memref<20x512xi32, #tpu.memory_space<vmem>>, vector<1x16xi32>,
      %get3A_578 = vector.shape_cast %get3A_577 : vector<1x16xi32> to vector<16xi32>
      %add3A_579 = arith.addi %mul3A_573, %get3A_578 : vector<16xi32>
      %mul3A_580 = arith.constant 2 : i32
      %mul3A_581 = vector.broadcast %mul3A_580 : i32 to vector<16xi32>
      %mul3A_582 = arith.muli %add3A_579, %mul3A_581 : vector<16xi32>
      %get3A_583 = arith.constant 16 : i32
      %get3A_584 = arith.index_cast %get3A_583 : i32 to index
      %get3A_585 = arith.index_cast %add3A_433 : i32 to index
      %get3A_586 = tpu.vector_load %arg5[%get3A_584, %get3A_585] {strides = array<i32>} : memref<20x512xi32, #tpu.memory_space<vmem>>, vector<1x16xi32>,
      %get3A_587 = vector.shape_cast %get3A_586 : vector<1x16xi32> to vector<16xi32>
      %add3A_588 = arith.addi %mul3A_582, %get3A_587 : vector<16xi32>
      %mul3A_589 = arith.constant 2 : i32
      %mul3A_590 = vector.broadcast %mul3A_589 : i32 to vector<16xi32>
      %mul3A_591 = arith.muli %add3A_588, %mul3A_590 : vector<16xi32>
      %get3A_592 = arith.constant 17 : i32
      %get3A_593 = arith.index_cast %get3A_592 : i32 to index
      %get3A_594 = arith.index_cast %add3A_433 : i32 to index
      %get3A_595 = tpu.vector_load %arg5[%get3A_593, %get3A_594] {strides = array<i32>} : memref<20x512xi32, #tpu.memory_space<vmem>>, vector<1x16xi32>,
      %get3A_596 = vector.shape_cast %get3A_595 : vector<1x16xi32> to vector<16xi32>
      %add3A_597 = arith.addi %mul3A_591, %get3A_596 : vector<16xi32>
      %mul3A_598 = arith.constant 2 : i32
      %mul3A_599 = vector.broadcast %mul3A_598 : i32 to vector<16xi32>
      %mul3A_600 = arith.muli %add3A_597, %mul3A_599 : vector<16xi32>
      %get3A_601 = arith.constant 18 : i32
      %get3A_602 = arith.index_cast %get3A_601 : i32 to index
      %get3A_603 = arith.index_cast %add3A_433 : i32 to index
      %get3A_604 = tpu.vector_load %arg5[%get3A_602, %get3A_603] {strides = array<i32>} : memref<20x512xi32, #tpu.memory_space<vmem>>, vector<1x16xi32>,
      %get3A_605 = vector.shape_cast %get3A_604 : vector<1x16xi32> to vector<16xi32>
      %add3A_606 = arith.addi %mul3A_600, %get3A_605 : vector<16xi32>
      %mul3A_607 = arith.constant 2 : i32
      %mul3A_608 = vector.broadcast %mul3A_607 : i32 to vector<16xi32>
      %mul3A_609 = arith.muli %add3A_606, %mul3A_608 : vector<16xi32>
      %get3A_610 = arith.constant 19 : i32
      %get3A_611 = arith.index_cast %get3A_610 : i32 to index
      %get3A_612 = arith.index_cast %add3A_433 : i32 to index
      %get3A_613 = tpu.vector_load %arg5[%get3A_611, %get3A_612] {strides = array<i32>} : memref<20x512xi32, #tpu.memory_space<vmem>>, vector<1x16xi32>,
      %get3A_614 = vector.shape_cast %get3A_613 : vector<1x16xi32> to vector<16xi32>
      %add3A_615 = arith.addi %mul3A_609, %get3A_614 : vector<16xi32>
      %swap3A_616 = arith.index_cast %add3A_433 : i32 to index
      %swap3A_617 = tpu.vector_load %arg6[%swap3A_616] {strides = array<i32>} : memref<512xi32, #tpu.memory_space<vmem>>, vector<16xi32>,
      %swap3A_618 = vector.shape_cast %swap3A_617 : vector<16xi32> to vector<16xi32>
      %swap3A_619 = vector.shape_cast %add3A_615 : vector<16xi32> to vector<16xi32>
      tpu.vector_store %arg6[%swap3A_616], %swap3A_619 {strides = array<i32>} : memref<512xi32, #tpu.memory_space<vmem>>, vector<16xi32>,
      %scan3A_620 = arith.constant 2 : i32
      %scan3A_621 = arith.addi %scan3A_240, %scan3A_620 : i32
      %mul3A_622 = arith.constant 16 : i32
      %mul3A_623 = arith.muli %scan3A_621, %mul3A_622 : i32
      %add3A_624 = arith.constant 0 : i32
      %add3A_625 = arith.addi %add3A_624, %mul3A_623 : i32
      %broadcast_in_dim3A_626 = arith.constant 0 : i32
      %broadcast_in_dim3A_627 = vector.broadcast %broadcast_in_dim3A_626 : i32 to vector<16xi32>
      %mul3A_628 = arith.constant 2 : i32
      %mul3A_629 = vector.broadcast %mul3A_628 : i32 to vector<16xi32>
      %mul3A_630 = arith.muli %broadcast_in_dim3A_627, %mul3A_629 : vector<16xi32>
      %get3A_631 = arith.constant 0 : i32
      %get3A_632 = arith.index_cast %get3A_631 : i32 to index
      %get3A_633 = arith.index_cast %add3A_625 : i32 to index
      %get3A_634 = tpu.vector_load %arg5[%get3A_632, %get3A_633] {strides = array<i32>} : memref<20x512xi32, #tpu.memory_space<vmem>>, vector<1x16xi32>,
      %get3A_635 = vector.shape_cast %get3A_634 : vector<1x16xi32> to vector<16xi32>
      %add3A_636 = arith.addi %mul3A_630, %get3A_635 : vector<16xi32>
      %mul3A_637 = arith.constant 2 : i32
      %mul3A_638 = vector.broadcast %mul3A_637 : i32 to vector<16xi32>
      %mul3A_639 = arith.muli %add3A_636, %mul3A_638 : vector<16xi32>
      %get3A_640 = arith.constant 1 : i32
      %get3A_641 = arith.index_cast %get3A_640 : i32 to index
      %get3A_642 = arith.index_cast %add3A_625 : i32 to index
      %get3A_643 = tpu.vector_load %arg5[%get3A_641, %get3A_642] {strides = array<i32>} : memref<20x512xi32, #tpu.memory_space<vmem>>, vector<1x16xi32>,
      %get3A_644 = vector.shape_cast %get3A_643 : vector<1x16xi32> to vector<16xi32>
      %add3A_645 = arith.addi %mul3A_639, %get3A_644 : vector<16xi32>
      %mul3A_646 = arith.constant 2 : i32
      %mul3A_647 = vector.broadcast %mul3A_646 : i32 to vector<16xi32>
      %mul3A_648 = arith.muli %add3A_645, %mul3A_647 : vector<16xi32>
      %get3A_649 = arith.constant 2 : i32
      %get3A_650 = arith.index_cast %get3A_649 : i32 to index
      %get3A_651 = arith.index_cast %add3A_625 : i32 to index
      %get3A_652 = tpu.vector_load %arg5[%get3A_650, %get3A_651] {strides = array<i32>} : memref<20x512xi32, #tpu.memory_space<vmem>>, vector<1x16xi32>,
      %get3A_653 = vector.shape_cast %get3A_652 : vector<1x16xi32> to vector<16xi32>
      %add3A_654 = arith.addi %mul3A_648, %get3A_653 : vector<16xi32>
      %mul3A_655 = arith.constant 2 : i32
      %mul3A_656 = vector.broadcast %mul3A_655 : i32 to vector<16xi32>
      %mul3A_657 = arith.muli %add3A_654, %mul3A_656 : vector<16xi32>
      %get3A_658 = arith.constant 3 : i32
      %get3A_659 = arith.index_cast %get3A_658 : i32 to index
      %get3A_660 = arith.index_cast %add3A_625 : i32 to index
      %get3A_661 = tpu.vector_load %arg5[%get3A_659, %get3A_660] {strides = array<i32>} : memref<20x512xi32, #tpu.memory_space<vmem>>, vector<1x16xi32>,
      %get3A_662 = vector.shape_cast %get3A_661 : vector<1x16xi32> to vector<16xi32>
      %add3A_663 = arith.addi %mul3A_657, %get3A_662 : vector<16xi32>
      %mul3A_664 = arith.constant 2 : i32
      %mul3A_665 = vector.broadcast %mul3A_664 : i32 to vector<16xi32>
      %mul3A_666 = arith.muli %add3A_663, %mul3A_665 : vector<16xi32>
      %get3A_667 = arith.constant 4 : i32
      %get3A_668 = arith.index_cast %get3A_667 : i32 to index
      %get3A_669 = arith.index_cast %add3A_625 : i32 to index
      %get3A_670 = tpu.vector_load %arg5[%get3A_668, %get3A_669] {strides = array<i32>} : memref<20x512xi32, #tpu.memory_space<vmem>>, vector<1x16xi32>,
      %get3A_671 = vector.shape_cast %get3A_670 : vector<1x16xi32> to vector<16xi32>
      %add3A_672 = arith.addi %mul3A_666, %get3A_671 : vector<16xi32>
      %mul3A_673 = arith.constant 2 : i32
      %mul3A_674 = vector.broadcast %mul3A_673 : i32 to vector<16xi32>
      %mul3A_675 = arith.muli %add3A_672, %mul3A_674 : vector<16xi32>
      %get3A_676 = arith.constant 5 : i32
      %get3A_677 = arith.index_cast %get3A_676 : i32 to index
      %get3A_678 = arith.index_cast %add3A_625 : i32 to index
      %get3A_679 = tpu.vector_load %arg5[%get3A_677, %get3A_678] {strides = array<i32>} : memref<20x512xi32, #tpu.memory_space<vmem>>, vector<1x16xi32>,
      %get3A_680 = vector.shape_cast %get3A_679 : vector<1x16xi32> to vector<16xi32>
      %add3A_681 = arith.addi %mul3A_675, %get3A_680 : vector<16xi32>
      %mul3A_682 = arith.constant 2 : i32
      %mul3A_683 = vector.broadcast %mul3A_682 : i32 to vector<16xi32>
      %mul3A_684 = arith.muli %add3A_681, %mul3A_683 : vector<16xi32>
      %get3A_685 = arith.constant 6 : i32
      %get3A_686 = arith.index_cast %get3A_685 : i32 to index
      %get3A_687 = arith.index_cast %add3A_625 : i32 to index
      %get3A_688 = tpu.vector_load %arg5[%get3A_686, %get3A_687] {strides = array<i32>} : memref<20x512xi32, #tpu.memory_space<vmem>>, vector<1x16xi32>,
      %get3A_689 = vector.shape_cast %get3A_688 : vector<1x16xi32> to vector<16xi32>
      %add3A_690 = arith.addi %mul3A_684, %get3A_689 : vector<16xi32>
      %mul3A_691 = arith.constant 2 : i32
      %mul3A_692 = vector.broadcast %mul3A_691 : i32 to vector<16xi32>
      %mul3A_693 = arith.muli %add3A_690, %mul3A_692 : vector<16xi32>
      %get3A_694 = arith.constant 7 : i32
      %get3A_695 = arith.index_cast %get3A_694 : i32 to index
      %get3A_696 = arith.index_cast %add3A_625 : i32 to index
      %get3A_697 = tpu.vector_load %arg5[%get3A_695, %get3A_696] {strides = array<i32>} : memref<20x512xi32, #tpu.memory_space<vmem>>, vector<1x16xi32>,
      %get3A_698 = vector.shape_cast %get3A_697 : vector<1x16xi32> to vector<16xi32>
      %add3A_699 = arith.addi %mul3A_693, %get3A_698 : vector<16xi32>
      %mul3A_700 = arith.constant 2 : i32
      %mul3A_701 = vector.broadcast %mul3A_700 : i32 to vector<16xi32>
      %mul3A_702 = arith.muli %add3A_699, %mul3A_701 : vector<16xi32>
      %get3A_703 = arith.constant 8 : i32
      %get3A_704 = arith.index_cast %get3A_703 : i32 to index
      %get3A_705 = arith.index_cast %add3A_625 : i32 to index
      %get3A_706 = tpu.vector_load %arg5[%get3A_704, %get3A_705] {strides = array<i32>} : memref<20x512xi32, #tpu.memory_space<vmem>>, vector<1x16xi32>,
      %get3A_707 = vector.shape_cast %get3A_706 : vector<1x16xi32> to vector<16xi32>
      %add3A_708 = arith.addi %mul3A_702, %get3A_707 : vector<16xi32>
      %mul3A_709 = arith.constant 2 : i32
      %mul3A_710 = vector.broadcast %mul3A_709 : i32 to vector<16xi32>
      %mul3A_711 = arith.muli %add3A_708, %mul3A_710 : vector<16xi32>
      %get3A_712 = arith.constant 9 : i32
      %get3A_713 = arith.index_cast %get3A_712 : i32 to index
      %get3A_714 = arith.index_cast %add3A_625 : i32 to index
      %get3A_715 = tpu.vector_load %arg5[%get3A_713, %get3A_714] {strides = array<i32>} : memref<20x512xi32, #tpu.memory_space<vmem>>, vector<1x16xi32>,
      %get3A_716 = vector.shape_cast %get3A_715 : vector<1x16xi32> to vector<16xi32>
      %add3A_717 = arith.addi %mul3A_711, %get3A_716 : vector<16xi32>
      %mul3A_718 = arith.constant 2 : i32
      %mul3A_719 = vector.broadcast %mul3A_718 : i32 to vector<16xi32>
      %mul3A_720 = arith.muli %add3A_717, %mul3A_719 : vector<16xi32>
      %get3A_721 = arith.constant 10 : i32
      %get3A_722 = arith.index_cast %get3A_721 : i32 to index
      %get3A_723 = arith.index_cast %add3A_625 : i32 to index
      %get3A_724 = tpu.vector_load %arg5[%get3A_722, %get3A_723] {strides = array<i32>} : memref<20x512xi32, #tpu.memory_space<vmem>>, vector<1x16xi32>,
      %get3A_725 = vector.shape_cast %get3A_724 : vector<1x16xi32> to vector<16xi32>
      %add3A_726 = arith.addi %mul3A_720, %get3A_725 : vector<16xi32>
      %mul3A_727 = arith.constant 2 : i32
      %mul3A_728 = vector.broadcast %mul3A_727 : i32 to vector<16xi32>
      %mul3A_729 = arith.muli %add3A_726, %mul3A_728 : vector<16xi32>
      %get3A_730 = arith.constant 11 : i32
      %get3A_731 = arith.index_cast %get3A_730 : i32 to index
      %get3A_732 = arith.index_cast %add3A_625 : i32 to index
      %get3A_733 = tpu.vector_load %arg5[%get3A_731, %get3A_732] {strides = array<i32>} : memref<20x512xi32, #tpu.memory_space<vmem>>, vector<1x16xi32>,
      %get3A_734 = vector.shape_cast %get3A_733 : vector<1x16xi32> to vector<16xi32>
      %add3A_735 = arith.addi %mul3A_729, %get3A_734 : vector<16xi32>
      %mul3A_736 = arith.constant 2 : i32
      %mul3A_737 = vector.broadcast %mul3A_736 : i32 to vector<16xi32>
      %mul3A_738 = arith.muli %add3A_735, %mul3A_737 : vector<16xi32>
      %get3A_739 = arith.constant 12 : i32
      %get3A_740 = arith.index_cast %get3A_739 : i32 to index
      %get3A_741 = arith.index_cast %add3A_625 : i32 to index
      %get3A_742 = tpu.vector_load %arg5[%get3A_740, %get3A_741] {strides = array<i32>} : memref<20x512xi32, #tpu.memory_space<vmem>>, vector<1x16xi32>,
      %get3A_743 = vector.shape_cast %get3A_742 : vector<1x16xi32> to vector<16xi32>
      %add3A_744 = arith.addi %mul3A_738, %get3A_743 : vector<16xi32>
      %mul3A_745 = arith.constant 2 : i32
      %mul3A_746 = vector.broadcast %mul3A_745 : i32 to vector<16xi32>
      %mul3A_747 = arith.muli %add3A_744, %mul3A_746 : vector<16xi32>
      %get3A_748 = arith.constant 13 : i32
      %get3A_749 = arith.index_cast %get3A_748 : i32 to index
      %get3A_750 = arith.index_cast %add3A_625 : i32 to index
      %get3A_751 = tpu.vector_load %arg5[%get3A_749, %get3A_750] {strides = array<i32>} : memref<20x512xi32, #tpu.memory_space<vmem>>, vector<1x16xi32>,
      %get3A_752 = vector.shape_cast %get3A_751 : vector<1x16xi32> to vector<16xi32>
      %add3A_753 = arith.addi %mul3A_747, %get3A_752 : vector<16xi32>
      %mul3A_754 = arith.constant 2 : i32
      %mul3A_755 = vector.broadcast %mul3A_754 : i32 to vector<16xi32>
      %mul3A_756 = arith.muli %add3A_753, %mul3A_755 : vector<16xi32>
      %get3A_757 = arith.constant 14 : i32
      %get3A_758 = arith.index_cast %get3A_757 : i32 to index
      %get3A_759 = arith.index_cast %add3A_625 : i32 to index
      %get3A_760 = tpu.vector_load %arg5[%get3A_758, %get3A_759] {strides = array<i32>} : memref<20x512xi32, #tpu.memory_space<vmem>>, vector<1x16xi32>,
      %get3A_761 = vector.shape_cast %get3A_760 : vector<1x16xi32> to vector<16xi32>
      %add3A_762 = arith.addi %mul3A_756, %get3A_761 : vector<16xi32>
      %mul3A_763 = arith.constant 2 : i32
      %mul3A_764 = vector.broadcast %mul3A_763 : i32 to vector<16xi32>
      %mul3A_765 = arith.muli %add3A_762, %mul3A_764 : vector<16xi32>
      %get3A_766 = arith.constant 15 : i32
      %get3A_767 = arith.index_cast %get3A_766 : i32 to index
      %get3A_768 = arith.index_cast %add3A_625 : i32 to index
      %get3A_769 = tpu.vector_load %arg5[%get3A_767, %get3A_768] {strides = array<i32>} : memref<20x512xi32, #tpu.memory_space<vmem>>, vector<1x16xi32>,
      %get3A_770 = vector.shape_cast %get3A_769 : vector<1x16xi32> to vector<16xi32>
      %add3A_771 = arith.addi %mul3A_765, %get3A_770 : vector<16xi32>
      %mul3A_772 = arith.constant 2 : i32
      %mul3A_773 = vector.broadcast %mul3A_772 : i32 to vector<16xi32>
      %mul3A_774 = arith.muli %add3A_771, %mul3A_773 : vector<16xi32>
      %get3A_775 = arith.constant 16 : i32
      %get3A_776 = arith.index_cast %get3A_775 : i32 to index
      %get3A_777 = arith.index_cast %add3A_625 : i32 to index
      %get3A_778 = tpu.vector_load %arg5[%get3A_776, %get3A_777] {strides = array<i32>} : memref<20x512xi32, #tpu.memory_space<vmem>>, vector<1x16xi32>,
      %get3A_779 = vector.shape_cast %get3A_778 : vector<1x16xi32> to vector<16xi32>
      %add3A_780 = arith.addi %mul3A_774, %get3A_779 : vector<16xi32>
      %mul3A_781 = arith.constant 2 : i32
      %mul3A_782 = vector.broadcast %mul3A_781 : i32 to vector<16xi32>
      %mul3A_783 = arith.muli %add3A_780, %mul3A_782 : vector<16xi32>
      %get3A_784 = arith.constant 17 : i32
      %get3A_785 = arith.index_cast %get3A_784 : i32 to index
      %get3A_786 = arith.index_cast %add3A_625 : i32 to index
      %get3A_787 = tpu.vector_load %arg5[%get3A_785, %get3A_786] {strides = array<i32>} : memref<20x512xi32, #tpu.memory_space<vmem>>, vector<1x16xi32>,
      %get3A_788 = vector.shape_cast %get3A_787 : vector<1x16xi32> to vector<16xi32>
      %add3A_789 = arith.addi %mul3A_783, %get3A_788 : vector<16xi32>
      %mul3A_790 = arith.constant 2 : i32
      %mul3A_791 = vector.broadcast %mul3A_790 : i32 to vector<16xi32>
      %mul3A_792 = arith.muli %add3A_789, %mul3A_791 : vector<16xi32>
      %get3A_793 = arith.constant 18 : i32
      %get3A_794 = arith.index_cast %get3A_793 : i32 to index
      %get3A_795 = arith.index_cast %add3A_625 : i32 to index
      %get3A_796 = tpu.vector_load %arg5[%get3A_794, %get3A_795] {strides = array<i32>} : memref<20x512xi32, #tpu.memory_space<vmem>>, vector<1x16xi32>,
      %get3A_797 = vector.shape_cast %get3A_796 : vector<1x16xi32> to vector<16xi32>
      %add3A_798 = arith.addi %mul3A_792, %get3A_797 : vector<16xi32>
      %mul3A_799 = arith.constant 2 : i32
      %mul3A_800 = vector.broadcast %mul3A_799 : i32 to vector<16xi32>
      %mul3A_801 = arith.muli %add3A_798, %mul3A_800 : vector<16xi32>
      %get3A_802 = arith.constant 19 : i32
      %get3A_803 = arith.index_cast %get3A_802 : i32 to index
      %get3A_804 = arith.index_cast %add3A_625 : i32 to index
      %get3A_805 = tpu.vector_load %arg5[%get3A_803, %get3A_804] {strides = array<i32>} : memref<20x512xi32, #tpu.memory_space<vmem>>, vector<1x16xi32>,
      %get3A_806 = vector.shape_cast %get3A_805 : vector<1x16xi32> to vector<16xi32>
      %add3A_807 = arith.addi %mul3A_801, %get3A_806 : vector<16xi32>
      %swap3A_808 = arith.index_cast %add3A_625 : i32 to index
      %swap3A_809 = tpu.vector_load %arg6[%swap3A_808] {strides = array<i32>} : memref<512xi32, #tpu.memory_space<vmem>>, vector<16xi32>,
      %swap3A_810 = vector.shape_cast %swap3A_809 : vector<16xi32> to vector<16xi32>
      %swap3A_811 = vector.shape_cast %add3A_807 : vector<16xi32> to vector<16xi32>
      tpu.vector_store %arg6[%swap3A_808], %swap3A_811 {strides = array<i32>} : memref<512xi32, #tpu.memory_space<vmem>>, vector<16xi32>,
      %scan3A_812 = arith.constant 3 : i32
      %scan3A_813 = arith.addi %scan3A_240, %scan3A_812 : i32
      %mul3A_814 = arith.constant 16 : i32
      %mul3A_815 = arith.muli %scan3A_813, %mul3A_814 : i32
      %add3A_816 = arith.constant 0 : i32
      %add3A_817 = arith.addi %add3A_816, %mul3A_815 : i32
      %broadcast_in_dim3A_818 = arith.constant 0 : i32
      %broadcast_in_dim3A_819 = vector.broadcast %broadcast_in_dim3A_818 : i32 to vector<16xi32>
      %mul3A_820 = arith.constant 2 : i32
      %mul3A_821 = vector.broadcast %mul3A_820 : i32 to vector<16xi32>
      %mul3A_822 = arith.muli %broadcast_in_dim3A_819, %mul3A_821 : vector<16xi32>
      %get3A_823 = arith.constant 0 : i32
      %get3A_824 = arith.index_cast %get3A_823 : i32 to index
      %get3A_825 = arith.index_cast %add3A_817 : i32 to index
      %get3A_826 = tpu.vector_load %arg5[%get3A_824, %get3A_825] {strides = array<i32>} : memref<20x512xi32, #tpu.memory_space<vmem>>, vector<1x16xi32>,
      %get3A_827 = vector.shape_cast %get3A_826 : vector<1x16xi32> to vector<16xi32>
      %add3A_828 = arith.addi %mul3A_822, %get3A_827 : vector<16xi32>
      %mul3A_829 = arith.constant 2 : i32
      %mul3A_830 = vector.broadcast %mul3A_829 : i32 to vector<16xi32>
      %mul3A_831 = arith.muli %add3A_828, %mul3A_830 : vector<16xi32>
      %get3A_832 = arith.constant 1 : i32
      %get3A_833 = arith.index_cast %get3A_832 : i32 to index
      %get3A_834 = arith.index_cast %add3A_817 : i32 to index
      %get3A_835 = tpu.vector_load %arg5[%get3A_833, %get3A_834] {strides = array<i32>} : memref<20x512xi32, #tpu.memory_space<vmem>>, vector<1x16xi32>,
      %get3A_836 = vector.shape_cast %get3A_835 : vector<1x16xi32> to vector<16xi32>
      %add3A_837 = arith.addi %mul3A_831, %get3A_836 : vector<16xi32>
      %mul3A_838 = arith.constant 2 : i32
      %mul3A_839 = vector.broadcast %mul3A_838 : i32 to vector<16xi32>
      %mul3A_840 = arith.muli %add3A_837, %mul3A_839 : vector<16xi32>
      %get3A_841 = arith.constant 2 : i32
      %get3A_842 = arith.index_cast %get3A_841 : i32 to index
      %get3A_843 = arith.index_cast %add3A_817 : i32 to index
      %get3A_844 = tpu.vector_load %arg5[%get3A_842, %get3A_843] {strides = array<i32>} : memref<20x512xi32, #tpu.memory_space<vmem>>, vector<1x16xi32>,
      %get3A_845 = vector.shape_cast %get3A_844 : vector<1x16xi32> to vector<16xi32>
      %add3A_846 = arith.addi %mul3A_840, %get3A_845 : vector<16xi32>
      %mul3A_847 = arith.constant 2 : i32
      %mul3A_848 = vector.broadcast %mul3A_847 : i32 to vector<16xi32>
      %mul3A_849 = arith.muli %add3A_846, %mul3A_848 : vector<16xi32>
      %get3A_850 = arith.constant 3 : i32
      %get3A_851 = arith.index_cast %get3A_850 : i32 to index
      %get3A_852 = arith.index_cast %add3A_817 : i32 to index
      %get3A_853 = tpu.vector_load %arg5[%get3A_851, %get3A_852] {strides = array<i32>} : memref<20x512xi32, #tpu.memory_space<vmem>>, vector<1x16xi32>,
      %get3A_854 = vector.shape_cast %get3A_853 : vector<1x16xi32> to vector<16xi32>
      %add3A_855 = arith.addi %mul3A_849, %get3A_854 : vector<16xi32>
      %mul3A_856 = arith.constant 2 : i32
      %mul3A_857 = vector.broadcast %mul3A_856 : i32 to vector<16xi32>
      %mul3A_858 = arith.muli %add3A_855, %mul3A_857 : vector<16xi32>
      %get3A_859 = arith.constant 4 : i32
      %get3A_860 = arith.index_cast %get3A_859 : i32 to index
      %get3A_861 = arith.index_cast %add3A_817 : i32 to index
      %get3A_862 = tpu.vector_load %arg5[%get3A_860, %get3A_861] {strides = array<i32>} : memref<20x512xi32, #tpu.memory_space<vmem>>, vector<1x16xi32>,
      %get3A_863 = vector.shape_cast %get3A_862 : vector<1x16xi32> to vector<16xi32>
      %add3A_864 = arith.addi %mul3A_858, %get3A_863 : vector<16xi32>
      %mul3A_865 = arith.constant 2 : i32
      %mul3A_866 = vector.broadcast %mul3A_865 : i32 to vector<16xi32>
      %mul3A_867 = arith.muli %add3A_864, %mul3A_866 : vector<16xi32>
      %get3A_868 = arith.constant 5 : i32
      %get3A_869 = arith.index_cast %get3A_868 : i32 to index
      %get3A_870 = arith.index_cast %add3A_817 : i32 to index
      %get3A_871 = tpu.vector_load %arg5[%get3A_869, %get3A_870] {strides = array<i32>} : memref<20x512xi32, #tpu.memory_space<vmem>>, vector<1x16xi32>,
      %get3A_872 = vector.shape_cast %get3A_871 : vector<1x16xi32> to vector<16xi32>
      %add3A_873 = arith.addi %mul3A_867, %get3A_872 : vector<16xi32>
      %mul3A_874 = arith.constant 2 : i32
      %mul3A_875 = vector.broadcast %mul3A_874 : i32 to vector<16xi32>
      %mul3A_876 = arith.muli %add3A_873, %mul3A_875 : vector<16xi32>
      %get3A_877 = arith.constant 6 : i32
      %get3A_878 = arith.index_cast %get3A_877 : i32 to index
      %get3A_879 = arith.index_cast %add3A_817 : i32 to index
      %get3A_880 = tpu.vector_load %arg5[%get3A_878, %get3A_879] {strides = array<i32>} : memref<20x512xi32, #tpu.memory_space<vmem>>, vector<1x16xi32>,
      %get3A_881 = vector.shape_cast %get3A_880 : vector<1x16xi32> to vector<16xi32>
      %add3A_882 = arith.addi %mul3A_876, %get3A_881 : vector<16xi32>
      %mul3A_883 = arith.constant 2 : i32
      %mul3A_884 = vector.broadcast %mul3A_883 : i32 to vector<16xi32>
      %mul3A_885 = arith.muli %add3A_882, %mul3A_884 : vector<16xi32>
      %get3A_886 = arith.constant 7 : i32
      %get3A_887 = arith.index_cast %get3A_886 : i32 to index
      %get3A_888 = arith.index_cast %add3A_817 : i32 to index
      %get3A_889 = tpu.vector_load %arg5[%get3A_887, %get3A_888] {strides = array<i32>} : memref<20x512xi32, #tpu.memory_space<vmem>>, vector<1x16xi32>,
      %get3A_890 = vector.shape_cast %get3A_889 : vector<1x16xi32> to vector<16xi32>
      %add3A_891 = arith.addi %mul3A_885, %get3A_890 : vector<16xi32>
      %mul3A_892 = arith.constant 2 : i32
      %mul3A_893 = vector.broadcast %mul3A_892 : i32 to vector<16xi32>
      %mul3A_894 = arith.muli %add3A_891, %mul3A_893 : vector<16xi32>
      %get3A_895 = arith.constant 8 : i32
      %get3A_896 = arith.index_cast %get3A_895 : i32 to index
      %get3A_897 = arith.index_cast %add3A_817 : i32 to index
      %get3A_898 = tpu.vector_load %arg5[%get3A_896, %get3A_897] {strides = array<i32>} : memref<20x512xi32, #tpu.memory_space<vmem>>, vector<1x16xi32>,
      %get3A_899 = vector.shape_cast %get3A_898 : vector<1x16xi32> to vector<16xi32>
      %add3A_900 = arith.addi %mul3A_894, %get3A_899 : vector<16xi32>
      %mul3A_901 = arith.constant 2 : i32
      %mul3A_902 = vector.broadcast %mul3A_901 : i32 to vector<16xi32>
      %mul3A_903 = arith.muli %add3A_900, %mul3A_902 : vector<16xi32>
      %get3A_904 = arith.constant 9 : i32
      %get3A_905 = arith.index_cast %get3A_904 : i32 to index
      %get3A_906 = arith.index_cast %add3A_817 : i32 to index
      %get3A_907 = tpu.vector_load %arg5[%get3A_905, %get3A_906] {strides = array<i32>} : memref<20x512xi32, #tpu.memory_space<vmem>>, vector<1x16xi32>,
      %get3A_908 = vector.shape_cast %get3A_907 : vector<1x16xi32> to vector<16xi32>
      %add3A_909 = arith.addi %mul3A_903, %get3A_908 : vector<16xi32>
      %mul3A_910 = arith.constant 2 : i32
      %mul3A_911 = vector.broadcast %mul3A_910 : i32 to vector<16xi32>
      %mul3A_912 = arith.muli %add3A_909, %mul3A_911 : vector<16xi32>
      %get3A_913 = arith.constant 10 : i32
      %get3A_914 = arith.index_cast %get3A_913 : i32 to index
      %get3A_915 = arith.index_cast %add3A_817 : i32 to index
      %get3A_916 = tpu.vector_load %arg5[%get3A_914, %get3A_915] {strides = array<i32>} : memref<20x512xi32, #tpu.memory_space<vmem>>, vector<1x16xi32>,
      %get3A_917 = vector.shape_cast %get3A_916 : vector<1x16xi32> to vector<16xi32>
      %add3A_918 = arith.addi %mul3A_912, %get3A_917 : vector<16xi32>
      %mul3A_919 = arith.constant 2 : i32
      %mul3A_920 = vector.broadcast %mul3A_919 : i32 to vector<16xi32>
      %mul3A_921 = arith.muli %add3A_918, %mul3A_920 : vector<16xi32>
      %get3A_922 = arith.constant 11 : i32
      %get3A_923 = arith.index_cast %get3A_922 : i32 to index
      %get3A_924 = arith.index_cast %add3A_817 : i32 to index
      %get3A_925 = tpu.vector_load %arg5[%get3A_923, %get3A_924] {strides = array<i32>} : memref<20x512xi32, #tpu.memory_space<vmem>>, vector<1x16xi32>,
      %get3A_926 = vector.shape_cast %get3A_925 : vector<1x16xi32> to vector<16xi32>
      %add3A_927 = arith.addi %mul3A_921, %get3A_926 : vector<16xi32>
      %mul3A_928 = arith.constant 2 : i32
      %mul3A_929 = vector.broadcast %mul3A_928 : i32 to vector<16xi32>
      %mul3A_930 = arith.muli %add3A_927, %mul3A_929 : vector<16xi32>
      %get3A_931 = arith.constant 12 : i32
      %get3A_932 = arith.index_cast %get3A_931 : i32 to index
      %get3A_933 = arith.index_cast %add3A_817 : i32 to index
      %get3A_934 = tpu.vector_load %arg5[%get3A_932, %get3A_933] {strides = array<i32>} : memref<20x512xi32, #tpu.memory_space<vmem>>, vector<1x16xi32>,
      %get3A_935 = vector.shape_cast %get3A_934 : vector<1x16xi32> to vector<16xi32>
      %add3A_936 = arith.addi %mul3A_930, %get3A_935 : vector<16xi32>
      %mul3A_937 = arith.constant 2 : i32
      %mul3A_938 = vector.broadcast %mul3A_937 : i32 to vector<16xi32>
      %mul3A_939 = arith.muli %add3A_936, %mul3A_938 : vector<16xi32>
      %get3A_940 = arith.constant 13 : i32
      %get3A_941 = arith.index_cast %get3A_940 : i32 to index
      %get3A_942 = arith.index_cast %add3A_817 : i32 to index
      %get3A_943 = tpu.vector_load %arg5[%get3A_941, %get3A_942] {strides = array<i32>} : memref<20x512xi32, #tpu.memory_space<vmem>>, vector<1x16xi32>,
      %get3A_944 = vector.shape_cast %get3A_943 : vector<1x16xi32> to vector<16xi32>
      %add3A_945 = arith.addi %mul3A_939, %get3A_944 : vector<16xi32>
      %mul3A_946 = arith.constant 2 : i32
      %mul3A_947 = vector.broadcast %mul3A_946 : i32 to vector<16xi32>
      %mul3A_948 = arith.muli %add3A_945, %mul3A_947 : vector<16xi32>
      %get3A_949 = arith.constant 14 : i32
      %get3A_950 = arith.index_cast %get3A_949 : i32 to index
      %get3A_951 = arith.index_cast %add3A_817 : i32 to index
      %get3A_952 = tpu.vector_load %arg5[%get3A_950, %get3A_951] {strides = array<i32>} : memref<20x512xi32, #tpu.memory_space<vmem>>, vector<1x16xi32>,
      %get3A_953 = vector.shape_cast %get3A_952 : vector<1x16xi32> to vector<16xi32>
      %add3A_954 = arith.addi %mul3A_948, %get3A_953 : vector<16xi32>
      %mul3A_955 = arith.constant 2 : i32
      %mul3A_956 = vector.broadcast %mul3A_955 : i32 to vector<16xi32>
      %mul3A_957 = arith.muli %add3A_954, %mul3A_956 : vector<16xi32>
      %get3A_958 = arith.constant 15 : i32
      %get3A_959 = arith.index_cast %get3A_958 : i32 to index
      %get3A_960 = arith.index_cast %add3A_817 : i32 to index
      %get3A_961 = tpu.vector_load %arg5[%get3A_959, %get3A_960] {strides = array<i32>} : memref<20x512xi32, #tpu.memory_space<vmem>>, vector<1x16xi32>,
      %get3A_962 = vector.shape_cast %get3A_961 : vector<1x16xi32> to vector<16xi32>
      %add3A_963 = arith.addi %mul3A_957, %get3A_962 : vector<16xi32>
      %mul3A_964 = arith.constant 2 : i32
      %mul3A_965 = vector.broadcast %mul3A_964 : i32 to vector<16xi32>
      %mul3A_966 = arith.muli %add3A_963, %mul3A_965 : vector<16xi32>
      %get3A_967 = arith.constant 16 : i32
      %get3A_968 = arith.index_cast %get3A_967 : i32 to index
      %get3A_969 = arith.index_cast %add3A_817 : i32 to index
      %get3A_970 = tpu.vector_load %arg5[%get3A_968, %get3A_969] {strides = array<i32>} : memref<20x512xi32, #tpu.memory_space<vmem>>, vector<1x16xi32>,
      %get3A_971 = vector.shape_cast %get3A_970 : vector<1x16xi32> to vector<16xi32>
      %add3A_972 = arith.addi %mul3A_966, %get3A_971 : vector<16xi32>
      %mul3A_973 = arith.constant 2 : i32
      %mul3A_974 = vector.broadcast %mul3A_973 : i32 to vector<16xi32>
      %mul3A_975 = arith.muli %add3A_972, %mul3A_974 : vector<16xi32>
      %get3A_976 = arith.constant 17 : i32
      %get3A_977 = arith.index_cast %get3A_976 : i32 to index
      %get3A_978 = arith.index_cast %add3A_817 : i32 to index
      %get3A_979 = tpu.vector_load %arg5[%get3A_977, %get3A_978] {strides = array<i32>} : memref<20x512xi32, #tpu.memory_space<vmem>>, vector<1x16xi32>,
      %get3A_980 = vector.shape_cast %get3A_979 : vector<1x16xi32> to vector<16xi32>
      %add3A_981 = arith.addi %mul3A_975, %get3A_980 : vector<16xi32>
      %mul3A_982 = arith.constant 2 : i32
      %mul3A_983 = vector.broadcast %mul3A_982 : i32 to vector<16xi32>
      %mul3A_984 = arith.muli %add3A_981, %mul3A_983 : vector<16xi32>
      %get3A_985 = arith.constant 18 : i32
      %get3A_986 = arith.index_cast %get3A_985 : i32 to index
      %get3A_987 = arith.index_cast %add3A_817 : i32 to index
      %get3A_988 = tpu.vector_load %arg5[%get3A_986, %get3A_987] {strides = array<i32>} : memref<20x512xi32, #tpu.memory_space<vmem>>, vector<1x16xi32>,
      %get3A_989 = vector.shape_cast %get3A_988 : vector<1x16xi32> to vector<16xi32>
      %add3A_990 = arith.addi %mul3A_984, %get3A_989 : vector<16xi32>
      %mul3A_991 = arith.constant 2 : i32
      %mul3A_992 = vector.broadcast %mul3A_991 : i32 to vector<16xi32>
      %mul3A_993 = arith.muli %add3A_990, %mul3A_992 : vector<16xi32>
      %get3A_994 = arith.constant 19 : i32
      %get3A_995 = arith.index_cast %get3A_994 : i32 to index
      %get3A_996 = arith.index_cast %add3A_817 : i32 to index
      %get3A_997 = tpu.vector_load %arg5[%get3A_995, %get3A_996] {strides = array<i32>} : memref<20x512xi32, #tpu.memory_space<vmem>>, vector<1x16xi32>,
      %get3A_998 = vector.shape_cast %get3A_997 : vector<1x16xi32> to vector<16xi32>
      %add3A_999 = arith.addi %mul3A_993, %get3A_998 : vector<16xi32>
      %swap3A_1000 = arith.index_cast %add3A_817 : i32 to index
      %swap3A_1001 = tpu.vector_load %arg6[%swap3A_1000] {strides = array<i32>} : memref<512xi32, #tpu.memory_space<vmem>>, vector<16xi32>,
      %swap3A_1002 = vector.shape_cast %swap3A_1001 : vector<16xi32> to vector<16xi32>
      %swap3A_1003 = vector.shape_cast %add3A_999 : vector<16xi32> to vector<16xi32>
      tpu.vector_store %arg6[%swap3A_1000], %swap3A_1003 {strides = array<i32>} : memref<512xi32, #tpu.memory_space<vmem>>, vector<16xi32>,
    }
    %scan3A_63 = arith.constant 8 : i32
    %dma_start3A_64 = arith.constant 0 : i32
    %dma_start3A_65 = tpu.memref_slice %arg7[%dma_start3A_64] : memref<512xf32, #tpu.memory_space<vmem>> -> memref<128xf32, #tpu.memory_space<vmem>>
    %dma_start3A_66 = arith.constant 0 : i32
    %dma_start3A_67 = tpu.memref_slice %arg6[%dma_start3A_66] : memref<512xi32, #tpu.memory_space<vmem>> -> memref<128xi32, #tpu.memory_space<vmem>>
    %dma_start3A_68 = arith.constant 0 : i32
    %dma_start3A_69 = tpu.memref_slice %arg3[%dma_start3A_68] : memref<1048576xf32, #tpu.memory_space<hbm>> -> memref<1048576xf32, #tpu.memory_space<hbm>>
    tpu.enqueue_indirect_dma source(%dma_start3A_69 : memref<1048576xf32, #tpu.memory_space<hbm>>) target(%dma_start3A_65 : memref<128xf32, #tpu.memory_space<vmem>>) offsets(%dma_start3A_67 : memref<128xi32, #tpu.memory_space<vmem>>) semaphore(%arg12 : memref<!tpu.dma_semaphore, #tpu.memory_space<semaphore_mem>>)
    %dma_wait3A_70 = arith.constant 0 : i32
    %dma_wait3A_71 = arith.constant 128 : i32
    %dma_wait3A_72 = tpu.memref_slice %arg5[%dma_wait3A_70, %dma_wait3A_71] : memref<20x512xi32, #tpu.memory_space<vmem>> -> memref<20x128xi32, #tpu.memory_space<vmem>>
    %dma_wait3A_73 = arith.constant 0 : i32
    %dma_wait3A_74 = tpu.memref_slice %arg2[%dma_wait3A_73, %add3A_15] : memref<20x16384xi32, #tpu.memory_space<hbm>> -> memref<20x128xi32, #tpu.memory_space<hbm>>
    %dma_wait3A_75 = arith.constant 0 : i32
    %dma_wait3A_76 = arith.constant 128 : i32
    %dma_wait3A_77 = tpu.memref_slice %arg5[%dma_wait3A_75, %dma_wait3A_76] : memref<20x512xi32, #tpu.memory_space<vmem>> -> memref<20x128xi32, #tpu.memory_space<vmem>>
    %dma_wait3A_78 = arith.constant 0 : i32
    %dma_wait3A_79 = tpu.memref_slice %arg2[%dma_wait3A_78, %add3A_15] : memref<20x16384xi32, #tpu.memory_space<hbm>> -> memref<20x128xi32, #tpu.memory_space<hbm>>
    tpu.wait_dma2 semaphore(%arg9 : memref<!tpu.dma_semaphore, #tpu.memory_space<semaphore_mem>>) src(%dma_wait3A_79 : memref<20x128xi32, #tpu.memory_space<hbm>>) dst(%dma_wait3A_77 : memref<20x128xi32, #tpu.memory_space<vmem>>)
    %scan3A_80 = arith.constant 0 : i32
    %scan3A_81 = arith.constant 0 : i32
    %scan3A_82 = arith.constant 8 : i32
    %scan3A_83 = arith.addi %scan3A_81, %scan3A_82 : i32
    %scan3A_84 = arith.constant 4 : i32
    scf.for %scan3A_240 = %scan3A_81 to %scan3A_83 step %scan3A_84  : i32 {
      %mul3A_241 = arith.constant 16 : i32
      %mul3A_242 = arith.muli %scan3A_240, %mul3A_241 : i32
      %add3A_243 = arith.constant 128 : i32
      %add3A_244 = arith.addi %add3A_243, %mul3A_242 : i32
      %broadcast_in_dim3A = arith.constant 0 : i32
      %broadcast_in_dim3A_245 = vector.broadcast %broadcast_in_dim3A : i32 to vector<16xi32>
      %mul3A_246 = arith.constant 2 : i32
      %mul3A_247 = vector.broadcast %mul3A_246 : i32 to vector<16xi32>
      %mul3A_248 = arith.muli %broadcast_in_dim3A_245, %mul3A_247 : vector<16xi32>
      %get3A = arith.constant 0 : i32
      %get3A_249 = arith.index_cast %get3A : i32 to index
      %get3A_250 = arith.index_cast %add3A_244 : i32 to index
      %get3A_251 = tpu.vector_load %arg5[%get3A_249, %get3A_250] {strides = array<i32>} : memref<20x512xi32, #tpu.memory_space<vmem>>, vector<1x16xi32>,
      %get3A_252 = vector.shape_cast %get3A_251 : vector<1x16xi32> to vector<16xi32>
      %add3A_253 = arith.addi %mul3A_248, %get3A_252 : vector<16xi32>
      %mul3A_254 = arith.constant 2 : i32
      %mul3A_255 = vector.broadcast %mul3A_254 : i32 to vector<16xi32>
      %mul3A_256 = arith.muli %add3A_253, %mul3A_255 : vector<16xi32>
      %get3A_257 = arith.constant 1 : i32
      %get3A_258 = arith.index_cast %get3A_257 : i32 to index
      %get3A_259 = arith.index_cast %add3A_244 : i32 to index
      %get3A_260 = tpu.vector_load %arg5[%get3A_258, %get3A_259] {strides = array<i32>} : memref<20x512xi32, #tpu.memory_space<vmem>>, vector<1x16xi32>,
      %get3A_261 = vector.shape_cast %get3A_260 : vector<1x16xi32> to vector<16xi32>
      %add3A_262 = arith.addi %mul3A_256, %get3A_261 : vector<16xi32>
      %mul3A_263 = arith.constant 2 : i32
      %mul3A_264 = vector.broadcast %mul3A_263 : i32 to vector<16xi32>
      %mul3A_265 = arith.muli %add3A_262, %mul3A_264 : vector<16xi32>
      %get3A_266 = arith.constant 2 : i32
      %get3A_267 = arith.index_cast %get3A_266 : i32 to index
      %get3A_268 = arith.index_cast %add3A_244 : i32 to index
      %get3A_269 = tpu.vector_load %arg5[%get3A_267, %get3A_268] {strides = array<i32>} : memref<20x512xi32, #tpu.memory_space<vmem>>, vector<1x16xi32>,
      %get3A_270 = vector.shape_cast %get3A_269 : vector<1x16xi32> to vector<16xi32>
      %add3A_271 = arith.addi %mul3A_265, %get3A_270 : vector<16xi32>
      %mul3A_272 = arith.constant 2 : i32
      %mul3A_273 = vector.broadcast %mul3A_272 : i32 to vector<16xi32>
      %mul3A_274 = arith.muli %add3A_271, %mul3A_273 : vector<16xi32>
      %get3A_275 = arith.constant 3 : i32
      %get3A_276 = arith.index_cast %get3A_275 : i32 to index
      %get3A_277 = arith.index_cast %add3A_244 : i32 to index
      %get3A_278 = tpu.vector_load %arg5[%get3A_276, %get3A_277] {strides = array<i32>} : memref<20x512xi32, #tpu.memory_space<vmem>>, vector<1x16xi32>,
      %get3A_279 = vector.shape_cast %get3A_278 : vector<1x16xi32> to vector<16xi32>
      %add3A_280 = arith.addi %mul3A_274, %get3A_279 : vector<16xi32>
      %mul3A_281 = arith.constant 2 : i32
      %mul3A_282 = vector.broadcast %mul3A_281 : i32 to vector<16xi32>
      %mul3A_283 = arith.muli %add3A_280, %mul3A_282 : vector<16xi32>
      %get3A_284 = arith.constant 4 : i32
      %get3A_285 = arith.index_cast %get3A_284 : i32 to index
      %get3A_286 = arith.index_cast %add3A_244 : i32 to index
      %get3A_287 = tpu.vector_load %arg5[%get3A_285, %get3A_286] {strides = array<i32>} : memref<20x512xi32, #tpu.memory_space<vmem>>, vector<1x16xi32>,
      %get3A_288 = vector.shape_cast %get3A_287 : vector<1x16xi32> to vector<16xi32>
      %add3A_289 = arith.addi %mul3A_283, %get3A_288 : vector<16xi32>
      %mul3A_290 = arith.constant 2 : i32
      %mul3A_291 = vector.broadcast %mul3A_290 : i32 to vector<16xi32>
      %mul3A_292 = arith.muli %add3A_289, %mul3A_291 : vector<16xi32>
      %get3A_293 = arith.constant 5 : i32
      %get3A_294 = arith.index_cast %get3A_293 : i32 to index
      %get3A_295 = arith.index_cast %add3A_244 : i32 to index
      %get3A_296 = tpu.vector_load %arg5[%get3A_294, %get3A_295] {strides = array<i32>} : memref<20x512xi32, #tpu.memory_space<vmem>>, vector<1x16xi32>,
      %get3A_297 = vector.shape_cast %get3A_296 : vector<1x16xi32> to vector<16xi32>
      %add3A_298 = arith.addi %mul3A_292, %get3A_297 : vector<16xi32>
      %mul3A_299 = arith.constant 2 : i32
      %mul3A_300 = vector.broadcast %mul3A_299 : i32 to vector<16xi32>
      %mul3A_301 = arith.muli %add3A_298, %mul3A_300 : vector<16xi32>
      %get3A_302 = arith.constant 6 : i32
      %get3A_303 = arith.index_cast %get3A_302 : i32 to index
      %get3A_304 = arith.index_cast %add3A_244 : i32 to index
      %get3A_305 = tpu.vector_load %arg5[%get3A_303, %get3A_304] {strides = array<i32>} : memref<20x512xi32, #tpu.memory_space<vmem>>, vector<1x16xi32>,
      %get3A_306 = vector.shape_cast %get3A_305 : vector<1x16xi32> to vector<16xi32>
      %add3A_307 = arith.addi %mul3A_301, %get3A_306 : vector<16xi32>
      %mul3A_308 = arith.constant 2 : i32
      %mul3A_309 = vector.broadcast %mul3A_308 : i32 to vector<16xi32>
      %mul3A_310 = arith.muli %add3A_307, %mul3A_309 : vector<16xi32>
      %get3A_311 = arith.constant 7 : i32
      %get3A_312 = arith.index_cast %get3A_311 : i32 to index
      %get3A_313 = arith.index_cast %add3A_244 : i32 to index
      %get3A_314 = tpu.vector_load %arg5[%get3A_312, %get3A_313] {strides = array<i32>} : memref<20x512xi32, #tpu.memory_space<vmem>>, vector<1x16xi32>,
      %get3A_315 = vector.shape_cast %get3A_314 : vector<1x16xi32> to vector<16xi32>
      %add3A_316 = arith.addi %mul3A_310, %get3A_315 : vector<16xi32>
      %mul3A_317 = arith.constant 2 : i32
      %mul3A_318 = vector.broadcast %mul3A_317 : i32 to vector<16xi32>
      %mul3A_319 = arith.muli %add3A_316, %mul3A_318 : vector<16xi32>
      %get3A_320 = arith.constant 8 : i32
      %get3A_321 = arith.index_cast %get3A_320 : i32 to index
      %get3A_322 = arith.index_cast %add3A_244 : i32 to index
      %get3A_323 = tpu.vector_load %arg5[%get3A_321, %get3A_322] {strides = array<i32>} : memref<20x512xi32, #tpu.memory_space<vmem>>, vector<1x16xi32>,
      %get3A_324 = vector.shape_cast %get3A_323 : vector<1x16xi32> to vector<16xi32>
      %add3A_325 = arith.addi %mul3A_319, %get3A_324 : vector<16xi32>
      %mul3A_326 = arith.constant 2 : i32
      %mul3A_327 = vector.broadcast %mul3A_326 : i32 to vector<16xi32>
      %mul3A_328 = arith.muli %add3A_325, %mul3A_327 : vector<16xi32>
      %get3A_329 = arith.constant 9 : i32
      %get3A_330 = arith.index_cast %get3A_329 : i32 to index
      %get3A_331 = arith.index_cast %add3A_244 : i32 to index
      %get3A_332 = tpu.vector_load %arg5[%get3A_330, %get3A_331] {strides = array<i32>} : memref<20x512xi32, #tpu.memory_space<vmem>>, vector<1x16xi32>,
      %get3A_333 = vector.shape_cast %get3A_332 : vector<1x16xi32> to vector<16xi32>
      %add3A_334 = arith.addi %mul3A_328, %get3A_333 : vector<16xi32>
      %mul3A_335 = arith.constant 2 : i32
      %mul3A_336 = vector.broadcast %mul3A_335 : i32 to vector<16xi32>
      %mul3A_337 = arith.muli %add3A_334, %mul3A_336 : vector<16xi32>
      %get3A_338 = arith.constant 10 : i32
      %get3A_339 = arith.index_cast %get3A_338 : i32 to index
      %get3A_340 = arith.index_cast %add3A_244 : i32 to index
      %get3A_341 = tpu.vector_load %arg5[%get3A_339, %get3A_340] {strides = array<i32>} : memref<20x512xi32, #tpu.memory_space<vmem>>, vector<1x16xi32>,
      %get3A_342 = vector.shape_cast %get3A_341 : vector<1x16xi32> to vector<16xi32>
      %add3A_343 = arith.addi %mul3A_337, %get3A_342 : vector<16xi32>
      %mul3A_344 = arith.constant 2 : i32
      %mul3A_345 = vector.broadcast %mul3A_344 : i32 to vector<16xi32>
      %mul3A_346 = arith.muli %add3A_343, %mul3A_345 : vector<16xi32>
      %get3A_347 = arith.constant 11 : i32
      %get3A_348 = arith.index_cast %get3A_347 : i32 to index
      %get3A_349 = arith.index_cast %add3A_244 : i32 to index
      %get3A_350 = tpu.vector_load %arg5[%get3A_348, %get3A_349] {strides = array<i32>} : memref<20x512xi32, #tpu.memory_space<vmem>>, vector<1x16xi32>,
      %get3A_351 = vector.shape_cast %get3A_350 : vector<1x16xi32> to vector<16xi32>
      %add3A_352 = arith.addi %mul3A_346, %get3A_351 : vector<16xi32>
      %mul3A_353 = arith.constant 2 : i32
      %mul3A_354 = vector.broadcast %mul3A_353 : i32 to vector<16xi32>
      %mul3A_355 = arith.muli %add3A_352, %mul3A_354 : vector<16xi32>
      %get3A_356 = arith.constant 12 : i32
      %get3A_357 = arith.index_cast %get3A_356 : i32 to index
      %get3A_358 = arith.index_cast %add3A_244 : i32 to index
      %get3A_359 = tpu.vector_load %arg5[%get3A_357, %get3A_358] {strides = array<i32>} : memref<20x512xi32, #tpu.memory_space<vmem>>, vector<1x16xi32>,
      %get3A_360 = vector.shape_cast %get3A_359 : vector<1x16xi32> to vector<16xi32>
      %add3A_361 = arith.addi %mul3A_355, %get3A_360 : vector<16xi32>
      %mul3A_362 = arith.constant 2 : i32
      %mul3A_363 = vector.broadcast %mul3A_362 : i32 to vector<16xi32>
      %mul3A_364 = arith.muli %add3A_361, %mul3A_363 : vector<16xi32>
      %get3A_365 = arith.constant 13 : i32
      %get3A_366 = arith.index_cast %get3A_365 : i32 to index
      %get3A_367 = arith.index_cast %add3A_244 : i32 to index
      %get3A_368 = tpu.vector_load %arg5[%get3A_366, %get3A_367] {strides = array<i32>} : memref<20x512xi32, #tpu.memory_space<vmem>>, vector<1x16xi32>,
      %get3A_369 = vector.shape_cast %get3A_368 : vector<1x16xi32> to vector<16xi32>
      %add3A_370 = arith.addi %mul3A_364, %get3A_369 : vector<16xi32>
      %mul3A_371 = arith.constant 2 : i32
      %mul3A_372 = vector.broadcast %mul3A_371 : i32 to vector<16xi32>
      %mul3A_373 = arith.muli %add3A_370, %mul3A_372 : vector<16xi32>
      %get3A_374 = arith.constant 14 : i32
      %get3A_375 = arith.index_cast %get3A_374 : i32 to index
      %get3A_376 = arith.index_cast %add3A_244 : i32 to index
      %get3A_377 = tpu.vector_load %arg5[%get3A_375, %get3A_376] {strides = array<i32>} : memref<20x512xi32, #tpu.memory_space<vmem>>, vector<1x16xi32>,
      %get3A_378 = vector.shape_cast %get3A_377 : vector<1x16xi32> to vector<16xi32>
      %add3A_379 = arith.addi %mul3A_373, %get3A_378 : vector<16xi32>
      %mul3A_380 = arith.constant 2 : i32
      %mul3A_381 = vector.broadcast %mul3A_380 : i32 to vector<16xi32>
      %mul3A_382 = arith.muli %add3A_379, %mul3A_381 : vector<16xi32>
      %get3A_383 = arith.constant 15 : i32
      %get3A_384 = arith.index_cast %get3A_383 : i32 to index
      %get3A_385 = arith.index_cast %add3A_244 : i32 to index
      %get3A_386 = tpu.vector_load %arg5[%get3A_384, %get3A_385] {strides = array<i32>} : memref<20x512xi32, #tpu.memory_space<vmem>>, vector<1x16xi32>,
      %get3A_387 = vector.shape_cast %get3A_386 : vector<1x16xi32> to vector<16xi32>
      %add3A_388 = arith.addi %mul3A_382, %get3A_387 : vector<16xi32>
      %mul3A_389 = arith.constant 2 : i32
      %mul3A_390 = vector.broadcast %mul3A_389 : i32 to vector<16xi32>
      %mul3A_391 = arith.muli %add3A_388, %mul3A_390 : vector<16xi32>
      %get3A_392 = arith.constant 16 : i32
      %get3A_393 = arith.index_cast %get3A_392 : i32 to index
      %get3A_394 = arith.index_cast %add3A_244 : i32 to index
      %get3A_395 = tpu.vector_load %arg5[%get3A_393, %get3A_394] {strides = array<i32>} : memref<20x512xi32, #tpu.memory_space<vmem>>, vector<1x16xi32>,
      %get3A_396 = vector.shape_cast %get3A_395 : vector<1x16xi32> to vector<16xi32>
      %add3A_397 = arith.addi %mul3A_391, %get3A_396 : vector<16xi32>
      %mul3A_398 = arith.constant 2 : i32
      %mul3A_399 = vector.broadcast %mul3A_398 : i32 to vector<16xi32>
      %mul3A_400 = arith.muli %add3A_397, %mul3A_399 : vector<16xi32>
      %get3A_401 = arith.constant 17 : i32
      %get3A_402 = arith.index_cast %get3A_401 : i32 to index
      %get3A_403 = arith.index_cast %add3A_244 : i32 to index
      %get3A_404 = tpu.vector_load %arg5[%get3A_402, %get3A_403] {strides = array<i32>} : memref<20x512xi32, #tpu.memory_space<vmem>>, vector<1x16xi32>,
      %get3A_405 = vector.shape_cast %get3A_404 : vector<1x16xi32> to vector<16xi32>
      %add3A_406 = arith.addi %mul3A_400, %get3A_405 : vector<16xi32>
      %mul3A_407 = arith.constant 2 : i32
      %mul3A_408 = vector.broadcast %mul3A_407 : i32 to vector<16xi32>
      %mul3A_409 = arith.muli %add3A_406, %mul3A_408 : vector<16xi32>
      %get3A_410 = arith.constant 18 : i32
      %get3A_411 = arith.index_cast %get3A_410 : i32 to index
      %get3A_412 = arith.index_cast %add3A_244 : i32 to index
      %get3A_413 = tpu.vector_load %arg5[%get3A_411, %get3A_412] {strides = array<i32>} : memref<20x512xi32, #tpu.memory_space<vmem>>, vector<1x16xi32>,
      %get3A_414 = vector.shape_cast %get3A_413 : vector<1x16xi32> to vector<16xi32>
      %add3A_415 = arith.addi %mul3A_409, %get3A_414 : vector<16xi32>
      %mul3A_416 = arith.constant 2 : i32
      %mul3A_417 = vector.broadcast %mul3A_416 : i32 to vector<16xi32>
      %mul3A_418 = arith.muli %add3A_415, %mul3A_417 : vector<16xi32>
      %get3A_419 = arith.constant 19 : i32
      %get3A_420 = arith.index_cast %get3A_419 : i32 to index
      %get3A_421 = arith.index_cast %add3A_244 : i32 to index
      %get3A_422 = tpu.vector_load %arg5[%get3A_420, %get3A_421] {strides = array<i32>} : memref<20x512xi32, #tpu.memory_space<vmem>>, vector<1x16xi32>,
      %get3A_423 = vector.shape_cast %get3A_422 : vector<1x16xi32> to vector<16xi32>
      %add3A_424 = arith.addi %mul3A_418, %get3A_423 : vector<16xi32>
      %swap3A = arith.index_cast %add3A_244 : i32 to index
      %swap3A_425 = tpu.vector_load %arg6[%swap3A] {strides = array<i32>} : memref<512xi32, #tpu.memory_space<vmem>>, vector<16xi32>,
      %swap3A_426 = vector.shape_cast %swap3A_425 : vector<16xi32> to vector<16xi32>
      %swap3A_427 = vector.shape_cast %add3A_424 : vector<16xi32> to vector<16xi32>
      tpu.vector_store %arg6[%swap3A], %swap3A_427 {strides = array<i32>} : memref<512xi32, #tpu.memory_space<vmem>>, vector<16xi32>,
      %scan3A_428 = arith.constant 1 : i32
      %scan3A_429 = arith.addi %scan3A_240, %scan3A_428 : i32
      %mul3A_430 = arith.constant 16 : i32
      %mul3A_431 = arith.muli %scan3A_429, %mul3A_430 : i32
      %add3A_432 = arith.constant 128 : i32
      %add3A_433 = arith.addi %add3A_432, %mul3A_431 : i32
      %broadcast_in_dim3A_434 = arith.constant 0 : i32
      %broadcast_in_dim3A_435 = vector.broadcast %broadcast_in_dim3A_434 : i32 to vector<16xi32>
      %mul3A_436 = arith.constant 2 : i32
      %mul3A_437 = vector.broadcast %mul3A_436 : i32 to vector<16xi32>
      %mul3A_438 = arith.muli %broadcast_in_dim3A_435, %mul3A_437 : vector<16xi32>
      %get3A_439 = arith.constant 0 : i32
      %get3A_440 = arith.index_cast %get3A_439 : i32 to index
      %get3A_441 = arith.index_cast %add3A_433 : i32 to index
      %get3A_442 = tpu.vector_load %arg5[%get3A_440, %get3A_441] {strides = array<i32>} : memref<20x512xi32, #tpu.memory_space<vmem>>, vector<1x16xi32>,
      %get3A_443 = vector.shape_cast %get3A_442 : vector<1x16xi32> to vector<16xi32>
      %add3A_444 = arith.addi %mul3A_438, %get3A_443 : vector<16xi32>
      %mul3A_445 = arith.constant 2 : i32
      %mul3A_446 = vector.broadcast %mul3A_445 : i32 to vector<16xi32>
      %mul3A_447 = arith.muli %add3A_444, %mul3A_446 : vector<16xi32>
      %get3A_448 = arith.constant 1 : i32
      %get3A_449 = arith.index_cast %get3A_448 : i32 to index
      %get3A_450 = arith.index_cast %add3A_433 : i32 to index
      %get3A_451 = tpu.vector_load %arg5[%get3A_449, %get3A_450] {strides = array<i32>} : memref<20x512xi32, #tpu.memory_space<vmem>>, vector<1x16xi32>,
      %get3A_452 = vector.shape_cast %get3A_451 : vector<1x16xi32> to vector<16xi32>
      %add3A_453 = arith.addi %mul3A_447, %get3A_452 : vector<16xi32>
      %mul3A_454 = arith.constant 2 : i32
      %mul3A_455 = vector.broadcast %mul3A_454 : i32 to vector<16xi32>
      %mul3A_456 = arith.muli %add3A_453, %mul3A_455 : vector<16xi32>
      %get3A_457 = arith.constant 2 : i32
      %get3A_458 = arith.index_cast %get3A_457 : i32 to index
      %get3A_459 = arith.index_cast %add3A_433 : i32 to index
      %get3A_460 = tpu.vector_load %arg5[%get3A_458, %get3A_459] {strides = array<i32>} : memref<20x512xi32, #tpu.memory_space<vmem>>, vector<1x16xi32>,
      %get3A_461 = vector.shape_cast %get3A_460 : vector<1x16xi32> to vector<16xi32>
      %add3A_462 = arith.addi %mul3A_456, %get3A_461 : vector<16xi32>
      %mul3A_463 = arith.constant 2 : i32
      %mul3A_464 = vector.broadcast %mul3A_463 : i32 to vector<16xi32>
      %mul3A_465 = arith.muli %add3A_462, %mul3A_464 : vector<16xi32>
      %get3A_466 = arith.constant 3 : i32
      %get3A_467 = arith.index_cast %get3A_466 : i32 to index
      %get3A_468 = arith.index_cast %add3A_433 : i32 to index
      %get3A_469 = tpu.vector_load %arg5[%get3A_467, %get3A_468] {strides = array<i32>} : memref<20x512xi32, #tpu.memory_space<vmem>>, vector<1x16xi32>,
      %get3A_470 = vector.shape_cast %get3A_469 : vector<1x16xi32> to vector<16xi32>
      %add3A_471 = arith.addi %mul3A_465, %get3A_470 : vector<16xi32>
      %mul3A_472 = arith.constant 2 : i32
      %mul3A_473 = vector.broadcast %mul3A_472 : i32 to vector<16xi32>
      %mul3A_474 = arith.muli %add3A_471, %mul3A_473 : vector<16xi32>
      %get3A_475 = arith.constant 4 : i32
      %get3A_476 = arith.index_cast %get3A_475 : i32 to index
      %get3A_477 = arith.index_cast %add3A_433 : i32 to index
      %get3A_478 = tpu.vector_load %arg5[%get3A_476, %get3A_477] {strides = array<i32>} : memref<20x512xi32, #tpu.memory_space<vmem>>, vector<1x16xi32>,
      %get3A_479 = vector.shape_cast %get3A_478 : vector<1x16xi32> to vector<16xi32>
      %add3A_480 = arith.addi %mul3A_474, %get3A_479 : vector<16xi32>
      %mul3A_481 = arith.constant 2 : i32
      %mul3A_482 = vector.broadcast %mul3A_481 : i32 to vector<16xi32>
      %mul3A_483 = arith.muli %add3A_480, %mul3A_482 : vector<16xi32>
      %get3A_484 = arith.constant 5 : i32
      %get3A_485 = arith.index_cast %get3A_484 : i32 to index
      %get3A_486 = arith.index_cast %add3A_433 : i32 to index
      %get3A_487 = tpu.vector_load %arg5[%get3A_485, %get3A_486] {strides = array<i32>} : memref<20x512xi32, #tpu.memory_space<vmem>>, vector<1x16xi32>,
      %get3A_488 = vector.shape_cast %get3A_487 : vector<1x16xi32> to vector<16xi32>
      %add3A_489 = arith.addi %mul3A_483, %get3A_488 : vector<16xi32>
      %mul3A_490 = arith.constant 2 : i32
      %mul3A_491 = vector.broadcast %mul3A_490 : i32 to vector<16xi32>
      %mul3A_492 = arith.muli %add3A_489, %mul3A_491 : vector<16xi32>
      %get3A_493 = arith.constant 6 : i32
      %get3A_494 = arith.index_cast %get3A_493 : i32 to index
      %get3A_495 = arith.index_cast %add3A_433 : i32 to index
      %get3A_496 = tpu.vector_load %arg5[%get3A_494, %get3A_495] {strides = array<i32>} : memref<20x512xi32, #tpu.memory_space<vmem>>, vector<1x16xi32>,
      %get3A_497 = vector.shape_cast %get3A_496 : vector<1x16xi32> to vector<16xi32>
      %add3A_498 = arith.addi %mul3A_492, %get3A_497 : vector<16xi32>
      %mul3A_499 = arith.constant 2 : i32
      %mul3A_500 = vector.broadcast %mul3A_499 : i32 to vector<16xi32>
      %mul3A_501 = arith.muli %add3A_498, %mul3A_500 : vector<16xi32>
      %get3A_502 = arith.constant 7 : i32
      %get3A_503 = arith.index_cast %get3A_502 : i32 to index
      %get3A_504 = arith.index_cast %add3A_433 : i32 to index
      %get3A_505 = tpu.vector_load %arg5[%get3A_503, %get3A_504] {strides = array<i32>} : memref<20x512xi32, #tpu.memory_space<vmem>>, vector<1x16xi32>,
      %get3A_506 = vector.shape_cast %get3A_505 : vector<1x16xi32> to vector<16xi32>
      %add3A_507 = arith.addi %mul3A_501, %get3A_506 : vector<16xi32>
      %mul3A_508 = arith.constant 2 : i32
      %mul3A_509 = vector.broadcast %mul3A_508 : i32 to vector<16xi32>
      %mul3A_510 = arith.muli %add3A_507, %mul3A_509 : vector<16xi32>
      %get3A_511 = arith.constant 8 : i32
      %get3A_512 = arith.index_cast %get3A_511 : i32 to index
      %get3A_513 = arith.index_cast %add3A_433 : i32 to index
      %get3A_514 = tpu.vector_load %arg5[%get3A_512, %get3A_513] {strides = array<i32>} : memref<20x512xi32, #tpu.memory_space<vmem>>, vector<1x16xi32>,
      %get3A_515 = vector.shape_cast %get3A_514 : vector<1x16xi32> to vector<16xi32>
      %add3A_516 = arith.addi %mul3A_510, %get3A_515 : vector<16xi32>
      %mul3A_517 = arith.constant 2 : i32
      %mul3A_518 = vector.broadcast %mul3A_517 : i32 to vector<16xi32>
      %mul3A_519 = arith.muli %add3A_516, %mul3A_518 : vector<16xi32>
      %get3A_520 = arith.constant 9 : i32
      %get3A_521 = arith.index_cast %get3A_520 : i32 to index
      %get3A_522 = arith.index_cast %add3A_433 : i32 to index
      %get3A_523 = tpu.vector_load %arg5[%get3A_521, %get3A_522] {strides = array<i32>} : memref<20x512xi32, #tpu.memory_space<vmem>>, vector<1x16xi32>,
      %get3A_524 = vector.shape_cast %get3A_523 : vector<1x16xi32> to vector<16xi32>
      %add3A_525 = arith.addi %mul3A_519, %get3A_524 : vector<16xi32>
      %mul3A_526 = arith.constant 2 : i32
      %mul3A_527 = vector.broadcast %mul3A_526 : i32 to vector<16xi32>
      %mul3A_528 = arith.muli %add3A_525, %mul3A_527 : vector<16xi32>
      %get3A_529 = arith.constant 10 : i32
      %get3A_530 = arith.index_cast %get3A_529 : i32 to index
      %get3A_531 = arith.index_cast %add3A_433 : i32 to index
      %get3A_532 = tpu.vector_load %arg5[%get3A_530, %get3A_531] {strides = array<i32>} : memref<20x512xi32, #tpu.memory_space<vmem>>, vector<1x16xi32>,
      %get3A_533 = vector.shape_cast %get3A_532 : vector<1x16xi32> to vector<16xi32>
      %add3A_534 = arith.addi %mul3A_528, %get3A_533 : vector<16xi32>
      %mul3A_535 = arith.constant 2 : i32
      %mul3A_536 = vector.broadcast %mul3A_535 : i32 to vector<16xi32>
      %mul3A_537 = arith.muli %add3A_534, %mul3A_536 : vector<16xi32>
      %get3A_538 = arith.constant 11 : i32
      %get3A_539 = arith.index_cast %get3A_538 : i32 to index
      %get3A_540 = arith.index_cast %add3A_433 : i32 to index
      %get3A_541 = tpu.vector_load %arg5[%get3A_539, %get3A_540] {strides = array<i32>} : memref<20x512xi32, #tpu.memory_space<vmem>>, vector<1x16xi32>,
      %get3A_542 = vector.shape_cast %get3A_541 : vector<1x16xi32> to vector<16xi32>
      %add3A_543 = arith.addi %mul3A_537, %get3A_542 : vector<16xi32>
      %mul3A_544 = arith.constant 2 : i32
      %mul3A_545 = vector.broadcast %mul3A_544 : i32 to vector<16xi32>
      %mul3A_546 = arith.muli %add3A_543, %mul3A_545 : vector<16xi32>
      %get3A_547 = arith.constant 12 : i32
      %get3A_548 = arith.index_cast %get3A_547 : i32 to index
      %get3A_549 = arith.index_cast %add3A_433 : i32 to index
      %get3A_550 = tpu.vector_load %arg5[%get3A_548, %get3A_549] {strides = array<i32>} : memref<20x512xi32, #tpu.memory_space<vmem>>, vector<1x16xi32>,
      %get3A_551 = vector.shape_cast %get3A_550 : vector<1x16xi32> to vector<16xi32>
      %add3A_552 = arith.addi %mul3A_546, %get3A_551 : vector<16xi32>
      %mul3A_553 = arith.constant 2 : i32
      %mul3A_554 = vector.broadcast %mul3A_553 : i32 to vector<16xi32>
      %mul3A_555 = arith.muli %add3A_552, %mul3A_554 : vector<16xi32>
      %get3A_556 = arith.constant 13 : i32
      %get3A_557 = arith.index_cast %get3A_556 : i32 to index
      %get3A_558 = arith.index_cast %add3A_433 : i32 to index
      %get3A_559 = tpu.vector_load %arg5[%get3A_557, %get3A_558] {strides = array<i32>} : memref<20x512xi32, #tpu.memory_space<vmem>>, vector<1x16xi32>,
      %get3A_560 = vector.shape_cast %get3A_559 : vector<1x16xi32> to vector<16xi32>
      %add3A_561 = arith.addi %mul3A_555, %get3A_560 : vector<16xi32>
      %mul3A_562 = arith.constant 2 : i32
      %mul3A_563 = vector.broadcast %mul3A_562 : i32 to vector<16xi32>
      %mul3A_564 = arith.muli %add3A_561, %mul3A_563 : vector<16xi32>
      %get3A_565 = arith.constant 14 : i32
      %get3A_566 = arith.index_cast %get3A_565 : i32 to index
      %get3A_567 = arith.index_cast %add3A_433 : i32 to index
      %get3A_568 = tpu.vector_load %arg5[%get3A_566, %get3A_567] {strides = array<i32>} : memref<20x512xi32, #tpu.memory_space<vmem>>, vector<1x16xi32>,
      %get3A_569 = vector.shape_cast %get3A_568 : vector<1x16xi32> to vector<16xi32>
      %add3A_570 = arith.addi %mul3A_564, %get3A_569 : vector<16xi32>
      %mul3A_571 = arith.constant 2 : i32
      %mul3A_572 = vector.broadcast %mul3A_571 : i32 to vector<16xi32>
      %mul3A_573 = arith.muli %add3A_570, %mul3A_572 : vector<16xi32>
      %get3A_574 = arith.constant 15 : i32
      %get3A_575 = arith.index_cast %get3A_574 : i32 to index
      %get3A_576 = arith.index_cast %add3A_433 : i32 to index
      %get3A_577 = tpu.vector_load %arg5[%get3A_575, %get3A_576] {strides = array<i32>} : memref<20x512xi32, #tpu.memory_space<vmem>>, vector<1x16xi32>,
      %get3A_578 = vector.shape_cast %get3A_577 : vector<1x16xi32> to vector<16xi32>
      %add3A_579 = arith.addi %mul3A_573, %get3A_578 : vector<16xi32>
      %mul3A_580 = arith.constant 2 : i32
      %mul3A_581 = vector.broadcast %mul3A_580 : i32 to vector<16xi32>
      %mul3A_582 = arith.muli %add3A_579, %mul3A_581 : vector<16xi32>
      %get3A_583 = arith.constant 16 : i32
      %get3A_584 = arith.index_cast %get3A_583 : i32 to index
      %get3A_585 = arith.index_cast %add3A_433 : i32 to index
      %get3A_586 = tpu.vector_load %arg5[%get3A_584, %get3A_585] {strides = array<i32>} : memref<20x512xi32, #tpu.memory_space<vmem>>, vector<1x16xi32>,
      %get3A_587 = vector.shape_cast %get3A_586 : vector<1x16xi32> to vector<16xi32>
      %add3A_588 = arith.addi %mul3A_582, %get3A_587 : vector<16xi32>
      %mul3A_589 = arith.constant 2 : i32
      %mul3A_590 = vector.broadcast %mul3A_589 : i32 to vector<16xi32>
      %mul3A_591 = arith.muli %add3A_588, %mul3A_590 : vector<16xi32>
      %get3A_592 = arith.constant 17 : i32
      %get3A_593 = arith.index_cast %get3A_592 : i32 to index
      %get3A_594 = arith.index_cast %add3A_433 : i32 to index
      %get3A_595 = tpu.vector_load %arg5[%get3A_593, %get3A_594] {strides = array<i32>} : memref<20x512xi32, #tpu.memory_space<vmem>>, vector<1x16xi32>,
      %get3A_596 = vector.shape_cast %get3A_595 : vector<1x16xi32> to vector<16xi32>
      %add3A_597 = arith.addi %mul3A_591, %get3A_596 : vector<16xi32>
      %mul3A_598 = arith.constant 2 : i32
      %mul3A_599 = vector.broadcast %mul3A_598 : i32 to vector<16xi32>
      %mul3A_600 = arith.muli %add3A_597, %mul3A_599 : vector<16xi32>
      %get3A_601 = arith.constant 18 : i32
      %get3A_602 = arith.index_cast %get3A_601 : i32 to index
      %get3A_603 = arith.index_cast %add3A_433 : i32 to index
      %get3A_604 = tpu.vector_load %arg5[%get3A_602, %get3A_603] {strides = array<i32>} : memref<20x512xi32, #tpu.memory_space<vmem>>, vector<1x16xi32>,
      %get3A_605 = vector.shape_cast %get3A_604 : vector<1x16xi32> to vector<16xi32>
      %add3A_606 = arith.addi %mul3A_600, %get3A_605 : vector<16xi32>
      %mul3A_607 = arith.constant 2 : i32
      %mul3A_608 = vector.broadcast %mul3A_607 : i32 to vector<16xi32>
      %mul3A_609 = arith.muli %add3A_606, %mul3A_608 : vector<16xi32>
      %get3A_610 = arith.constant 19 : i32
      %get3A_611 = arith.index_cast %get3A_610 : i32 to index
      %get3A_612 = arith.index_cast %add3A_433 : i32 to index
      %get3A_613 = tpu.vector_load %arg5[%get3A_611, %get3A_612] {strides = array<i32>} : memref<20x512xi32, #tpu.memory_space<vmem>>, vector<1x16xi32>,
      %get3A_614 = vector.shape_cast %get3A_613 : vector<1x16xi32> to vector<16xi32>
      %add3A_615 = arith.addi %mul3A_609, %get3A_614 : vector<16xi32>
      %swap3A_616 = arith.index_cast %add3A_433 : i32 to index
      %swap3A_617 = tpu.vector_load %arg6[%swap3A_616] {strides = array<i32>} : memref<512xi32, #tpu.memory_space<vmem>>, vector<16xi32>,
      %swap3A_618 = vector.shape_cast %swap3A_617 : vector<16xi32> to vector<16xi32>
      %swap3A_619 = vector.shape_cast %add3A_615 : vector<16xi32> to vector<16xi32>
      tpu.vector_store %arg6[%swap3A_616], %swap3A_619 {strides = array<i32>} : memref<512xi32, #tpu.memory_space<vmem>>, vector<16xi32>,
      %scan3A_620 = arith.constant 2 : i32
      %scan3A_621 = arith.addi %scan3A_240, %scan3A_620 : i32
      %mul3A_622 = arith.constant 16 : i32
      %mul3A_623 = arith.muli %scan3A_621, %mul3A_622 : i32
      %add3A_624 = arith.constant 128 : i32
      %add3A_625 = arith.addi %add3A_624, %mul3A_623 : i32
      %broadcast_in_dim3A_626 = arith.constant 0 : i32
      %broadcast_in_dim3A_627 = vector.broadcast %broadcast_in_dim3A_626 : i32 to vector<16xi32>
      %mul3A_628 = arith.constant 2 : i32
      %mul3A_629 = vector.broadcast %mul3A_628 : i32 to vector<16xi32>
      %mul3A_630 = arith.muli %broadcast_in_dim3A_627, %mul3A_629 : vector<16xi32>
      %get3A_631 = arith.constant 0 : i32
      %get3A_632 = arith.index_cast %get3A_631 : i32 to index
      %get3A_633 = arith.index_cast %add3A_625 : i32 to index
      %get3A_634 = tpu.vector_load %arg5[%get3A_632, %get3A_633] {strides = array<i32>} : memref<20x512xi32, #tpu.memory_space<vmem>>, vector<1x16xi32>,
      %get3A_635 = vector.shape_cast %get3A_634 : vector<1x16xi32> to vector<16xi32>
      %add3A_636 = arith.addi %mul3A_630, %get3A_635 : vector<16xi32>
      %mul3A_637 = arith.constant 2 : i32
      %mul3A_638 = vector.broadcast %mul3A_637 : i32 to vector<16xi32>
      %mul3A_639 = arith.muli %add3A_636, %mul3A_638 : vector<16xi32>
      %get3A_640 = arith.constant 1 : i32
      %get3A_641 = arith.index_cast %get3A_640 : i32 to index
      %get3A_642 = arith.index_cast %add3A_625 : i32 to index
      %get3A_643 = tpu.vector_load %arg5[%get3A_641, %get3A_642] {strides = array<i32>} : memref<20x512xi32, #tpu.memory_space<vmem>>, vector<1x16xi32>,
      %get3A_644 = vector.shape_cast %get3A_643 : vector<1x16xi32> to vector<16xi32>
      %add3A_645 = arith.addi %mul3A_639, %get3A_644 : vector<16xi32>
      %mul3A_646 = arith.constant 2 : i32
      %mul3A_647 = vector.broadcast %mul3A_646 : i32 to vector<16xi32>
      %mul3A_648 = arith.muli %add3A_645, %mul3A_647 : vector<16xi32>
      %get3A_649 = arith.constant 2 : i32
      %get3A_650 = arith.index_cast %get3A_649 : i32 to index
      %get3A_651 = arith.index_cast %add3A_625 : i32 to index
      %get3A_652 = tpu.vector_load %arg5[%get3A_650, %get3A_651] {strides = array<i32>} : memref<20x512xi32, #tpu.memory_space<vmem>>, vector<1x16xi32>,
      %get3A_653 = vector.shape_cast %get3A_652 : vector<1x16xi32> to vector<16xi32>
      %add3A_654 = arith.addi %mul3A_648, %get3A_653 : vector<16xi32>
      %mul3A_655 = arith.constant 2 : i32
      %mul3A_656 = vector.broadcast %mul3A_655 : i32 to vector<16xi32>
      %mul3A_657 = arith.muli %add3A_654, %mul3A_656 : vector<16xi32>
      %get3A_658 = arith.constant 3 : i32
      %get3A_659 = arith.index_cast %get3A_658 : i32 to index
      %get3A_660 = arith.index_cast %add3A_625 : i32 to index
      %get3A_661 = tpu.vector_load %arg5[%get3A_659, %get3A_660] {strides = array<i32>} : memref<20x512xi32, #tpu.memory_space<vmem>>, vector<1x16xi32>,
      %get3A_662 = vector.shape_cast %get3A_661 : vector<1x16xi32> to vector<16xi32>
      %add3A_663 = arith.addi %mul3A_657, %get3A_662 : vector<16xi32>
      %mul3A_664 = arith.constant 2 : i32
      %mul3A_665 = vector.broadcast %mul3A_664 : i32 to vector<16xi32>
      %mul3A_666 = arith.muli %add3A_663, %mul3A_665 : vector<16xi32>
      %get3A_667 = arith.constant 4 : i32
      %get3A_668 = arith.index_cast %get3A_667 : i32 to index
      %get3A_669 = arith.index_cast %add3A_625 : i32 to index
      %get3A_670 = tpu.vector_load %arg5[%get3A_668, %get3A_669] {strides = array<i32>} : memref<20x512xi32, #tpu.memory_space<vmem>>, vector<1x16xi32>,
      %get3A_671 = vector.shape_cast %get3A_670 : vector<1x16xi32> to vector<16xi32>
      %add3A_672 = arith.addi %mul3A_666, %get3A_671 : vector<16xi32>
      %mul3A_673 = arith.constant 2 : i32
      %mul3A_674 = vector.broadcast %mul3A_673 : i32 to vector<16xi32>
      %mul3A_675 = arith.muli %add3A_672, %mul3A_674 : vector<16xi32>
      %get3A_676 = arith.constant 5 : i32
      %get3A_677 = arith.index_cast %get3A_676 : i32 to index
      %get3A_678 = arith.index_cast %add3A_625 : i32 to index
      %get3A_679 = tpu.vector_load %arg5[%get3A_677, %get3A_678] {strides = array<i32>} : memref<20x512xi32, #tpu.memory_space<vmem>>, vector<1x16xi32>,
      %get3A_680 = vector.shape_cast %get3A_679 : vector<1x16xi32> to vector<16xi32>
      %add3A_681 = arith.addi %mul3A_675, %get3A_680 : vector<16xi32>
      %mul3A_682 = arith.constant 2 : i32
      %mul3A_683 = vector.broadcast %mul3A_682 : i32 to vector<16xi32>
      %mul3A_684 = arith.muli %add3A_681, %mul3A_683 : vector<16xi32>
      %get3A_685 = arith.constant 6 : i32
      %get3A_686 = arith.index_cast %get3A_685 : i32 to index
      %get3A_687 = arith.index_cast %add3A_625 : i32 to index
      %get3A_688 = tpu.vector_load %arg5[%get3A_686, %get3A_687] {strides = array<i32>} : memref<20x512xi32, #tpu.memory_space<vmem>>, vector<1x16xi32>,
      %get3A_689 = vector.shape_cast %get3A_688 : vector<1x16xi32> to vector<16xi32>
      %add3A_690 = arith.addi %mul3A_684, %get3A_689 : vector<16xi32>
      %mul3A_691 = arith.constant 2 : i32
      %mul3A_692 = vector.broadcast %mul3A_691 : i32 to vector<16xi32>
      %mul3A_693 = arith.muli %add3A_690, %mul3A_692 : vector<16xi32>
      %get3A_694 = arith.constant 7 : i32
      %get3A_695 = arith.index_cast %get3A_694 : i32 to index
      %get3A_696 = arith.index_cast %add3A_625 : i32 to index
      %get3A_697 = tpu.vector_load %arg5[%get3A_695, %get3A_696] {strides = array<i32>} : memref<20x512xi32, #tpu.memory_space<vmem>>, vector<1x16xi32>,
      %get3A_698 = vector.shape_cast %get3A_697 : vector<1x16xi32> to vector<16xi32>
      %add3A_699 = arith.addi %mul3A_693, %get3A_698 : vector<16xi32>
      %mul3A_700 = arith.constant 2 : i32
      %mul3A_701 = vector.broadcast %mul3A_700 : i32 to vector<16xi32>
      %mul3A_702 = arith.muli %add3A_699, %mul3A_701 : vector<16xi32>
      %get3A_703 = arith.constant 8 : i32
      %get3A_704 = arith.index_cast %get3A_703 : i32 to index
      %get3A_705 = arith.index_cast %add3A_625 : i32 to index
      %get3A_706 = tpu.vector_load %arg5[%get3A_704, %get3A_705] {strides = array<i32>} : memref<20x512xi32, #tpu.memory_space<vmem>>, vector<1x16xi32>,
      %get3A_707 = vector.shape_cast %get3A_706 : vector<1x16xi32> to vector<16xi32>
      %add3A_708 = arith.addi %mul3A_702, %get3A_707 : vector<16xi32>
      %mul3A_709 = arith.constant 2 : i32
      %mul3A_710 = vector.broadcast %mul3A_709 : i32 to vector<16xi32>
      %mul3A_711 = arith.muli %add3A_708, %mul3A_710 : vector<16xi32>
      %get3A_712 = arith.constant 9 : i32
      %get3A_713 = arith.index_cast %get3A_712 : i32 to index
      %get3A_714 = arith.index_cast %add3A_625 : i32 to index
      %get3A_715 = tpu.vector_load %arg5[%get3A_713, %get3A_714] {strides = array<i32>} : memref<20x512xi32, #tpu.memory_space<vmem>>, vector<1x16xi32>,
      %get3A_716 = vector.shape_cast %get3A_715 : vector<1x16xi32> to vector<16xi32>
      %add3A_717 = arith.addi %mul3A_711, %get3A_716 : vector<16xi32>
      %mul3A_718 = arith.constant 2 : i32
      %mul3A_719 = vector.broadcast %mul3A_718 : i32 to vector<16xi32>
      %mul3A_720 = arith.muli %add3A_717, %mul3A_719 : vector<16xi32>
      %get3A_721 = arith.constant 10 : i32
      %get3A_722 = arith.index_cast %get3A_721 : i32 to index
      %get3A_723 = arith.index_cast %add3A_625 : i32 to index
      %get3A_724 = tpu.vector_load %arg5[%get3A_722, %get3A_723] {strides = array<i32>} : memref<20x512xi32, #tpu.memory_space<vmem>>, vector<1x16xi32>,
      %get3A_725 = vector.shape_cast %get3A_724 : vector<1x16xi32> to vector<16xi32>
      %add3A_726 = arith.addi %mul3A_720, %get3A_725 : vector<16xi32>
      %mul3A_727 = arith.constant 2 : i32
      %mul3A_728 = vector.broadcast %mul3A_727 : i32 to vector<16xi32>
      %mul3A_729 = arith.muli %add3A_726, %mul3A_728 : vector<16xi32>
      %get3A_730 = arith.constant 11 : i32
      %get3A_731 = arith.index_cast %get3A_730 : i32 to index
      %get3A_732 = arith.index_cast %add3A_625 : i32 to index
      %get3A_733 = tpu.vector_load %arg5[%get3A_731, %get3A_732] {strides = array<i32>} : memref<20x512xi32, #tpu.memory_space<vmem>>, vector<1x16xi32>,
      %get3A_734 = vector.shape_cast %get3A_733 : vector<1x16xi32> to vector<16xi32>
      %add3A_735 = arith.addi %mul3A_729, %get3A_734 : vector<16xi32>
      %mul3A_736 = arith.constant 2 : i32
      %mul3A_737 = vector.broadcast %mul3A_736 : i32 to vector<16xi32>
      %mul3A_738 = arith.muli %add3A_735, %mul3A_737 : vector<16xi32>
      %get3A_739 = arith.constant 12 : i32
      %get3A_740 = arith.index_cast %get3A_739 : i32 to index
      %get3A_741 = arith.index_cast %add3A_625 : i32 to index
      %get3A_742 = tpu.vector_load %arg5[%get3A_740, %get3A_741] {strides = array<i32>} : memref<20x512xi32, #tpu.memory_space<vmem>>, vector<1x16xi32>,
      %get3A_743 = vector.shape_cast %get3A_742 : vector<1x16xi32> to vector<16xi32>
      %add3A_744 = arith.addi %mul3A_738, %get3A_743 : vector<16xi32>
      %mul3A_745 = arith.constant 2 : i32
      %mul3A_746 = vector.broadcast %mul3A_745 : i32 to vector<16xi32>
      %mul3A_747 = arith.muli %add3A_744, %mul3A_746 : vector<16xi32>
      %get3A_748 = arith.constant 13 : i32
      %get3A_749 = arith.index_cast %get3A_748 : i32 to index
      %get3A_750 = arith.index_cast %add3A_625 : i32 to index
      %get3A_751 = tpu.vector_load %arg5[%get3A_749, %get3A_750] {strides = array<i32>} : memref<20x512xi32, #tpu.memory_space<vmem>>, vector<1x16xi32>,
      %get3A_752 = vector.shape_cast %get3A_751 : vector<1x16xi32> to vector<16xi32>
      %add3A_753 = arith.addi %mul3A_747, %get3A_752 : vector<16xi32>
      %mul3A_754 = arith.constant 2 : i32
      %mul3A_755 = vector.broadcast %mul3A_754 : i32 to vector<16xi32>
      %mul3A_756 = arith.muli %add3A_753, %mul3A_755 : vector<16xi32>
      %get3A_757 = arith.constant 14 : i32
      %get3A_758 = arith.index_cast %get3A_757 : i32 to index
      %get3A_759 = arith.index_cast %add3A_625 : i32 to index
      %get3A_760 = tpu.vector_load %arg5[%get3A_758, %get3A_759] {strides = array<i32>} : memref<20x512xi32, #tpu.memory_space<vmem>>, vector<1x16xi32>,
      %get3A_761 = vector.shape_cast %get3A_760 : vector<1x16xi32> to vector<16xi32>
      %add3A_762 = arith.addi %mul3A_756, %get3A_761 : vector<16xi32>
      %mul3A_763 = arith.constant 2 : i32
      %mul3A_764 = vector.broadcast %mul3A_763 : i32 to vector<16xi32>
      %mul3A_765 = arith.muli %add3A_762, %mul3A_764 : vector<16xi32>
      %get3A_766 = arith.constant 15 : i32
      %get3A_767 = arith.index_cast %get3A_766 : i32 to index
      %get3A_768 = arith.index_cast %add3A_625 : i32 to index
      %get3A_769 = tpu.vector_load %arg5[%get3A_767, %get3A_768] {strides = array<i32>} : memref<20x512xi32, #tpu.memory_space<vmem>>, vector<1x16xi32>,
      %get3A_770 = vector.shape_cast %get3A_769 : vector<1x16xi32> to vector<16xi32>
      %add3A_771 = arith.addi %mul3A_765, %get3A_770 : vector<16xi32>
      %mul3A_772 = arith.constant 2 : i32
      %mul3A_773 = vector.broadcast %mul3A_772 : i32 to vector<16xi32>
      %mul3A_774 = arith.muli %add3A_771, %mul3A_773 : vector<16xi32>
      %get3A_775 = arith.constant 16 : i32
      %get3A_776 = arith.index_cast %get3A_775 : i32 to index
      %get3A_777 = arith.index_cast %add3A_625 : i32 to index
      %get3A_778 = tpu.vector_load %arg5[%get3A_776, %get3A_777] {strides = array<i32>} : memref<20x512xi32, #tpu.memory_space<vmem>>, vector<1x16xi32>,
      %get3A_779 = vector.shape_cast %get3A_778 : vector<1x16xi32> to vector<16xi32>
      %add3A_780 = arith.addi %mul3A_774, %get3A_779 : vector<16xi32>
      %mul3A_781 = arith.constant 2 : i32
      %mul3A_782 = vector.broadcast %mul3A_781 : i32 to vector<16xi32>
      %mul3A_783 = arith.muli %add3A_780, %mul3A_782 : vector<16xi32>
      %get3A_784 = arith.constant 17 : i32
      %get3A_785 = arith.index_cast %get3A_784 : i32 to index
      %get3A_786 = arith.index_cast %add3A_625 : i32 to index
      %get3A_787 = tpu.vector_load %arg5[%get3A_785, %get3A_786] {strides = array<i32>} : memref<20x512xi32, #tpu.memory_space<vmem>>, vector<1x16xi32>,
      %get3A_788 = vector.shape_cast %get3A_787 : vector<1x16xi32> to vector<16xi32>
      %add3A_789 = arith.addi %mul3A_783, %get3A_788 : vector<16xi32>
      %mul3A_790 = arith.constant 2 : i32
      %mul3A_791 = vector.broadcast %mul3A_790 : i32 to vector<16xi32>
      %mul3A_792 = arith.muli %add3A_789, %mul3A_791 : vector<16xi32>
      %get3A_793 = arith.constant 18 : i32
      %get3A_794 = arith.index_cast %get3A_793 : i32 to index
      %get3A_795 = arith.index_cast %add3A_625 : i32 to index
      %get3A_796 = tpu.vector_load %arg5[%get3A_794, %get3A_795] {strides = array<i32>} : memref<20x512xi32, #tpu.memory_space<vmem>>, vector<1x16xi32>,
      %get3A_797 = vector.shape_cast %get3A_796 : vector<1x16xi32> to vector<16xi32>
      %add3A_798 = arith.addi %mul3A_792, %get3A_797 : vector<16xi32>
      %mul3A_799 = arith.constant 2 : i32
      %mul3A_800 = vector.broadcast %mul3A_799 : i32 to vector<16xi32>
      %mul3A_801 = arith.muli %add3A_798, %mul3A_800 : vector<16xi32>
      %get3A_802 = arith.constant 19 : i32
      %get3A_803 = arith.index_cast %get3A_802 : i32 to index
      %get3A_804 = arith.index_cast %add3A_625 : i32 to index
      %get3A_805 = tpu.vector_load %arg5[%get3A_803, %get3A_804] {strides = array<i32>} : memref<20x512xi32, #tpu.memory_space<vmem>>, vector<1x16xi32>,
      %get3A_806 = vector.shape_cast %get3A_805 : vector<1x16xi32> to vector<16xi32>
      %add3A_807 = arith.addi %mul3A_801, %get3A_806 : vector<16xi32>
      %swap3A_808 = arith.index_cast %add3A_625 : i32 to index
      %swap3A_809 = tpu.vector_load %arg6[%swap3A_808] {strides = array<i32>} : memref<512xi32, #tpu.memory_space<vmem>>, vector<16xi32>,
      %swap3A_810 = vector.shape_cast %swap3A_809 : vector<16xi32> to vector<16xi32>
      %swap3A_811 = vector.shape_cast %add3A_807 : vector<16xi32> to vector<16xi32>
      tpu.vector_store %arg6[%swap3A_808], %swap3A_811 {strides = array<i32>} : memref<512xi32, #tpu.memory_space<vmem>>, vector<16xi32>,
      %scan3A_812 = arith.constant 3 : i32
      %scan3A_813 = arith.addi %scan3A_240, %scan3A_812 : i32
      %mul3A_814 = arith.constant 16 : i32
      %mul3A_815 = arith.muli %scan3A_813, %mul3A_814 : i32
      %add3A_816 = arith.constant 128 : i32
      %add3A_817 = arith.addi %add3A_816, %mul3A_815 : i32
      %broadcast_in_dim3A_818 = arith.constant 0 : i32
      %broadcast_in_dim3A_819 = vector.broadcast %broadcast_in_dim3A_818 : i32 to vector<16xi32>
      %mul3A_820 = arith.constant 2 : i32
      %mul3A_821 = vector.broadcast %mul3A_820 : i32 to vector<16xi32>
      %mul3A_822 = arith.muli %broadcast_in_dim3A_819, %mul3A_821 : vector<16xi32>
      %get3A_823 = arith.constant 0 : i32
      %get3A_824 = arith.index_cast %get3A_823 : i32 to index
      %get3A_825 = arith.index_cast %add3A_817 : i32 to index
      %get3A_826 = tpu.vector_load %arg5[%get3A_824, %get3A_825] {strides = array<i32>} : memref<20x512xi32, #tpu.memory_space<vmem>>, vector<1x16xi32>,
      %get3A_827 = vector.shape_cast %get3A_826 : vector<1x16xi32> to vector<16xi32>
      %add3A_828 = arith.addi %mul3A_822, %get3A_827 : vector<16xi32>
      %mul3A_829 = arith.constant 2 : i32
      %mul3A_830 = vector.broadcast %mul3A_829 : i32 to vector<16xi32>
      %mul3A_831 = arith.muli %add3A_828, %mul3A_830 : vector<16xi32>
      %get3A_832 = arith.constant 1 : i32
      %get3A_833 = arith.index_cast %get3A_832 : i32 to index
      %get3A_834 = arith.index_cast %add3A_817 : i32 to index
      %get3A_835 = tpu.vector_load %arg5[%get3A_833, %get3A_834] {strides = array<i32>} : memref<20x512xi32, #tpu.memory_space<vmem>>, vector<1x16xi32>,
      %get3A_836 = vector.shape_cast %get3A_835 : vector<1x16xi32> to vector<16xi32>
      %add3A_837 = arith.addi %mul3A_831, %get3A_836 : vector<16xi32>
      %mul3A_838 = arith.constant 2 : i32
      %mul3A_839 = vector.broadcast %mul3A_838 : i32 to vector<16xi32>
      %mul3A_840 = arith.muli %add3A_837, %mul3A_839 : vector<16xi32>
      %get3A_841 = arith.constant 2 : i32
      %get3A_842 = arith.index_cast %get3A_841 : i32 to index
      %get3A_843 = arith.index_cast %add3A_817 : i32 to index
      %get3A_844 = tpu.vector_load %arg5[%get3A_842, %get3A_843] {strides = array<i32>} : memref<20x512xi32, #tpu.memory_space<vmem>>, vector<1x16xi32>,
      %get3A_845 = vector.shape_cast %get3A_844 : vector<1x16xi32> to vector<16xi32>
      %add3A_846 = arith.addi %mul3A_840, %get3A_845 : vector<16xi32>
      %mul3A_847 = arith.constant 2 : i32
      %mul3A_848 = vector.broadcast %mul3A_847 : i32 to vector<16xi32>
      %mul3A_849 = arith.muli %add3A_846, %mul3A_848 : vector<16xi32>
      %get3A_850 = arith.constant 3 : i32
      %get3A_851 = arith.index_cast %get3A_850 : i32 to index
      %get3A_852 = arith.index_cast %add3A_817 : i32 to index
      %get3A_853 = tpu.vector_load %arg5[%get3A_851, %get3A_852] {strides = array<i32>} : memref<20x512xi32, #tpu.memory_space<vmem>>, vector<1x16xi32>,
      %get3A_854 = vector.shape_cast %get3A_853 : vector<1x16xi32> to vector<16xi32>
      %add3A_855 = arith.addi %mul3A_849, %get3A_854 : vector<16xi32>
      %mul3A_856 = arith.constant 2 : i32
      %mul3A_857 = vector.broadcast %mul3A_856 : i32 to vector<16xi32>
      %mul3A_858 = arith.muli %add3A_855, %mul3A_857 : vector<16xi32>
      %get3A_859 = arith.constant 4 : i32
      %get3A_860 = arith.index_cast %get3A_859 : i32 to index
      %get3A_861 = arith.index_cast %add3A_817 : i32 to index
      %get3A_862 = tpu.vector_load %arg5[%get3A_860, %get3A_861] {strides = array<i32>} : memref<20x512xi32, #tpu.memory_space<vmem>>, vector<1x16xi32>,
      %get3A_863 = vector.shape_cast %get3A_862 : vector<1x16xi32> to vector<16xi32>
      %add3A_864 = arith.addi %mul3A_858, %get3A_863 : vector<16xi32>
      %mul3A_865 = arith.constant 2 : i32
      %mul3A_866 = vector.broadcast %mul3A_865 : i32 to vector<16xi32>
      %mul3A_867 = arith.muli %add3A_864, %mul3A_866 : vector<16xi32>
      %get3A_868 = arith.constant 5 : i32
      %get3A_869 = arith.index_cast %get3A_868 : i32 to index
      %get3A_870 = arith.index_cast %add3A_817 : i32 to index
      %get3A_871 = tpu.vector_load %arg5[%get3A_869, %get3A_870] {strides = array<i32>} : memref<20x512xi32, #tpu.memory_space<vmem>>, vector<1x16xi32>,
      %get3A_872 = vector.shape_cast %get3A_871 : vector<1x16xi32> to vector<16xi32>
      %add3A_873 = arith.addi %mul3A_867, %get3A_872 : vector<16xi32>
      %mul3A_874 = arith.constant 2 : i32
      %mul3A_875 = vector.broadcast %mul3A_874 : i32 to vector<16xi32>
      %mul3A_876 = arith.muli %add3A_873, %mul3A_875 : vector<16xi32>
      %get3A_877 = arith.constant 6 : i32
      %get3A_878 = arith.index_cast %get3A_877 : i32 to index
      %get3A_879 = arith.index_cast %add3A_817 : i32 to index
      %get3A_880 = tpu.vector_load %arg5[%get3A_878, %get3A_879] {strides = array<i32>} : memref<20x512xi32, #tpu.memory_space<vmem>>, vector<1x16xi32>,
      %get3A_881 = vector.shape_cast %get3A_880 : vector<1x16xi32> to vector<16xi32>
      %add3A_882 = arith.addi %mul3A_876, %get3A_881 : vector<16xi32>
      %mul3A_883 = arith.constant 2 : i32
      %mul3A_884 = vector.broadcast %mul3A_883 : i32 to vector<16xi32>
      %mul3A_885 = arith.muli %add3A_882, %mul3A_884 : vector<16xi32>
      %get3A_886 = arith.constant 7 : i32
      %get3A_887 = arith.index_cast %get3A_886 : i32 to index
      %get3A_888 = arith.index_cast %add3A_817 : i32 to index
      %get3A_889 = tpu.vector_load %arg5[%get3A_887, %get3A_888] {strides = array<i32>} : memref<20x512xi32, #tpu.memory_space<vmem>>, vector<1x16xi32>,
      %get3A_890 = vector.shape_cast %get3A_889 : vector<1x16xi32> to vector<16xi32>
      %add3A_891 = arith.addi %mul3A_885, %get3A_890 : vector<16xi32>
      %mul3A_892 = arith.constant 2 : i32
      %mul3A_893 = vector.broadcast %mul3A_892 : i32 to vector<16xi32>
      %mul3A_894 = arith.muli %add3A_891, %mul3A_893 : vector<16xi32>
      %get3A_895 = arith.constant 8 : i32
      %get3A_896 = arith.index_cast %get3A_895 : i32 to index
      %get3A_897 = arith.index_cast %add3A_817 : i32 to index
      %get3A_898 = tpu.vector_load %arg5[%get3A_896, %get3A_897] {strides = array<i32>} : memref<20x512xi32, #tpu.memory_space<vmem>>, vector<1x16xi32>,
      %get3A_899 = vector.shape_cast %get3A_898 : vector<1x16xi32> to vector<16xi32>
      %add3A_900 = arith.addi %mul3A_894, %get3A_899 : vector<16xi32>
      %mul3A_901 = arith.constant 2 : i32
      %mul3A_902 = vector.broadcast %mul3A_901 : i32 to vector<16xi32>
      %mul3A_903 = arith.muli %add3A_900, %mul3A_902 : vector<16xi32>
      %get3A_904 = arith.constant 9 : i32
      %get3A_905 = arith.index_cast %get3A_904 : i32 to index
      %get3A_906 = arith.index_cast %add3A_817 : i32 to index
      %get3A_907 = tpu.vector_load %arg5[%get3A_905, %get3A_906] {strides = array<i32>} : memref<20x512xi32, #tpu.memory_space<vmem>>, vector<1x16xi32>,
      %get3A_908 = vector.shape_cast %get3A_907 : vector<1x16xi32> to vector<16xi32>
      %add3A_909 = arith.addi %mul3A_903, %get3A_908 : vector<16xi32>
      %mul3A_910 = arith.constant 2 : i32
      %mul3A_911 = vector.broadcast %mul3A_910 : i32 to vector<16xi32>
      %mul3A_912 = arith.muli %add3A_909, %mul3A_911 : vector<16xi32>
      %get3A_913 = arith.constant 10 : i32
      %get3A_914 = arith.index_cast %get3A_913 : i32 to index
      %get3A_915 = arith.index_cast %add3A_817 : i32 to index
      %get3A_916 = tpu.vector_load %arg5[%get3A_914, %get3A_915] {strides = array<i32>} : memref<20x512xi32, #tpu.memory_space<vmem>>, vector<1x16xi32>,
      %get3A_917 = vector.shape_cast %get3A_916 : vector<1x16xi32> to vector<16xi32>
      %add3A_918 = arith.addi %mul3A_912, %get3A_917 : vector<16xi32>
      %mul3A_919 = arith.constant 2 : i32
      %mul3A_920 = vector.broadcast %mul3A_919 : i32 to vector<16xi32>
      %mul3A_921 = arith.muli %add3A_918, %mul3A_920 : vector<16xi32>
      %get3A_922 = arith.constant 11 : i32
      %get3A_923 = arith.index_cast %get3A_922 : i32 to index
      %get3A_924 = arith.index_cast %add3A_817 : i32 to index
      %get3A_925 = tpu.vector_load %arg5[%get3A_923, %get3A_924] {strides = array<i32>} : memref<20x512xi32, #tpu.memory_space<vmem>>, vector<1x16xi32>,
      %get3A_926 = vector.shape_cast %get3A_925 : vector<1x16xi32> to vector<16xi32>
      %add3A_927 = arith.addi %mul3A_921, %get3A_926 : vector<16xi32>
      %mul3A_928 = arith.constant 2 : i32
      %mul3A_929 = vector.broadcast %mul3A_928 : i32 to vector<16xi32>
      %mul3A_930 = arith.muli %add3A_927, %mul3A_929 : vector<16xi32>
      %get3A_931 = arith.constant 12 : i32
      %get3A_932 = arith.index_cast %get3A_931 : i32 to index
      %get3A_933 = arith.index_cast %add3A_817 : i32 to index
      %get3A_934 = tpu.vector_load %arg5[%get3A_932, %get3A_933] {strides = array<i32>} : memref<20x512xi32, #tpu.memory_space<vmem>>, vector<1x16xi32>,
      %get3A_935 = vector.shape_cast %get3A_934 : vector<1x16xi32> to vector<16xi32>
      %add3A_936 = arith.addi %mul3A_930, %get3A_935 : vector<16xi32>
      %mul3A_937 = arith.constant 2 : i32
      %mul3A_938 = vector.broadcast %mul3A_937 : i32 to vector<16xi32>
      %mul3A_939 = arith.muli %add3A_936, %mul3A_938 : vector<16xi32>
      %get3A_940 = arith.constant 13 : i32
      %get3A_941 = arith.index_cast %get3A_940 : i32 to index
      %get3A_942 = arith.index_cast %add3A_817 : i32 to index
      %get3A_943 = tpu.vector_load %arg5[%get3A_941, %get3A_942] {strides = array<i32>} : memref<20x512xi32, #tpu.memory_space<vmem>>, vector<1x16xi32>,
      %get3A_944 = vector.shape_cast %get3A_943 : vector<1x16xi32> to vector<16xi32>
      %add3A_945 = arith.addi %mul3A_939, %get3A_944 : vector<16xi32>
      %mul3A_946 = arith.constant 2 : i32
      %mul3A_947 = vector.broadcast %mul3A_946 : i32 to vector<16xi32>
      %mul3A_948 = arith.muli %add3A_945, %mul3A_947 : vector<16xi32>
      %get3A_949 = arith.constant 14 : i32
      %get3A_950 = arith.index_cast %get3A_949 : i32 to index
      %get3A_951 = arith.index_cast %add3A_817 : i32 to index
      %get3A_952 = tpu.vector_load %arg5[%get3A_950, %get3A_951] {strides = array<i32>} : memref<20x512xi32, #tpu.memory_space<vmem>>, vector<1x16xi32>,
      %get3A_953 = vector.shape_cast %get3A_952 : vector<1x16xi32> to vector<16xi32>
      %add3A_954 = arith.addi %mul3A_948, %get3A_953 : vector<16xi32>
      %mul3A_955 = arith.constant 2 : i32
      %mul3A_956 = vector.broadcast %mul3A_955 : i32 to vector<16xi32>
      %mul3A_957 = arith.muli %add3A_954, %mul3A_956 : vector<16xi32>
      %get3A_958 = arith.constant 15 : i32
      %get3A_959 = arith.index_cast %get3A_958 : i32 to index
      %get3A_960 = arith.index_cast %add3A_817 : i32 to index
      %get3A_961 = tpu.vector_load %arg5[%get3A_959, %get3A_960] {strides = array<i32>} : memref<20x512xi32, #tpu.memory_space<vmem>>, vector<1x16xi32>,
      %get3A_962 = vector.shape_cast %get3A_961 : vector<1x16xi32> to vector<16xi32>
      %add3A_963 = arith.addi %mul3A_957, %get3A_962 : vector<16xi32>
      %mul3A_964 = arith.constant 2 : i32
      %mul3A_965 = vector.broadcast %mul3A_964 : i32 to vector<16xi32>
      %mul3A_966 = arith.muli %add3A_963, %mul3A_965 : vector<16xi32>
      %get3A_967 = arith.constant 16 : i32
      %get3A_968 = arith.index_cast %get3A_967 : i32 to index
      %get3A_969 = arith.index_cast %add3A_817 : i32 to index
      %get3A_970 = tpu.vector_load %arg5[%get3A_968, %get3A_969] {strides = array<i32>} : memref<20x512xi32, #tpu.memory_space<vmem>>, vector<1x16xi32>,
      %get3A_971 = vector.shape_cast %get3A_970 : vector<1x16xi32> to vector<16xi32>
      %add3A_972 = arith.addi %mul3A_966, %get3A_971 : vector<16xi32>
      %mul3A_973 = arith.constant 2 : i32
      %mul3A_974 = vector.broadcast %mul3A_973 : i32 to vector<16xi32>
      %mul3A_975 = arith.muli %add3A_972, %mul3A_974 : vector<16xi32>
      %get3A_976 = arith.constant 17 : i32
      %get3A_977 = arith.index_cast %get3A_976 : i32 to index
      %get3A_978 = arith.index_cast %add3A_817 : i32 to index
      %get3A_979 = tpu.vector_load %arg5[%get3A_977, %get3A_978] {strides = array<i32>} : memref<20x512xi32, #tpu.memory_space<vmem>>, vector<1x16xi32>,
      %get3A_980 = vector.shape_cast %get3A_979 : vector<1x16xi32> to vector<16xi32>
      %add3A_981 = arith.addi %mul3A_975, %get3A_980 : vector<16xi32>
      %mul3A_982 = arith.constant 2 : i32
      %mul3A_983 = vector.broadcast %mul3A_982 : i32 to vector<16xi32>
      %mul3A_984 = arith.muli %add3A_981, %mul3A_983 : vector<16xi32>
      %get3A_985 = arith.constant 18 : i32
      %get3A_986 = arith.index_cast %get3A_985 : i32 to index
      %get3A_987 = arith.index_cast %add3A_817 : i32 to index
      %get3A_988 = tpu.vector_load %arg5[%get3A_986, %get3A_987] {strides = array<i32>} : memref<20x512xi32, #tpu.memory_space<vmem>>, vector<1x16xi32>,
      %get3A_989 = vector.shape_cast %get3A_988 : vector<1x16xi32> to vector<16xi32>
      %add3A_990 = arith.addi %mul3A_984, %get3A_989 : vector<16xi32>
      %mul3A_991 = arith.constant 2 : i32
      %mul3A_992 = vector.broadcast %mul3A_991 : i32 to vector<16xi32>
      %mul3A_993 = arith.muli %add3A_990, %mul3A_992 : vector<16xi32>
      %get3A_994 = arith.constant 19 : i32
      %get3A_995 = arith.index_cast %get3A_994 : i32 to index
      %get3A_996 = arith.index_cast %add3A_817 : i32 to index
      %get3A_997 = tpu.vector_load %arg5[%get3A_995, %get3A_996] {strides = array<i32>} : memref<20x512xi32, #tpu.memory_space<vmem>>, vector<1x16xi32>,
      %get3A_998 = vector.shape_cast %get3A_997 : vector<1x16xi32> to vector<16xi32>
      %add3A_999 = arith.addi %mul3A_993, %get3A_998 : vector<16xi32>
      %swap3A_1000 = arith.index_cast %add3A_817 : i32 to index
      %swap3A_1001 = tpu.vector_load %arg6[%swap3A_1000] {strides = array<i32>} : memref<512xi32, #tpu.memory_space<vmem>>, vector<16xi32>,
      %swap3A_1002 = vector.shape_cast %swap3A_1001 : vector<16xi32> to vector<16xi32>
      %swap3A_1003 = vector.shape_cast %add3A_999 : vector<16xi32> to vector<16xi32>
      tpu.vector_store %arg6[%swap3A_1000], %swap3A_1003 {strides = array<i32>} : memref<512xi32, #tpu.memory_space<vmem>>, vector<16xi32>,
    }
    %scan3A_85 = arith.constant 8 : i32
    %dma_start3A_86 = arith.constant 128 : i32
    %dma_start3A_87 = tpu.memref_slice %arg7[%dma_start3A_86] : memref<512xf32, #tpu.memory_space<vmem>> -> memref<128xf32, #tpu.memory_space<vmem>>
    %dma_start3A_88 = arith.constant 128 : i32
    %dma_start3A_89 = tpu.memref_slice %arg6[%dma_start3A_88] : memref<512xi32, #tpu.memory_space<vmem>> -> memref<128xi32, #tpu.memory_space<vmem>>
    %dma_start3A_90 = arith.constant 0 : i32
    %dma_start3A_91 = tpu.memref_slice %arg3[%dma_start3A_90] : memref<1048576xf32, #tpu.memory_space<hbm>> -> memref<1048576xf32, #tpu.memory_space<hbm>>
    tpu.enqueue_indirect_dma source(%dma_start3A_91 : memref<1048576xf32, #tpu.memory_space<hbm>>) target(%dma_start3A_87 : memref<128xf32, #tpu.memory_space<vmem>>) offsets(%dma_start3A_89 : memref<128xi32, #tpu.memory_space<vmem>>) semaphore(%arg13 : memref<!tpu.dma_semaphore, #tpu.memory_space<semaphore_mem>>)
    %dma_wait3A_92 = arith.constant 0 : i32
    %dma_wait3A_93 = arith.constant 256 : i32
    %dma_wait3A_94 = tpu.memref_slice %arg5[%dma_wait3A_92, %dma_wait3A_93] : memref<20x512xi32, #tpu.memory_space<vmem>> -> memref<20x128xi32, #tpu.memory_space<vmem>>
    %dma_wait3A_95 = arith.constant 0 : i32
    %dma_wait3A_96 = tpu.memref_slice %arg2[%dma_wait3A_95, %add3A_27] : memref<20x16384xi32, #tpu.memory_space<hbm>> -> memref<20x128xi32, #tpu.memory_space<hbm>>
    %dma_wait3A_97 = arith.constant 0 : i32
    %dma_wait3A_98 = arith.constant 256 : i32
    %dma_wait3A_99 = tpu.memref_slice %arg5[%dma_wait3A_97, %dma_wait3A_98] : memref<20x512xi32, #tpu.memory_space<vmem>> -> memref<20x128xi32, #tpu.memory_space<vmem>>
    %dma_wait3A_100 = arith.constant 0 : i32
    %dma_wait3A_101 = tpu.memref_slice %arg2[%dma_wait3A_100, %add3A_27] : memref<20x16384xi32, #tpu.memory_space<hbm>> -> memref<20x128xi32, #tpu.memory_space<hbm>>
    tpu.wait_dma2 semaphore(%arg10 : memref<!tpu.dma_semaphore, #tpu.memory_space<semaphore_mem>>) src(%dma_wait3A_101 : memref<20x128xi32, #tpu.memory_space<hbm>>) dst(%dma_wait3A_99 : memref<20x128xi32, #tpu.memory_space<vmem>>)
    %scan3A_102 = arith.constant 0 : i32
    %scan3A_103 = arith.constant 0 : i32
    %scan3A_104 = arith.constant 8 : i32
    %scan3A_105 = arith.addi %scan3A_103, %scan3A_104 : i32
    %scan3A_106 = arith.constant 4 : i32
    scf.for %scan3A_240 = %scan3A_103 to %scan3A_105 step %scan3A_106  : i32 {
      %mul3A_241 = arith.constant 16 : i32
      %mul3A_242 = arith.muli %scan3A_240, %mul3A_241 : i32
      %add3A_243 = arith.constant 256 : i32
      %add3A_244 = arith.addi %add3A_243, %mul3A_242 : i32
      %broadcast_in_dim3A = arith.constant 0 : i32
      %broadcast_in_dim3A_245 = vector.broadcast %broadcast_in_dim3A : i32 to vector<16xi32>
      %mul3A_246 = arith.constant 2 : i32
      %mul3A_247 = vector.broadcast %mul3A_246 : i32 to vector<16xi32>
      %mul3A_248 = arith.muli %broadcast_in_dim3A_245, %mul3A_247 : vector<16xi32>
      %get3A = arith.constant 0 : i32
      %get3A_249 = arith.index_cast %get3A : i32 to index
      %get3A_250 = arith.index_cast %add3A_244 : i32 to index
      %get3A_251 = tpu.vector_load %arg5[%get3A_249, %get3A_250] {strides = array<i32>} : memref<20x512xi32, #tpu.memory_space<vmem>>, vector<1x16xi32>,
      %get3A_252 = vector.shape_cast %get3A_251 : vector<1x16xi32> to vector<16xi32>
      %add3A_253 = arith.addi %mul3A_248, %get3A_252 : vector<16xi32>
      %mul3A_254 = arith.constant 2 : i32
      %mul3A_255 = vector.broadcast %mul3A_254 : i32 to vector<16xi32>
      %mul3A_256 = arith.muli %add3A_253, %mul3A_255 : vector<16xi32>
      %get3A_257 = arith.constant 1 : i32
      %get3A_258 = arith.index_cast %get3A_257 : i32 to index
      %get3A_259 = arith.index_cast %add3A_244 : i32 to index
      %get3A_260 = tpu.vector_load %arg5[%get3A_258, %get3A_259] {strides = array<i32>} : memref<20x512xi32, #tpu.memory_space<vmem>>, vector<1x16xi32>,
      %get3A_261 = vector.shape_cast %get3A_260 : vector<1x16xi32> to vector<16xi32>
      %add3A_262 = arith.addi %mul3A_256, %get3A_261 : vector<16xi32>
      %mul3A_263 = arith.constant 2 : i32
      %mul3A_264 = vector.broadcast %mul3A_263 : i32 to vector<16xi32>
      %mul3A_265 = arith.muli %add3A_262, %mul3A_264 : vector<16xi32>
      %get3A_266 = arith.constant 2 : i32
      %get3A_267 = arith.index_cast %get3A_266 : i32 to index
      %get3A_268 = arith.index_cast %add3A_244 : i32 to index
      %get3A_269 = tpu.vector_load %arg5[%get3A_267, %get3A_268] {strides = array<i32>} : memref<20x512xi32, #tpu.memory_space<vmem>>, vector<1x16xi32>,
      %get3A_270 = vector.shape_cast %get3A_269 : vector<1x16xi32> to vector<16xi32>
      %add3A_271 = arith.addi %mul3A_265, %get3A_270 : vector<16xi32>
      %mul3A_272 = arith.constant 2 : i32
      %mul3A_273 = vector.broadcast %mul3A_272 : i32 to vector<16xi32>
      %mul3A_274 = arith.muli %add3A_271, %mul3A_273 : vector<16xi32>
      %get3A_275 = arith.constant 3 : i32
      %get3A_276 = arith.index_cast %get3A_275 : i32 to index
      %get3A_277 = arith.index_cast %add3A_244 : i32 to index
      %get3A_278 = tpu.vector_load %arg5[%get3A_276, %get3A_277] {strides = array<i32>} : memref<20x512xi32, #tpu.memory_space<vmem>>, vector<1x16xi32>,
      %get3A_279 = vector.shape_cast %get3A_278 : vector<1x16xi32> to vector<16xi32>
      %add3A_280 = arith.addi %mul3A_274, %get3A_279 : vector<16xi32>
      %mul3A_281 = arith.constant 2 : i32
      %mul3A_282 = vector.broadcast %mul3A_281 : i32 to vector<16xi32>
      %mul3A_283 = arith.muli %add3A_280, %mul3A_282 : vector<16xi32>
      %get3A_284 = arith.constant 4 : i32
      %get3A_285 = arith.index_cast %get3A_284 : i32 to index
      %get3A_286 = arith.index_cast %add3A_244 : i32 to index
      %get3A_287 = tpu.vector_load %arg5[%get3A_285, %get3A_286] {strides = array<i32>} : memref<20x512xi32, #tpu.memory_space<vmem>>, vector<1x16xi32>,
      %get3A_288 = vector.shape_cast %get3A_287 : vector<1x16xi32> to vector<16xi32>
      %add3A_289 = arith.addi %mul3A_283, %get3A_288 : vector<16xi32>
      %mul3A_290 = arith.constant 2 : i32
      %mul3A_291 = vector.broadcast %mul3A_290 : i32 to vector<16xi32>
      %mul3A_292 = arith.muli %add3A_289, %mul3A_291 : vector<16xi32>
      %get3A_293 = arith.constant 5 : i32
      %get3A_294 = arith.index_cast %get3A_293 : i32 to index
      %get3A_295 = arith.index_cast %add3A_244 : i32 to index
      %get3A_296 = tpu.vector_load %arg5[%get3A_294, %get3A_295] {strides = array<i32>} : memref<20x512xi32, #tpu.memory_space<vmem>>, vector<1x16xi32>,
      %get3A_297 = vector.shape_cast %get3A_296 : vector<1x16xi32> to vector<16xi32>
      %add3A_298 = arith.addi %mul3A_292, %get3A_297 : vector<16xi32>
      %mul3A_299 = arith.constant 2 : i32
      %mul3A_300 = vector.broadcast %mul3A_299 : i32 to vector<16xi32>
      %mul3A_301 = arith.muli %add3A_298, %mul3A_300 : vector<16xi32>
      %get3A_302 = arith.constant 6 : i32
      %get3A_303 = arith.index_cast %get3A_302 : i32 to index
      %get3A_304 = arith.index_cast %add3A_244 : i32 to index
      %get3A_305 = tpu.vector_load %arg5[%get3A_303, %get3A_304] {strides = array<i32>} : memref<20x512xi32, #tpu.memory_space<vmem>>, vector<1x16xi32>,
      %get3A_306 = vector.shape_cast %get3A_305 : vector<1x16xi32> to vector<16xi32>
      %add3A_307 = arith.addi %mul3A_301, %get3A_306 : vector<16xi32>
      %mul3A_308 = arith.constant 2 : i32
      %mul3A_309 = vector.broadcast %mul3A_308 : i32 to vector<16xi32>
      %mul3A_310 = arith.muli %add3A_307, %mul3A_309 : vector<16xi32>
      %get3A_311 = arith.constant 7 : i32
      %get3A_312 = arith.index_cast %get3A_311 : i32 to index
      %get3A_313 = arith.index_cast %add3A_244 : i32 to index
      %get3A_314 = tpu.vector_load %arg5[%get3A_312, %get3A_313] {strides = array<i32>} : memref<20x512xi32, #tpu.memory_space<vmem>>, vector<1x16xi32>,
      %get3A_315 = vector.shape_cast %get3A_314 : vector<1x16xi32> to vector<16xi32>
      %add3A_316 = arith.addi %mul3A_310, %get3A_315 : vector<16xi32>
      %mul3A_317 = arith.constant 2 : i32
      %mul3A_318 = vector.broadcast %mul3A_317 : i32 to vector<16xi32>
      %mul3A_319 = arith.muli %add3A_316, %mul3A_318 : vector<16xi32>
      %get3A_320 = arith.constant 8 : i32
      %get3A_321 = arith.index_cast %get3A_320 : i32 to index
      %get3A_322 = arith.index_cast %add3A_244 : i32 to index
      %get3A_323 = tpu.vector_load %arg5[%get3A_321, %get3A_322] {strides = array<i32>} : memref<20x512xi32, #tpu.memory_space<vmem>>, vector<1x16xi32>,
      %get3A_324 = vector.shape_cast %get3A_323 : vector<1x16xi32> to vector<16xi32>
      %add3A_325 = arith.addi %mul3A_319, %get3A_324 : vector<16xi32>
      %mul3A_326 = arith.constant 2 : i32
      %mul3A_327 = vector.broadcast %mul3A_326 : i32 to vector<16xi32>
      %mul3A_328 = arith.muli %add3A_325, %mul3A_327 : vector<16xi32>
      %get3A_329 = arith.constant 9 : i32
      %get3A_330 = arith.index_cast %get3A_329 : i32 to index
      %get3A_331 = arith.index_cast %add3A_244 : i32 to index
      %get3A_332 = tpu.vector_load %arg5[%get3A_330, %get3A_331] {strides = array<i32>} : memref<20x512xi32, #tpu.memory_space<vmem>>, vector<1x16xi32>,
      %get3A_333 = vector.shape_cast %get3A_332 : vector<1x16xi32> to vector<16xi32>
      %add3A_334 = arith.addi %mul3A_328, %get3A_333 : vector<16xi32>
      %mul3A_335 = arith.constant 2 : i32
      %mul3A_336 = vector.broadcast %mul3A_335 : i32 to vector<16xi32>
      %mul3A_337 = arith.muli %add3A_334, %mul3A_336 : vector<16xi32>
      %get3A_338 = arith.constant 10 : i32
      %get3A_339 = arith.index_cast %get3A_338 : i32 to index
      %get3A_340 = arith.index_cast %add3A_244 : i32 to index
      %get3A_341 = tpu.vector_load %arg5[%get3A_339, %get3A_340] {strides = array<i32>} : memref<20x512xi32, #tpu.memory_space<vmem>>, vector<1x16xi32>,
      %get3A_342 = vector.shape_cast %get3A_341 : vector<1x16xi32> to vector<16xi32>
      %add3A_343 = arith.addi %mul3A_337, %get3A_342 : vector<16xi32>
      %mul3A_344 = arith.constant 2 : i32
      %mul3A_345 = vector.broadcast %mul3A_344 : i32 to vector<16xi32>
      %mul3A_346 = arith.muli %add3A_343, %mul3A_345 : vector<16xi32>
      %get3A_347 = arith.constant 11 : i32
      %get3A_348 = arith.index_cast %get3A_347 : i32 to index
      %get3A_349 = arith.index_cast %add3A_244 : i32 to index
      %get3A_350 = tpu.vector_load %arg5[%get3A_348, %get3A_349] {strides = array<i32>} : memref<20x512xi32, #tpu.memory_space<vmem>>, vector<1x16xi32>,
      %get3A_351 = vector.shape_cast %get3A_350 : vector<1x16xi32> to vector<16xi32>
      %add3A_352 = arith.addi %mul3A_346, %get3A_351 : vector<16xi32>
      %mul3A_353 = arith.constant 2 : i32
      %mul3A_354 = vector.broadcast %mul3A_353 : i32 to vector<16xi32>
      %mul3A_355 = arith.muli %add3A_352, %mul3A_354 : vector<16xi32>
      %get3A_356 = arith.constant 12 : i32
      %get3A_357 = arith.index_cast %get3A_356 : i32 to index
      %get3A_358 = arith.index_cast %add3A_244 : i32 to index
      %get3A_359 = tpu.vector_load %arg5[%get3A_357, %get3A_358] {strides = array<i32>} : memref<20x512xi32, #tpu.memory_space<vmem>>, vector<1x16xi32>,
      %get3A_360 = vector.shape_cast %get3A_359 : vector<1x16xi32> to vector<16xi32>
      %add3A_361 = arith.addi %mul3A_355, %get3A_360 : vector<16xi32>
      %mul3A_362 = arith.constant 2 : i32
      %mul3A_363 = vector.broadcast %mul3A_362 : i32 to vector<16xi32>
      %mul3A_364 = arith.muli %add3A_361, %mul3A_363 : vector<16xi32>
      %get3A_365 = arith.constant 13 : i32
      %get3A_366 = arith.index_cast %get3A_365 : i32 to index
      %get3A_367 = arith.index_cast %add3A_244 : i32 to index
      %get3A_368 = tpu.vector_load %arg5[%get3A_366, %get3A_367] {strides = array<i32>} : memref<20x512xi32, #tpu.memory_space<vmem>>, vector<1x16xi32>,
      %get3A_369 = vector.shape_cast %get3A_368 : vector<1x16xi32> to vector<16xi32>
      %add3A_370 = arith.addi %mul3A_364, %get3A_369 : vector<16xi32>
      %mul3A_371 = arith.constant 2 : i32
      %mul3A_372 = vector.broadcast %mul3A_371 : i32 to vector<16xi32>
      %mul3A_373 = arith.muli %add3A_370, %mul3A_372 : vector<16xi32>
      %get3A_374 = arith.constant 14 : i32
      %get3A_375 = arith.index_cast %get3A_374 : i32 to index
      %get3A_376 = arith.index_cast %add3A_244 : i32 to index
      %get3A_377 = tpu.vector_load %arg5[%get3A_375, %get3A_376] {strides = array<i32>} : memref<20x512xi32, #tpu.memory_space<vmem>>, vector<1x16xi32>,
      %get3A_378 = vector.shape_cast %get3A_377 : vector<1x16xi32> to vector<16xi32>
      %add3A_379 = arith.addi %mul3A_373, %get3A_378 : vector<16xi32>
      %mul3A_380 = arith.constant 2 : i32
      %mul3A_381 = vector.broadcast %mul3A_380 : i32 to vector<16xi32>
      %mul3A_382 = arith.muli %add3A_379, %mul3A_381 : vector<16xi32>
      %get3A_383 = arith.constant 15 : i32
      %get3A_384 = arith.index_cast %get3A_383 : i32 to index
      %get3A_385 = arith.index_cast %add3A_244 : i32 to index
      %get3A_386 = tpu.vector_load %arg5[%get3A_384, %get3A_385] {strides = array<i32>} : memref<20x512xi32, #tpu.memory_space<vmem>>, vector<1x16xi32>,
      %get3A_387 = vector.shape_cast %get3A_386 : vector<1x16xi32> to vector<16xi32>
      %add3A_388 = arith.addi %mul3A_382, %get3A_387 : vector<16xi32>
      %mul3A_389 = arith.constant 2 : i32
      %mul3A_390 = vector.broadcast %mul3A_389 : i32 to vector<16xi32>
      %mul3A_391 = arith.muli %add3A_388, %mul3A_390 : vector<16xi32>
      %get3A_392 = arith.constant 16 : i32
      %get3A_393 = arith.index_cast %get3A_392 : i32 to index
      %get3A_394 = arith.index_cast %add3A_244 : i32 to index
      %get3A_395 = tpu.vector_load %arg5[%get3A_393, %get3A_394] {strides = array<i32>} : memref<20x512xi32, #tpu.memory_space<vmem>>, vector<1x16xi32>,
      %get3A_396 = vector.shape_cast %get3A_395 : vector<1x16xi32> to vector<16xi32>
      %add3A_397 = arith.addi %mul3A_391, %get3A_396 : vector<16xi32>
      %mul3A_398 = arith.constant 2 : i32
      %mul3A_399 = vector.broadcast %mul3A_398 : i32 to vector<16xi32>
      %mul3A_400 = arith.muli %add3A_397, %mul3A_399 : vector<16xi32>
      %get3A_401 = arith.constant 17 : i32
      %get3A_402 = arith.index_cast %get3A_401 : i32 to index
      %get3A_403 = arith.index_cast %add3A_244 : i32 to index
      %get3A_404 = tpu.vector_load %arg5[%get3A_402, %get3A_403] {strides = array<i32>} : memref<20x512xi32, #tpu.memory_space<vmem>>, vector<1x16xi32>,
      %get3A_405 = vector.shape_cast %get3A_404 : vector<1x16xi32> to vector<16xi32>
      %add3A_406 = arith.addi %mul3A_400, %get3A_405 : vector<16xi32>
      %mul3A_407 = arith.constant 2 : i32
      %mul3A_408 = vector.broadcast %mul3A_407 : i32 to vector<16xi32>
      %mul3A_409 = arith.muli %add3A_406, %mul3A_408 : vector<16xi32>
      %get3A_410 = arith.constant 18 : i32
      %get3A_411 = arith.index_cast %get3A_410 : i32 to index
      %get3A_412 = arith.index_cast %add3A_244 : i32 to index
      %get3A_413 = tpu.vector_load %arg5[%get3A_411, %get3A_412] {strides = array<i32>} : memref<20x512xi32, #tpu.memory_space<vmem>>, vector<1x16xi32>,
      %get3A_414 = vector.shape_cast %get3A_413 : vector<1x16xi32> to vector<16xi32>
      %add3A_415 = arith.addi %mul3A_409, %get3A_414 : vector<16xi32>
      %mul3A_416 = arith.constant 2 : i32
      %mul3A_417 = vector.broadcast %mul3A_416 : i32 to vector<16xi32>
      %mul3A_418 = arith.muli %add3A_415, %mul3A_417 : vector<16xi32>
      %get3A_419 = arith.constant 19 : i32
      %get3A_420 = arith.index_cast %get3A_419 : i32 to index
      %get3A_421 = arith.index_cast %add3A_244 : i32 to index
      %get3A_422 = tpu.vector_load %arg5[%get3A_420, %get3A_421] {strides = array<i32>} : memref<20x512xi32, #tpu.memory_space<vmem>>, vector<1x16xi32>,
      %get3A_423 = vector.shape_cast %get3A_422 : vector<1x16xi32> to vector<16xi32>
      %add3A_424 = arith.addi %mul3A_418, %get3A_423 : vector<16xi32>
      %swap3A = arith.index_cast %add3A_244 : i32 to index
      %swap3A_425 = tpu.vector_load %arg6[%swap3A] {strides = array<i32>} : memref<512xi32, #tpu.memory_space<vmem>>, vector<16xi32>,
      %swap3A_426 = vector.shape_cast %swap3A_425 : vector<16xi32> to vector<16xi32>
      %swap3A_427 = vector.shape_cast %add3A_424 : vector<16xi32> to vector<16xi32>
      tpu.vector_store %arg6[%swap3A], %swap3A_427 {strides = array<i32>} : memref<512xi32, #tpu.memory_space<vmem>>, vector<16xi32>,
      %scan3A_428 = arith.constant 1 : i32
      %scan3A_429 = arith.addi %scan3A_240, %scan3A_428 : i32
      %mul3A_430 = arith.constant 16 : i32
      %mul3A_431 = arith.muli %scan3A_429, %mul3A_430 : i32
      %add3A_432 = arith.constant 256 : i32
      %add3A_433 = arith.addi %add3A_432, %mul3A_431 : i32
      %broadcast_in_dim3A_434 = arith.constant 0 : i32
      %broadcast_in_dim3A_435 = vector.broadcast %broadcast_in_dim3A_434 : i32 to vector<16xi32>
      %mul3A_436 = arith.constant 2 : i32
      %mul3A_437 = vector.broadcast %mul3A_436 : i32 to vector<16xi32>
      %mul3A_438 = arith.muli %broadcast_in_dim3A_435, %mul3A_437 : vector<16xi32>
      %get3A_439 = arith.constant 0 : i32
      %get3A_440 = arith.index_cast %get3A_439 : i32 to index
      %get3A_441 = arith.index_cast %add3A_433 : i32 to index
      %get3A_442 = tpu.vector_load %arg5[%get3A_440, %get3A_441] {strides = array<i32>} : memref<20x512xi32, #tpu.memory_space<vmem>>, vector<1x16xi32>,
      %get3A_443 = vector.shape_cast %get3A_442 : vector<1x16xi32> to vector<16xi32>
      %add3A_444 = arith.addi %mul3A_438, %get3A_443 : vector<16xi32>
      %mul3A_445 = arith.constant 2 : i32
      %mul3A_446 = vector.broadcast %mul3A_445 : i32 to vector<16xi32>
      %mul3A_447 = arith.muli %add3A_444, %mul3A_446 : vector<16xi32>
      %get3A_448 = arith.constant 1 : i32
      %get3A_449 = arith.index_cast %get3A_448 : i32 to index
      %get3A_450 = arith.index_cast %add3A_433 : i32 to index
      %get3A_451 = tpu.vector_load %arg5[%get3A_449, %get3A_450] {strides = array<i32>} : memref<20x512xi32, #tpu.memory_space<vmem>>, vector<1x16xi32>,
      %get3A_452 = vector.shape_cast %get3A_451 : vector<1x16xi32> to vector<16xi32>
      %add3A_453 = arith.addi %mul3A_447, %get3A_452 : vector<16xi32>
      %mul3A_454 = arith.constant 2 : i32
      %mul3A_455 = vector.broadcast %mul3A_454 : i32 to vector<16xi32>
      %mul3A_456 = arith.muli %add3A_453, %mul3A_455 : vector<16xi32>
      %get3A_457 = arith.constant 2 : i32
      %get3A_458 = arith.index_cast %get3A_457 : i32 to index
      %get3A_459 = arith.index_cast %add3A_433 : i32 to index
      %get3A_460 = tpu.vector_load %arg5[%get3A_458, %get3A_459] {strides = array<i32>} : memref<20x512xi32, #tpu.memory_space<vmem>>, vector<1x16xi32>,
      %get3A_461 = vector.shape_cast %get3A_460 : vector<1x16xi32> to vector<16xi32>
      %add3A_462 = arith.addi %mul3A_456, %get3A_461 : vector<16xi32>
      %mul3A_463 = arith.constant 2 : i32
      %mul3A_464 = vector.broadcast %mul3A_463 : i32 to vector<16xi32>
      %mul3A_465 = arith.muli %add3A_462, %mul3A_464 : vector<16xi32>
      %get3A_466 = arith.constant 3 : i32
      %get3A_467 = arith.index_cast %get3A_466 : i32 to index
      %get3A_468 = arith.index_cast %add3A_433 : i32 to index
      %get3A_469 = tpu.vector_load %arg5[%get3A_467, %get3A_468] {strides = array<i32>} : memref<20x512xi32, #tpu.memory_space<vmem>>, vector<1x16xi32>,
      %get3A_470 = vector.shape_cast %get3A_469 : vector<1x16xi32> to vector<16xi32>
      %add3A_471 = arith.addi %mul3A_465, %get3A_470 : vector<16xi32>
      %mul3A_472 = arith.constant 2 : i32
      %mul3A_473 = vector.broadcast %mul3A_472 : i32 to vector<16xi32>
      %mul3A_474 = arith.muli %add3A_471, %mul3A_473 : vector<16xi32>
      %get3A_475 = arith.constant 4 : i32
      %get3A_476 = arith.index_cast %get3A_475 : i32 to index
      %get3A_477 = arith.index_cast %add3A_433 : i32 to index
      %get3A_478 = tpu.vector_load %arg5[%get3A_476, %get3A_477] {strides = array<i32>} : memref<20x512xi32, #tpu.memory_space<vmem>>, vector<1x16xi32>,
      %get3A_479 = vector.shape_cast %get3A_478 : vector<1x16xi32> to vector<16xi32>
      %add3A_480 = arith.addi %mul3A_474, %get3A_479 : vector<16xi32>
      %mul3A_481 = arith.constant 2 : i32
      %mul3A_482 = vector.broadcast %mul3A_481 : i32 to vector<16xi32>
      %mul3A_483 = arith.muli %add3A_480, %mul3A_482 : vector<16xi32>
      %get3A_484 = arith.constant 5 : i32
      %get3A_485 = arith.index_cast %get3A_484 : i32 to index
      %get3A_486 = arith.index_cast %add3A_433 : i32 to index
      %get3A_487 = tpu.vector_load %arg5[%get3A_485, %get3A_486] {strides = array<i32>} : memref<20x512xi32, #tpu.memory_space<vmem>>, vector<1x16xi32>,
      %get3A_488 = vector.shape_cast %get3A_487 : vector<1x16xi32> to vector<16xi32>
      %add3A_489 = arith.addi %mul3A_483, %get3A_488 : vector<16xi32>
      %mul3A_490 = arith.constant 2 : i32
      %mul3A_491 = vector.broadcast %mul3A_490 : i32 to vector<16xi32>
      %mul3A_492 = arith.muli %add3A_489, %mul3A_491 : vector<16xi32>
      %get3A_493 = arith.constant 6 : i32
      %get3A_494 = arith.index_cast %get3A_493 : i32 to index
      %get3A_495 = arith.index_cast %add3A_433 : i32 to index
      %get3A_496 = tpu.vector_load %arg5[%get3A_494, %get3A_495] {strides = array<i32>} : memref<20x512xi32, #tpu.memory_space<vmem>>, vector<1x16xi32>,
      %get3A_497 = vector.shape_cast %get3A_496 : vector<1x16xi32> to vector<16xi32>
      %add3A_498 = arith.addi %mul3A_492, %get3A_497 : vector<16xi32>
      %mul3A_499 = arith.constant 2 : i32
      %mul3A_500 = vector.broadcast %mul3A_499 : i32 to vector<16xi32>
      %mul3A_501 = arith.muli %add3A_498, %mul3A_500 : vector<16xi32>
      %get3A_502 = arith.constant 7 : i32
      %get3A_503 = arith.index_cast %get3A_502 : i32 to index
      %get3A_504 = arith.index_cast %add3A_433 : i32 to index
      %get3A_505 = tpu.vector_load %arg5[%get3A_503, %get3A_504] {strides = array<i32>} : memref<20x512xi32, #tpu.memory_space<vmem>>, vector<1x16xi32>,
      %get3A_506 = vector.shape_cast %get3A_505 : vector<1x16xi32> to vector<16xi32>
      %add3A_507 = arith.addi %mul3A_501, %get3A_506 : vector<16xi32>
      %mul3A_508 = arith.constant 2 : i32
      %mul3A_509 = vector.broadcast %mul3A_508 : i32 to vector<16xi32>
      %mul3A_510 = arith.muli %add3A_507, %mul3A_509 : vector<16xi32>
      %get3A_511 = arith.constant 8 : i32
      %get3A_512 = arith.index_cast %get3A_511 : i32 to index
      %get3A_513 = arith.index_cast %add3A_433 : i32 to index
      %get3A_514 = tpu.vector_load %arg5[%get3A_512, %get3A_513] {strides = array<i32>} : memref<20x512xi32, #tpu.memory_space<vmem>>, vector<1x16xi32>,
      %get3A_515 = vector.shape_cast %get3A_514 : vector<1x16xi32> to vector<16xi32>
      %add3A_516 = arith.addi %mul3A_510, %get3A_515 : vector<16xi32>
      %mul3A_517 = arith.constant 2 : i32
      %mul3A_518 = vector.broadcast %mul3A_517 : i32 to vector<16xi32>
      %mul3A_519 = arith.muli %add3A_516, %mul3A_518 : vector<16xi32>
      %get3A_520 = arith.constant 9 : i32
      %get3A_521 = arith.index_cast %get3A_520 : i32 to index
      %get3A_522 = arith.index_cast %add3A_433 : i32 to index
      %get3A_523 = tpu.vector_load %arg5[%get3A_521, %get3A_522] {strides = array<i32>} : memref<20x512xi32, #tpu.memory_space<vmem>>, vector<1x16xi32>,
      %get3A_524 = vector.shape_cast %get3A_523 : vector<1x16xi32> to vector<16xi32>
      %add3A_525 = arith.addi %mul3A_519, %get3A_524 : vector<16xi32>
      %mul3A_526 = arith.constant 2 : i32
      %mul3A_527 = vector.broadcast %mul3A_526 : i32 to vector<16xi32>
      %mul3A_528 = arith.muli %add3A_525, %mul3A_527 : vector<16xi32>
      %get3A_529 = arith.constant 10 : i32
      %get3A_530 = arith.index_cast %get3A_529 : i32 to index
      %get3A_531 = arith.index_cast %add3A_433 : i32 to index
      %get3A_532 = tpu.vector_load %arg5[%get3A_530, %get3A_531] {strides = array<i32>} : memref<20x512xi32, #tpu.memory_space<vmem>>, vector<1x16xi32>,
      %get3A_533 = vector.shape_cast %get3A_532 : vector<1x16xi32> to vector<16xi32>
      %add3A_534 = arith.addi %mul3A_528, %get3A_533 : vector<16xi32>
      %mul3A_535 = arith.constant 2 : i32
      %mul3A_536 = vector.broadcast %mul3A_535 : i32 to vector<16xi32>
      %mul3A_537 = arith.muli %add3A_534, %mul3A_536 : vector<16xi32>
      %get3A_538 = arith.constant 11 : i32
      %get3A_539 = arith.index_cast %get3A_538 : i32 to index
      %get3A_540 = arith.index_cast %add3A_433 : i32 to index
      %get3A_541 = tpu.vector_load %arg5[%get3A_539, %get3A_540] {strides = array<i32>} : memref<20x512xi32, #tpu.memory_space<vmem>>, vector<1x16xi32>,
      %get3A_542 = vector.shape_cast %get3A_541 : vector<1x16xi32> to vector<16xi32>
      %add3A_543 = arith.addi %mul3A_537, %get3A_542 : vector<16xi32>
      %mul3A_544 = arith.constant 2 : i32
      %mul3A_545 = vector.broadcast %mul3A_544 : i32 to vector<16xi32>
      %mul3A_546 = arith.muli %add3A_543, %mul3A_545 : vector<16xi32>
      %get3A_547 = arith.constant 12 : i32
      %get3A_548 = arith.index_cast %get3A_547 : i32 to index
      %get3A_549 = arith.index_cast %add3A_433 : i32 to index
      %get3A_550 = tpu.vector_load %arg5[%get3A_548, %get3A_549] {strides = array<i32>} : memref<20x512xi32, #tpu.memory_space<vmem>>, vector<1x16xi32>,
      %get3A_551 = vector.shape_cast %get3A_550 : vector<1x16xi32> to vector<16xi32>
      %add3A_552 = arith.addi %mul3A_546, %get3A_551 : vector<16xi32>
      %mul3A_553 = arith.constant 2 : i32
      %mul3A_554 = vector.broadcast %mul3A_553 : i32 to vector<16xi32>
      %mul3A_555 = arith.muli %add3A_552, %mul3A_554 : vector<16xi32>
      %get3A_556 = arith.constant 13 : i32
      %get3A_557 = arith.index_cast %get3A_556 : i32 to index
      %get3A_558 = arith.index_cast %add3A_433 : i32 to index
      %get3A_559 = tpu.vector_load %arg5[%get3A_557, %get3A_558] {strides = array<i32>} : memref<20x512xi32, #tpu.memory_space<vmem>>, vector<1x16xi32>,
      %get3A_560 = vector.shape_cast %get3A_559 : vector<1x16xi32> to vector<16xi32>
      %add3A_561 = arith.addi %mul3A_555, %get3A_560 : vector<16xi32>
      %mul3A_562 = arith.constant 2 : i32
      %mul3A_563 = vector.broadcast %mul3A_562 : i32 to vector<16xi32>
      %mul3A_564 = arith.muli %add3A_561, %mul3A_563 : vector<16xi32>
      %get3A_565 = arith.constant 14 : i32
      %get3A_566 = arith.index_cast %get3A_565 : i32 to index
      %get3A_567 = arith.index_cast %add3A_433 : i32 to index
      %get3A_568 = tpu.vector_load %arg5[%get3A_566, %get3A_567] {strides = array<i32>} : memref<20x512xi32, #tpu.memory_space<vmem>>, vector<1x16xi32>,
      %get3A_569 = vector.shape_cast %get3A_568 : vector<1x16xi32> to vector<16xi32>
      %add3A_570 = arith.addi %mul3A_564, %get3A_569 : vector<16xi32>
      %mul3A_571 = arith.constant 2 : i32
      %mul3A_572 = vector.broadcast %mul3A_571 : i32 to vector<16xi32>
      %mul3A_573 = arith.muli %add3A_570, %mul3A_572 : vector<16xi32>
      %get3A_574 = arith.constant 15 : i32
      %get3A_575 = arith.index_cast %get3A_574 : i32 to index
      %get3A_576 = arith.index_cast %add3A_433 : i32 to index
      %get3A_577 = tpu.vector_load %arg5[%get3A_575, %get3A_576] {strides = array<i32>} : memref<20x512xi32, #tpu.memory_space<vmem>>, vector<1x16xi32>,
      %get3A_578 = vector.shape_cast %get3A_577 : vector<1x16xi32> to vector<16xi32>
      %add3A_579 = arith.addi %mul3A_573, %get3A_578 : vector<16xi32>
      %mul3A_580 = arith.constant 2 : i32
      %mul3A_581 = vector.broadcast %mul3A_580 : i32 to vector<16xi32>
      %mul3A_582 = arith.muli %add3A_579, %mul3A_581 : vector<16xi32>
      %get3A_583 = arith.constant 16 : i32
      %get3A_584 = arith.index_cast %get3A_583 : i32 to index
      %get3A_585 = arith.index_cast %add3A_433 : i32 to index
      %get3A_586 = tpu.vector_load %arg5[%get3A_584, %get3A_585] {strides = array<i32>} : memref<20x512xi32, #tpu.memory_space<vmem>>, vector<1x16xi32>,
      %get3A_587 = vector.shape_cast %get3A_586 : vector<1x16xi32> to vector<16xi32>
      %add3A_588 = arith.addi %mul3A_582, %get3A_587 : vector<16xi32>
      %mul3A_589 = arith.constant 2 : i32
      %mul3A_590 = vector.broadcast %mul3A_589 : i32 to vector<16xi32>
      %mul3A_591 = arith.muli %add3A_588, %mul3A_590 : vector<16xi32>
      %get3A_592 = arith.constant 17 : i32
      %get3A_593 = arith.index_cast %get3A_592 : i32 to index
      %get3A_594 = arith.index_cast %add3A_433 : i32 to index
      %get3A_595 = tpu.vector_load %arg5[%get3A_593, %get3A_594] {strides = array<i32>} : memref<20x512xi32, #tpu.memory_space<vmem>>, vector<1x16xi32>,
      %get3A_596 = vector.shape_cast %get3A_595 : vector<1x16xi32> to vector<16xi32>
      %add3A_597 = arith.addi %mul3A_591, %get3A_596 : vector<16xi32>
      %mul3A_598 = arith.constant 2 : i32
      %mul3A_599 = vector.broadcast %mul3A_598 : i32 to vector<16xi32>
      %mul3A_600 = arith.muli %add3A_597, %mul3A_599 : vector<16xi32>
      %get3A_601 = arith.constant 18 : i32
      %get3A_602 = arith.index_cast %get3A_601 : i32 to index
      %get3A_603 = arith.index_cast %add3A_433 : i32 to index
      %get3A_604 = tpu.vector_load %arg5[%get3A_602, %get3A_603] {strides = array<i32>} : memref<20x512xi32, #tpu.memory_space<vmem>>, vector<1x16xi32>,
      %get3A_605 = vector.shape_cast %get3A_604 : vector<1x16xi32> to vector<16xi32>
      %add3A_606 = arith.addi %mul3A_600, %get3A_605 : vector<16xi32>
      %mul3A_607 = arith.constant 2 : i32
      %mul3A_608 = vector.broadcast %mul3A_607 : i32 to vector<16xi32>
      %mul3A_609 = arith.muli %add3A_606, %mul3A_608 : vector<16xi32>
      %get3A_610 = arith.constant 19 : i32
      %get3A_611 = arith.index_cast %get3A_610 : i32 to index
      %get3A_612 = arith.index_cast %add3A_433 : i32 to index
      %get3A_613 = tpu.vector_load %arg5[%get3A_611, %get3A_612] {strides = array<i32>} : memref<20x512xi32, #tpu.memory_space<vmem>>, vector<1x16xi32>,
      %get3A_614 = vector.shape_cast %get3A_613 : vector<1x16xi32> to vector<16xi32>
      %add3A_615 = arith.addi %mul3A_609, %get3A_614 : vector<16xi32>
      %swap3A_616 = arith.index_cast %add3A_433 : i32 to index
      %swap3A_617 = tpu.vector_load %arg6[%swap3A_616] {strides = array<i32>} : memref<512xi32, #tpu.memory_space<vmem>>, vector<16xi32>,
      %swap3A_618 = vector.shape_cast %swap3A_617 : vector<16xi32> to vector<16xi32>
      %swap3A_619 = vector.shape_cast %add3A_615 : vector<16xi32> to vector<16xi32>
      tpu.vector_store %arg6[%swap3A_616], %swap3A_619 {strides = array<i32>} : memref<512xi32, #tpu.memory_space<vmem>>, vector<16xi32>,
      %scan3A_620 = arith.constant 2 : i32
      %scan3A_621 = arith.addi %scan3A_240, %scan3A_620 : i32
      %mul3A_622 = arith.constant 16 : i32
      %mul3A_623 = arith.muli %scan3A_621, %mul3A_622 : i32
      %add3A_624 = arith.constant 256 : i32
      %add3A_625 = arith.addi %add3A_624, %mul3A_623 : i32
      %broadcast_in_dim3A_626 = arith.constant 0 : i32
      %broadcast_in_dim3A_627 = vector.broadcast %broadcast_in_dim3A_626 : i32 to vector<16xi32>
      %mul3A_628 = arith.constant 2 : i32
      %mul3A_629 = vector.broadcast %mul3A_628 : i32 to vector<16xi32>
      %mul3A_630 = arith.muli %broadcast_in_dim3A_627, %mul3A_629 : vector<16xi32>
      %get3A_631 = arith.constant 0 : i32
      %get3A_632 = arith.index_cast %get3A_631 : i32 to index
      %get3A_633 = arith.index_cast %add3A_625 : i32 to index
      %get3A_634 = tpu.vector_load %arg5[%get3A_632, %get3A_633] {strides = array<i32>} : memref<20x512xi32, #tpu.memory_space<vmem>>, vector<1x16xi32>,
      %get3A_635 = vector.shape_cast %get3A_634 : vector<1x16xi32> to vector<16xi32>
      %add3A_636 = arith.addi %mul3A_630, %get3A_635 : vector<16xi32>
      %mul3A_637 = arith.constant 2 : i32
      %mul3A_638 = vector.broadcast %mul3A_637 : i32 to vector<16xi32>
      %mul3A_639 = arith.muli %add3A_636, %mul3A_638 : vector<16xi32>
      %get3A_640 = arith.constant 1 : i32
      %get3A_641 = arith.index_cast %get3A_640 : i32 to index
      %get3A_642 = arith.index_cast %add3A_625 : i32 to index
      %get3A_643 = tpu.vector_load %arg5[%get3A_641, %get3A_642] {strides = array<i32>} : memref<20x512xi32, #tpu.memory_space<vmem>>, vector<1x16xi32>,
      %get3A_644 = vector.shape_cast %get3A_643 : vector<1x16xi32> to vector<16xi32>
      %add3A_645 = arith.addi %mul3A_639, %get3A_644 : vector<16xi32>
      %mul3A_646 = arith.constant 2 : i32
      %mul3A_647 = vector.broadcast %mul3A_646 : i32 to vector<16xi32>
      %mul3A_648 = arith.muli %add3A_645, %mul3A_647 : vector<16xi32>
      %get3A_649 = arith.constant 2 : i32
      %get3A_650 = arith.index_cast %get3A_649 : i32 to index
      %get3A_651 = arith.index_cast %add3A_625 : i32 to index
      %get3A_652 = tpu.vector_load %arg5[%get3A_650, %get3A_651] {strides = array<i32>} : memref<20x512xi32, #tpu.memory_space<vmem>>, vector<1x16xi32>,
      %get3A_653 = vector.shape_cast %get3A_652 : vector<1x16xi32> to vector<16xi32>
      %add3A_654 = arith.addi %mul3A_648, %get3A_653 : vector<16xi32>
      %mul3A_655 = arith.constant 2 : i32
      %mul3A_656 = vector.broadcast %mul3A_655 : i32 to vector<16xi32>
      %mul3A_657 = arith.muli %add3A_654, %mul3A_656 : vector<16xi32>
      %get3A_658 = arith.constant 3 : i32
      %get3A_659 = arith.index_cast %get3A_658 : i32 to index
      %get3A_660 = arith.index_cast %add3A_625 : i32 to index
      %get3A_661 = tpu.vector_load %arg5[%get3A_659, %get3A_660] {strides = array<i32>} : memref<20x512xi32, #tpu.memory_space<vmem>>, vector<1x16xi32>,
      %get3A_662 = vector.shape_cast %get3A_661 : vector<1x16xi32> to vector<16xi32>
      %add3A_663 = arith.addi %mul3A_657, %get3A_662 : vector<16xi32>
      %mul3A_664 = arith.constant 2 : i32
      %mul3A_665 = vector.broadcast %mul3A_664 : i32 to vector<16xi32>
      %mul3A_666 = arith.muli %add3A_663, %mul3A_665 : vector<16xi32>
      %get3A_667 = arith.constant 4 : i32
      %get3A_668 = arith.index_cast %get3A_667 : i32 to index
      %get3A_669 = arith.index_cast %add3A_625 : i32 to index
      %get3A_670 = tpu.vector_load %arg5[%get3A_668, %get3A_669] {strides = array<i32>} : memref<20x512xi32, #tpu.memory_space<vmem>>, vector<1x16xi32>,
      %get3A_671 = vector.shape_cast %get3A_670 : vector<1x16xi32> to vector<16xi32>
      %add3A_672 = arith.addi %mul3A_666, %get3A_671 : vector<16xi32>
      %mul3A_673 = arith.constant 2 : i32
      %mul3A_674 = vector.broadcast %mul3A_673 : i32 to vector<16xi32>
      %mul3A_675 = arith.muli %add3A_672, %mul3A_674 : vector<16xi32>
      %get3A_676 = arith.constant 5 : i32
      %get3A_677 = arith.index_cast %get3A_676 : i32 to index
      %get3A_678 = arith.index_cast %add3A_625 : i32 to index
      %get3A_679 = tpu.vector_load %arg5[%get3A_677, %get3A_678] {strides = array<i32>} : memref<20x512xi32, #tpu.memory_space<vmem>>, vector<1x16xi32>,
      %get3A_680 = vector.shape_cast %get3A_679 : vector<1x16xi32> to vector<16xi32>
      %add3A_681 = arith.addi %mul3A_675, %get3A_680 : vector<16xi32>
      %mul3A_682 = arith.constant 2 : i32
      %mul3A_683 = vector.broadcast %mul3A_682 : i32 to vector<16xi32>
      %mul3A_684 = arith.muli %add3A_681, %mul3A_683 : vector<16xi32>
      %get3A_685 = arith.constant 6 : i32
      %get3A_686 = arith.index_cast %get3A_685 : i32 to index
      %get3A_687 = arith.index_cast %add3A_625 : i32 to index
      %get3A_688 = tpu.vector_load %arg5[%get3A_686, %get3A_687] {strides = array<i32>} : memref<20x512xi32, #tpu.memory_space<vmem>>, vector<1x16xi32>,
      %get3A_689 = vector.shape_cast %get3A_688 : vector<1x16xi32> to vector<16xi32>
      %add3A_690 = arith.addi %mul3A_684, %get3A_689 : vector<16xi32>
      %mul3A_691 = arith.constant 2 : i32
      %mul3A_692 = vector.broadcast %mul3A_691 : i32 to vector<16xi32>
      %mul3A_693 = arith.muli %add3A_690, %mul3A_692 : vector<16xi32>
      %get3A_694 = arith.constant 7 : i32
      %get3A_695 = arith.index_cast %get3A_694 : i32 to index
      %get3A_696 = arith.index_cast %add3A_625 : i32 to index
      %get3A_697 = tpu.vector_load %arg5[%get3A_695, %get3A_696] {strides = array<i32>} : memref<20x512xi32, #tpu.memory_space<vmem>>, vector<1x16xi32>,
      %get3A_698 = vector.shape_cast %get3A_697 : vector<1x16xi32> to vector<16xi32>
      %add3A_699 = arith.addi %mul3A_693, %get3A_698 : vector<16xi32>
      %mul3A_700 = arith.constant 2 : i32
      %mul3A_701 = vector.broadcast %mul3A_700 : i32 to vector<16xi32>
      %mul3A_702 = arith.muli %add3A_699, %mul3A_701 : vector<16xi32>
      %get3A_703 = arith.constant 8 : i32
      %get3A_704 = arith.index_cast %get3A_703 : i32 to index
      %get3A_705 = arith.index_cast %add3A_625 : i32 to index
      %get3A_706 = tpu.vector_load %arg5[%get3A_704, %get3A_705] {strides = array<i32>} : memref<20x512xi32, #tpu.memory_space<vmem>>, vector<1x16xi32>,
      %get3A_707 = vector.shape_cast %get3A_706 : vector<1x16xi32> to vector<16xi32>
      %add3A_708 = arith.addi %mul3A_702, %get3A_707 : vector<16xi32>
      %mul3A_709 = arith.constant 2 : i32
      %mul3A_710 = vector.broadcast %mul3A_709 : i32 to vector<16xi32>
      %mul3A_711 = arith.muli %add3A_708, %mul3A_710 : vector<16xi32>
      %get3A_712 = arith.constant 9 : i32
      %get3A_713 = arith.index_cast %get3A_712 : i32 to index
      %get3A_714 = arith.index_cast %add3A_625 : i32 to index
      %get3A_715 = tpu.vector_load %arg5[%get3A_713, %get3A_714] {strides = array<i32>} : memref<20x512xi32, #tpu.memory_space<vmem>>, vector<1x16xi32>,
      %get3A_716 = vector.shape_cast %get3A_715 : vector<1x16xi32> to vector<16xi32>
      %add3A_717 = arith.addi %mul3A_711, %get3A_716 : vector<16xi32>
      %mul3A_718 = arith.constant 2 : i32
      %mul3A_719 = vector.broadcast %mul3A_718 : i32 to vector<16xi32>
      %mul3A_720 = arith.muli %add3A_717, %mul3A_719 : vector<16xi32>
      %get3A_721 = arith.constant 10 : i32
      %get3A_722 = arith.index_cast %get3A_721 : i32 to index
      %get3A_723 = arith.index_cast %add3A_625 : i32 to index
      %get3A_724 = tpu.vector_load %arg5[%get3A_722, %get3A_723] {strides = array<i32>} : memref<20x512xi32, #tpu.memory_space<vmem>>, vector<1x16xi32>,
      %get3A_725 = vector.shape_cast %get3A_724 : vector<1x16xi32> to vector<16xi32>
      %add3A_726 = arith.addi %mul3A_720, %get3A_725 : vector<16xi32>
      %mul3A_727 = arith.constant 2 : i32
      %mul3A_728 = vector.broadcast %mul3A_727 : i32 to vector<16xi32>
      %mul3A_729 = arith.muli %add3A_726, %mul3A_728 : vector<16xi32>
      %get3A_730 = arith.constant 11 : i32
      %get3A_731 = arith.index_cast %get3A_730 : i32 to index
      %get3A_732 = arith.index_cast %add3A_625 : i32 to index
      %get3A_733 = tpu.vector_load %arg5[%get3A_731, %get3A_732] {strides = array<i32>} : memref<20x512xi32, #tpu.memory_space<vmem>>, vector<1x16xi32>,
      %get3A_734 = vector.shape_cast %get3A_733 : vector<1x16xi32> to vector<16xi32>
      %add3A_735 = arith.addi %mul3A_729, %get3A_734 : vector<16xi32>
      %mul3A_736 = arith.constant 2 : i32
      %mul3A_737 = vector.broadcast %mul3A_736 : i32 to vector<16xi32>
      %mul3A_738 = arith.muli %add3A_735, %mul3A_737 : vector<16xi32>
      %get3A_739 = arith.constant 12 : i32
      %get3A_740 = arith.index_cast %get3A_739 : i32 to index
      %get3A_741 = arith.index_cast %add3A_625 : i32 to index
      %get3A_742 = tpu.vector_load %arg5[%get3A_740, %get3A_741] {strides = array<i32>} : memref<20x512xi32, #tpu.memory_space<vmem>>, vector<1x16xi32>,
      %get3A_743 = vector.shape_cast %get3A_742 : vector<1x16xi32> to vector<16xi32>
      %add3A_744 = arith.addi %mul3A_738, %get3A_743 : vector<16xi32>
      %mul3A_745 = arith.constant 2 : i32
      %mul3A_746 = vector.broadcast %mul3A_745 : i32 to vector<16xi32>
      %mul3A_747 = arith.muli %add3A_744, %mul3A_746 : vector<16xi32>
      %get3A_748 = arith.constant 13 : i32
      %get3A_749 = arith.index_cast %get3A_748 : i32 to index
      %get3A_750 = arith.index_cast %add3A_625 : i32 to index
      %get3A_751 = tpu.vector_load %arg5[%get3A_749, %get3A_750] {strides = array<i32>} : memref<20x512xi32, #tpu.memory_space<vmem>>, vector<1x16xi32>,
      %get3A_752 = vector.shape_cast %get3A_751 : vector<1x16xi32> to vector<16xi32>
      %add3A_753 = arith.addi %mul3A_747, %get3A_752 : vector<16xi32>
      %mul3A_754 = arith.constant 2 : i32
      %mul3A_755 = vector.broadcast %mul3A_754 : i32 to vector<16xi32>
      %mul3A_756 = arith.muli %add3A_753, %mul3A_755 : vector<16xi32>
      %get3A_757 = arith.constant 14 : i32
      %get3A_758 = arith.index_cast %get3A_757 : i32 to index
      %get3A_759 = arith.index_cast %add3A_625 : i32 to index
      %get3A_760 = tpu.vector_load %arg5[%get3A_758, %get3A_759] {strides = array<i32>} : memref<20x512xi32, #tpu.memory_space<vmem>>, vector<1x16xi32>,
      %get3A_761 = vector.shape_cast %get3A_760 : vector<1x16xi32> to vector<16xi32>
      %add3A_762 = arith.addi %mul3A_756, %get3A_761 : vector<16xi32>
      %mul3A_763 = arith.constant 2 : i32
      %mul3A_764 = vector.broadcast %mul3A_763 : i32 to vector<16xi32>
      %mul3A_765 = arith.muli %add3A_762, %mul3A_764 : vector<16xi32>
      %get3A_766 = arith.constant 15 : i32
      %get3A_767 = arith.index_cast %get3A_766 : i32 to index
      %get3A_768 = arith.index_cast %add3A_625 : i32 to index
      %get3A_769 = tpu.vector_load %arg5[%get3A_767, %get3A_768] {strides = array<i32>} : memref<20x512xi32, #tpu.memory_space<vmem>>, vector<1x16xi32>,
      %get3A_770 = vector.shape_cast %get3A_769 : vector<1x16xi32> to vector<16xi32>
      %add3A_771 = arith.addi %mul3A_765, %get3A_770 : vector<16xi32>
      %mul3A_772 = arith.constant 2 : i32
      %mul3A_773 = vector.broadcast %mul3A_772 : i32 to vector<16xi32>
      %mul3A_774 = arith.muli %add3A_771, %mul3A_773 : vector<16xi32>
      %get3A_775 = arith.constant 16 : i32
      %get3A_776 = arith.index_cast %get3A_775 : i32 to index
      %get3A_777 = arith.index_cast %add3A_625 : i32 to index
      %get3A_778 = tpu.vector_load %arg5[%get3A_776, %get3A_777] {strides = array<i32>} : memref<20x512xi32, #tpu.memory_space<vmem>>, vector<1x16xi32>,
      %get3A_779 = vector.shape_cast %get3A_778 : vector<1x16xi32> to vector<16xi32>
      %add3A_780 = arith.addi %mul3A_774, %get3A_779 : vector<16xi32>
      %mul3A_781 = arith.constant 2 : i32
      %mul3A_782 = vector.broadcast %mul3A_781 : i32 to vector<16xi32>
      %mul3A_783 = arith.muli %add3A_780, %mul3A_782 : vector<16xi32>
      %get3A_784 = arith.constant 17 : i32
      %get3A_785 = arith.index_cast %get3A_784 : i32 to index
      %get3A_786 = arith.index_cast %add3A_625 : i32 to index
      %get3A_787 = tpu.vector_load %arg5[%get3A_785, %get3A_786] {strides = array<i32>} : memref<20x512xi32, #tpu.memory_space<vmem>>, vector<1x16xi32>,
      %get3A_788 = vector.shape_cast %get3A_787 : vector<1x16xi32> to vector<16xi32>
      %add3A_789 = arith.addi %mul3A_783, %get3A_788 : vector<16xi32>
      %mul3A_790 = arith.constant 2 : i32
      %mul3A_791 = vector.broadcast %mul3A_790 : i32 to vector<16xi32>
      %mul3A_792 = arith.muli %add3A_789, %mul3A_791 : vector<16xi32>
      %get3A_793 = arith.constant 18 : i32
      %get3A_794 = arith.index_cast %get3A_793 : i32 to index
      %get3A_795 = arith.index_cast %add3A_625 : i32 to index
      %get3A_796 = tpu.vector_load %arg5[%get3A_794, %get3A_795] {strides = array<i32>} : memref<20x512xi32, #tpu.memory_space<vmem>>, vector<1x16xi32>,
      %get3A_797 = vector.shape_cast %get3A_796 : vector<1x16xi32> to vector<16xi32>
      %add3A_798 = arith.addi %mul3A_792, %get3A_797 : vector<16xi32>
      %mul3A_799 = arith.constant 2 : i32
      %mul3A_800 = vector.broadcast %mul3A_799 : i32 to vector<16xi32>
      %mul3A_801 = arith.muli %add3A_798, %mul3A_800 : vector<16xi32>
      %get3A_802 = arith.constant 19 : i32
      %get3A_803 = arith.index_cast %get3A_802 : i32 to index
      %get3A_804 = arith.index_cast %add3A_625 : i32 to index
      %get3A_805 = tpu.vector_load %arg5[%get3A_803, %get3A_804] {strides = array<i32>} : memref<20x512xi32, #tpu.memory_space<vmem>>, vector<1x16xi32>,
      %get3A_806 = vector.shape_cast %get3A_805 : vector<1x16xi32> to vector<16xi32>
      %add3A_807 = arith.addi %mul3A_801, %get3A_806 : vector<16xi32>
      %swap3A_808 = arith.index_cast %add3A_625 : i32 to index
      %swap3A_809 = tpu.vector_load %arg6[%swap3A_808] {strides = array<i32>} : memref<512xi32, #tpu.memory_space<vmem>>, vector<16xi32>,
      %swap3A_810 = vector.shape_cast %swap3A_809 : vector<16xi32> to vector<16xi32>
      %swap3A_811 = vector.shape_cast %add3A_807 : vector<16xi32> to vector<16xi32>
      tpu.vector_store %arg6[%swap3A_808], %swap3A_811 {strides = array<i32>} : memref<512xi32, #tpu.memory_space<vmem>>, vector<16xi32>,
      %scan3A_812 = arith.constant 3 : i32
      %scan3A_813 = arith.addi %scan3A_240, %scan3A_812 : i32
      %mul3A_814 = arith.constant 16 : i32
      %mul3A_815 = arith.muli %scan3A_813, %mul3A_814 : i32
      %add3A_816 = arith.constant 256 : i32
      %add3A_817 = arith.addi %add3A_816, %mul3A_815 : i32
      %broadcast_in_dim3A_818 = arith.constant 0 : i32
      %broadcast_in_dim3A_819 = vector.broadcast %broadcast_in_dim3A_818 : i32 to vector<16xi32>
      %mul3A_820 = arith.constant 2 : i32
      %mul3A_821 = vector.broadcast %mul3A_820 : i32 to vector<16xi32>
      %mul3A_822 = arith.muli %broadcast_in_dim3A_819, %mul3A_821 : vector<16xi32>
      %get3A_823 = arith.constant 0 : i32
      %get3A_824 = arith.index_cast %get3A_823 : i32 to index
      %get3A_825 = arith.index_cast %add3A_817 : i32 to index
      %get3A_826 = tpu.vector_load %arg5[%get3A_824, %get3A_825] {strides = array<i32>} : memref<20x512xi32, #tpu.memory_space<vmem>>, vector<1x16xi32>,
      %get3A_827 = vector.shape_cast %get3A_826 : vector<1x16xi32> to vector<16xi32>
      %add3A_828 = arith.addi %mul3A_822, %get3A_827 : vector<16xi32>
      %mul3A_829 = arith.constant 2 : i32
      %mul3A_830 = vector.broadcast %mul3A_829 : i32 to vector<16xi32>
      %mul3A_831 = arith.muli %add3A_828, %mul3A_830 : vector<16xi32>
      %get3A_832 = arith.constant 1 : i32
      %get3A_833 = arith.index_cast %get3A_832 : i32 to index
      %get3A_834 = arith.index_cast %add3A_817 : i32 to index
      %get3A_835 = tpu.vector_load %arg5[%get3A_833, %get3A_834] {strides = array<i32>} : memref<20x512xi32, #tpu.memory_space<vmem>>, vector<1x16xi32>,
      %get3A_836 = vector.shape_cast %get3A_835 : vector<1x16xi32> to vector<16xi32>
      %add3A_837 = arith.addi %mul3A_831, %get3A_836 : vector<16xi32>
      %mul3A_838 = arith.constant 2 : i32
      %mul3A_839 = vector.broadcast %mul3A_838 : i32 to vector<16xi32>
      %mul3A_840 = arith.muli %add3A_837, %mul3A_839 : vector<16xi32>
      %get3A_841 = arith.constant 2 : i32
      %get3A_842 = arith.index_cast %get3A_841 : i32 to index
      %get3A_843 = arith.index_cast %add3A_817 : i32 to index
      %get3A_844 = tpu.vector_load %arg5[%get3A_842, %get3A_843] {strides = array<i32>} : memref<20x512xi32, #tpu.memory_space<vmem>>, vector<1x16xi32>,
      %get3A_845 = vector.shape_cast %get3A_844 : vector<1x16xi32> to vector<16xi32>
      %add3A_846 = arith.addi %mul3A_840, %get3A_845 : vector<16xi32>
      %mul3A_847 = arith.constant 2 : i32
      %mul3A_848 = vector.broadcast %mul3A_847 : i32 to vector<16xi32>
      %mul3A_849 = arith.muli %add3A_846, %mul3A_848 : vector<16xi32>
      %get3A_850 = arith.constant 3 : i32
      %get3A_851 = arith.index_cast %get3A_850 : i32 to index
      %get3A_852 = arith.index_cast %add3A_817 : i32 to index
      %get3A_853 = tpu.vector_load %arg5[%get3A_851, %get3A_852] {strides = array<i32>} : memref<20x512xi32, #tpu.memory_space<vmem>>, vector<1x16xi32>,
      %get3A_854 = vector.shape_cast %get3A_853 : vector<1x16xi32> to vector<16xi32>
      %add3A_855 = arith.addi %mul3A_849, %get3A_854 : vector<16xi32>
      %mul3A_856 = arith.constant 2 : i32
      %mul3A_857 = vector.broadcast %mul3A_856 : i32 to vector<16xi32>
      %mul3A_858 = arith.muli %add3A_855, %mul3A_857 : vector<16xi32>
      %get3A_859 = arith.constant 4 : i32
      %get3A_860 = arith.index_cast %get3A_859 : i32 to index
      %get3A_861 = arith.index_cast %add3A_817 : i32 to index
      %get3A_862 = tpu.vector_load %arg5[%get3A_860, %get3A_861] {strides = array<i32>} : memref<20x512xi32, #tpu.memory_space<vmem>>, vector<1x16xi32>,
      %get3A_863 = vector.shape_cast %get3A_862 : vector<1x16xi32> to vector<16xi32>
      %add3A_864 = arith.addi %mul3A_858, %get3A_863 : vector<16xi32>
      %mul3A_865 = arith.constant 2 : i32
      %mul3A_866 = vector.broadcast %mul3A_865 : i32 to vector<16xi32>
      %mul3A_867 = arith.muli %add3A_864, %mul3A_866 : vector<16xi32>
      %get3A_868 = arith.constant 5 : i32
      %get3A_869 = arith.index_cast %get3A_868 : i32 to index
      %get3A_870 = arith.index_cast %add3A_817 : i32 to index
      %get3A_871 = tpu.vector_load %arg5[%get3A_869, %get3A_870] {strides = array<i32>} : memref<20x512xi32, #tpu.memory_space<vmem>>, vector<1x16xi32>,
      %get3A_872 = vector.shape_cast %get3A_871 : vector<1x16xi32> to vector<16xi32>
      %add3A_873 = arith.addi %mul3A_867, %get3A_872 : vector<16xi32>
      %mul3A_874 = arith.constant 2 : i32
      %mul3A_875 = vector.broadcast %mul3A_874 : i32 to vector<16xi32>
      %mul3A_876 = arith.muli %add3A_873, %mul3A_875 : vector<16xi32>
      %get3A_877 = arith.constant 6 : i32
      %get3A_878 = arith.index_cast %get3A_877 : i32 to index
      %get3A_879 = arith.index_cast %add3A_817 : i32 to index
      %get3A_880 = tpu.vector_load %arg5[%get3A_878, %get3A_879] {strides = array<i32>} : memref<20x512xi32, #tpu.memory_space<vmem>>, vector<1x16xi32>,
      %get3A_881 = vector.shape_cast %get3A_880 : vector<1x16xi32> to vector<16xi32>
      %add3A_882 = arith.addi %mul3A_876, %get3A_881 : vector<16xi32>
      %mul3A_883 = arith.constant 2 : i32
      %mul3A_884 = vector.broadcast %mul3A_883 : i32 to vector<16xi32>
      %mul3A_885 = arith.muli %add3A_882, %mul3A_884 : vector<16xi32>
      %get3A_886 = arith.constant 7 : i32
      %get3A_887 = arith.index_cast %get3A_886 : i32 to index
      %get3A_888 = arith.index_cast %add3A_817 : i32 to index
      %get3A_889 = tpu.vector_load %arg5[%get3A_887, %get3A_888] {strides = array<i32>} : memref<20x512xi32, #tpu.memory_space<vmem>>, vector<1x16xi32>,
      %get3A_890 = vector.shape_cast %get3A_889 : vector<1x16xi32> to vector<16xi32>
      %add3A_891 = arith.addi %mul3A_885, %get3A_890 : vector<16xi32>
      %mul3A_892 = arith.constant 2 : i32
      %mul3A_893 = vector.broadcast %mul3A_892 : i32 to vector<16xi32>
      %mul3A_894 = arith.muli %add3A_891, %mul3A_893 : vector<16xi32>
      %get3A_895 = arith.constant 8 : i32
      %get3A_896 = arith.index_cast %get3A_895 : i32 to index
      %get3A_897 = arith.index_cast %add3A_817 : i32 to index
      %get3A_898 = tpu.vector_load %arg5[%get3A_896, %get3A_897] {strides = array<i32>} : memref<20x512xi32, #tpu.memory_space<vmem>>, vector<1x16xi32>,
      %get3A_899 = vector.shape_cast %get3A_898 : vector<1x16xi32> to vector<16xi32>
      %add3A_900 = arith.addi %mul3A_894, %get3A_899 : vector<16xi32>
      %mul3A_901 = arith.constant 2 : i32
      %mul3A_902 = vector.broadcast %mul3A_901 : i32 to vector<16xi32>
      %mul3A_903 = arith.muli %add3A_900, %mul3A_902 : vector<16xi32>
      %get3A_904 = arith.constant 9 : i32
      %get3A_905 = arith.index_cast %get3A_904 : i32 to index
      %get3A_906 = arith.index_cast %add3A_817 : i32 to index
      %get3A_907 = tpu.vector_load %arg5[%get3A_905, %get3A_906] {strides = array<i32>} : memref<20x512xi32, #tpu.memory_space<vmem>>, vector<1x16xi32>,
      %get3A_908 = vector.shape_cast %get3A_907 : vector<1x16xi32> to vector<16xi32>
      %add3A_909 = arith.addi %mul3A_903, %get3A_908 : vector<16xi32>
      %mul3A_910 = arith.constant 2 : i32
      %mul3A_911 = vector.broadcast %mul3A_910 : i32 to vector<16xi32>
      %mul3A_912 = arith.muli %add3A_909, %mul3A_911 : vector<16xi32>
      %get3A_913 = arith.constant 10 : i32
      %get3A_914 = arith.index_cast %get3A_913 : i32 to index
      %get3A_915 = arith.index_cast %add3A_817 : i32 to index
      %get3A_916 = tpu.vector_load %arg5[%get3A_914, %get3A_915] {strides = array<i32>} : memref<20x512xi32, #tpu.memory_space<vmem>>, vector<1x16xi32>,
      %get3A_917 = vector.shape_cast %get3A_916 : vector<1x16xi32> to vector<16xi32>
      %add3A_918 = arith.addi %mul3A_912, %get3A_917 : vector<16xi32>
      %mul3A_919 = arith.constant 2 : i32
      %mul3A_920 = vector.broadcast %mul3A_919 : i32 to vector<16xi32>
      %mul3A_921 = arith.muli %add3A_918, %mul3A_920 : vector<16xi32>
      %get3A_922 = arith.constant 11 : i32
      %get3A_923 = arith.index_cast %get3A_922 : i32 to index
      %get3A_924 = arith.index_cast %add3A_817 : i32 to index
      %get3A_925 = tpu.vector_load %arg5[%get3A_923, %get3A_924] {strides = array<i32>} : memref<20x512xi32, #tpu.memory_space<vmem>>, vector<1x16xi32>,
      %get3A_926 = vector.shape_cast %get3A_925 : vector<1x16xi32> to vector<16xi32>
      %add3A_927 = arith.addi %mul3A_921, %get3A_926 : vector<16xi32>
      %mul3A_928 = arith.constant 2 : i32
      %mul3A_929 = vector.broadcast %mul3A_928 : i32 to vector<16xi32>
      %mul3A_930 = arith.muli %add3A_927, %mul3A_929 : vector<16xi32>
      %get3A_931 = arith.constant 12 : i32
      %get3A_932 = arith.index_cast %get3A_931 : i32 to index
      %get3A_933 = arith.index_cast %add3A_817 : i32 to index
      %get3A_934 = tpu.vector_load %arg5[%get3A_932, %get3A_933] {strides = array<i32>} : memref<20x512xi32, #tpu.memory_space<vmem>>, vector<1x16xi32>,
      %get3A_935 = vector.shape_cast %get3A_934 : vector<1x16xi32> to vector<16xi32>
      %add3A_936 = arith.addi %mul3A_930, %get3A_935 : vector<16xi32>
      %mul3A_937 = arith.constant 2 : i32
      %mul3A_938 = vector.broadcast %mul3A_937 : i32 to vector<16xi32>
      %mul3A_939 = arith.muli %add3A_936, %mul3A_938 : vector<16xi32>
      %get3A_940 = arith.constant 13 : i32
      %get3A_941 = arith.index_cast %get3A_940 : i32 to index
      %get3A_942 = arith.index_cast %add3A_817 : i32 to index
      %get3A_943 = tpu.vector_load %arg5[%get3A_941, %get3A_942] {strides = array<i32>} : memref<20x512xi32, #tpu.memory_space<vmem>>, vector<1x16xi32>,
      %get3A_944 = vector.shape_cast %get3A_943 : vector<1x16xi32> to vector<16xi32>
      %add3A_945 = arith.addi %mul3A_939, %get3A_944 : vector<16xi32>
      %mul3A_946 = arith.constant 2 : i32
      %mul3A_947 = vector.broadcast %mul3A_946 : i32 to vector<16xi32>
      %mul3A_948 = arith.muli %add3A_945, %mul3A_947 : vector<16xi32>
      %get3A_949 = arith.constant 14 : i32
      %get3A_950 = arith.index_cast %get3A_949 : i32 to index
      %get3A_951 = arith.index_cast %add3A_817 : i32 to index
      %get3A_952 = tpu.vector_load %arg5[%get3A_950, %get3A_951] {strides = array<i32>} : memref<20x512xi32, #tpu.memory_space<vmem>>, vector<1x16xi32>,
      %get3A_953 = vector.shape_cast %get3A_952 : vector<1x16xi32> to vector<16xi32>
      %add3A_954 = arith.addi %mul3A_948, %get3A_953 : vector<16xi32>
      %mul3A_955 = arith.constant 2 : i32
      %mul3A_956 = vector.broadcast %mul3A_955 : i32 to vector<16xi32>
      %mul3A_957 = arith.muli %add3A_954, %mul3A_956 : vector<16xi32>
      %get3A_958 = arith.constant 15 : i32
      %get3A_959 = arith.index_cast %get3A_958 : i32 to index
      %get3A_960 = arith.index_cast %add3A_817 : i32 to index
      %get3A_961 = tpu.vector_load %arg5[%get3A_959, %get3A_960] {strides = array<i32>} : memref<20x512xi32, #tpu.memory_space<vmem>>, vector<1x16xi32>,
      %get3A_962 = vector.shape_cast %get3A_961 : vector<1x16xi32> to vector<16xi32>
      %add3A_963 = arith.addi %mul3A_957, %get3A_962 : vector<16xi32>
      %mul3A_964 = arith.constant 2 : i32
      %mul3A_965 = vector.broadcast %mul3A_964 : i32 to vector<16xi32>
      %mul3A_966 = arith.muli %add3A_963, %mul3A_965 : vector<16xi32>
      %get3A_967 = arith.constant 16 : i32
      %get3A_968 = arith.index_cast %get3A_967 : i32 to index
      %get3A_969 = arith.index_cast %add3A_817 : i32 to index
      %get3A_970 = tpu.vector_load %arg5[%get3A_968, %get3A_969] {strides = array<i32>} : memref<20x512xi32, #tpu.memory_space<vmem>>, vector<1x16xi32>,
      %get3A_971 = vector.shape_cast %get3A_970 : vector<1x16xi32> to vector<16xi32>
      %add3A_972 = arith.addi %mul3A_966, %get3A_971 : vector<16xi32>
      %mul3A_973 = arith.constant 2 : i32
      %mul3A_974 = vector.broadcast %mul3A_973 : i32 to vector<16xi32>
      %mul3A_975 = arith.muli %add3A_972, %mul3A_974 : vector<16xi32>
      %get3A_976 = arith.constant 17 : i32
      %get3A_977 = arith.index_cast %get3A_976 : i32 to index
      %get3A_978 = arith.index_cast %add3A_817 : i32 to index
      %get3A_979 = tpu.vector_load %arg5[%get3A_977, %get3A_978] {strides = array<i32>} : memref<20x512xi32, #tpu.memory_space<vmem>>, vector<1x16xi32>,
      %get3A_980 = vector.shape_cast %get3A_979 : vector<1x16xi32> to vector<16xi32>
      %add3A_981 = arith.addi %mul3A_975, %get3A_980 : vector<16xi32>
      %mul3A_982 = arith.constant 2 : i32
      %mul3A_983 = vector.broadcast %mul3A_982 : i32 to vector<16xi32>
      %mul3A_984 = arith.muli %add3A_981, %mul3A_983 : vector<16xi32>
      %get3A_985 = arith.constant 18 : i32
      %get3A_986 = arith.index_cast %get3A_985 : i32 to index
      %get3A_987 = arith.index_cast %add3A_817 : i32 to index
      %get3A_988 = tpu.vector_load %arg5[%get3A_986, %get3A_987] {strides = array<i32>} : memref<20x512xi32, #tpu.memory_space<vmem>>, vector<1x16xi32>,
      %get3A_989 = vector.shape_cast %get3A_988 : vector<1x16xi32> to vector<16xi32>
      %add3A_990 = arith.addi %mul3A_984, %get3A_989 : vector<16xi32>
      %mul3A_991 = arith.constant 2 : i32
      %mul3A_992 = vector.broadcast %mul3A_991 : i32 to vector<16xi32>
      %mul3A_993 = arith.muli %add3A_990, %mul3A_992 : vector<16xi32>
      %get3A_994 = arith.constant 19 : i32
      %get3A_995 = arith.index_cast %get3A_994 : i32 to index
      %get3A_996 = arith.index_cast %add3A_817 : i32 to index
      %get3A_997 = tpu.vector_load %arg5[%get3A_995, %get3A_996] {strides = array<i32>} : memref<20x512xi32, #tpu.memory_space<vmem>>, vector<1x16xi32>,
      %get3A_998 = vector.shape_cast %get3A_997 : vector<1x16xi32> to vector<16xi32>
      %add3A_999 = arith.addi %mul3A_993, %get3A_998 : vector<16xi32>
      %swap3A_1000 = arith.index_cast %add3A_817 : i32 to index
      %swap3A_1001 = tpu.vector_load %arg6[%swap3A_1000] {strides = array<i32>} : memref<512xi32, #tpu.memory_space<vmem>>, vector<16xi32>,
      %swap3A_1002 = vector.shape_cast %swap3A_1001 : vector<16xi32> to vector<16xi32>
      %swap3A_1003 = vector.shape_cast %add3A_999 : vector<16xi32> to vector<16xi32>
      tpu.vector_store %arg6[%swap3A_1000], %swap3A_1003 {strides = array<i32>} : memref<512xi32, #tpu.memory_space<vmem>>, vector<16xi32>,
    }
    %scan3A_107 = arith.constant 8 : i32
    %dma_start3A_108 = arith.constant 256 : i32
    %dma_start3A_109 = tpu.memref_slice %arg7[%dma_start3A_108] : memref<512xf32, #tpu.memory_space<vmem>> -> memref<128xf32, #tpu.memory_space<vmem>>
    %dma_start3A_110 = arith.constant 256 : i32
    %dma_start3A_111 = tpu.memref_slice %arg6[%dma_start3A_110] : memref<512xi32, #tpu.memory_space<vmem>> -> memref<128xi32, #tpu.memory_space<vmem>>
    %dma_start3A_112 = arith.constant 0 : i32
    %dma_start3A_113 = tpu.memref_slice %arg3[%dma_start3A_112] : memref<1048576xf32, #tpu.memory_space<hbm>> -> memref<1048576xf32, #tpu.memory_space<hbm>>
    tpu.enqueue_indirect_dma source(%dma_start3A_113 : memref<1048576xf32, #tpu.memory_space<hbm>>) target(%dma_start3A_109 : memref<128xf32, #tpu.memory_space<vmem>>) offsets(%dma_start3A_111 : memref<128xi32, #tpu.memory_space<vmem>>) semaphore(%arg14 : memref<!tpu.dma_semaphore, #tpu.memory_space<semaphore_mem>>)
    %dma_wait3A_114 = arith.constant 0 : i32
    %dma_wait3A_115 = arith.constant 384 : i32
    %dma_wait3A_116 = tpu.memref_slice %arg5[%dma_wait3A_114, %dma_wait3A_115] : memref<20x512xi32, #tpu.memory_space<vmem>> -> memref<20x128xi32, #tpu.memory_space<vmem>>
    %dma_wait3A_117 = arith.constant 0 : i32
    %dma_wait3A_118 = tpu.memref_slice %arg2[%dma_wait3A_117, %add3A_39] : memref<20x16384xi32, #tpu.memory_space<hbm>> -> memref<20x128xi32, #tpu.memory_space<hbm>>
    %dma_wait3A_119 = arith.constant 0 : i32
    %dma_wait3A_120 = arith.constant 384 : i32
    %dma_wait3A_121 = tpu.memref_slice %arg5[%dma_wait3A_119, %dma_wait3A_120] : memref<20x512xi32, #tpu.memory_space<vmem>> -> memref<20x128xi32, #tpu.memory_space<vmem>>
    %dma_wait3A_122 = arith.constant 0 : i32
    %dma_wait3A_123 = tpu.memref_slice %arg2[%dma_wait3A_122, %add3A_39] : memref<20x16384xi32, #tpu.memory_space<hbm>> -> memref<20x128xi32, #tpu.memory_space<hbm>>
    tpu.wait_dma2 semaphore(%arg11 : memref<!tpu.dma_semaphore, #tpu.memory_space<semaphore_mem>>) src(%dma_wait3A_123 : memref<20x128xi32, #tpu.memory_space<hbm>>) dst(%dma_wait3A_121 : memref<20x128xi32, #tpu.memory_space<vmem>>)
    %scan3A_124 = arith.constant 0 : i32
    %scan3A_125 = arith.constant 0 : i32
    %scan3A_126 = arith.constant 8 : i32
    %scan3A_127 = arith.addi %scan3A_125, %scan3A_126 : i32
    %scan3A_128 = arith.constant 4 : i32
    scf.for %scan3A_240 = %scan3A_125 to %scan3A_127 step %scan3A_128  : i32 {
      %mul3A_241 = arith.constant 16 : i32
      %mul3A_242 = arith.muli %scan3A_240, %mul3A_241 : i32
      %add3A_243 = arith.constant 384 : i32
      %add3A_244 = arith.addi %add3A_243, %mul3A_242 : i32
      %broadcast_in_dim3A = arith.constant 0 : i32
      %broadcast_in_dim3A_245 = vector.broadcast %broadcast_in_dim3A : i32 to vector<16xi32>
      %mul3A_246 = arith.constant 2 : i32
      %mul3A_247 = vector.broadcast %mul3A_246 : i32 to vector<16xi32>
      %mul3A_248 = arith.muli %broadcast_in_dim3A_245, %mul3A_247 : vector<16xi32>
      %get3A = arith.constant 0 : i32
      %get3A_249 = arith.index_cast %get3A : i32 to index
      %get3A_250 = arith.index_cast %add3A_244 : i32 to index
      %get3A_251 = tpu.vector_load %arg5[%get3A_249, %get3A_250] {strides = array<i32>} : memref<20x512xi32, #tpu.memory_space<vmem>>, vector<1x16xi32>,
      %get3A_252 = vector.shape_cast %get3A_251 : vector<1x16xi32> to vector<16xi32>
      %add3A_253 = arith.addi %mul3A_248, %get3A_252 : vector<16xi32>
      %mul3A_254 = arith.constant 2 : i32
      %mul3A_255 = vector.broadcast %mul3A_254 : i32 to vector<16xi32>
      %mul3A_256 = arith.muli %add3A_253, %mul3A_255 : vector<16xi32>
      %get3A_257 = arith.constant 1 : i32
      %get3A_258 = arith.index_cast %get3A_257 : i32 to index
      %get3A_259 = arith.index_cast %add3A_244 : i32 to index
      %get3A_260 = tpu.vector_load %arg5[%get3A_258, %get3A_259] {strides = array<i32>} : memref<20x512xi32, #tpu.memory_space<vmem>>, vector<1x16xi32>,
      %get3A_261 = vector.shape_cast %get3A_260 : vector<1x16xi32> to vector<16xi32>
      %add3A_262 = arith.addi %mul3A_256, %get3A_261 : vector<16xi32>
      %mul3A_263 = arith.constant 2 : i32
      %mul3A_264 = vector.broadcast %mul3A_263 : i32 to vector<16xi32>
      %mul3A_265 = arith.muli %add3A_262, %mul3A_264 : vector<16xi32>
      %get3A_266 = arith.constant 2 : i32
      %get3A_267 = arith.index_cast %get3A_266 : i32 to index
      %get3A_268 = arith.index_cast %add3A_244 : i32 to index
      %get3A_269 = tpu.vector_load %arg5[%get3A_267, %get3A_268] {strides = array<i32>} : memref<20x512xi32, #tpu.memory_space<vmem>>, vector<1x16xi32>,
      %get3A_270 = vector.shape_cast %get3A_269 : vector<1x16xi32> to vector<16xi32>
      %add3A_271 = arith.addi %mul3A_265, %get3A_270 : vector<16xi32>
      %mul3A_272 = arith.constant 2 : i32
      %mul3A_273 = vector.broadcast %mul3A_272 : i32 to vector<16xi32>
      %mul3A_274 = arith.muli %add3A_271, %mul3A_273 : vector<16xi32>
      %get3A_275 = arith.constant 3 : i32
      %get3A_276 = arith.index_cast %get3A_275 : i32 to index
      %get3A_277 = arith.index_cast %add3A_244 : i32 to index
      %get3A_278 = tpu.vector_load %arg5[%get3A_276, %get3A_277] {strides = array<i32>} : memref<20x512xi32, #tpu.memory_space<vmem>>, vector<1x16xi32>,
      %get3A_279 = vector.shape_cast %get3A_278 : vector<1x16xi32> to vector<16xi32>
      %add3A_280 = arith.addi %mul3A_274, %get3A_279 : vector<16xi32>
      %mul3A_281 = arith.constant 2 : i32
      %mul3A_282 = vector.broadcast %mul3A_281 : i32 to vector<16xi32>
      %mul3A_283 = arith.muli %add3A_280, %mul3A_282 : vector<16xi32>
      %get3A_284 = arith.constant 4 : i32
      %get3A_285 = arith.index_cast %get3A_284 : i32 to index
      %get3A_286 = arith.index_cast %add3A_244 : i32 to index
      %get3A_287 = tpu.vector_load %arg5[%get3A_285, %get3A_286] {strides = array<i32>} : memref<20x512xi32, #tpu.memory_space<vmem>>, vector<1x16xi32>,
      %get3A_288 = vector.shape_cast %get3A_287 : vector<1x16xi32> to vector<16xi32>
      %add3A_289 = arith.addi %mul3A_283, %get3A_288 : vector<16xi32>
      %mul3A_290 = arith.constant 2 : i32
      %mul3A_291 = vector.broadcast %mul3A_290 : i32 to vector<16xi32>
      %mul3A_292 = arith.muli %add3A_289, %mul3A_291 : vector<16xi32>
      %get3A_293 = arith.constant 5 : i32
      %get3A_294 = arith.index_cast %get3A_293 : i32 to index
      %get3A_295 = arith.index_cast %add3A_244 : i32 to index
      %get3A_296 = tpu.vector_load %arg5[%get3A_294, %get3A_295] {strides = array<i32>} : memref<20x512xi32, #tpu.memory_space<vmem>>, vector<1x16xi32>,
      %get3A_297 = vector.shape_cast %get3A_296 : vector<1x16xi32> to vector<16xi32>
      %add3A_298 = arith.addi %mul3A_292, %get3A_297 : vector<16xi32>
      %mul3A_299 = arith.constant 2 : i32
      %mul3A_300 = vector.broadcast %mul3A_299 : i32 to vector<16xi32>
      %mul3A_301 = arith.muli %add3A_298, %mul3A_300 : vector<16xi32>
      %get3A_302 = arith.constant 6 : i32
      %get3A_303 = arith.index_cast %get3A_302 : i32 to index
      %get3A_304 = arith.index_cast %add3A_244 : i32 to index
      %get3A_305 = tpu.vector_load %arg5[%get3A_303, %get3A_304] {strides = array<i32>} : memref<20x512xi32, #tpu.memory_space<vmem>>, vector<1x16xi32>,
      %get3A_306 = vector.shape_cast %get3A_305 : vector<1x16xi32> to vector<16xi32>
      %add3A_307 = arith.addi %mul3A_301, %get3A_306 : vector<16xi32>
      %mul3A_308 = arith.constant 2 : i32
      %mul3A_309 = vector.broadcast %mul3A_308 : i32 to vector<16xi32>
      %mul3A_310 = arith.muli %add3A_307, %mul3A_309 : vector<16xi32>
      %get3A_311 = arith.constant 7 : i32
      %get3A_312 = arith.index_cast %get3A_311 : i32 to index
      %get3A_313 = arith.index_cast %add3A_244 : i32 to index
      %get3A_314 = tpu.vector_load %arg5[%get3A_312, %get3A_313] {strides = array<i32>} : memref<20x512xi32, #tpu.memory_space<vmem>>, vector<1x16xi32>,
      %get3A_315 = vector.shape_cast %get3A_314 : vector<1x16xi32> to vector<16xi32>
      %add3A_316 = arith.addi %mul3A_310, %get3A_315 : vector<16xi32>
      %mul3A_317 = arith.constant 2 : i32
      %mul3A_318 = vector.broadcast %mul3A_317 : i32 to vector<16xi32>
      %mul3A_319 = arith.muli %add3A_316, %mul3A_318 : vector<16xi32>
      %get3A_320 = arith.constant 8 : i32
      %get3A_321 = arith.index_cast %get3A_320 : i32 to index
      %get3A_322 = arith.index_cast %add3A_244 : i32 to index
      %get3A_323 = tpu.vector_load %arg5[%get3A_321, %get3A_322] {strides = array<i32>} : memref<20x512xi32, #tpu.memory_space<vmem>>, vector<1x16xi32>,
      %get3A_324 = vector.shape_cast %get3A_323 : vector<1x16xi32> to vector<16xi32>
      %add3A_325 = arith.addi %mul3A_319, %get3A_324 : vector<16xi32>
      %mul3A_326 = arith.constant 2 : i32
      %mul3A_327 = vector.broadcast %mul3A_326 : i32 to vector<16xi32>
      %mul3A_328 = arith.muli %add3A_325, %mul3A_327 : vector<16xi32>
      %get3A_329 = arith.constant 9 : i32
      %get3A_330 = arith.index_cast %get3A_329 : i32 to index
      %get3A_331 = arith.index_cast %add3A_244 : i32 to index
      %get3A_332 = tpu.vector_load %arg5[%get3A_330, %get3A_331] {strides = array<i32>} : memref<20x512xi32, #tpu.memory_space<vmem>>, vector<1x16xi32>,
      %get3A_333 = vector.shape_cast %get3A_332 : vector<1x16xi32> to vector<16xi32>
      %add3A_334 = arith.addi %mul3A_328, %get3A_333 : vector<16xi32>
      %mul3A_335 = arith.constant 2 : i32
      %mul3A_336 = vector.broadcast %mul3A_335 : i32 to vector<16xi32>
      %mul3A_337 = arith.muli %add3A_334, %mul3A_336 : vector<16xi32>
      %get3A_338 = arith.constant 10 : i32
      %get3A_339 = arith.index_cast %get3A_338 : i32 to index
      %get3A_340 = arith.index_cast %add3A_244 : i32 to index
      %get3A_341 = tpu.vector_load %arg5[%get3A_339, %get3A_340] {strides = array<i32>} : memref<20x512xi32, #tpu.memory_space<vmem>>, vector<1x16xi32>,
      %get3A_342 = vector.shape_cast %get3A_341 : vector<1x16xi32> to vector<16xi32>
      %add3A_343 = arith.addi %mul3A_337, %get3A_342 : vector<16xi32>
      %mul3A_344 = arith.constant 2 : i32
      %mul3A_345 = vector.broadcast %mul3A_344 : i32 to vector<16xi32>
      %mul3A_346 = arith.muli %add3A_343, %mul3A_345 : vector<16xi32>
      %get3A_347 = arith.constant 11 : i32
      %get3A_348 = arith.index_cast %get3A_347 : i32 to index
      %get3A_349 = arith.index_cast %add3A_244 : i32 to index
      %get3A_350 = tpu.vector_load %arg5[%get3A_348, %get3A_349] {strides = array<i32>} : memref<20x512xi32, #tpu.memory_space<vmem>>, vector<1x16xi32>,
      %get3A_351 = vector.shape_cast %get3A_350 : vector<1x16xi32> to vector<16xi32>
      %add3A_352 = arith.addi %mul3A_346, %get3A_351 : vector<16xi32>
      %mul3A_353 = arith.constant 2 : i32
      %mul3A_354 = vector.broadcast %mul3A_353 : i32 to vector<16xi32>
      %mul3A_355 = arith.muli %add3A_352, %mul3A_354 : vector<16xi32>
      %get3A_356 = arith.constant 12 : i32
      %get3A_357 = arith.index_cast %get3A_356 : i32 to index
      %get3A_358 = arith.index_cast %add3A_244 : i32 to index
      %get3A_359 = tpu.vector_load %arg5[%get3A_357, %get3A_358] {strides = array<i32>} : memref<20x512xi32, #tpu.memory_space<vmem>>, vector<1x16xi32>,
      %get3A_360 = vector.shape_cast %get3A_359 : vector<1x16xi32> to vector<16xi32>
      %add3A_361 = arith.addi %mul3A_355, %get3A_360 : vector<16xi32>
      %mul3A_362 = arith.constant 2 : i32
      %mul3A_363 = vector.broadcast %mul3A_362 : i32 to vector<16xi32>
      %mul3A_364 = arith.muli %add3A_361, %mul3A_363 : vector<16xi32>
      %get3A_365 = arith.constant 13 : i32
      %get3A_366 = arith.index_cast %get3A_365 : i32 to index
      %get3A_367 = arith.index_cast %add3A_244 : i32 to index
      %get3A_368 = tpu.vector_load %arg5[%get3A_366, %get3A_367] {strides = array<i32>} : memref<20x512xi32, #tpu.memory_space<vmem>>, vector<1x16xi32>,
      %get3A_369 = vector.shape_cast %get3A_368 : vector<1x16xi32> to vector<16xi32>
      %add3A_370 = arith.addi %mul3A_364, %get3A_369 : vector<16xi32>
      %mul3A_371 = arith.constant 2 : i32
      %mul3A_372 = vector.broadcast %mul3A_371 : i32 to vector<16xi32>
      %mul3A_373 = arith.muli %add3A_370, %mul3A_372 : vector<16xi32>
      %get3A_374 = arith.constant 14 : i32
      %get3A_375 = arith.index_cast %get3A_374 : i32 to index
      %get3A_376 = arith.index_cast %add3A_244 : i32 to index
      %get3A_377 = tpu.vector_load %arg5[%get3A_375, %get3A_376] {strides = array<i32>} : memref<20x512xi32, #tpu.memory_space<vmem>>, vector<1x16xi32>,
      %get3A_378 = vector.shape_cast %get3A_377 : vector<1x16xi32> to vector<16xi32>
      %add3A_379 = arith.addi %mul3A_373, %get3A_378 : vector<16xi32>
      %mul3A_380 = arith.constant 2 : i32
      %mul3A_381 = vector.broadcast %mul3A_380 : i32 to vector<16xi32>
      %mul3A_382 = arith.muli %add3A_379, %mul3A_381 : vector<16xi32>
      %get3A_383 = arith.constant 15 : i32
      %get3A_384 = arith.index_cast %get3A_383 : i32 to index
      %get3A_385 = arith.index_cast %add3A_244 : i32 to index
      %get3A_386 = tpu.vector_load %arg5[%get3A_384, %get3A_385] {strides = array<i32>} : memref<20x512xi32, #tpu.memory_space<vmem>>, vector<1x16xi32>,
      %get3A_387 = vector.shape_cast %get3A_386 : vector<1x16xi32> to vector<16xi32>
      %add3A_388 = arith.addi %mul3A_382, %get3A_387 : vector<16xi32>
      %mul3A_389 = arith.constant 2 : i32
      %mul3A_390 = vector.broadcast %mul3A_389 : i32 to vector<16xi32>
      %mul3A_391 = arith.muli %add3A_388, %mul3A_390 : vector<16xi32>
      %get3A_392 = arith.constant 16 : i32
      %get3A_393 = arith.index_cast %get3A_392 : i32 to index
      %get3A_394 = arith.index_cast %add3A_244 : i32 to index
      %get3A_395 = tpu.vector_load %arg5[%get3A_393, %get3A_394] {strides = array<i32>} : memref<20x512xi32, #tpu.memory_space<vmem>>, vector<1x16xi32>,
      %get3A_396 = vector.shape_cast %get3A_395 : vector<1x16xi32> to vector<16xi32>
      %add3A_397 = arith.addi %mul3A_391, %get3A_396 : vector<16xi32>
      %mul3A_398 = arith.constant 2 : i32
      %mul3A_399 = vector.broadcast %mul3A_398 : i32 to vector<16xi32>
      %mul3A_400 = arith.muli %add3A_397, %mul3A_399 : vector<16xi32>
      %get3A_401 = arith.constant 17 : i32
      %get3A_402 = arith.index_cast %get3A_401 : i32 to index
      %get3A_403 = arith.index_cast %add3A_244 : i32 to index
      %get3A_404 = tpu.vector_load %arg5[%get3A_402, %get3A_403] {strides = array<i32>} : memref<20x512xi32, #tpu.memory_space<vmem>>, vector<1x16xi32>,
      %get3A_405 = vector.shape_cast %get3A_404 : vector<1x16xi32> to vector<16xi32>
      %add3A_406 = arith.addi %mul3A_400, %get3A_405 : vector<16xi32>
      %mul3A_407 = arith.constant 2 : i32
      %mul3A_408 = vector.broadcast %mul3A_407 : i32 to vector<16xi32>
      %mul3A_409 = arith.muli %add3A_406, %mul3A_408 : vector<16xi32>
      %get3A_410 = arith.constant 18 : i32
      %get3A_411 = arith.index_cast %get3A_410 : i32 to index
      %get3A_412 = arith.index_cast %add3A_244 : i32 to index
      %get3A_413 = tpu.vector_load %arg5[%get3A_411, %get3A_412] {strides = array<i32>} : memref<20x512xi32, #tpu.memory_space<vmem>>, vector<1x16xi32>,
      %get3A_414 = vector.shape_cast %get3A_413 : vector<1x16xi32> to vector<16xi32>
      %add3A_415 = arith.addi %mul3A_409, %get3A_414 : vector<16xi32>
      %mul3A_416 = arith.constant 2 : i32
      %mul3A_417 = vector.broadcast %mul3A_416 : i32 to vector<16xi32>
      %mul3A_418 = arith.muli %add3A_415, %mul3A_417 : vector<16xi32>
      %get3A_419 = arith.constant 19 : i32
      %get3A_420 = arith.index_cast %get3A_419 : i32 to index
      %get3A_421 = arith.index_cast %add3A_244 : i32 to index
      %get3A_422 = tpu.vector_load %arg5[%get3A_420, %get3A_421] {strides = array<i32>} : memref<20x512xi32, #tpu.memory_space<vmem>>, vector<1x16xi32>,
      %get3A_423 = vector.shape_cast %get3A_422 : vector<1x16xi32> to vector<16xi32>
      %add3A_424 = arith.addi %mul3A_418, %get3A_423 : vector<16xi32>
      %swap3A = arith.index_cast %add3A_244 : i32 to index
      %swap3A_425 = tpu.vector_load %arg6[%swap3A] {strides = array<i32>} : memref<512xi32, #tpu.memory_space<vmem>>, vector<16xi32>,
      %swap3A_426 = vector.shape_cast %swap3A_425 : vector<16xi32> to vector<16xi32>
      %swap3A_427 = vector.shape_cast %add3A_424 : vector<16xi32> to vector<16xi32>
      tpu.vector_store %arg6[%swap3A], %swap3A_427 {strides = array<i32>} : memref<512xi32, #tpu.memory_space<vmem>>, vector<16xi32>,
      %scan3A_428 = arith.constant 1 : i32
      %scan3A_429 = arith.addi %scan3A_240, %scan3A_428 : i32
      %mul3A_430 = arith.constant 16 : i32
      %mul3A_431 = arith.muli %scan3A_429, %mul3A_430 : i32
      %add3A_432 = arith.constant 384 : i32
      %add3A_433 = arith.addi %add3A_432, %mul3A_431 : i32
      %broadcast_in_dim3A_434 = arith.constant 0 : i32
      %broadcast_in_dim3A_435 = vector.broadcast %broadcast_in_dim3A_434 : i32 to vector<16xi32>
      %mul3A_436 = arith.constant 2 : i32
      %mul3A_437 = vector.broadcast %mul3A_436 : i32 to vector<16xi32>
      %mul3A_438 = arith.muli %broadcast_in_dim3A_435, %mul3A_437 : vector<16xi32>
      %get3A_439 = arith.constant 0 : i32
      %get3A_440 = arith.index_cast %get3A_439 : i32 to index
      %get3A_441 = arith.index_cast %add3A_433 : i32 to index
      %get3A_442 = tpu.vector_load %arg5[%get3A_440, %get3A_441] {strides = array<i32>} : memref<20x512xi32, #tpu.memory_space<vmem>>, vector<1x16xi32>,
      %get3A_443 = vector.shape_cast %get3A_442 : vector<1x16xi32> to vector<16xi32>
      %add3A_444 = arith.addi %mul3A_438, %get3A_443 : vector<16xi32>
      %mul3A_445 = arith.constant 2 : i32
      %mul3A_446 = vector.broadcast %mul3A_445 : i32 to vector<16xi32>
      %mul3A_447 = arith.muli %add3A_444, %mul3A_446 : vector<16xi32>
      %get3A_448 = arith.constant 1 : i32
      %get3A_449 = arith.index_cast %get3A_448 : i32 to index
      %get3A_450 = arith.index_cast %add3A_433 : i32 to index
      %get3A_451 = tpu.vector_load %arg5[%get3A_449, %get3A_450] {strides = array<i32>} : memref<20x512xi32, #tpu.memory_space<vmem>>, vector<1x16xi32>,
      %get3A_452 = vector.shape_cast %get3A_451 : vector<1x16xi32> to vector<16xi32>
      %add3A_453 = arith.addi %mul3A_447, %get3A_452 : vector<16xi32>
      %mul3A_454 = arith.constant 2 : i32
      %mul3A_455 = vector.broadcast %mul3A_454 : i32 to vector<16xi32>
      %mul3A_456 = arith.muli %add3A_453, %mul3A_455 : vector<16xi32>
      %get3A_457 = arith.constant 2 : i32
      %get3A_458 = arith.index_cast %get3A_457 : i32 to index
      %get3A_459 = arith.index_cast %add3A_433 : i32 to index
      %get3A_460 = tpu.vector_load %arg5[%get3A_458, %get3A_459] {strides = array<i32>} : memref<20x512xi32, #tpu.memory_space<vmem>>, vector<1x16xi32>,
      %get3A_461 = vector.shape_cast %get3A_460 : vector<1x16xi32> to vector<16xi32>
      %add3A_462 = arith.addi %mul3A_456, %get3A_461 : vector<16xi32>
      %mul3A_463 = arith.constant 2 : i32
      %mul3A_464 = vector.broadcast %mul3A_463 : i32 to vector<16xi32>
      %mul3A_465 = arith.muli %add3A_462, %mul3A_464 : vector<16xi32>
      %get3A_466 = arith.constant 3 : i32
      %get3A_467 = arith.index_cast %get3A_466 : i32 to index
      %get3A_468 = arith.index_cast %add3A_433 : i32 to index
      %get3A_469 = tpu.vector_load %arg5[%get3A_467, %get3A_468] {strides = array<i32>} : memref<20x512xi32, #tpu.memory_space<vmem>>, vector<1x16xi32>,
      %get3A_470 = vector.shape_cast %get3A_469 : vector<1x16xi32> to vector<16xi32>
      %add3A_471 = arith.addi %mul3A_465, %get3A_470 : vector<16xi32>
      %mul3A_472 = arith.constant 2 : i32
      %mul3A_473 = vector.broadcast %mul3A_472 : i32 to vector<16xi32>
      %mul3A_474 = arith.muli %add3A_471, %mul3A_473 : vector<16xi32>
      %get3A_475 = arith.constant 4 : i32
      %get3A_476 = arith.index_cast %get3A_475 : i32 to index
      %get3A_477 = arith.index_cast %add3A_433 : i32 to index
      %get3A_478 = tpu.vector_load %arg5[%get3A_476, %get3A_477] {strides = array<i32>} : memref<20x512xi32, #tpu.memory_space<vmem>>, vector<1x16xi32>,
      %get3A_479 = vector.shape_cast %get3A_478 : vector<1x16xi32> to vector<16xi32>
      %add3A_480 = arith.addi %mul3A_474, %get3A_479 : vector<16xi32>
      %mul3A_481 = arith.constant 2 : i32
      %mul3A_482 = vector.broadcast %mul3A_481 : i32 to vector<16xi32>
      %mul3A_483 = arith.muli %add3A_480, %mul3A_482 : vector<16xi32>
      %get3A_484 = arith.constant 5 : i32
      %get3A_485 = arith.index_cast %get3A_484 : i32 to index
      %get3A_486 = arith.index_cast %add3A_433 : i32 to index
      %get3A_487 = tpu.vector_load %arg5[%get3A_485, %get3A_486] {strides = array<i32>} : memref<20x512xi32, #tpu.memory_space<vmem>>, vector<1x16xi32>,
      %get3A_488 = vector.shape_cast %get3A_487 : vector<1x16xi32> to vector<16xi32>
      %add3A_489 = arith.addi %mul3A_483, %get3A_488 : vector<16xi32>
      %mul3A_490 = arith.constant 2 : i32
      %mul3A_491 = vector.broadcast %mul3A_490 : i32 to vector<16xi32>
      %mul3A_492 = arith.muli %add3A_489, %mul3A_491 : vector<16xi32>
      %get3A_493 = arith.constant 6 : i32
      %get3A_494 = arith.index_cast %get3A_493 : i32 to index
      %get3A_495 = arith.index_cast %add3A_433 : i32 to index
      %get3A_496 = tpu.vector_load %arg5[%get3A_494, %get3A_495] {strides = array<i32>} : memref<20x512xi32, #tpu.memory_space<vmem>>, vector<1x16xi32>,
      %get3A_497 = vector.shape_cast %get3A_496 : vector<1x16xi32> to vector<16xi32>
      %add3A_498 = arith.addi %mul3A_492, %get3A_497 : vector<16xi32>
      %mul3A_499 = arith.constant 2 : i32
      %mul3A_500 = vector.broadcast %mul3A_499 : i32 to vector<16xi32>
      %mul3A_501 = arith.muli %add3A_498, %mul3A_500 : vector<16xi32>
      %get3A_502 = arith.constant 7 : i32
      %get3A_503 = arith.index_cast %get3A_502 : i32 to index
      %get3A_504 = arith.index_cast %add3A_433 : i32 to index
      %get3A_505 = tpu.vector_load %arg5[%get3A_503, %get3A_504] {strides = array<i32>} : memref<20x512xi32, #tpu.memory_space<vmem>>, vector<1x16xi32>,
      %get3A_506 = vector.shape_cast %get3A_505 : vector<1x16xi32> to vector<16xi32>
      %add3A_507 = arith.addi %mul3A_501, %get3A_506 : vector<16xi32>
      %mul3A_508 = arith.constant 2 : i32
      %mul3A_509 = vector.broadcast %mul3A_508 : i32 to vector<16xi32>
      %mul3A_510 = arith.muli %add3A_507, %mul3A_509 : vector<16xi32>
      %get3A_511 = arith.constant 8 : i32
      %get3A_512 = arith.index_cast %get3A_511 : i32 to index
      %get3A_513 = arith.index_cast %add3A_433 : i32 to index
      %get3A_514 = tpu.vector_load %arg5[%get3A_512, %get3A_513] {strides = array<i32>} : memref<20x512xi32, #tpu.memory_space<vmem>>, vector<1x16xi32>,
      %get3A_515 = vector.shape_cast %get3A_514 : vector<1x16xi32> to vector<16xi32>
      %add3A_516 = arith.addi %mul3A_510, %get3A_515 : vector<16xi32>
      %mul3A_517 = arith.constant 2 : i32
      %mul3A_518 = vector.broadcast %mul3A_517 : i32 to vector<16xi32>
      %mul3A_519 = arith.muli %add3A_516, %mul3A_518 : vector<16xi32>
      %get3A_520 = arith.constant 9 : i32
      %get3A_521 = arith.index_cast %get3A_520 : i32 to index
      %get3A_522 = arith.index_cast %add3A_433 : i32 to index
      %get3A_523 = tpu.vector_load %arg5[%get3A_521, %get3A_522] {strides = array<i32>} : memref<20x512xi32, #tpu.memory_space<vmem>>, vector<1x16xi32>,
      %get3A_524 = vector.shape_cast %get3A_523 : vector<1x16xi32> to vector<16xi32>
      %add3A_525 = arith.addi %mul3A_519, %get3A_524 : vector<16xi32>
      %mul3A_526 = arith.constant 2 : i32
      %mul3A_527 = vector.broadcast %mul3A_526 : i32 to vector<16xi32>
      %mul3A_528 = arith.muli %add3A_525, %mul3A_527 : vector<16xi32>
      %get3A_529 = arith.constant 10 : i32
      %get3A_530 = arith.index_cast %get3A_529 : i32 to index
      %get3A_531 = arith.index_cast %add3A_433 : i32 to index
      %get3A_532 = tpu.vector_load %arg5[%get3A_530, %get3A_531] {strides = array<i32>} : memref<20x512xi32, #tpu.memory_space<vmem>>, vector<1x16xi32>,
      %get3A_533 = vector.shape_cast %get3A_532 : vector<1x16xi32> to vector<16xi32>
      %add3A_534 = arith.addi %mul3A_528, %get3A_533 : vector<16xi32>
      %mul3A_535 = arith.constant 2 : i32
      %mul3A_536 = vector.broadcast %mul3A_535 : i32 to vector<16xi32>
      %mul3A_537 = arith.muli %add3A_534, %mul3A_536 : vector<16xi32>
      %get3A_538 = arith.constant 11 : i32
      %get3A_539 = arith.index_cast %get3A_538 : i32 to index
      %get3A_540 = arith.index_cast %add3A_433 : i32 to index
      %get3A_541 = tpu.vector_load %arg5[%get3A_539, %get3A_540] {strides = array<i32>} : memref<20x512xi32, #tpu.memory_space<vmem>>, vector<1x16xi32>,
      %get3A_542 = vector.shape_cast %get3A_541 : vector<1x16xi32> to vector<16xi32>
      %add3A_543 = arith.addi %mul3A_537, %get3A_542 : vector<16xi32>
      %mul3A_544 = arith.constant 2 : i32
      %mul3A_545 = vector.broadcast %mul3A_544 : i32 to vector<16xi32>
      %mul3A_546 = arith.muli %add3A_543, %mul3A_545 : vector<16xi32>
      %get3A_547 = arith.constant 12 : i32
      %get3A_548 = arith.index_cast %get3A_547 : i32 to index
      %get3A_549 = arith.index_cast %add3A_433 : i32 to index
      %get3A_550 = tpu.vector_load %arg5[%get3A_548, %get3A_549] {strides = array<i32>} : memref<20x512xi32, #tpu.memory_space<vmem>>, vector<1x16xi32>,
      %get3A_551 = vector.shape_cast %get3A_550 : vector<1x16xi32> to vector<16xi32>
      %add3A_552 = arith.addi %mul3A_546, %get3A_551 : vector<16xi32>
      %mul3A_553 = arith.constant 2 : i32
      %mul3A_554 = vector.broadcast %mul3A_553 : i32 to vector<16xi32>
      %mul3A_555 = arith.muli %add3A_552, %mul3A_554 : vector<16xi32>
      %get3A_556 = arith.constant 13 : i32
      %get3A_557 = arith.index_cast %get3A_556 : i32 to index
      %get3A_558 = arith.index_cast %add3A_433 : i32 to index
      %get3A_559 = tpu.vector_load %arg5[%get3A_557, %get3A_558] {strides = array<i32>} : memref<20x512xi32, #tpu.memory_space<vmem>>, vector<1x16xi32>,
      %get3A_560 = vector.shape_cast %get3A_559 : vector<1x16xi32> to vector<16xi32>
      %add3A_561 = arith.addi %mul3A_555, %get3A_560 : vector<16xi32>
      %mul3A_562 = arith.constant 2 : i32
      %mul3A_563 = vector.broadcast %mul3A_562 : i32 to vector<16xi32>
      %mul3A_564 = arith.muli %add3A_561, %mul3A_563 : vector<16xi32>
      %get3A_565 = arith.constant 14 : i32
      %get3A_566 = arith.index_cast %get3A_565 : i32 to index
      %get3A_567 = arith.index_cast %add3A_433 : i32 to index
      %get3A_568 = tpu.vector_load %arg5[%get3A_566, %get3A_567] {strides = array<i32>} : memref<20x512xi32, #tpu.memory_space<vmem>>, vector<1x16xi32>,
      %get3A_569 = vector.shape_cast %get3A_568 : vector<1x16xi32> to vector<16xi32>
      %add3A_570 = arith.addi %mul3A_564, %get3A_569 : vector<16xi32>
      %mul3A_571 = arith.constant 2 : i32
      %mul3A_572 = vector.broadcast %mul3A_571 : i32 to vector<16xi32>
      %mul3A_573 = arith.muli %add3A_570, %mul3A_572 : vector<16xi32>
      %get3A_574 = arith.constant 15 : i32
      %get3A_575 = arith.index_cast %get3A_574 : i32 to index
      %get3A_576 = arith.index_cast %add3A_433 : i32 to index
      %get3A_577 = tpu.vector_load %arg5[%get3A_575, %get3A_576] {strides = array<i32>} : memref<20x512xi32, #tpu.memory_space<vmem>>, vector<1x16xi32>,
      %get3A_578 = vector.shape_cast %get3A_577 : vector<1x16xi32> to vector<16xi32>
      %add3A_579 = arith.addi %mul3A_573, %get3A_578 : vector<16xi32>
      %mul3A_580 = arith.constant 2 : i32
      %mul3A_581 = vector.broadcast %mul3A_580 : i32 to vector<16xi32>
      %mul3A_582 = arith.muli %add3A_579, %mul3A_581 : vector<16xi32>
      %get3A_583 = arith.constant 16 : i32
      %get3A_584 = arith.index_cast %get3A_583 : i32 to index
      %get3A_585 = arith.index_cast %add3A_433 : i32 to index
      %get3A_586 = tpu.vector_load %arg5[%get3A_584, %get3A_585] {strides = array<i32>} : memref<20x512xi32, #tpu.memory_space<vmem>>, vector<1x16xi32>,
      %get3A_587 = vector.shape_cast %get3A_586 : vector<1x16xi32> to vector<16xi32>
      %add3A_588 = arith.addi %mul3A_582, %get3A_587 : vector<16xi32>
      %mul3A_589 = arith.constant 2 : i32
      %mul3A_590 = vector.broadcast %mul3A_589 : i32 to vector<16xi32>
      %mul3A_591 = arith.muli %add3A_588, %mul3A_590 : vector<16xi32>
      %get3A_592 = arith.constant 17 : i32
      %get3A_593 = arith.index_cast %get3A_592 : i32 to index
      %get3A_594 = arith.index_cast %add3A_433 : i32 to index
      %get3A_595 = tpu.vector_load %arg5[%get3A_593, %get3A_594] {strides = array<i32>} : memref<20x512xi32, #tpu.memory_space<vmem>>, vector<1x16xi32>,
      %get3A_596 = vector.shape_cast %get3A_595 : vector<1x16xi32> to vector<16xi32>
      %add3A_597 = arith.addi %mul3A_591, %get3A_596 : vector<16xi32>
      %mul3A_598 = arith.constant 2 : i32
      %mul3A_599 = vector.broadcast %mul3A_598 : i32 to vector<16xi32>
      %mul3A_600 = arith.muli %add3A_597, %mul3A_599 : vector<16xi32>
      %get3A_601 = arith.constant 18 : i32
      %get3A_602 = arith.index_cast %get3A_601 : i32 to index
      %get3A_603 = arith.index_cast %add3A_433 : i32 to index
      %get3A_604 = tpu.vector_load %arg5[%get3A_602, %get3A_603] {strides = array<i32>} : memref<20x512xi32, #tpu.memory_space<vmem>>, vector<1x16xi32>,
      %get3A_605 = vector.shape_cast %get3A_604 : vector<1x16xi32> to vector<16xi32>
      %add3A_606 = arith.addi %mul3A_600, %get3A_605 : vector<16xi32>
      %mul3A_607 = arith.constant 2 : i32
      %mul3A_608 = vector.broadcast %mul3A_607 : i32 to vector<16xi32>
      %mul3A_609 = arith.muli %add3A_606, %mul3A_608 : vector<16xi32>
      %get3A_610 = arith.constant 19 : i32
      %get3A_611 = arith.index_cast %get3A_610 : i32 to index
      %get3A_612 = arith.index_cast %add3A_433 : i32 to index
      %get3A_613 = tpu.vector_load %arg5[%get3A_611, %get3A_612] {strides = array<i32>} : memref<20x512xi32, #tpu.memory_space<vmem>>, vector<1x16xi32>,
      %get3A_614 = vector.shape_cast %get3A_613 : vector<1x16xi32> to vector<16xi32>
      %add3A_615 = arith.addi %mul3A_609, %get3A_614 : vector<16xi32>
      %swap3A_616 = arith.index_cast %add3A_433 : i32 to index
      %swap3A_617 = tpu.vector_load %arg6[%swap3A_616] {strides = array<i32>} : memref<512xi32, #tpu.memory_space<vmem>>, vector<16xi32>,
      %swap3A_618 = vector.shape_cast %swap3A_617 : vector<16xi32> to vector<16xi32>
      %swap3A_619 = vector.shape_cast %add3A_615 : vector<16xi32> to vector<16xi32>
      tpu.vector_store %arg6[%swap3A_616], %swap3A_619 {strides = array<i32>} : memref<512xi32, #tpu.memory_space<vmem>>, vector<16xi32>,
      %scan3A_620 = arith.constant 2 : i32
      %scan3A_621 = arith.addi %scan3A_240, %scan3A_620 : i32
      %mul3A_622 = arith.constant 16 : i32
      %mul3A_623 = arith.muli %scan3A_621, %mul3A_622 : i32
      %add3A_624 = arith.constant 384 : i32
      %add3A_625 = arith.addi %add3A_624, %mul3A_623 : i32
      %broadcast_in_dim3A_626 = arith.constant 0 : i32
      %broadcast_in_dim3A_627 = vector.broadcast %broadcast_in_dim3A_626 : i32 to vector<16xi32>
      %mul3A_628 = arith.constant 2 : i32
      %mul3A_629 = vector.broadcast %mul3A_628 : i32 to vector<16xi32>
      %mul3A_630 = arith.muli %broadcast_in_dim3A_627, %mul3A_629 : vector<16xi32>
      %get3A_631 = arith.constant 0 : i32
      %get3A_632 = arith.index_cast %get3A_631 : i32 to index
      %get3A_633 = arith.index_cast %add3A_625 : i32 to index
      %get3A_634 = tpu.vector_load %arg5[%get3A_632, %get3A_633] {strides = array<i32>} : memref<20x512xi32, #tpu.memory_space<vmem>>, vector<1x16xi32>,
      %get3A_635 = vector.shape_cast %get3A_634 : vector<1x16xi32> to vector<16xi32>
      %add3A_636 = arith.addi %mul3A_630, %get3A_635 : vector<16xi32>
      %mul3A_637 = arith.constant 2 : i32
      %mul3A_638 = vector.broadcast %mul3A_637 : i32 to vector<16xi32>
      %mul3A_639 = arith.muli %add3A_636, %mul3A_638 : vector<16xi32>
      %get3A_640 = arith.constant 1 : i32
      %get3A_641 = arith.index_cast %get3A_640 : i32 to index
      %get3A_642 = arith.index_cast %add3A_625 : i32 to index
      %get3A_643 = tpu.vector_load %arg5[%get3A_641, %get3A_642] {strides = array<i32>} : memref<20x512xi32, #tpu.memory_space<vmem>>, vector<1x16xi32>,
      %get3A_644 = vector.shape_cast %get3A_643 : vector<1x16xi32> to vector<16xi32>
      %add3A_645 = arith.addi %mul3A_639, %get3A_644 : vector<16xi32>
      %mul3A_646 = arith.constant 2 : i32
      %mul3A_647 = vector.broadcast %mul3A_646 : i32 to vector<16xi32>
      %mul3A_648 = arith.muli %add3A_645, %mul3A_647 : vector<16xi32>
      %get3A_649 = arith.constant 2 : i32
      %get3A_650 = arith.index_cast %get3A_649 : i32 to index
      %get3A_651 = arith.index_cast %add3A_625 : i32 to index
      %get3A_652 = tpu.vector_load %arg5[%get3A_650, %get3A_651] {strides = array<i32>} : memref<20x512xi32, #tpu.memory_space<vmem>>, vector<1x16xi32>,
      %get3A_653 = vector.shape_cast %get3A_652 : vector<1x16xi32> to vector<16xi32>
      %add3A_654 = arith.addi %mul3A_648, %get3A_653 : vector<16xi32>
      %mul3A_655 = arith.constant 2 : i32
      %mul3A_656 = vector.broadcast %mul3A_655 : i32 to vector<16xi32>
      %mul3A_657 = arith.muli %add3A_654, %mul3A_656 : vector<16xi32>
      %get3A_658 = arith.constant 3 : i32
      %get3A_659 = arith.index_cast %get3A_658 : i32 to index
      %get3A_660 = arith.index_cast %add3A_625 : i32 to index
      %get3A_661 = tpu.vector_load %arg5[%get3A_659, %get3A_660] {strides = array<i32>} : memref<20x512xi32, #tpu.memory_space<vmem>>, vector<1x16xi32>,
      %get3A_662 = vector.shape_cast %get3A_661 : vector<1x16xi32> to vector<16xi32>
      %add3A_663 = arith.addi %mul3A_657, %get3A_662 : vector<16xi32>
      %mul3A_664 = arith.constant 2 : i32
      %mul3A_665 = vector.broadcast %mul3A_664 : i32 to vector<16xi32>
      %mul3A_666 = arith.muli %add3A_663, %mul3A_665 : vector<16xi32>
      %get3A_667 = arith.constant 4 : i32
      %get3A_668 = arith.index_cast %get3A_667 : i32 to index
      %get3A_669 = arith.index_cast %add3A_625 : i32 to index
      %get3A_670 = tpu.vector_load %arg5[%get3A_668, %get3A_669] {strides = array<i32>} : memref<20x512xi32, #tpu.memory_space<vmem>>, vector<1x16xi32>,
      %get3A_671 = vector.shape_cast %get3A_670 : vector<1x16xi32> to vector<16xi32>
      %add3A_672 = arith.addi %mul3A_666, %get3A_671 : vector<16xi32>
      %mul3A_673 = arith.constant 2 : i32
      %mul3A_674 = vector.broadcast %mul3A_673 : i32 to vector<16xi32>
      %mul3A_675 = arith.muli %add3A_672, %mul3A_674 : vector<16xi32>
      %get3A_676 = arith.constant 5 : i32
      %get3A_677 = arith.index_cast %get3A_676 : i32 to index
      %get3A_678 = arith.index_cast %add3A_625 : i32 to index
      %get3A_679 = tpu.vector_load %arg5[%get3A_677, %get3A_678] {strides = array<i32>} : memref<20x512xi32, #tpu.memory_space<vmem>>, vector<1x16xi32>,
      %get3A_680 = vector.shape_cast %get3A_679 : vector<1x16xi32> to vector<16xi32>
      %add3A_681 = arith.addi %mul3A_675, %get3A_680 : vector<16xi32>
      %mul3A_682 = arith.constant 2 : i32
      %mul3A_683 = vector.broadcast %mul3A_682 : i32 to vector<16xi32>
      %mul3A_684 = arith.muli %add3A_681, %mul3A_683 : vector<16xi32>
      %get3A_685 = arith.constant 6 : i32
      %get3A_686 = arith.index_cast %get3A_685 : i32 to index
      %get3A_687 = arith.index_cast %add3A_625 : i32 to index
      %get3A_688 = tpu.vector_load %arg5[%get3A_686, %get3A_687] {strides = array<i32>} : memref<20x512xi32, #tpu.memory_space<vmem>>, vector<1x16xi32>,
      %get3A_689 = vector.shape_cast %get3A_688 : vector<1x16xi32> to vector<16xi32>
      %add3A_690 = arith.addi %mul3A_684, %get3A_689 : vector<16xi32>
      %mul3A_691 = arith.constant 2 : i32
      %mul3A_692 = vector.broadcast %mul3A_691 : i32 to vector<16xi32>
      %mul3A_693 = arith.muli %add3A_690, %mul3A_692 : vector<16xi32>
      %get3A_694 = arith.constant 7 : i32
      %get3A_695 = arith.index_cast %get3A_694 : i32 to index
      %get3A_696 = arith.index_cast %add3A_625 : i32 to index
      %get3A_697 = tpu.vector_load %arg5[%get3A_695, %get3A_696] {strides = array<i32>} : memref<20x512xi32, #tpu.memory_space<vmem>>, vector<1x16xi32>,
      %get3A_698 = vector.shape_cast %get3A_697 : vector<1x16xi32> to vector<16xi32>
      %add3A_699 = arith.addi %mul3A_693, %get3A_698 : vector<16xi32>
      %mul3A_700 = arith.constant 2 : i32
      %mul3A_701 = vector.broadcast %mul3A_700 : i32 to vector<16xi32>
      %mul3A_702 = arith.muli %add3A_699, %mul3A_701 : vector<16xi32>
      %get3A_703 = arith.constant 8 : i32
      %get3A_704 = arith.index_cast %get3A_703 : i32 to index
      %get3A_705 = arith.index_cast %add3A_625 : i32 to index
      %get3A_706 = tpu.vector_load %arg5[%get3A_704, %get3A_705] {strides = array<i32>} : memref<20x512xi32, #tpu.memory_space<vmem>>, vector<1x16xi32>,
      %get3A_707 = vector.shape_cast %get3A_706 : vector<1x16xi32> to vector<16xi32>
      %add3A_708 = arith.addi %mul3A_702, %get3A_707 : vector<16xi32>
      %mul3A_709 = arith.constant 2 : i32
      %mul3A_710 = vector.broadcast %mul3A_709 : i32 to vector<16xi32>
      %mul3A_711 = arith.muli %add3A_708, %mul3A_710 : vector<16xi32>
      %get3A_712 = arith.constant 9 : i32
      %get3A_713 = arith.index_cast %get3A_712 : i32 to index
      %get3A_714 = arith.index_cast %add3A_625 : i32 to index
      %get3A_715 = tpu.vector_load %arg5[%get3A_713, %get3A_714] {strides = array<i32>} : memref<20x512xi32, #tpu.memory_space<vmem>>, vector<1x16xi32>,
      %get3A_716 = vector.shape_cast %get3A_715 : vector<1x16xi32> to vector<16xi32>
      %add3A_717 = arith.addi %mul3A_711, %get3A_716 : vector<16xi32>
      %mul3A_718 = arith.constant 2 : i32
      %mul3A_719 = vector.broadcast %mul3A_718 : i32 to vector<16xi32>
      %mul3A_720 = arith.muli %add3A_717, %mul3A_719 : vector<16xi32>
      %get3A_721 = arith.constant 10 : i32
      %get3A_722 = arith.index_cast %get3A_721 : i32 to index
      %get3A_723 = arith.index_cast %add3A_625 : i32 to index
      %get3A_724 = tpu.vector_load %arg5[%get3A_722, %get3A_723] {strides = array<i32>} : memref<20x512xi32, #tpu.memory_space<vmem>>, vector<1x16xi32>,
      %get3A_725 = vector.shape_cast %get3A_724 : vector<1x16xi32> to vector<16xi32>
      %add3A_726 = arith.addi %mul3A_720, %get3A_725 : vector<16xi32>
      %mul3A_727 = arith.constant 2 : i32
      %mul3A_728 = vector.broadcast %mul3A_727 : i32 to vector<16xi32>
      %mul3A_729 = arith.muli %add3A_726, %mul3A_728 : vector<16xi32>
      %get3A_730 = arith.constant 11 : i32
      %get3A_731 = arith.index_cast %get3A_730 : i32 to index
      %get3A_732 = arith.index_cast %add3A_625 : i32 to index
      %get3A_733 = tpu.vector_load %arg5[%get3A_731, %get3A_732] {strides = array<i32>} : memref<20x512xi32, #tpu.memory_space<vmem>>, vector<1x16xi32>,
      %get3A_734 = vector.shape_cast %get3A_733 : vector<1x16xi32> to vector<16xi32>
      %add3A_735 = arith.addi %mul3A_729, %get3A_734 : vector<16xi32>
      %mul3A_736 = arith.constant 2 : i32
      %mul3A_737 = vector.broadcast %mul3A_736 : i32 to vector<16xi32>
      %mul3A_738 = arith.muli %add3A_735, %mul3A_737 : vector<16xi32>
      %get3A_739 = arith.constant 12 : i32
      %get3A_740 = arith.index_cast %get3A_739 : i32 to index
      %get3A_741 = arith.index_cast %add3A_625 : i32 to index
      %get3A_742 = tpu.vector_load %arg5[%get3A_740, %get3A_741] {strides = array<i32>} : memref<20x512xi32, #tpu.memory_space<vmem>>, vector<1x16xi32>,
      %get3A_743 = vector.shape_cast %get3A_742 : vector<1x16xi32> to vector<16xi32>
      %add3A_744 = arith.addi %mul3A_738, %get3A_743 : vector<16xi32>
      %mul3A_745 = arith.constant 2 : i32
      %mul3A_746 = vector.broadcast %mul3A_745 : i32 to vector<16xi32>
      %mul3A_747 = arith.muli %add3A_744, %mul3A_746 : vector<16xi32>
      %get3A_748 = arith.constant 13 : i32
      %get3A_749 = arith.index_cast %get3A_748 : i32 to index
      %get3A_750 = arith.index_cast %add3A_625 : i32 to index
      %get3A_751 = tpu.vector_load %arg5[%get3A_749, %get3A_750] {strides = array<i32>} : memref<20x512xi32, #tpu.memory_space<vmem>>, vector<1x16xi32>,
      %get3A_752 = vector.shape_cast %get3A_751 : vector<1x16xi32> to vector<16xi32>
      %add3A_753 = arith.addi %mul3A_747, %get3A_752 : vector<16xi32>
      %mul3A_754 = arith.constant 2 : i32
      %mul3A_755 = vector.broadcast %mul3A_754 : i32 to vector<16xi32>
      %mul3A_756 = arith.muli %add3A_753, %mul3A_755 : vector<16xi32>
      %get3A_757 = arith.constant 14 : i32
      %get3A_758 = arith.index_cast %get3A_757 : i32 to index
      %get3A_759 = arith.index_cast %add3A_625 : i32 to index
      %get3A_760 = tpu.vector_load %arg5[%get3A_758, %get3A_759] {strides = array<i32>} : memref<20x512xi32, #tpu.memory_space<vmem>>, vector<1x16xi32>,
      %get3A_761 = vector.shape_cast %get3A_760 : vector<1x16xi32> to vector<16xi32>
      %add3A_762 = arith.addi %mul3A_756, %get3A_761 : vector<16xi32>
      %mul3A_763 = arith.constant 2 : i32
      %mul3A_764 = vector.broadcast %mul3A_763 : i32 to vector<16xi32>
      %mul3A_765 = arith.muli %add3A_762, %mul3A_764 : vector<16xi32>
      %get3A_766 = arith.constant 15 : i32
      %get3A_767 = arith.index_cast %get3A_766 : i32 to index
      %get3A_768 = arith.index_cast %add3A_625 : i32 to index
      %get3A_769 = tpu.vector_load %arg5[%get3A_767, %get3A_768] {strides = array<i32>} : memref<20x512xi32, #tpu.memory_space<vmem>>, vector<1x16xi32>,
      %get3A_770 = vector.shape_cast %get3A_769 : vector<1x16xi32> to vector<16xi32>
      %add3A_771 = arith.addi %mul3A_765, %get3A_770 : vector<16xi32>
      %mul3A_772 = arith.constant 2 : i32
      %mul3A_773 = vector.broadcast %mul3A_772 : i32 to vector<16xi32>
      %mul3A_774 = arith.muli %add3A_771, %mul3A_773 : vector<16xi32>
      %get3A_775 = arith.constant 16 : i32
      %get3A_776 = arith.index_cast %get3A_775 : i32 to index
      %get3A_777 = arith.index_cast %add3A_625 : i32 to index
      %get3A_778 = tpu.vector_load %arg5[%get3A_776, %get3A_777] {strides = array<i32>} : memref<20x512xi32, #tpu.memory_space<vmem>>, vector<1x16xi32>,
      %get3A_779 = vector.shape_cast %get3A_778 : vector<1x16xi32> to vector<16xi32>
      %add3A_780 = arith.addi %mul3A_774, %get3A_779 : vector<16xi32>
      %mul3A_781 = arith.constant 2 : i32
      %mul3A_782 = vector.broadcast %mul3A_781 : i32 to vector<16xi32>
      %mul3A_783 = arith.muli %add3A_780, %mul3A_782 : vector<16xi32>
      %get3A_784 = arith.constant 17 : i32
      %get3A_785 = arith.index_cast %get3A_784 : i32 to index
      %get3A_786 = arith.index_cast %add3A_625 : i32 to index
      %get3A_787 = tpu.vector_load %arg5[%get3A_785, %get3A_786] {strides = array<i32>} : memref<20x512xi32, #tpu.memory_space<vmem>>, vector<1x16xi32>,
      %get3A_788 = vector.shape_cast %get3A_787 : vector<1x16xi32> to vector<16xi32>
      %add3A_789 = arith.addi %mul3A_783, %get3A_788 : vector<16xi32>
      %mul3A_790 = arith.constant 2 : i32
      %mul3A_791 = vector.broadcast %mul3A_790 : i32 to vector<16xi32>
      %mul3A_792 = arith.muli %add3A_789, %mul3A_791 : vector<16xi32>
      %get3A_793 = arith.constant 18 : i32
      %get3A_794 = arith.index_cast %get3A_793 : i32 to index
      %get3A_795 = arith.index_cast %add3A_625 : i32 to index
      %get3A_796 = tpu.vector_load %arg5[%get3A_794, %get3A_795] {strides = array<i32>} : memref<20x512xi32, #tpu.memory_space<vmem>>, vector<1x16xi32>,
      %get3A_797 = vector.shape_cast %get3A_796 : vector<1x16xi32> to vector<16xi32>
      %add3A_798 = arith.addi %mul3A_792, %get3A_797 : vector<16xi32>
      %mul3A_799 = arith.constant 2 : i32
      %mul3A_800 = vector.broadcast %mul3A_799 : i32 to vector<16xi32>
      %mul3A_801 = arith.muli %add3A_798, %mul3A_800 : vector<16xi32>
      %get3A_802 = arith.constant 19 : i32
      %get3A_803 = arith.index_cast %get3A_802 : i32 to index
      %get3A_804 = arith.index_cast %add3A_625 : i32 to index
      %get3A_805 = tpu.vector_load %arg5[%get3A_803, %get3A_804] {strides = array<i32>} : memref<20x512xi32, #tpu.memory_space<vmem>>, vector<1x16xi32>,
      %get3A_806 = vector.shape_cast %get3A_805 : vector<1x16xi32> to vector<16xi32>
      %add3A_807 = arith.addi %mul3A_801, %get3A_806 : vector<16xi32>
      %swap3A_808 = arith.index_cast %add3A_625 : i32 to index
      %swap3A_809 = tpu.vector_load %arg6[%swap3A_808] {strides = array<i32>} : memref<512xi32, #tpu.memory_space<vmem>>, vector<16xi32>,
      %swap3A_810 = vector.shape_cast %swap3A_809 : vector<16xi32> to vector<16xi32>
      %swap3A_811 = vector.shape_cast %add3A_807 : vector<16xi32> to vector<16xi32>
      tpu.vector_store %arg6[%swap3A_808], %swap3A_811 {strides = array<i32>} : memref<512xi32, #tpu.memory_space<vmem>>, vector<16xi32>,
      %scan3A_812 = arith.constant 3 : i32
      %scan3A_813 = arith.addi %scan3A_240, %scan3A_812 : i32
      %mul3A_814 = arith.constant 16 : i32
      %mul3A_815 = arith.muli %scan3A_813, %mul3A_814 : i32
      %add3A_816 = arith.constant 384 : i32
      %add3A_817 = arith.addi %add3A_816, %mul3A_815 : i32
      %broadcast_in_dim3A_818 = arith.constant 0 : i32
      %broadcast_in_dim3A_819 = vector.broadcast %broadcast_in_dim3A_818 : i32 to vector<16xi32>
      %mul3A_820 = arith.constant 2 : i32
      %mul3A_821 = vector.broadcast %mul3A_820 : i32 to vector<16xi32>
      %mul3A_822 = arith.muli %broadcast_in_dim3A_819, %mul3A_821 : vector<16xi32>
      %get3A_823 = arith.constant 0 : i32
      %get3A_824 = arith.index_cast %get3A_823 : i32 to index
      %get3A_825 = arith.index_cast %add3A_817 : i32 to index
      %get3A_826 = tpu.vector_load %arg5[%get3A_824, %get3A_825] {strides = array<i32>} : memref<20x512xi32, #tpu.memory_space<vmem>>, vector<1x16xi32>,
      %get3A_827 = vector.shape_cast %get3A_826 : vector<1x16xi32> to vector<16xi32>
      %add3A_828 = arith.addi %mul3A_822, %get3A_827 : vector<16xi32>
      %mul3A_829 = arith.constant 2 : i32
      %mul3A_830 = vector.broadcast %mul3A_829 : i32 to vector<16xi32>
      %mul3A_831 = arith.muli %add3A_828, %mul3A_830 : vector<16xi32>
      %get3A_832 = arith.constant 1 : i32
      %get3A_833 = arith.index_cast %get3A_832 : i32 to index
      %get3A_834 = arith.index_cast %add3A_817 : i32 to index
      %get3A_835 = tpu.vector_load %arg5[%get3A_833, %get3A_834] {strides = array<i32>} : memref<20x512xi32, #tpu.memory_space<vmem>>, vector<1x16xi32>,
      %get3A_836 = vector.shape_cast %get3A_835 : vector<1x16xi32> to vector<16xi32>
      %add3A_837 = arith.addi %mul3A_831, %get3A_836 : vector<16xi32>
      %mul3A_838 = arith.constant 2 : i32
      %mul3A_839 = vector.broadcast %mul3A_838 : i32 to vector<16xi32>
      %mul3A_840 = arith.muli %add3A_837, %mul3A_839 : vector<16xi32>
      %get3A_841 = arith.constant 2 : i32
      %get3A_842 = arith.index_cast %get3A_841 : i32 to index
      %get3A_843 = arith.index_cast %add3A_817 : i32 to index
      %get3A_844 = tpu.vector_load %arg5[%get3A_842, %get3A_843] {strides = array<i32>} : memref<20x512xi32, #tpu.memory_space<vmem>>, vector<1x16xi32>,
      %get3A_845 = vector.shape_cast %get3A_844 : vector<1x16xi32> to vector<16xi32>
      %add3A_846 = arith.addi %mul3A_840, %get3A_845 : vector<16xi32>
      %mul3A_847 = arith.constant 2 : i32
      %mul3A_848 = vector.broadcast %mul3A_847 : i32 to vector<16xi32>
      %mul3A_849 = arith.muli %add3A_846, %mul3A_848 : vector<16xi32>
      %get3A_850 = arith.constant 3 : i32
      %get3A_851 = arith.index_cast %get3A_850 : i32 to index
      %get3A_852 = arith.index_cast %add3A_817 : i32 to index
      %get3A_853 = tpu.vector_load %arg5[%get3A_851, %get3A_852] {strides = array<i32>} : memref<20x512xi32, #tpu.memory_space<vmem>>, vector<1x16xi32>,
      %get3A_854 = vector.shape_cast %get3A_853 : vector<1x16xi32> to vector<16xi32>
      %add3A_855 = arith.addi %mul3A_849, %get3A_854 : vector<16xi32>
      %mul3A_856 = arith.constant 2 : i32
      %mul3A_857 = vector.broadcast %mul3A_856 : i32 to vector<16xi32>
      %mul3A_858 = arith.muli %add3A_855, %mul3A_857 : vector<16xi32>
      %get3A_859 = arith.constant 4 : i32
      %get3A_860 = arith.index_cast %get3A_859 : i32 to index
      %get3A_861 = arith.index_cast %add3A_817 : i32 to index
      %get3A_862 = tpu.vector_load %arg5[%get3A_860, %get3A_861] {strides = array<i32>} : memref<20x512xi32, #tpu.memory_space<vmem>>, vector<1x16xi32>,
      %get3A_863 = vector.shape_cast %get3A_862 : vector<1x16xi32> to vector<16xi32>
      %add3A_864 = arith.addi %mul3A_858, %get3A_863 : vector<16xi32>
      %mul3A_865 = arith.constant 2 : i32
      %mul3A_866 = vector.broadcast %mul3A_865 : i32 to vector<16xi32>
      %mul3A_867 = arith.muli %add3A_864, %mul3A_866 : vector<16xi32>
      %get3A_868 = arith.constant 5 : i32
      %get3A_869 = arith.index_cast %get3A_868 : i32 to index
      %get3A_870 = arith.index_cast %add3A_817 : i32 to index
      %get3A_871 = tpu.vector_load %arg5[%get3A_869, %get3A_870] {strides = array<i32>} : memref<20x512xi32, #tpu.memory_space<vmem>>, vector<1x16xi32>,
      %get3A_872 = vector.shape_cast %get3A_871 : vector<1x16xi32> to vector<16xi32>
      %add3A_873 = arith.addi %mul3A_867, %get3A_872 : vector<16xi32>
      %mul3A_874 = arith.constant 2 : i32
      %mul3A_875 = vector.broadcast %mul3A_874 : i32 to vector<16xi32>
      %mul3A_876 = arith.muli %add3A_873, %mul3A_875 : vector<16xi32>
      %get3A_877 = arith.constant 6 : i32
      %get3A_878 = arith.index_cast %get3A_877 : i32 to index
      %get3A_879 = arith.index_cast %add3A_817 : i32 to index
      %get3A_880 = tpu.vector_load %arg5[%get3A_878, %get3A_879] {strides = array<i32>} : memref<20x512xi32, #tpu.memory_space<vmem>>, vector<1x16xi32>,
      %get3A_881 = vector.shape_cast %get3A_880 : vector<1x16xi32> to vector<16xi32>
      %add3A_882 = arith.addi %mul3A_876, %get3A_881 : vector<16xi32>
      %mul3A_883 = arith.constant 2 : i32
      %mul3A_884 = vector.broadcast %mul3A_883 : i32 to vector<16xi32>
      %mul3A_885 = arith.muli %add3A_882, %mul3A_884 : vector<16xi32>
      %get3A_886 = arith.constant 7 : i32
      %get3A_887 = arith.index_cast %get3A_886 : i32 to index
      %get3A_888 = arith.index_cast %add3A_817 : i32 to index
      %get3A_889 = tpu.vector_load %arg5[%get3A_887, %get3A_888] {strides = array<i32>} : memref<20x512xi32, #tpu.memory_space<vmem>>, vector<1x16xi32>,
      %get3A_890 = vector.shape_cast %get3A_889 : vector<1x16xi32> to vector<16xi32>
      %add3A_891 = arith.addi %mul3A_885, %get3A_890 : vector<16xi32>
      %mul3A_892 = arith.constant 2 : i32
      %mul3A_893 = vector.broadcast %mul3A_892 : i32 to vector<16xi32>
      %mul3A_894 = arith.muli %add3A_891, %mul3A_893 : vector<16xi32>
      %get3A_895 = arith.constant 8 : i32
      %get3A_896 = arith.index_cast %get3A_895 : i32 to index
      %get3A_897 = arith.index_cast %add3A_817 : i32 to index
      %get3A_898 = tpu.vector_load %arg5[%get3A_896, %get3A_897] {strides = array<i32>} : memref<20x512xi32, #tpu.memory_space<vmem>>, vector<1x16xi32>,
      %get3A_899 = vector.shape_cast %get3A_898 : vector<1x16xi32> to vector<16xi32>
      %add3A_900 = arith.addi %mul3A_894, %get3A_899 : vector<16xi32>
      %mul3A_901 = arith.constant 2 : i32
      %mul3A_902 = vector.broadcast %mul3A_901 : i32 to vector<16xi32>
      %mul3A_903 = arith.muli %add3A_900, %mul3A_902 : vector<16xi32>
      %get3A_904 = arith.constant 9 : i32
      %get3A_905 = arith.index_cast %get3A_904 : i32 to index
      %get3A_906 = arith.index_cast %add3A_817 : i32 to index
      %get3A_907 = tpu.vector_load %arg5[%get3A_905, %get3A_906] {strides = array<i32>} : memref<20x512xi32, #tpu.memory_space<vmem>>, vector<1x16xi32>,
      %get3A_908 = vector.shape_cast %get3A_907 : vector<1x16xi32> to vector<16xi32>
      %add3A_909 = arith.addi %mul3A_903, %get3A_908 : vector<16xi32>
      %mul3A_910 = arith.constant 2 : i32
      %mul3A_911 = vector.broadcast %mul3A_910 : i32 to vector<16xi32>
      %mul3A_912 = arith.muli %add3A_909, %mul3A_911 : vector<16xi32>
      %get3A_913 = arith.constant 10 : i32
      %get3A_914 = arith.index_cast %get3A_913 : i32 to index
      %get3A_915 = arith.index_cast %add3A_817 : i32 to index
      %get3A_916 = tpu.vector_load %arg5[%get3A_914, %get3A_915] {strides = array<i32>} : memref<20x512xi32, #tpu.memory_space<vmem>>, vector<1x16xi32>,
      %get3A_917 = vector.shape_cast %get3A_916 : vector<1x16xi32> to vector<16xi32>
      %add3A_918 = arith.addi %mul3A_912, %get3A_917 : vector<16xi32>
      %mul3A_919 = arith.constant 2 : i32
      %mul3A_920 = vector.broadcast %mul3A_919 : i32 to vector<16xi32>
      %mul3A_921 = arith.muli %add3A_918, %mul3A_920 : vector<16xi32>
      %get3A_922 = arith.constant 11 : i32
      %get3A_923 = arith.index_cast %get3A_922 : i32 to index
      %get3A_924 = arith.index_cast %add3A_817 : i32 to index
      %get3A_925 = tpu.vector_load %arg5[%get3A_923, %get3A_924] {strides = array<i32>} : memref<20x512xi32, #tpu.memory_space<vmem>>, vector<1x16xi32>,
      %get3A_926 = vector.shape_cast %get3A_925 : vector<1x16xi32> to vector<16xi32>
      %add3A_927 = arith.addi %mul3A_921, %get3A_926 : vector<16xi32>
      %mul3A_928 = arith.constant 2 : i32
      %mul3A_929 = vector.broadcast %mul3A_928 : i32 to vector<16xi32>
      %mul3A_930 = arith.muli %add3A_927, %mul3A_929 : vector<16xi32>
      %get3A_931 = arith.constant 12 : i32
      %get3A_932 = arith.index_cast %get3A_931 : i32 to index
      %get3A_933 = arith.index_cast %add3A_817 : i32 to index
      %get3A_934 = tpu.vector_load %arg5[%get3A_932, %get3A_933] {strides = array<i32>} : memref<20x512xi32, #tpu.memory_space<vmem>>, vector<1x16xi32>,
      %get3A_935 = vector.shape_cast %get3A_934 : vector<1x16xi32> to vector<16xi32>
      %add3A_936 = arith.addi %mul3A_930, %get3A_935 : vector<16xi32>
      %mul3A_937 = arith.constant 2 : i32
      %mul3A_938 = vector.broadcast %mul3A_937 : i32 to vector<16xi32>
      %mul3A_939 = arith.muli %add3A_936, %mul3A_938 : vector<16xi32>
      %get3A_940 = arith.constant 13 : i32
      %get3A_941 = arith.index_cast %get3A_940 : i32 to index
      %get3A_942 = arith.index_cast %add3A_817 : i32 to index
      %get3A_943 = tpu.vector_load %arg5[%get3A_941, %get3A_942] {strides = array<i32>} : memref<20x512xi32, #tpu.memory_space<vmem>>, vector<1x16xi32>,
      %get3A_944 = vector.shape_cast %get3A_943 : vector<1x16xi32> to vector<16xi32>
      %add3A_945 = arith.addi %mul3A_939, %get3A_944 : vector<16xi32>
      %mul3A_946 = arith.constant 2 : i32
      %mul3A_947 = vector.broadcast %mul3A_946 : i32 to vector<16xi32>
      %mul3A_948 = arith.muli %add3A_945, %mul3A_947 : vector<16xi32>
      %get3A_949 = arith.constant 14 : i32
      %get3A_950 = arith.index_cast %get3A_949 : i32 to index
      %get3A_951 = arith.index_cast %add3A_817 : i32 to index
      %get3A_952 = tpu.vector_load %arg5[%get3A_950, %get3A_951] {strides = array<i32>} : memref<20x512xi32, #tpu.memory_space<vmem>>, vector<1x16xi32>,
      %get3A_953 = vector.shape_cast %get3A_952 : vector<1x16xi32> to vector<16xi32>
      %add3A_954 = arith.addi %mul3A_948, %get3A_953 : vector<16xi32>
      %mul3A_955 = arith.constant 2 : i32
      %mul3A_956 = vector.broadcast %mul3A_955 : i32 to vector<16xi32>
      %mul3A_957 = arith.muli %add3A_954, %mul3A_956 : vector<16xi32>
      %get3A_958 = arith.constant 15 : i32
      %get3A_959 = arith.index_cast %get3A_958 : i32 to index
      %get3A_960 = arith.index_cast %add3A_817 : i32 to index
      %get3A_961 = tpu.vector_load %arg5[%get3A_959, %get3A_960] {strides = array<i32>} : memref<20x512xi32, #tpu.memory_space<vmem>>, vector<1x16xi32>,
      %get3A_962 = vector.shape_cast %get3A_961 : vector<1x16xi32> to vector<16xi32>
      %add3A_963 = arith.addi %mul3A_957, %get3A_962 : vector<16xi32>
      %mul3A_964 = arith.constant 2 : i32
      %mul3A_965 = vector.broadcast %mul3A_964 : i32 to vector<16xi32>
      %mul3A_966 = arith.muli %add3A_963, %mul3A_965 : vector<16xi32>
      %get3A_967 = arith.constant 16 : i32
      %get3A_968 = arith.index_cast %get3A_967 : i32 to index
      %get3A_969 = arith.index_cast %add3A_817 : i32 to index
      %get3A_970 = tpu.vector_load %arg5[%get3A_968, %get3A_969] {strides = array<i32>} : memref<20x512xi32, #tpu.memory_space<vmem>>, vector<1x16xi32>,
      %get3A_971 = vector.shape_cast %get3A_970 : vector<1x16xi32> to vector<16xi32>
      %add3A_972 = arith.addi %mul3A_966, %get3A_971 : vector<16xi32>
      %mul3A_973 = arith.constant 2 : i32
      %mul3A_974 = vector.broadcast %mul3A_973 : i32 to vector<16xi32>
      %mul3A_975 = arith.muli %add3A_972, %mul3A_974 : vector<16xi32>
      %get3A_976 = arith.constant 17 : i32
      %get3A_977 = arith.index_cast %get3A_976 : i32 to index
      %get3A_978 = arith.index_cast %add3A_817 : i32 to index
      %get3A_979 = tpu.vector_load %arg5[%get3A_977, %get3A_978] {strides = array<i32>} : memref<20x512xi32, #tpu.memory_space<vmem>>, vector<1x16xi32>,
      %get3A_980 = vector.shape_cast %get3A_979 : vector<1x16xi32> to vector<16xi32>
      %add3A_981 = arith.addi %mul3A_975, %get3A_980 : vector<16xi32>
      %mul3A_982 = arith.constant 2 : i32
      %mul3A_983 = vector.broadcast %mul3A_982 : i32 to vector<16xi32>
      %mul3A_984 = arith.muli %add3A_981, %mul3A_983 : vector<16xi32>
      %get3A_985 = arith.constant 18 : i32
      %get3A_986 = arith.index_cast %get3A_985 : i32 to index
      %get3A_987 = arith.index_cast %add3A_817 : i32 to index
      %get3A_988 = tpu.vector_load %arg5[%get3A_986, %get3A_987] {strides = array<i32>} : memref<20x512xi32, #tpu.memory_space<vmem>>, vector<1x16xi32>,
      %get3A_989 = vector.shape_cast %get3A_988 : vector<1x16xi32> to vector<16xi32>
      %add3A_990 = arith.addi %mul3A_984, %get3A_989 : vector<16xi32>
      %mul3A_991 = arith.constant 2 : i32
      %mul3A_992 = vector.broadcast %mul3A_991 : i32 to vector<16xi32>
      %mul3A_993 = arith.muli %add3A_990, %mul3A_992 : vector<16xi32>
      %get3A_994 = arith.constant 19 : i32
      %get3A_995 = arith.index_cast %get3A_994 : i32 to index
      %get3A_996 = arith.index_cast %add3A_817 : i32 to index
      %get3A_997 = tpu.vector_load %arg5[%get3A_995, %get3A_996] {strides = array<i32>} : memref<20x512xi32, #tpu.memory_space<vmem>>, vector<1x16xi32>,
      %get3A_998 = vector.shape_cast %get3A_997 : vector<1x16xi32> to vector<16xi32>
      %add3A_999 = arith.addi %mul3A_993, %get3A_998 : vector<16xi32>
      %swap3A_1000 = arith.index_cast %add3A_817 : i32 to index
      %swap3A_1001 = tpu.vector_load %arg6[%swap3A_1000] {strides = array<i32>} : memref<512xi32, #tpu.memory_space<vmem>>, vector<16xi32>,
      %swap3A_1002 = vector.shape_cast %swap3A_1001 : vector<16xi32> to vector<16xi32>
      %swap3A_1003 = vector.shape_cast %add3A_999 : vector<16xi32> to vector<16xi32>
      tpu.vector_store %arg6[%swap3A_1000], %swap3A_1003 {strides = array<i32>} : memref<512xi32, #tpu.memory_space<vmem>>, vector<16xi32>,
    }
    %scan3A_129 = arith.constant 8 : i32
    %dma_start3A_130 = arith.constant 384 : i32
    %dma_start3A_131 = tpu.memref_slice %arg7[%dma_start3A_130] : memref<512xf32, #tpu.memory_space<vmem>> -> memref<128xf32, #tpu.memory_space<vmem>>
    %dma_start3A_132 = arith.constant 384 : i32
    %dma_start3A_133 = tpu.memref_slice %arg6[%dma_start3A_132] : memref<512xi32, #tpu.memory_space<vmem>> -> memref<128xi32, #tpu.memory_space<vmem>>
    %dma_start3A_134 = arith.constant 0 : i32
    %dma_start3A_135 = tpu.memref_slice %arg3[%dma_start3A_134] : memref<1048576xf32, #tpu.memory_space<hbm>> -> memref<1048576xf32, #tpu.memory_space<hbm>>
    tpu.enqueue_indirect_dma source(%dma_start3A_135 : memref<1048576xf32, #tpu.memory_space<hbm>>) target(%dma_start3A_131 : memref<128xf32, #tpu.memory_space<vmem>>) offsets(%dma_start3A_133 : memref<128xi32, #tpu.memory_space<vmem>>) semaphore(%arg15 : memref<!tpu.dma_semaphore, #tpu.memory_space<semaphore_mem>>)
    %dma_wait3A_136 = arith.constant 0 : i32
    %dma_wait3A_137 = tpu.memref_slice %arg7[%dma_wait3A_136] : memref<512xf32, #tpu.memory_space<vmem>> -> memref<128xf32, #tpu.memory_space<vmem>>
    %dma_wait3A_138 = arith.constant 0 : i32
    %dma_wait3A_139 = tpu.memref_slice %arg6[%dma_wait3A_138] : memref<512xi32, #tpu.memory_space<vmem>> -> memref<128xi32, #tpu.memory_space<vmem>>
    %dma_wait3A_140 = arith.constant 0 : i32
    %dma_wait3A_141 = tpu.memref_slice %arg3[%dma_wait3A_140] : memref<1048576xf32, #tpu.memory_space<hbm>> -> memref<1048576xf32, #tpu.memory_space<hbm>>
    tpu.wait_indirect_dma semaphore(%arg12 : memref<!tpu.dma_semaphore, #tpu.memory_space<semaphore_mem>>) src(%dma_wait3A_141 : memref<1048576xf32, #tpu.memory_space<hbm>>) dst(%dma_wait3A_137 : memref<128xf32, #tpu.memory_space<vmem>>)
    %scan3A_142 = arith.constant 0 : i32
    %scan3A_143 = arith.constant 0 : i32
    %scan3A_144 = arith.constant 8 : i32
    %scan3A_145 = arith.addi %scan3A_143, %scan3A_144 : i32
    %scan3A_146 = arith.constant 4 : i32
    scf.for %scan3A_240 = %scan3A_143 to %scan3A_145 step %scan3A_146  : i32 {
      %mul3A_241 = arith.constant 16 : i32
      %mul3A_242 = arith.muli %scan3A_240, %mul3A_241 : i32
      %add3A_243 = arith.constant 0 : i32
      %add3A_244 = arith.addi %add3A_243, %mul3A_242 : i32
      %get3A = arith.index_cast %add3A_244 : i32 to index
      %get3A_245 = tpu.vector_load %arg7[%get3A] {strides = array<i32>} : memref<512xf32, #tpu.memory_space<vmem>>, vector<16xf32>,
      %get3A_246 = vector.shape_cast %get3A_245 : vector<16xf32> to vector<16xf32>
      %bitcast_convert_type3A = tpu.bitcast %get3A_246 : vector<16xf32> -> vector<16xi32>
      %shift_right_arithmetic3A = arith.constant 23 : i32
      %shift_right_arithmetic3A_247 = vector.broadcast %shift_right_arithmetic3A : i32 to vector<16xi32>
      %shift_right_arithmetic3A_248 = arith.shrsi %bitcast_convert_type3A, %shift_right_arithmetic3A_247 : vector<16xi32>
      %sub3A = arith.constant 127 : i32
      %sub3A_249 = vector.broadcast %sub3A : i32 to vector<16xi32>
      %sub3A_250 = arith.subi %shift_right_arithmetic3A_248, %sub3A_249 : vector<16xi32>
      %and3A = arith.constant 8388607 : i32
      %and3A_251 = vector.broadcast %and3A : i32 to vector<16xi32>
      %and3A_252 = arith.andi %bitcast_convert_type3A, %and3A_251 : vector<16xi32>
      %or3A = arith.constant 1065353216 : i32
      %or3A_253 = vector.broadcast %or3A : i32 to vector<16xi32>
      %or3A_254 = arith.ori %and3A_252, %or3A_253 : vector<16xi32>
      %bitcast_convert_type3A_255 = tpu.bitcast %or3A_254 : vector<16xi32> -> vector<16xf32>
      %gt3A = arith.constant 1.41421354 : f32
      %gt3A_256 = vector.broadcast %gt3A : f32 to vector<16xf32>
      %gt3A_257 = arith.cmpf ogt, %bitcast_convert_type3A_255, %gt3A_256 : vector<16xf32>
      %mul3A_258 = arith.constant 5.000000e-01 : f32
      %mul3A_259 = vector.broadcast %mul3A_258 : f32 to vector<16xf32>
      %mul3A_260 = arith.mulf %bitcast_convert_type3A_255, %mul3A_259 : vector<16xf32>
      %select_n3A = arith.select %gt3A_257, %mul3A_260, %bitcast_convert_type3A_255 : vector<16xi1>, vector<16xf32>
      %add3A_261 = arith.constant 1 : i32
      %add3A_262 = vector.broadcast %add3A_261 : i32 to vector<16xi32>
      %add3A_263 = arith.addi %sub3A_250, %add3A_262 : vector<16xi32>
      %select_n3A_264 = arith.select %gt3A_257, %add3A_263, %sub3A_250 : vector<16xi1>, vector<16xi32>
      %sub3A_265 = arith.constant 1.000000e+00 : f32
      %sub3A_266 = vector.broadcast %sub3A_265 : f32 to vector<16xf32>
      %sub3A_267 = arith.subf %select_n3A, %sub3A_266 : vector<16xf32>
      %broadcast_in_dim3A = arith.constant -0.136236891 : f32
      %broadcast_in_dim3A_268 = vector.broadcast %broadcast_in_dim3A : f32 to vector<16xf32>
      %mul3A_269 = arith.mulf %broadcast_in_dim3A_268, %sub3A_267 : vector<16xf32>
      %add3A_270 = arith.constant 0.221747577 : f32
      %add3A_271 = vector.broadcast %add3A_270 : f32 to vector<16xf32>
      %add3A_272 = arith.addf %mul3A_269, %add3A_271 : vector<16xf32>
      %mul3A_273 = arith.mulf %add3A_272, %sub3A_267 : vector<16xf32>
      %add3A_274 = arith.constant -0.256027222 : f32
      %add3A_275 = vector.broadcast %add3A_274 : f32 to vector<16xf32>
      %add3A_276 = arith.addf %mul3A_273, %add3A_275 : vector<16xf32>
      %mul3A_277 = arith.mulf %add3A_276, %sub3A_267 : vector<16xf32>
      %add3A_278 = arith.constant 0.332424909 : f32
      %add3A_279 = vector.broadcast %add3A_278 : f32 to vector<16xf32>
      %add3A_280 = arith.addf %mul3A_277, %add3A_279 : vector<16xf32>
      %mul3A_281 = arith.mulf %add3A_280, %sub3A_267 : vector<16xf32>
      %add3A_282 = arith.constant -0.499773651 : f32
      %add3A_283 = vector.broadcast %add3A_282 : f32 to vector<16xf32>
      %add3A_284 = arith.addf %mul3A_281, %add3A_283 : vector<16xf32>
      %mul3A_285 = arith.mulf %add3A_284, %sub3A_267 : vector<16xf32>
      %add3A_286 = arith.constant 1.000010e+00 : f32
      %add3A_287 = vector.broadcast %add3A_286 : f32 to vector<16xf32>
      %add3A_288 = arith.addf %mul3A_285, %add3A_287 : vector<16xf32>
      %mul3A_289 = arith.mulf %add3A_288, %sub3A_267 : vector<16xf32>
      %add3A_290 = arith.constant -1.1755003E-6 : f32
      %add3A_291 = vector.broadcast %add3A_290 : f32 to vector<16xf32>
      %add3A_292 = arith.addf %mul3A_289, %add3A_291 : vector<16xf32>
      %convert_element_type3A = arith.sitofp %select_n3A_264 : vector<16xi32> to vector<16xf32>
      %mul3A_293 = arith.constant 0.693147182 : f32
      %mul3A_294 = vector.broadcast %mul3A_293 : f32 to vector<16xf32>
      %mul3A_295 = arith.mulf %convert_element_type3A, %mul3A_294 : vector<16xf32>
      %add3A_296 = arith.addf %mul3A_295, %add3A_292 : vector<16xf32>
      %swap3A = arith.index_cast %add3A_244 : i32 to index
      %swap3A_297 = tpu.vector_load %arg7[%swap3A] {strides = array<i32>} : memref<512xf32, #tpu.memory_space<vmem>>, vector<16xf32>,
      %swap3A_298 = vector.shape_cast %swap3A_297 : vector<16xf32> to vector<16xf32>
      %swap3A_299 = vector.shape_cast %add3A_296 : vector<16xf32> to vector<16xf32>
      tpu.vector_store %arg7[%swap3A], %swap3A_299 {strides = array<i32>} : memref<512xf32, #tpu.memory_space<vmem>>, vector<16xf32>,
      %scan3A_300 = arith.constant 1 : i32
      %scan3A_301 = arith.addi %scan3A_240, %scan3A_300 : i32
      %mul3A_302 = arith.constant 16 : i32
      %mul3A_303 = arith.muli %scan3A_301, %mul3A_302 : i32
      %add3A_304 = arith.constant 0 : i32
      %add3A_305 = arith.addi %add3A_304, %mul3A_303 : i32
      %get3A_306 = arith.index_cast %add3A_305 : i32 to index
      %get3A_307 = tpu.vector_load %arg7[%get3A_306] {strides = array<i32>} : memref<512xf32, #tpu.memory_space<vmem>>, vector<16xf32>,
      %get3A_308 = vector.shape_cast %get3A_307 : vector<16xf32> to vector<16xf32>
      %bitcast_convert_type3A_309 = tpu.bitcast %get3A_308 : vector<16xf32> -> vector<16xi32>
      %shift_right_arithmetic3A_310 = arith.constant 23 : i32
      %shift_right_arithmetic3A_311 = vector.broadcast %shift_right_arithmetic3A_310 : i32 to vector<16xi32>
      %shift_right_arithmetic3A_312 = arith.shrsi %bitcast_convert_type3A_309, %shift_right_arithmetic3A_311 : vector<16xi32>
      %sub3A_313 = arith.constant 127 : i32
      %sub3A_314 = vector.broadcast %sub3A_313 : i32 to vector<16xi32>
      %sub3A_315 = arith.subi %shift_right_arithmetic3A_312, %sub3A_314 : vector<16xi32>
      %and3A_316 = arith.constant 8388607 : i32
      %and3A_317 = vector.broadcast %and3A_316 : i32 to vector<16xi32>
      %and3A_318 = arith.andi %bitcast_convert_type3A_309, %and3A_317 : vector<16xi32>
      %or3A_319 = arith.constant 1065353216 : i32
      %or3A_320 = vector.broadcast %or3A_319 : i32 to vector<16xi32>
      %or3A_321 = arith.ori %and3A_318, %or3A_320 : vector<16xi32>
      %bitcast_convert_type3A_322 = tpu.bitcast %or3A_321 : vector<16xi32> -> vector<16xf32>
      %gt3A_323 = arith.constant 1.41421354 : f32
      %gt3A_324 = vector.broadcast %gt3A_323 : f32 to vector<16xf32>
      %gt3A_325 = arith.cmpf ogt, %bitcast_convert_type3A_322, %gt3A_324 : vector<16xf32>
      %mul3A_326 = arith.constant 5.000000e-01 : f32
      %mul3A_327 = vector.broadcast %mul3A_326 : f32 to vector<16xf32>
      %mul3A_328 = arith.mulf %bitcast_convert_type3A_322, %mul3A_327 : vector<16xf32>
      %select_n3A_329 = arith.select %gt3A_325, %mul3A_328, %bitcast_convert_type3A_322 : vector<16xi1>, vector<16xf32>
      %add3A_330 = arith.constant 1 : i32
      %add3A_331 = vector.broadcast %add3A_330 : i32 to vector<16xi32>
      %add3A_332 = arith.addi %sub3A_315, %add3A_331 : vector<16xi32>
      %select_n3A_333 = arith.select %gt3A_325, %add3A_332, %sub3A_315 : vector<16xi1>, vector<16xi32>
      %sub3A_334 = arith.constant 1.000000e+00 : f32
      %sub3A_335 = vector.broadcast %sub3A_334 : f32 to vector<16xf32>
      %sub3A_336 = arith.subf %select_n3A_329, %sub3A_335 : vector<16xf32>
      %broadcast_in_dim3A_337 = arith.constant -0.136236891 : f32
      %broadcast_in_dim3A_338 = vector.broadcast %broadcast_in_dim3A_337 : f32 to vector<16xf32>
      %mul3A_339 = arith.mulf %broadcast_in_dim3A_338, %sub3A_336 : vector<16xf32>
      %add3A_340 = arith.constant 0.221747577 : f32
      %add3A_341 = vector.broadcast %add3A_340 : f32 to vector<16xf32>
      %add3A_342 = arith.addf %mul3A_339, %add3A_341 : vector<16xf32>
      %mul3A_343 = arith.mulf %add3A_342, %sub3A_336 : vector<16xf32>
      %add3A_344 = arith.constant -0.256027222 : f32
      %add3A_345 = vector.broadcast %add3A_344 : f32 to vector<16xf32>
      %add3A_346 = arith.addf %mul3A_343, %add3A_345 : vector<16xf32>
      %mul3A_347 = arith.mulf %add3A_346, %sub3A_336 : vector<16xf32>
      %add3A_348 = arith.constant 0.332424909 : f32
      %add3A_349 = vector.broadcast %add3A_348 : f32 to vector<16xf32>
      %add3A_350 = arith.addf %mul3A_347, %add3A_349 : vector<16xf32>
      %mul3A_351 = arith.mulf %add3A_350, %sub3A_336 : vector<16xf32>
      %add3A_352 = arith.constant -0.499773651 : f32
      %add3A_353 = vector.broadcast %add3A_352 : f32 to vector<16xf32>
      %add3A_354 = arith.addf %mul3A_351, %add3A_353 : vector<16xf32>
      %mul3A_355 = arith.mulf %add3A_354, %sub3A_336 : vector<16xf32>
      %add3A_356 = arith.constant 1.000010e+00 : f32
      %add3A_357 = vector.broadcast %add3A_356 : f32 to vector<16xf32>
      %add3A_358 = arith.addf %mul3A_355, %add3A_357 : vector<16xf32>
      %mul3A_359 = arith.mulf %add3A_358, %sub3A_336 : vector<16xf32>
      %add3A_360 = arith.constant -1.1755003E-6 : f32
      %add3A_361 = vector.broadcast %add3A_360 : f32 to vector<16xf32>
      %add3A_362 = arith.addf %mul3A_359, %add3A_361 : vector<16xf32>
      %convert_element_type3A_363 = arith.sitofp %select_n3A_333 : vector<16xi32> to vector<16xf32>
      %mul3A_364 = arith.constant 0.693147182 : f32
      %mul3A_365 = vector.broadcast %mul3A_364 : f32 to vector<16xf32>
      %mul3A_366 = arith.mulf %convert_element_type3A_363, %mul3A_365 : vector<16xf32>
      %add3A_367 = arith.addf %mul3A_366, %add3A_362 : vector<16xf32>
      %swap3A_368 = arith.index_cast %add3A_305 : i32 to index
      %swap3A_369 = tpu.vector_load %arg7[%swap3A_368] {strides = array<i32>} : memref<512xf32, #tpu.memory_space<vmem>>, vector<16xf32>,
      %swap3A_370 = vector.shape_cast %swap3A_369 : vector<16xf32> to vector<16xf32>
      %swap3A_371 = vector.shape_cast %add3A_367 : vector<16xf32> to vector<16xf32>
      tpu.vector_store %arg7[%swap3A_368], %swap3A_371 {strides = array<i32>} : memref<512xf32, #tpu.memory_space<vmem>>, vector<16xf32>,
      %scan3A_372 = arith.constant 2 : i32
      %scan3A_373 = arith.addi %scan3A_240, %scan3A_372 : i32
      %mul3A_374 = arith.constant 16 : i32
      %mul3A_375 = arith.muli %scan3A_373, %mul3A_374 : i32
      %add3A_376 = arith.constant 0 : i32
      %add3A_377 = arith.addi %add3A_376, %mul3A_375 : i32
      %get3A_378 = arith.index_cast %add3A_377 : i32 to index
      %get3A_379 = tpu.vector_load %arg7[%get3A_378] {strides = array<i32>} : memref<512xf32, #tpu.memory_space<vmem>>, vector<16xf32>,
      %get3A_380 = vector.shape_cast %get3A_379 : vector<16xf32> to vector<16xf32>
      %bitcast_convert_type3A_381 = tpu.bitcast %get3A_380 : vector<16xf32> -> vector<16xi32>
      %shift_right_arithmetic3A_382 = arith.constant 23 : i32
      %shift_right_arithmetic3A_383 = vector.broadcast %shift_right_arithmetic3A_382 : i32 to vector<16xi32>
      %shift_right_arithmetic3A_384 = arith.shrsi %bitcast_convert_type3A_381, %shift_right_arithmetic3A_383 : vector<16xi32>
      %sub3A_385 = arith.constant 127 : i32
      %sub3A_386 = vector.broadcast %sub3A_385 : i32 to vector<16xi32>
      %sub3A_387 = arith.subi %shift_right_arithmetic3A_384, %sub3A_386 : vector<16xi32>
      %and3A_388 = arith.constant 8388607 : i32
      %and3A_389 = vector.broadcast %and3A_388 : i32 to vector<16xi32>
      %and3A_390 = arith.andi %bitcast_convert_type3A_381, %and3A_389 : vector<16xi32>
      %or3A_391 = arith.constant 1065353216 : i32
      %or3A_392 = vector.broadcast %or3A_391 : i32 to vector<16xi32>
      %or3A_393 = arith.ori %and3A_390, %or3A_392 : vector<16xi32>
      %bitcast_convert_type3A_394 = tpu.bitcast %or3A_393 : vector<16xi32> -> vector<16xf32>
      %gt3A_395 = arith.constant 1.41421354 : f32
      %gt3A_396 = vector.broadcast %gt3A_395 : f32 to vector<16xf32>
      %gt3A_397 = arith.cmpf ogt, %bitcast_convert_type3A_394, %gt3A_396 : vector<16xf32>
      %mul3A_398 = arith.constant 5.000000e-01 : f32
      %mul3A_399 = vector.broadcast %mul3A_398 : f32 to vector<16xf32>
      %mul3A_400 = arith.mulf %bitcast_convert_type3A_394, %mul3A_399 : vector<16xf32>
      %select_n3A_401 = arith.select %gt3A_397, %mul3A_400, %bitcast_convert_type3A_394 : vector<16xi1>, vector<16xf32>
      %add3A_402 = arith.constant 1 : i32
      %add3A_403 = vector.broadcast %add3A_402 : i32 to vector<16xi32>
      %add3A_404 = arith.addi %sub3A_387, %add3A_403 : vector<16xi32>
      %select_n3A_405 = arith.select %gt3A_397, %add3A_404, %sub3A_387 : vector<16xi1>, vector<16xi32>
      %sub3A_406 = arith.constant 1.000000e+00 : f32
      %sub3A_407 = vector.broadcast %sub3A_406 : f32 to vector<16xf32>
      %sub3A_408 = arith.subf %select_n3A_401, %sub3A_407 : vector<16xf32>
      %broadcast_in_dim3A_409 = arith.constant -0.136236891 : f32
      %broadcast_in_dim3A_410 = vector.broadcast %broadcast_in_dim3A_409 : f32 to vector<16xf32>
      %mul3A_411 = arith.mulf %broadcast_in_dim3A_410, %sub3A_408 : vector<16xf32>
      %add3A_412 = arith.constant 0.221747577 : f32
      %add3A_413 = vector.broadcast %add3A_412 : f32 to vector<16xf32>
      %add3A_414 = arith.addf %mul3A_411, %add3A_413 : vector<16xf32>
      %mul3A_415 = arith.mulf %add3A_414, %sub3A_408 : vector<16xf32>
      %add3A_416 = arith.constant -0.256027222 : f32
      %add3A_417 = vector.broadcast %add3A_416 : f32 to vector<16xf32>
      %add3A_418 = arith.addf %mul3A_415, %add3A_417 : vector<16xf32>
      %mul3A_419 = arith.mulf %add3A_418, %sub3A_408 : vector<16xf32>
      %add3A_420 = arith.constant 0.332424909 : f32
      %add3A_421 = vector.broadcast %add3A_420 : f32 to vector<16xf32>
      %add3A_422 = arith.addf %mul3A_419, %add3A_421 : vector<16xf32>
      %mul3A_423 = arith.mulf %add3A_422, %sub3A_408 : vector<16xf32>
      %add3A_424 = arith.constant -0.499773651 : f32
      %add3A_425 = vector.broadcast %add3A_424 : f32 to vector<16xf32>
      %add3A_426 = arith.addf %mul3A_423, %add3A_425 : vector<16xf32>
      %mul3A_427 = arith.mulf %add3A_426, %sub3A_408 : vector<16xf32>
      %add3A_428 = arith.constant 1.000010e+00 : f32
      %add3A_429 = vector.broadcast %add3A_428 : f32 to vector<16xf32>
      %add3A_430 = arith.addf %mul3A_427, %add3A_429 : vector<16xf32>
      %mul3A_431 = arith.mulf %add3A_430, %sub3A_408 : vector<16xf32>
      %add3A_432 = arith.constant -1.1755003E-6 : f32
      %add3A_433 = vector.broadcast %add3A_432 : f32 to vector<16xf32>
      %add3A_434 = arith.addf %mul3A_431, %add3A_433 : vector<16xf32>
      %convert_element_type3A_435 = arith.sitofp %select_n3A_405 : vector<16xi32> to vector<16xf32>
      %mul3A_436 = arith.constant 0.693147182 : f32
      %mul3A_437 = vector.broadcast %mul3A_436 : f32 to vector<16xf32>
      %mul3A_438 = arith.mulf %convert_element_type3A_435, %mul3A_437 : vector<16xf32>
      %add3A_439 = arith.addf %mul3A_438, %add3A_434 : vector<16xf32>
      %swap3A_440 = arith.index_cast %add3A_377 : i32 to index
      %swap3A_441 = tpu.vector_load %arg7[%swap3A_440] {strides = array<i32>} : memref<512xf32, #tpu.memory_space<vmem>>, vector<16xf32>,
      %swap3A_442 = vector.shape_cast %swap3A_441 : vector<16xf32> to vector<16xf32>
      %swap3A_443 = vector.shape_cast %add3A_439 : vector<16xf32> to vector<16xf32>
      tpu.vector_store %arg7[%swap3A_440], %swap3A_443 {strides = array<i32>} : memref<512xf32, #tpu.memory_space<vmem>>, vector<16xf32>,
      %scan3A_444 = arith.constant 3 : i32
      %scan3A_445 = arith.addi %scan3A_240, %scan3A_444 : i32
      %mul3A_446 = arith.constant 16 : i32
      %mul3A_447 = arith.muli %scan3A_445, %mul3A_446 : i32
      %add3A_448 = arith.constant 0 : i32
      %add3A_449 = arith.addi %add3A_448, %mul3A_447 : i32
      %get3A_450 = arith.index_cast %add3A_449 : i32 to index
      %get3A_451 = tpu.vector_load %arg7[%get3A_450] {strides = array<i32>} : memref<512xf32, #tpu.memory_space<vmem>>, vector<16xf32>,
      %get3A_452 = vector.shape_cast %get3A_451 : vector<16xf32> to vector<16xf32>
      %bitcast_convert_type3A_453 = tpu.bitcast %get3A_452 : vector<16xf32> -> vector<16xi32>
      %shift_right_arithmetic3A_454 = arith.constant 23 : i32
      %shift_right_arithmetic3A_455 = vector.broadcast %shift_right_arithmetic3A_454 : i32 to vector<16xi32>
      %shift_right_arithmetic3A_456 = arith.shrsi %bitcast_convert_type3A_453, %shift_right_arithmetic3A_455 : vector<16xi32>
      %sub3A_457 = arith.constant 127 : i32
      %sub3A_458 = vector.broadcast %sub3A_457 : i32 to vector<16xi32>
      %sub3A_459 = arith.subi %shift_right_arithmetic3A_456, %sub3A_458 : vector<16xi32>
      %and3A_460 = arith.constant 8388607 : i32
      %and3A_461 = vector.broadcast %and3A_460 : i32 to vector<16xi32>
      %and3A_462 = arith.andi %bitcast_convert_type3A_453, %and3A_461 : vector<16xi32>
      %or3A_463 = arith.constant 1065353216 : i32
      %or3A_464 = vector.broadcast %or3A_463 : i32 to vector<16xi32>
      %or3A_465 = arith.ori %and3A_462, %or3A_464 : vector<16xi32>
      %bitcast_convert_type3A_466 = tpu.bitcast %or3A_465 : vector<16xi32> -> vector<16xf32>
      %gt3A_467 = arith.constant 1.41421354 : f32
      %gt3A_468 = vector.broadcast %gt3A_467 : f32 to vector<16xf32>
      %gt3A_469 = arith.cmpf ogt, %bitcast_convert_type3A_466, %gt3A_468 : vector<16xf32>
      %mul3A_470 = arith.constant 5.000000e-01 : f32
      %mul3A_471 = vector.broadcast %mul3A_470 : f32 to vector<16xf32>
      %mul3A_472 = arith.mulf %bitcast_convert_type3A_466, %mul3A_471 : vector<16xf32>
      %select_n3A_473 = arith.select %gt3A_469, %mul3A_472, %bitcast_convert_type3A_466 : vector<16xi1>, vector<16xf32>
      %add3A_474 = arith.constant 1 : i32
      %add3A_475 = vector.broadcast %add3A_474 : i32 to vector<16xi32>
      %add3A_476 = arith.addi %sub3A_459, %add3A_475 : vector<16xi32>
      %select_n3A_477 = arith.select %gt3A_469, %add3A_476, %sub3A_459 : vector<16xi1>, vector<16xi32>
      %sub3A_478 = arith.constant 1.000000e+00 : f32
      %sub3A_479 = vector.broadcast %sub3A_478 : f32 to vector<16xf32>
      %sub3A_480 = arith.subf %select_n3A_473, %sub3A_479 : vector<16xf32>
      %broadcast_in_dim3A_481 = arith.constant -0.136236891 : f32
      %broadcast_in_dim3A_482 = vector.broadcast %broadcast_in_dim3A_481 : f32 to vector<16xf32>
      %mul3A_483 = arith.mulf %broadcast_in_dim3A_482, %sub3A_480 : vector<16xf32>
      %add3A_484 = arith.constant 0.221747577 : f32
      %add3A_485 = vector.broadcast %add3A_484 : f32 to vector<16xf32>
      %add3A_486 = arith.addf %mul3A_483, %add3A_485 : vector<16xf32>
      %mul3A_487 = arith.mulf %add3A_486, %sub3A_480 : vector<16xf32>
      %add3A_488 = arith.constant -0.256027222 : f32
      %add3A_489 = vector.broadcast %add3A_488 : f32 to vector<16xf32>
      %add3A_490 = arith.addf %mul3A_487, %add3A_489 : vector<16xf32>
      %mul3A_491 = arith.mulf %add3A_490, %sub3A_480 : vector<16xf32>
      %add3A_492 = arith.constant 0.332424909 : f32
      %add3A_493 = vector.broadcast %add3A_492 : f32 to vector<16xf32>
      %add3A_494 = arith.addf %mul3A_491, %add3A_493 : vector<16xf32>
      %mul3A_495 = arith.mulf %add3A_494, %sub3A_480 : vector<16xf32>
      %add3A_496 = arith.constant -0.499773651 : f32
      %add3A_497 = vector.broadcast %add3A_496 : f32 to vector<16xf32>
      %add3A_498 = arith.addf %mul3A_495, %add3A_497 : vector<16xf32>
      %mul3A_499 = arith.mulf %add3A_498, %sub3A_480 : vector<16xf32>
      %add3A_500 = arith.constant 1.000010e+00 : f32
      %add3A_501 = vector.broadcast %add3A_500 : f32 to vector<16xf32>
      %add3A_502 = arith.addf %mul3A_499, %add3A_501 : vector<16xf32>
      %mul3A_503 = arith.mulf %add3A_502, %sub3A_480 : vector<16xf32>
      %add3A_504 = arith.constant -1.1755003E-6 : f32
      %add3A_505 = vector.broadcast %add3A_504 : f32 to vector<16xf32>
      %add3A_506 = arith.addf %mul3A_503, %add3A_505 : vector<16xf32>
      %convert_element_type3A_507 = arith.sitofp %select_n3A_477 : vector<16xi32> to vector<16xf32>
      %mul3A_508 = arith.constant 0.693147182 : f32
      %mul3A_509 = vector.broadcast %mul3A_508 : f32 to vector<16xf32>
      %mul3A_510 = arith.mulf %convert_element_type3A_507, %mul3A_509 : vector<16xf32>
      %add3A_511 = arith.addf %mul3A_510, %add3A_506 : vector<16xf32>
      %swap3A_512 = arith.index_cast %add3A_449 : i32 to index
      %swap3A_513 = tpu.vector_load %arg7[%swap3A_512] {strides = array<i32>} : memref<512xf32, #tpu.memory_space<vmem>>, vector<16xf32>,
      %swap3A_514 = vector.shape_cast %swap3A_513 : vector<16xf32> to vector<16xf32>
      %swap3A_515 = vector.shape_cast %add3A_511 : vector<16xf32> to vector<16xf32>
      tpu.vector_store %arg7[%swap3A_512], %swap3A_515 {strides = array<i32>} : memref<512xf32, #tpu.memory_space<vmem>>, vector<16xf32>,
    }
    %scan3A_147 = arith.constant 8 : i32
    %add3A_148 = arith.constant 0 : i32
    %add3A_149 = arith.addi %mul3A_2, %add3A_148 : i32
    %dma_start3A_150 = arith.constant 0 : i32
    %dma_start3A_151 = tpu.memref_slice %arg7[%dma_start3A_150] : memref<512xf32, #tpu.memory_space<vmem>> -> memref<128xf32, #tpu.memory_space<vmem>>
    %dma_start3A_152 = tpu.memref_slice %arg4[%add3A_149] : memref<16384xf32, #tpu.memory_space<hbm>> -> memref<128xf32, #tpu.memory_space<hbm>>
    %dma_start3A_153 = tpu.memref_slice %arg4[%add3A_149] : memref<16384xf32, #tpu.memory_space<hbm>> -> memref<128xf32, #tpu.memory_space<hbm>>
    %dma_start3A_154 = arith.constant 0 : i32
    %dma_start3A_155 = tpu.memref_slice %arg7[%dma_start3A_154] : memref<512xf32, #tpu.memory_space<vmem>> -> memref<128xf32, #tpu.memory_space<vmem>>
    tpu.enqueue_dma source(%dma_start3A_155 : memref<128xf32, #tpu.memory_space<vmem>>) target(%dma_start3A_153 : memref<128xf32, #tpu.memory_space<hbm>>) target_semaphore(%arg16 : memref<!tpu.dma_semaphore, #tpu.memory_space<semaphore_mem>>)
    %dma_wait3A_156 = arith.constant 128 : i32
    %dma_wait3A_157 = tpu.memref_slice %arg7[%dma_wait3A_156] : memref<512xf32, #tpu.memory_space<vmem>> -> memref<128xf32, #tpu.memory_space<vmem>>
    %dma_wait3A_158 = arith.constant 128 : i32
    %dma_wait3A_159 = tpu.memref_slice %arg6[%dma_wait3A_158] : memref<512xi32, #tpu.memory_space<vmem>> -> memref<128xi32, #tpu.memory_space<vmem>>
    %dma_wait3A_160 = arith.constant 0 : i32
    %dma_wait3A_161 = tpu.memref_slice %arg3[%dma_wait3A_160] : memref<1048576xf32, #tpu.memory_space<hbm>> -> memref<1048576xf32, #tpu.memory_space<hbm>>
    tpu.wait_indirect_dma semaphore(%arg13 : memref<!tpu.dma_semaphore, #tpu.memory_space<semaphore_mem>>) src(%dma_wait3A_161 : memref<1048576xf32, #tpu.memory_space<hbm>>) dst(%dma_wait3A_157 : memref<128xf32, #tpu.memory_space<vmem>>)
    %scan3A_162 = arith.constant 0 : i32
    %scan3A_163 = arith.constant 0 : i32
    %scan3A_164 = arith.constant 8 : i32
    %scan3A_165 = arith.addi %scan3A_163, %scan3A_164 : i32
    %scan3A_166 = arith.constant 4 : i32
    scf.for %scan3A_240 = %scan3A_163 to %scan3A_165 step %scan3A_166  : i32 {
      %mul3A_241 = arith.constant 16 : i32
      %mul3A_242 = arith.muli %scan3A_240, %mul3A_241 : i32
      %add3A_243 = arith.constant 128 : i32
      %add3A_244 = arith.addi %add3A_243, %mul3A_242 : i32
      %get3A = arith.index_cast %add3A_244 : i32 to index
      %get3A_245 = tpu.vector_load %arg7[%get3A] {strides = array<i32>} : memref<512xf32, #tpu.memory_space<vmem>>, vector<16xf32>,
      %get3A_246 = vector.shape_cast %get3A_245 : vector<16xf32> to vector<16xf32>
      %bitcast_convert_type3A = tpu.bitcast %get3A_246 : vector<16xf32> -> vector<16xi32>
      %shift_right_arithmetic3A = arith.constant 23 : i32
      %shift_right_arithmetic3A_247 = vector.broadcast %shift_right_arithmetic3A : i32 to vector<16xi32>
      %shift_right_arithmetic3A_248 = arith.shrsi %bitcast_convert_type3A, %shift_right_arithmetic3A_247 : vector<16xi32>
      %sub3A = arith.constant 127 : i32
      %sub3A_249 = vector.broadcast %sub3A : i32 to vector<16xi32>
      %sub3A_250 = arith.subi %shift_right_arithmetic3A_248, %sub3A_249 : vector<16xi32>
      %and3A = arith.constant 8388607 : i32
      %and3A_251 = vector.broadcast %and3A : i32 to vector<16xi32>
      %and3A_252 = arith.andi %bitcast_convert_type3A, %and3A_251 : vector<16xi32>
      %or3A = arith.constant 1065353216 : i32
      %or3A_253 = vector.broadcast %or3A : i32 to vector<16xi32>
      %or3A_254 = arith.ori %and3A_252, %or3A_253 : vector<16xi32>
      %bitcast_convert_type3A_255 = tpu.bitcast %or3A_254 : vector<16xi32> -> vector<16xf32>
      %gt3A = arith.constant 1.41421354 : f32
      %gt3A_256 = vector.broadcast %gt3A : f32 to vector<16xf32>
      %gt3A_257 = arith.cmpf ogt, %bitcast_convert_type3A_255, %gt3A_256 : vector<16xf32>
      %mul3A_258 = arith.constant 5.000000e-01 : f32
      %mul3A_259 = vector.broadcast %mul3A_258 : f32 to vector<16xf32>
      %mul3A_260 = arith.mulf %bitcast_convert_type3A_255, %mul3A_259 : vector<16xf32>
      %select_n3A = arith.select %gt3A_257, %mul3A_260, %bitcast_convert_type3A_255 : vector<16xi1>, vector<16xf32>
      %add3A_261 = arith.constant 1 : i32
      %add3A_262 = vector.broadcast %add3A_261 : i32 to vector<16xi32>
      %add3A_263 = arith.addi %sub3A_250, %add3A_262 : vector<16xi32>
      %select_n3A_264 = arith.select %gt3A_257, %add3A_263, %sub3A_250 : vector<16xi1>, vector<16xi32>
      %sub3A_265 = arith.constant 1.000000e+00 : f32
      %sub3A_266 = vector.broadcast %sub3A_265 : f32 to vector<16xf32>
      %sub3A_267 = arith.subf %select_n3A, %sub3A_266 : vector<16xf32>
      %broadcast_in_dim3A = arith.constant -0.136236891 : f32
      %broadcast_in_dim3A_268 = vector.broadcast %broadcast_in_dim3A : f32 to vector<16xf32>
      %mul3A_269 = arith.mulf %broadcast_in_dim3A_268, %sub3A_267 : vector<16xf32>
      %add3A_270 = arith.constant 0.221747577 : f32
      %add3A_271 = vector.broadcast %add3A_270 : f32 to vector<16xf32>
      %add3A_272 = arith.addf %mul3A_269, %add3A_271 : vector<16xf32>
      %mul3A_273 = arith.mulf %add3A_272, %sub3A_267 : vector<16xf32>
      %add3A_274 = arith.constant -0.256027222 : f32
      %add3A_275 = vector.broadcast %add3A_274 : f32 to vector<16xf32>
      %add3A_276 = arith.addf %mul3A_273, %add3A_275 : vector<16xf32>
      %mul3A_277 = arith.mulf %add3A_276, %sub3A_267 : vector<16xf32>
      %add3A_278 = arith.constant 0.332424909 : f32
      %add3A_279 = vector.broadcast %add3A_278 : f32 to vector<16xf32>
      %add3A_280 = arith.addf %mul3A_277, %add3A_279 : vector<16xf32>
      %mul3A_281 = arith.mulf %add3A_280, %sub3A_267 : vector<16xf32>
      %add3A_282 = arith.constant -0.499773651 : f32
      %add3A_283 = vector.broadcast %add3A_282 : f32 to vector<16xf32>
      %add3A_284 = arith.addf %mul3A_281, %add3A_283 : vector<16xf32>
      %mul3A_285 = arith.mulf %add3A_284, %sub3A_267 : vector<16xf32>
      %add3A_286 = arith.constant 1.000010e+00 : f32
      %add3A_287 = vector.broadcast %add3A_286 : f32 to vector<16xf32>
      %add3A_288 = arith.addf %mul3A_285, %add3A_287 : vector<16xf32>
      %mul3A_289 = arith.mulf %add3A_288, %sub3A_267 : vector<16xf32>
      %add3A_290 = arith.constant -1.1755003E-6 : f32
      %add3A_291 = vector.broadcast %add3A_290 : f32 to vector<16xf32>
      %add3A_292 = arith.addf %mul3A_289, %add3A_291 : vector<16xf32>
      %convert_element_type3A = arith.sitofp %select_n3A_264 : vector<16xi32> to vector<16xf32>
      %mul3A_293 = arith.constant 0.693147182 : f32
      %mul3A_294 = vector.broadcast %mul3A_293 : f32 to vector<16xf32>
      %mul3A_295 = arith.mulf %convert_element_type3A, %mul3A_294 : vector<16xf32>
      %add3A_296 = arith.addf %mul3A_295, %add3A_292 : vector<16xf32>
      %swap3A = arith.index_cast %add3A_244 : i32 to index
      %swap3A_297 = tpu.vector_load %arg7[%swap3A] {strides = array<i32>} : memref<512xf32, #tpu.memory_space<vmem>>, vector<16xf32>,
      %swap3A_298 = vector.shape_cast %swap3A_297 : vector<16xf32> to vector<16xf32>
      %swap3A_299 = vector.shape_cast %add3A_296 : vector<16xf32> to vector<16xf32>
      tpu.vector_store %arg7[%swap3A], %swap3A_299 {strides = array<i32>} : memref<512xf32, #tpu.memory_space<vmem>>, vector<16xf32>,
      %scan3A_300 = arith.constant 1 : i32
      %scan3A_301 = arith.addi %scan3A_240, %scan3A_300 : i32
      %mul3A_302 = arith.constant 16 : i32
      %mul3A_303 = arith.muli %scan3A_301, %mul3A_302 : i32
      %add3A_304 = arith.constant 128 : i32
      %add3A_305 = arith.addi %add3A_304, %mul3A_303 : i32
      %get3A_306 = arith.index_cast %add3A_305 : i32 to index
      %get3A_307 = tpu.vector_load %arg7[%get3A_306] {strides = array<i32>} : memref<512xf32, #tpu.memory_space<vmem>>, vector<16xf32>,
      %get3A_308 = vector.shape_cast %get3A_307 : vector<16xf32> to vector<16xf32>
      %bitcast_convert_type3A_309 = tpu.bitcast %get3A_308 : vector<16xf32> -> vector<16xi32>
      %shift_right_arithmetic3A_310 = arith.constant 23 : i32
      %shift_right_arithmetic3A_311 = vector.broadcast %shift_right_arithmetic3A_310 : i32 to vector<16xi32>
      %shift_right_arithmetic3A_312 = arith.shrsi %bitcast_convert_type3A_309, %shift_right_arithmetic3A_311 : vector<16xi32>
      %sub3A_313 = arith.constant 127 : i32
      %sub3A_314 = vector.broadcast %sub3A_313 : i32 to vector<16xi32>
      %sub3A_315 = arith.subi %shift_right_arithmetic3A_312, %sub3A_314 : vector<16xi32>
      %and3A_316 = arith.constant 8388607 : i32
      %and3A_317 = vector.broadcast %and3A_316 : i32 to vector<16xi32>
      %and3A_318 = arith.andi %bitcast_convert_type3A_309, %and3A_317 : vector<16xi32>
      %or3A_319 = arith.constant 1065353216 : i32
      %or3A_320 = vector.broadcast %or3A_319 : i32 to vector<16xi32>
      %or3A_321 = arith.ori %and3A_318, %or3A_320 : vector<16xi32>
      %bitcast_convert_type3A_322 = tpu.bitcast %or3A_321 : vector<16xi32> -> vector<16xf32>
      %gt3A_323 = arith.constant 1.41421354 : f32
      %gt3A_324 = vector.broadcast %gt3A_323 : f32 to vector<16xf32>
      %gt3A_325 = arith.cmpf ogt, %bitcast_convert_type3A_322, %gt3A_324 : vector<16xf32>
      %mul3A_326 = arith.constant 5.000000e-01 : f32
      %mul3A_327 = vector.broadcast %mul3A_326 : f32 to vector<16xf32>
      %mul3A_328 = arith.mulf %bitcast_convert_type3A_322, %mul3A_327 : vector<16xf32>
      %select_n3A_329 = arith.select %gt3A_325, %mul3A_328, %bitcast_convert_type3A_322 : vector<16xi1>, vector<16xf32>
      %add3A_330 = arith.constant 1 : i32
      %add3A_331 = vector.broadcast %add3A_330 : i32 to vector<16xi32>
      %add3A_332 = arith.addi %sub3A_315, %add3A_331 : vector<16xi32>
      %select_n3A_333 = arith.select %gt3A_325, %add3A_332, %sub3A_315 : vector<16xi1>, vector<16xi32>
      %sub3A_334 = arith.constant 1.000000e+00 : f32
      %sub3A_335 = vector.broadcast %sub3A_334 : f32 to vector<16xf32>
      %sub3A_336 = arith.subf %select_n3A_329, %sub3A_335 : vector<16xf32>
      %broadcast_in_dim3A_337 = arith.constant -0.136236891 : f32
      %broadcast_in_dim3A_338 = vector.broadcast %broadcast_in_dim3A_337 : f32 to vector<16xf32>
      %mul3A_339 = arith.mulf %broadcast_in_dim3A_338, %sub3A_336 : vector<16xf32>
      %add3A_340 = arith.constant 0.221747577 : f32
      %add3A_341 = vector.broadcast %add3A_340 : f32 to vector<16xf32>
      %add3A_342 = arith.addf %mul3A_339, %add3A_341 : vector<16xf32>
      %mul3A_343 = arith.mulf %add3A_342, %sub3A_336 : vector<16xf32>
      %add3A_344 = arith.constant -0.256027222 : f32
      %add3A_345 = vector.broadcast %add3A_344 : f32 to vector<16xf32>
      %add3A_346 = arith.addf %mul3A_343, %add3A_345 : vector<16xf32>
      %mul3A_347 = arith.mulf %add3A_346, %sub3A_336 : vector<16xf32>
      %add3A_348 = arith.constant 0.332424909 : f32
      %add3A_349 = vector.broadcast %add3A_348 : f32 to vector<16xf32>
      %add3A_350 = arith.addf %mul3A_347, %add3A_349 : vector<16xf32>
      %mul3A_351 = arith.mulf %add3A_350, %sub3A_336 : vector<16xf32>
      %add3A_352 = arith.constant -0.499773651 : f32
      %add3A_353 = vector.broadcast %add3A_352 : f32 to vector<16xf32>
      %add3A_354 = arith.addf %mul3A_351, %add3A_353 : vector<16xf32>
      %mul3A_355 = arith.mulf %add3A_354, %sub3A_336 : vector<16xf32>
      %add3A_356 = arith.constant 1.000010e+00 : f32
      %add3A_357 = vector.broadcast %add3A_356 : f32 to vector<16xf32>
      %add3A_358 = arith.addf %mul3A_355, %add3A_357 : vector<16xf32>
      %mul3A_359 = arith.mulf %add3A_358, %sub3A_336 : vector<16xf32>
      %add3A_360 = arith.constant -1.1755003E-6 : f32
      %add3A_361 = vector.broadcast %add3A_360 : f32 to vector<16xf32>
      %add3A_362 = arith.addf %mul3A_359, %add3A_361 : vector<16xf32>
      %convert_element_type3A_363 = arith.sitofp %select_n3A_333 : vector<16xi32> to vector<16xf32>
      %mul3A_364 = arith.constant 0.693147182 : f32
      %mul3A_365 = vector.broadcast %mul3A_364 : f32 to vector<16xf32>
      %mul3A_366 = arith.mulf %convert_element_type3A_363, %mul3A_365 : vector<16xf32>
      %add3A_367 = arith.addf %mul3A_366, %add3A_362 : vector<16xf32>
      %swap3A_368 = arith.index_cast %add3A_305 : i32 to index
      %swap3A_369 = tpu.vector_load %arg7[%swap3A_368] {strides = array<i32>} : memref<512xf32, #tpu.memory_space<vmem>>, vector<16xf32>,
      %swap3A_370 = vector.shape_cast %swap3A_369 : vector<16xf32> to vector<16xf32>
      %swap3A_371 = vector.shape_cast %add3A_367 : vector<16xf32> to vector<16xf32>
      tpu.vector_store %arg7[%swap3A_368], %swap3A_371 {strides = array<i32>} : memref<512xf32, #tpu.memory_space<vmem>>, vector<16xf32>,
      %scan3A_372 = arith.constant 2 : i32
      %scan3A_373 = arith.addi %scan3A_240, %scan3A_372 : i32
      %mul3A_374 = arith.constant 16 : i32
      %mul3A_375 = arith.muli %scan3A_373, %mul3A_374 : i32
      %add3A_376 = arith.constant 128 : i32
      %add3A_377 = arith.addi %add3A_376, %mul3A_375 : i32
      %get3A_378 = arith.index_cast %add3A_377 : i32 to index
      %get3A_379 = tpu.vector_load %arg7[%get3A_378] {strides = array<i32>} : memref<512xf32, #tpu.memory_space<vmem>>, vector<16xf32>,
      %get3A_380 = vector.shape_cast %get3A_379 : vector<16xf32> to vector<16xf32>
      %bitcast_convert_type3A_381 = tpu.bitcast %get3A_380 : vector<16xf32> -> vector<16xi32>
      %shift_right_arithmetic3A_382 = arith.constant 23 : i32
      %shift_right_arithmetic3A_383 = vector.broadcast %shift_right_arithmetic3A_382 : i32 to vector<16xi32>
      %shift_right_arithmetic3A_384 = arith.shrsi %bitcast_convert_type3A_381, %shift_right_arithmetic3A_383 : vector<16xi32>
      %sub3A_385 = arith.constant 127 : i32
      %sub3A_386 = vector.broadcast %sub3A_385 : i32 to vector<16xi32>
      %sub3A_387 = arith.subi %shift_right_arithmetic3A_384, %sub3A_386 : vector<16xi32>
      %and3A_388 = arith.constant 8388607 : i32
      %and3A_389 = vector.broadcast %and3A_388 : i32 to vector<16xi32>
      %and3A_390 = arith.andi %bitcast_convert_type3A_381, %and3A_389 : vector<16xi32>
      %or3A_391 = arith.constant 1065353216 : i32
      %or3A_392 = vector.broadcast %or3A_391 : i32 to vector<16xi32>
      %or3A_393 = arith.ori %and3A_390, %or3A_392 : vector<16xi32>
      %bitcast_convert_type3A_394 = tpu.bitcast %or3A_393 : vector<16xi32> -> vector<16xf32>
      %gt3A_395 = arith.constant 1.41421354 : f32
      %gt3A_396 = vector.broadcast %gt3A_395 : f32 to vector<16xf32>
      %gt3A_397 = arith.cmpf ogt, %bitcast_convert_type3A_394, %gt3A_396 : vector<16xf32>
      %mul3A_398 = arith.constant 5.000000e-01 : f32
      %mul3A_399 = vector.broadcast %mul3A_398 : f32 to vector<16xf32>
      %mul3A_400 = arith.mulf %bitcast_convert_type3A_394, %mul3A_399 : vector<16xf32>
      %select_n3A_401 = arith.select %gt3A_397, %mul3A_400, %bitcast_convert_type3A_394 : vector<16xi1>, vector<16xf32>
      %add3A_402 = arith.constant 1 : i32
      %add3A_403 = vector.broadcast %add3A_402 : i32 to vector<16xi32>
      %add3A_404 = arith.addi %sub3A_387, %add3A_403 : vector<16xi32>
      %select_n3A_405 = arith.select %gt3A_397, %add3A_404, %sub3A_387 : vector<16xi1>, vector<16xi32>
      %sub3A_406 = arith.constant 1.000000e+00 : f32
      %sub3A_407 = vector.broadcast %sub3A_406 : f32 to vector<16xf32>
      %sub3A_408 = arith.subf %select_n3A_401, %sub3A_407 : vector<16xf32>
      %broadcast_in_dim3A_409 = arith.constant -0.136236891 : f32
      %broadcast_in_dim3A_410 = vector.broadcast %broadcast_in_dim3A_409 : f32 to vector<16xf32>
      %mul3A_411 = arith.mulf %broadcast_in_dim3A_410, %sub3A_408 : vector<16xf32>
      %add3A_412 = arith.constant 0.221747577 : f32
      %add3A_413 = vector.broadcast %add3A_412 : f32 to vector<16xf32>
      %add3A_414 = arith.addf %mul3A_411, %add3A_413 : vector<16xf32>
      %mul3A_415 = arith.mulf %add3A_414, %sub3A_408 : vector<16xf32>
      %add3A_416 = arith.constant -0.256027222 : f32
      %add3A_417 = vector.broadcast %add3A_416 : f32 to vector<16xf32>
      %add3A_418 = arith.addf %mul3A_415, %add3A_417 : vector<16xf32>
      %mul3A_419 = arith.mulf %add3A_418, %sub3A_408 : vector<16xf32>
      %add3A_420 = arith.constant 0.332424909 : f32
      %add3A_421 = vector.broadcast %add3A_420 : f32 to vector<16xf32>
      %add3A_422 = arith.addf %mul3A_419, %add3A_421 : vector<16xf32>
      %mul3A_423 = arith.mulf %add3A_422, %sub3A_408 : vector<16xf32>
      %add3A_424 = arith.constant -0.499773651 : f32
      %add3A_425 = vector.broadcast %add3A_424 : f32 to vector<16xf32>
      %add3A_426 = arith.addf %mul3A_423, %add3A_425 : vector<16xf32>
      %mul3A_427 = arith.mulf %add3A_426, %sub3A_408 : vector<16xf32>
      %add3A_428 = arith.constant 1.000010e+00 : f32
      %add3A_429 = vector.broadcast %add3A_428 : f32 to vector<16xf32>
      %add3A_430 = arith.addf %mul3A_427, %add3A_429 : vector<16xf32>
      %mul3A_431 = arith.mulf %add3A_430, %sub3A_408 : vector<16xf32>
      %add3A_432 = arith.constant -1.1755003E-6 : f32
      %add3A_433 = vector.broadcast %add3A_432 : f32 to vector<16xf32>
      %add3A_434 = arith.addf %mul3A_431, %add3A_433 : vector<16xf32>
      %convert_element_type3A_435 = arith.sitofp %select_n3A_405 : vector<16xi32> to vector<16xf32>
      %mul3A_436 = arith.constant 0.693147182 : f32
      %mul3A_437 = vector.broadcast %mul3A_436 : f32 to vector<16xf32>
      %mul3A_438 = arith.mulf %convert_element_type3A_435, %mul3A_437 : vector<16xf32>
      %add3A_439 = arith.addf %mul3A_438, %add3A_434 : vector<16xf32>
      %swap3A_440 = arith.index_cast %add3A_377 : i32 to index
      %swap3A_441 = tpu.vector_load %arg7[%swap3A_440] {strides = array<i32>} : memref<512xf32, #tpu.memory_space<vmem>>, vector<16xf32>,
      %swap3A_442 = vector.shape_cast %swap3A_441 : vector<16xf32> to vector<16xf32>
      %swap3A_443 = vector.shape_cast %add3A_439 : vector<16xf32> to vector<16xf32>
      tpu.vector_store %arg7[%swap3A_440], %swap3A_443 {strides = array<i32>} : memref<512xf32, #tpu.memory_space<vmem>>, vector<16xf32>,
      %scan3A_444 = arith.constant 3 : i32
      %scan3A_445 = arith.addi %scan3A_240, %scan3A_444 : i32
      %mul3A_446 = arith.constant 16 : i32
      %mul3A_447 = arith.muli %scan3A_445, %mul3A_446 : i32
      %add3A_448 = arith.constant 128 : i32
      %add3A_449 = arith.addi %add3A_448, %mul3A_447 : i32
      %get3A_450 = arith.index_cast %add3A_449 : i32 to index
      %get3A_451 = tpu.vector_load %arg7[%get3A_450] {strides = array<i32>} : memref<512xf32, #tpu.memory_space<vmem>>, vector<16xf32>,
      %get3A_452 = vector.shape_cast %get3A_451 : vector<16xf32> to vector<16xf32>
      %bitcast_convert_type3A_453 = tpu.bitcast %get3A_452 : vector<16xf32> -> vector<16xi32>
      %shift_right_arithmetic3A_454 = arith.constant 23 : i32
      %shift_right_arithmetic3A_455 = vector.broadcast %shift_right_arithmetic3A_454 : i32 to vector<16xi32>
      %shift_right_arithmetic3A_456 = arith.shrsi %bitcast_convert_type3A_453, %shift_right_arithmetic3A_455 : vector<16xi32>
      %sub3A_457 = arith.constant 127 : i32
      %sub3A_458 = vector.broadcast %sub3A_457 : i32 to vector<16xi32>
      %sub3A_459 = arith.subi %shift_right_arithmetic3A_456, %sub3A_458 : vector<16xi32>
      %and3A_460 = arith.constant 8388607 : i32
      %and3A_461 = vector.broadcast %and3A_460 : i32 to vector<16xi32>
      %and3A_462 = arith.andi %bitcast_convert_type3A_453, %and3A_461 : vector<16xi32>
      %or3A_463 = arith.constant 1065353216 : i32
      %or3A_464 = vector.broadcast %or3A_463 : i32 to vector<16xi32>
      %or3A_465 = arith.ori %and3A_462, %or3A_464 : vector<16xi32>
      %bitcast_convert_type3A_466 = tpu.bitcast %or3A_465 : vector<16xi32> -> vector<16xf32>
      %gt3A_467 = arith.constant 1.41421354 : f32
      %gt3A_468 = vector.broadcast %gt3A_467 : f32 to vector<16xf32>
      %gt3A_469 = arith.cmpf ogt, %bitcast_convert_type3A_466, %gt3A_468 : vector<16xf32>
      %mul3A_470 = arith.constant 5.000000e-01 : f32
      %mul3A_471 = vector.broadcast %mul3A_470 : f32 to vector<16xf32>
      %mul3A_472 = arith.mulf %bitcast_convert_type3A_466, %mul3A_471 : vector<16xf32>
      %select_n3A_473 = arith.select %gt3A_469, %mul3A_472, %bitcast_convert_type3A_466 : vector<16xi1>, vector<16xf32>
      %add3A_474 = arith.constant 1 : i32
      %add3A_475 = vector.broadcast %add3A_474 : i32 to vector<16xi32>
      %add3A_476 = arith.addi %sub3A_459, %add3A_475 : vector<16xi32>
      %select_n3A_477 = arith.select %gt3A_469, %add3A_476, %sub3A_459 : vector<16xi1>, vector<16xi32>
      %sub3A_478 = arith.constant 1.000000e+00 : f32
      %sub3A_479 = vector.broadcast %sub3A_478 : f32 to vector<16xf32>
      %sub3A_480 = arith.subf %select_n3A_473, %sub3A_479 : vector<16xf32>
      %broadcast_in_dim3A_481 = arith.constant -0.136236891 : f32
      %broadcast_in_dim3A_482 = vector.broadcast %broadcast_in_dim3A_481 : f32 to vector<16xf32>
      %mul3A_483 = arith.mulf %broadcast_in_dim3A_482, %sub3A_480 : vector<16xf32>
      %add3A_484 = arith.constant 0.221747577 : f32
      %add3A_485 = vector.broadcast %add3A_484 : f32 to vector<16xf32>
      %add3A_486 = arith.addf %mul3A_483, %add3A_485 : vector<16xf32>
      %mul3A_487 = arith.mulf %add3A_486, %sub3A_480 : vector<16xf32>
      %add3A_488 = arith.constant -0.256027222 : f32
      %add3A_489 = vector.broadcast %add3A_488 : f32 to vector<16xf32>
      %add3A_490 = arith.addf %mul3A_487, %add3A_489 : vector<16xf32>
      %mul3A_491 = arith.mulf %add3A_490, %sub3A_480 : vector<16xf32>
      %add3A_492 = arith.constant 0.332424909 : f32
      %add3A_493 = vector.broadcast %add3A_492 : f32 to vector<16xf32>
      %add3A_494 = arith.addf %mul3A_491, %add3A_493 : vector<16xf32>
      %mul3A_495 = arith.mulf %add3A_494, %sub3A_480 : vector<16xf32>
      %add3A_496 = arith.constant -0.499773651 : f32
      %add3A_497 = vector.broadcast %add3A_496 : f32 to vector<16xf32>
      %add3A_498 = arith.addf %mul3A_495, %add3A_497 : vector<16xf32>
      %mul3A_499 = arith.mulf %add3A_498, %sub3A_480 : vector<16xf32>
      %add3A_500 = arith.constant 1.000010e+00 : f32
      %add3A_501 = vector.broadcast %add3A_500 : f32 to vector<16xf32>
      %add3A_502 = arith.addf %mul3A_499, %add3A_501 : vector<16xf32>
      %mul3A_503 = arith.mulf %add3A_502, %sub3A_480 : vector<16xf32>
      %add3A_504 = arith.constant -1.1755003E-6 : f32
      %add3A_505 = vector.broadcast %add3A_504 : f32 to vector<16xf32>
      %add3A_506 = arith.addf %mul3A_503, %add3A_505 : vector<16xf32>
      %convert_element_type3A_507 = arith.sitofp %select_n3A_477 : vector<16xi32> to vector<16xf32>
      %mul3A_508 = arith.constant 0.693147182 : f32
      %mul3A_509 = vector.broadcast %mul3A_508 : f32 to vector<16xf32>
      %mul3A_510 = arith.mulf %convert_element_type3A_507, %mul3A_509 : vector<16xf32>
      %add3A_511 = arith.addf %mul3A_510, %add3A_506 : vector<16xf32>
      %swap3A_512 = arith.index_cast %add3A_449 : i32 to index
      %swap3A_513 = tpu.vector_load %arg7[%swap3A_512] {strides = array<i32>} : memref<512xf32, #tpu.memory_space<vmem>>, vector<16xf32>,
      %swap3A_514 = vector.shape_cast %swap3A_513 : vector<16xf32> to vector<16xf32>
      %swap3A_515 = vector.shape_cast %add3A_511 : vector<16xf32> to vector<16xf32>
      tpu.vector_store %arg7[%swap3A_512], %swap3A_515 {strides = array<i32>} : memref<512xf32, #tpu.memory_space<vmem>>, vector<16xf32>,
    }
    %scan3A_167 = arith.constant 8 : i32
    %add3A_168 = arith.constant 128 : i32
    %add3A_169 = arith.addi %mul3A_2, %add3A_168 : i32
    %dma_start3A_170 = arith.constant 128 : i32
    %dma_start3A_171 = tpu.memref_slice %arg7[%dma_start3A_170] : memref<512xf32, #tpu.memory_space<vmem>> -> memref<128xf32, #tpu.memory_space<vmem>>
    %dma_start3A_172 = tpu.memref_slice %arg4[%add3A_169] : memref<16384xf32, #tpu.memory_space<hbm>> -> memref<128xf32, #tpu.memory_space<hbm>>
    %dma_start3A_173 = tpu.memref_slice %arg4[%add3A_169] : memref<16384xf32, #tpu.memory_space<hbm>> -> memref<128xf32, #tpu.memory_space<hbm>>
    %dma_start3A_174 = arith.constant 128 : i32
    %dma_start3A_175 = tpu.memref_slice %arg7[%dma_start3A_174] : memref<512xf32, #tpu.memory_space<vmem>> -> memref<128xf32, #tpu.memory_space<vmem>>
    tpu.enqueue_dma source(%dma_start3A_175 : memref<128xf32, #tpu.memory_space<vmem>>) target(%dma_start3A_173 : memref<128xf32, #tpu.memory_space<hbm>>) target_semaphore(%arg16 : memref<!tpu.dma_semaphore, #tpu.memory_space<semaphore_mem>>)
    %dma_wait3A_176 = arith.constant 256 : i32
    %dma_wait3A_177 = tpu.memref_slice %arg7[%dma_wait3A_176] : memref<512xf32, #tpu.memory_space<vmem>> -> memref<128xf32, #tpu.memory_space<vmem>>
    %dma_wait3A_178 = arith.constant 256 : i32
    %dma_wait3A_179 = tpu.memref_slice %arg6[%dma_wait3A_178] : memref<512xi32, #tpu.memory_space<vmem>> -> memref<128xi32, #tpu.memory_space<vmem>>
    %dma_wait3A_180 = arith.constant 0 : i32
    %dma_wait3A_181 = tpu.memref_slice %arg3[%dma_wait3A_180] : memref<1048576xf32, #tpu.memory_space<hbm>> -> memref<1048576xf32, #tpu.memory_space<hbm>>
    tpu.wait_indirect_dma semaphore(%arg14 : memref<!tpu.dma_semaphore, #tpu.memory_space<semaphore_mem>>) src(%dma_wait3A_181 : memref<1048576xf32, #tpu.memory_space<hbm>>) dst(%dma_wait3A_177 : memref<128xf32, #tpu.memory_space<vmem>>)
    %scan3A_182 = arith.constant 0 : i32
    %scan3A_183 = arith.constant 0 : i32
    %scan3A_184 = arith.constant 8 : i32
    %scan3A_185 = arith.addi %scan3A_183, %scan3A_184 : i32
    %scan3A_186 = arith.constant 4 : i32
    scf.for %scan3A_240 = %scan3A_183 to %scan3A_185 step %scan3A_186  : i32 {
      %mul3A_241 = arith.constant 16 : i32
      %mul3A_242 = arith.muli %scan3A_240, %mul3A_241 : i32
      %add3A_243 = arith.constant 256 : i32
      %add3A_244 = arith.addi %add3A_243, %mul3A_242 : i32
      %get3A = arith.index_cast %add3A_244 : i32 to index
      %get3A_245 = tpu.vector_load %arg7[%get3A] {strides = array<i32>} : memref<512xf32, #tpu.memory_space<vmem>>, vector<16xf32>,
      %get3A_246 = vector.shape_cast %get3A_245 : vector<16xf32> to vector<16xf32>
      %bitcast_convert_type3A = tpu.bitcast %get3A_246 : vector<16xf32> -> vector<16xi32>
      %shift_right_arithmetic3A = arith.constant 23 : i32
      %shift_right_arithmetic3A_247 = vector.broadcast %shift_right_arithmetic3A : i32 to vector<16xi32>
      %shift_right_arithmetic3A_248 = arith.shrsi %bitcast_convert_type3A, %shift_right_arithmetic3A_247 : vector<16xi32>
      %sub3A = arith.constant 127 : i32
      %sub3A_249 = vector.broadcast %sub3A : i32 to vector<16xi32>
      %sub3A_250 = arith.subi %shift_right_arithmetic3A_248, %sub3A_249 : vector<16xi32>
      %and3A = arith.constant 8388607 : i32
      %and3A_251 = vector.broadcast %and3A : i32 to vector<16xi32>
      %and3A_252 = arith.andi %bitcast_convert_type3A, %and3A_251 : vector<16xi32>
      %or3A = arith.constant 1065353216 : i32
      %or3A_253 = vector.broadcast %or3A : i32 to vector<16xi32>
      %or3A_254 = arith.ori %and3A_252, %or3A_253 : vector<16xi32>
      %bitcast_convert_type3A_255 = tpu.bitcast %or3A_254 : vector<16xi32> -> vector<16xf32>
      %gt3A = arith.constant 1.41421354 : f32
      %gt3A_256 = vector.broadcast %gt3A : f32 to vector<16xf32>
      %gt3A_257 = arith.cmpf ogt, %bitcast_convert_type3A_255, %gt3A_256 : vector<16xf32>
      %mul3A_258 = arith.constant 5.000000e-01 : f32
      %mul3A_259 = vector.broadcast %mul3A_258 : f32 to vector<16xf32>
      %mul3A_260 = arith.mulf %bitcast_convert_type3A_255, %mul3A_259 : vector<16xf32>
      %select_n3A = arith.select %gt3A_257, %mul3A_260, %bitcast_convert_type3A_255 : vector<16xi1>, vector<16xf32>
      %add3A_261 = arith.constant 1 : i32
      %add3A_262 = vector.broadcast %add3A_261 : i32 to vector<16xi32>
      %add3A_263 = arith.addi %sub3A_250, %add3A_262 : vector<16xi32>
      %select_n3A_264 = arith.select %gt3A_257, %add3A_263, %sub3A_250 : vector<16xi1>, vector<16xi32>
      %sub3A_265 = arith.constant 1.000000e+00 : f32
      %sub3A_266 = vector.broadcast %sub3A_265 : f32 to vector<16xf32>
      %sub3A_267 = arith.subf %select_n3A, %sub3A_266 : vector<16xf32>
      %broadcast_in_dim3A = arith.constant -0.136236891 : f32
      %broadcast_in_dim3A_268 = vector.broadcast %broadcast_in_dim3A : f32 to vector<16xf32>
      %mul3A_269 = arith.mulf %broadcast_in_dim3A_268, %sub3A_267 : vector<16xf32>
      %add3A_270 = arith.constant 0.221747577 : f32
      %add3A_271 = vector.broadcast %add3A_270 : f32 to vector<16xf32>
      %add3A_272 = arith.addf %mul3A_269, %add3A_271 : vector<16xf32>
      %mul3A_273 = arith.mulf %add3A_272, %sub3A_267 : vector<16xf32>
      %add3A_274 = arith.constant -0.256027222 : f32
      %add3A_275 = vector.broadcast %add3A_274 : f32 to vector<16xf32>
      %add3A_276 = arith.addf %mul3A_273, %add3A_275 : vector<16xf32>
      %mul3A_277 = arith.mulf %add3A_276, %sub3A_267 : vector<16xf32>
      %add3A_278 = arith.constant 0.332424909 : f32
      %add3A_279 = vector.broadcast %add3A_278 : f32 to vector<16xf32>
      %add3A_280 = arith.addf %mul3A_277, %add3A_279 : vector<16xf32>
      %mul3A_281 = arith.mulf %add3A_280, %sub3A_267 : vector<16xf32>
      %add3A_282 = arith.constant -0.499773651 : f32
      %add3A_283 = vector.broadcast %add3A_282 : f32 to vector<16xf32>
      %add3A_284 = arith.addf %mul3A_281, %add3A_283 : vector<16xf32>
      %mul3A_285 = arith.mulf %add3A_284, %sub3A_267 : vector<16xf32>
      %add3A_286 = arith.constant 1.000010e+00 : f32
      %add3A_287 = vector.broadcast %add3A_286 : f32 to vector<16xf32>
      %add3A_288 = arith.addf %mul3A_285, %add3A_287 : vector<16xf32>
      %mul3A_289 = arith.mulf %add3A_288, %sub3A_267 : vector<16xf32>
      %add3A_290 = arith.constant -1.1755003E-6 : f32
      %add3A_291 = vector.broadcast %add3A_290 : f32 to vector<16xf32>
      %add3A_292 = arith.addf %mul3A_289, %add3A_291 : vector<16xf32>
      %convert_element_type3A = arith.sitofp %select_n3A_264 : vector<16xi32> to vector<16xf32>
      %mul3A_293 = arith.constant 0.693147182 : f32
      %mul3A_294 = vector.broadcast %mul3A_293 : f32 to vector<16xf32>
      %mul3A_295 = arith.mulf %convert_element_type3A, %mul3A_294 : vector<16xf32>
      %add3A_296 = arith.addf %mul3A_295, %add3A_292 : vector<16xf32>
      %swap3A = arith.index_cast %add3A_244 : i32 to index
      %swap3A_297 = tpu.vector_load %arg7[%swap3A] {strides = array<i32>} : memref<512xf32, #tpu.memory_space<vmem>>, vector<16xf32>,
      %swap3A_298 = vector.shape_cast %swap3A_297 : vector<16xf32> to vector<16xf32>
      %swap3A_299 = vector.shape_cast %add3A_296 : vector<16xf32> to vector<16xf32>
      tpu.vector_store %arg7[%swap3A], %swap3A_299 {strides = array<i32>} : memref<512xf32, #tpu.memory_space<vmem>>, vector<16xf32>,
      %scan3A_300 = arith.constant 1 : i32
      %scan3A_301 = arith.addi %scan3A_240, %scan3A_300 : i32
      %mul3A_302 = arith.constant 16 : i32
      %mul3A_303 = arith.muli %scan3A_301, %mul3A_302 : i32
      %add3A_304 = arith.constant 256 : i32
      %add3A_305 = arith.addi %add3A_304, %mul3A_303 : i32
      %get3A_306 = arith.index_cast %add3A_305 : i32 to index
      %get3A_307 = tpu.vector_load %arg7[%get3A_306] {strides = array<i32>} : memref<512xf32, #tpu.memory_space<vmem>>, vector<16xf32>,
      %get3A_308 = vector.shape_cast %get3A_307 : vector<16xf32> to vector<16xf32>
      %bitcast_convert_type3A_309 = tpu.bitcast %get3A_308 : vector<16xf32> -> vector<16xi32>
      %shift_right_arithmetic3A_310 = arith.constant 23 : i32
      %shift_right_arithmetic3A_311 = vector.broadcast %shift_right_arithmetic3A_310 : i32 to vector<16xi32>
      %shift_right_arithmetic3A_312 = arith.shrsi %bitcast_convert_type3A_309, %shift_right_arithmetic3A_311 : vector<16xi32>
      %sub3A_313 = arith.constant 127 : i32
      %sub3A_314 = vector.broadcast %sub3A_313 : i32 to vector<16xi32>
      %sub3A_315 = arith.subi %shift_right_arithmetic3A_312, %sub3A_314 : vector<16xi32>
      %and3A_316 = arith.constant 8388607 : i32
      %and3A_317 = vector.broadcast %and3A_316 : i32 to vector<16xi32>
      %and3A_318 = arith.andi %bitcast_convert_type3A_309, %and3A_317 : vector<16xi32>
      %or3A_319 = arith.constant 1065353216 : i32
      %or3A_320 = vector.broadcast %or3A_319 : i32 to vector<16xi32>
      %or3A_321 = arith.ori %and3A_318, %or3A_320 : vector<16xi32>
      %bitcast_convert_type3A_322 = tpu.bitcast %or3A_321 : vector<16xi32> -> vector<16xf32>
      %gt3A_323 = arith.constant 1.41421354 : f32
      %gt3A_324 = vector.broadcast %gt3A_323 : f32 to vector<16xf32>
      %gt3A_325 = arith.cmpf ogt, %bitcast_convert_type3A_322, %gt3A_324 : vector<16xf32>
      %mul3A_326 = arith.constant 5.000000e-01 : f32
      %mul3A_327 = vector.broadcast %mul3A_326 : f32 to vector<16xf32>
      %mul3A_328 = arith.mulf %bitcast_convert_type3A_322, %mul3A_327 : vector<16xf32>
      %select_n3A_329 = arith.select %gt3A_325, %mul3A_328, %bitcast_convert_type3A_322 : vector<16xi1>, vector<16xf32>
      %add3A_330 = arith.constant 1 : i32
      %add3A_331 = vector.broadcast %add3A_330 : i32 to vector<16xi32>
      %add3A_332 = arith.addi %sub3A_315, %add3A_331 : vector<16xi32>
      %select_n3A_333 = arith.select %gt3A_325, %add3A_332, %sub3A_315 : vector<16xi1>, vector<16xi32>
      %sub3A_334 = arith.constant 1.000000e+00 : f32
      %sub3A_335 = vector.broadcast %sub3A_334 : f32 to vector<16xf32>
      %sub3A_336 = arith.subf %select_n3A_329, %sub3A_335 : vector<16xf32>
      %broadcast_in_dim3A_337 = arith.constant -0.136236891 : f32
      %broadcast_in_dim3A_338 = vector.broadcast %broadcast_in_dim3A_337 : f32 to vector<16xf32>
      %mul3A_339 = arith.mulf %broadcast_in_dim3A_338, %sub3A_336 : vector<16xf32>
      %add3A_340 = arith.constant 0.221747577 : f32
      %add3A_341 = vector.broadcast %add3A_340 : f32 to vector<16xf32>
      %add3A_342 = arith.addf %mul3A_339, %add3A_341 : vector<16xf32>
      %mul3A_343 = arith.mulf %add3A_342, %sub3A_336 : vector<16xf32>
      %add3A_344 = arith.constant -0.256027222 : f32
      %add3A_345 = vector.broadcast %add3A_344 : f32 to vector<16xf32>
      %add3A_346 = arith.addf %mul3A_343, %add3A_345 : vector<16xf32>
      %mul3A_347 = arith.mulf %add3A_346, %sub3A_336 : vector<16xf32>
      %add3A_348 = arith.constant 0.332424909 : f32
      %add3A_349 = vector.broadcast %add3A_348 : f32 to vector<16xf32>
      %add3A_350 = arith.addf %mul3A_347, %add3A_349 : vector<16xf32>
      %mul3A_351 = arith.mulf %add3A_350, %sub3A_336 : vector<16xf32>
      %add3A_352 = arith.constant -0.499773651 : f32
      %add3A_353 = vector.broadcast %add3A_352 : f32 to vector<16xf32>
      %add3A_354 = arith.addf %mul3A_351, %add3A_353 : vector<16xf32>
      %mul3A_355 = arith.mulf %add3A_354, %sub3A_336 : vector<16xf32>
      %add3A_356 = arith.constant 1.000010e+00 : f32
      %add3A_357 = vector.broadcast %add3A_356 : f32 to vector<16xf32>
      %add3A_358 = arith.addf %mul3A_355, %add3A_357 : vector<16xf32>
      %mul3A_359 = arith.mulf %add3A_358, %sub3A_336 : vector<16xf32>
      %add3A_360 = arith.constant -1.1755003E-6 : f32
      %add3A_361 = vector.broadcast %add3A_360 : f32 to vector<16xf32>
      %add3A_362 = arith.addf %mul3A_359, %add3A_361 : vector<16xf32>
      %convert_element_type3A_363 = arith.sitofp %select_n3A_333 : vector<16xi32> to vector<16xf32>
      %mul3A_364 = arith.constant 0.693147182 : f32
      %mul3A_365 = vector.broadcast %mul3A_364 : f32 to vector<16xf32>
      %mul3A_366 = arith.mulf %convert_element_type3A_363, %mul3A_365 : vector<16xf32>
      %add3A_367 = arith.addf %mul3A_366, %add3A_362 : vector<16xf32>
      %swap3A_368 = arith.index_cast %add3A_305 : i32 to index
      %swap3A_369 = tpu.vector_load %arg7[%swap3A_368] {strides = array<i32>} : memref<512xf32, #tpu.memory_space<vmem>>, vector<16xf32>,
      %swap3A_370 = vector.shape_cast %swap3A_369 : vector<16xf32> to vector<16xf32>
      %swap3A_371 = vector.shape_cast %add3A_367 : vector<16xf32> to vector<16xf32>
      tpu.vector_store %arg7[%swap3A_368], %swap3A_371 {strides = array<i32>} : memref<512xf32, #tpu.memory_space<vmem>>, vector<16xf32>,
      %scan3A_372 = arith.constant 2 : i32
      %scan3A_373 = arith.addi %scan3A_240, %scan3A_372 : i32
      %mul3A_374 = arith.constant 16 : i32
      %mul3A_375 = arith.muli %scan3A_373, %mul3A_374 : i32
      %add3A_376 = arith.constant 256 : i32
      %add3A_377 = arith.addi %add3A_376, %mul3A_375 : i32
      %get3A_378 = arith.index_cast %add3A_377 : i32 to index
      %get3A_379 = tpu.vector_load %arg7[%get3A_378] {strides = array<i32>} : memref<512xf32, #tpu.memory_space<vmem>>, vector<16xf32>,
      %get3A_380 = vector.shape_cast %get3A_379 : vector<16xf32> to vector<16xf32>
      %bitcast_convert_type3A_381 = tpu.bitcast %get3A_380 : vector<16xf32> -> vector<16xi32>
      %shift_right_arithmetic3A_382 = arith.constant 23 : i32
      %shift_right_arithmetic3A_383 = vector.broadcast %shift_right_arithmetic3A_382 : i32 to vector<16xi32>
      %shift_right_arithmetic3A_384 = arith.shrsi %bitcast_convert_type3A_381, %shift_right_arithmetic3A_383 : vector<16xi32>
      %sub3A_385 = arith.constant 127 : i32
      %sub3A_386 = vector.broadcast %sub3A_385 : i32 to vector<16xi32>
      %sub3A_387 = arith.subi %shift_right_arithmetic3A_384, %sub3A_386 : vector<16xi32>
      %and3A_388 = arith.constant 8388607 : i32
      %and3A_389 = vector.broadcast %and3A_388 : i32 to vector<16xi32>
      %and3A_390 = arith.andi %bitcast_convert_type3A_381, %and3A_389 : vector<16xi32>
      %or3A_391 = arith.constant 1065353216 : i32
      %or3A_392 = vector.broadcast %or3A_391 : i32 to vector<16xi32>
      %or3A_393 = arith.ori %and3A_390, %or3A_392 : vector<16xi32>
      %bitcast_convert_type3A_394 = tpu.bitcast %or3A_393 : vector<16xi32> -> vector<16xf32>
      %gt3A_395 = arith.constant 1.41421354 : f32
      %gt3A_396 = vector.broadcast %gt3A_395 : f32 to vector<16xf32>
      %gt3A_397 = arith.cmpf ogt, %bitcast_convert_type3A_394, %gt3A_396 : vector<16xf32>
      %mul3A_398 = arith.constant 5.000000e-01 : f32
      %mul3A_399 = vector.broadcast %mul3A_398 : f32 to vector<16xf32>
      %mul3A_400 = arith.mulf %bitcast_convert_type3A_394, %mul3A_399 : vector<16xf32>
      %select_n3A_401 = arith.select %gt3A_397, %mul3A_400, %bitcast_convert_type3A_394 : vector<16xi1>, vector<16xf32>
      %add3A_402 = arith.constant 1 : i32
      %add3A_403 = vector.broadcast %add3A_402 : i32 to vector<16xi32>
      %add3A_404 = arith.addi %sub3A_387, %add3A_403 : vector<16xi32>
      %select_n3A_405 = arith.select %gt3A_397, %add3A_404, %sub3A_387 : vector<16xi1>, vector<16xi32>
      %sub3A_406 = arith.constant 1.000000e+00 : f32
      %sub3A_407 = vector.broadcast %sub3A_406 : f32 to vector<16xf32>
      %sub3A_408 = arith.subf %select_n3A_401, %sub3A_407 : vector<16xf32>
      %broadcast_in_dim3A_409 = arith.constant -0.136236891 : f32
      %broadcast_in_dim3A_410 = vector.broadcast %broadcast_in_dim3A_409 : f32 to vector<16xf32>
      %mul3A_411 = arith.mulf %broadcast_in_dim3A_410, %sub3A_408 : vector<16xf32>
      %add3A_412 = arith.constant 0.221747577 : f32
      %add3A_413 = vector.broadcast %add3A_412 : f32 to vector<16xf32>
      %add3A_414 = arith.addf %mul3A_411, %add3A_413 : vector<16xf32>
      %mul3A_415 = arith.mulf %add3A_414, %sub3A_408 : vector<16xf32>
      %add3A_416 = arith.constant -0.256027222 : f32
      %add3A_417 = vector.broadcast %add3A_416 : f32 to vector<16xf32>
      %add3A_418 = arith.addf %mul3A_415, %add3A_417 : vector<16xf32>
      %mul3A_419 = arith.mulf %add3A_418, %sub3A_408 : vector<16xf32>
      %add3A_420 = arith.constant 0.332424909 : f32
      %add3A_421 = vector.broadcast %add3A_420 : f32 to vector<16xf32>
      %add3A_422 = arith.addf %mul3A_419, %add3A_421 : vector<16xf32>
      %mul3A_423 = arith.mulf %add3A_422, %sub3A_408 : vector<16xf32>
      %add3A_424 = arith.constant -0.499773651 : f32
      %add3A_425 = vector.broadcast %add3A_424 : f32 to vector<16xf32>
      %add3A_426 = arith.addf %mul3A_423, %add3A_425 : vector<16xf32>
      %mul3A_427 = arith.mulf %add3A_426, %sub3A_408 : vector<16xf32>
      %add3A_428 = arith.constant 1.000010e+00 : f32
      %add3A_429 = vector.broadcast %add3A_428 : f32 to vector<16xf32>
      %add3A_430 = arith.addf %mul3A_427, %add3A_429 : vector<16xf32>
      %mul3A_431 = arith.mulf %add3A_430, %sub3A_408 : vector<16xf32>
      %add3A_432 = arith.constant -1.1755003E-6 : f32
      %add3A_433 = vector.broadcast %add3A_432 : f32 to vector<16xf32>
      %add3A_434 = arith.addf %mul3A_431, %add3A_433 : vector<16xf32>
      %convert_element_type3A_435 = arith.sitofp %select_n3A_405 : vector<16xi32> to vector<16xf32>
      %mul3A_436 = arith.constant 0.693147182 : f32
      %mul3A_437 = vector.broadcast %mul3A_436 : f32 to vector<16xf32>
      %mul3A_438 = arith.mulf %convert_element_type3A_435, %mul3A_437 : vector<16xf32>
      %add3A_439 = arith.addf %mul3A_438, %add3A_434 : vector<16xf32>
      %swap3A_440 = arith.index_cast %add3A_377 : i32 to index
      %swap3A_441 = tpu.vector_load %arg7[%swap3A_440] {strides = array<i32>} : memref<512xf32, #tpu.memory_space<vmem>>, vector<16xf32>,
      %swap3A_442 = vector.shape_cast %swap3A_441 : vector<16xf32> to vector<16xf32>
      %swap3A_443 = vector.shape_cast %add3A_439 : vector<16xf32> to vector<16xf32>
      tpu.vector_store %arg7[%swap3A_440], %swap3A_443 {strides = array<i32>} : memref<512xf32, #tpu.memory_space<vmem>>, vector<16xf32>,
      %scan3A_444 = arith.constant 3 : i32
      %scan3A_445 = arith.addi %scan3A_240, %scan3A_444 : i32
      %mul3A_446 = arith.constant 16 : i32
      %mul3A_447 = arith.muli %scan3A_445, %mul3A_446 : i32
      %add3A_448 = arith.constant 256 : i32
      %add3A_449 = arith.addi %add3A_448, %mul3A_447 : i32
      %get3A_450 = arith.index_cast %add3A_449 : i32 to index
      %get3A_451 = tpu.vector_load %arg7[%get3A_450] {strides = array<i32>} : memref<512xf32, #tpu.memory_space<vmem>>, vector<16xf32>,
      %get3A_452 = vector.shape_cast %get3A_451 : vector<16xf32> to vector<16xf32>
      %bitcast_convert_type3A_453 = tpu.bitcast %get3A_452 : vector<16xf32> -> vector<16xi32>
      %shift_right_arithmetic3A_454 = arith.constant 23 : i32
      %shift_right_arithmetic3A_455 = vector.broadcast %shift_right_arithmetic3A_454 : i32 to vector<16xi32>
      %shift_right_arithmetic3A_456 = arith.shrsi %bitcast_convert_type3A_453, %shift_right_arithmetic3A_455 : vector<16xi32>
      %sub3A_457 = arith.constant 127 : i32
      %sub3A_458 = vector.broadcast %sub3A_457 : i32 to vector<16xi32>
      %sub3A_459 = arith.subi %shift_right_arithmetic3A_456, %sub3A_458 : vector<16xi32>
      %and3A_460 = arith.constant 8388607 : i32
      %and3A_461 = vector.broadcast %and3A_460 : i32 to vector<16xi32>
      %and3A_462 = arith.andi %bitcast_convert_type3A_453, %and3A_461 : vector<16xi32>
      %or3A_463 = arith.constant 1065353216 : i32
      %or3A_464 = vector.broadcast %or3A_463 : i32 to vector<16xi32>
      %or3A_465 = arith.ori %and3A_462, %or3A_464 : vector<16xi32>
      %bitcast_convert_type3A_466 = tpu.bitcast %or3A_465 : vector<16xi32> -> vector<16xf32>
      %gt3A_467 = arith.constant 1.41421354 : f32
      %gt3A_468 = vector.broadcast %gt3A_467 : f32 to vector<16xf32>
      %gt3A_469 = arith.cmpf ogt, %bitcast_convert_type3A_466, %gt3A_468 : vector<16xf32>
      %mul3A_470 = arith.constant 5.000000e-01 : f32
      %mul3A_471 = vector.broadcast %mul3A_470 : f32 to vector<16xf32>
      %mul3A_472 = arith.mulf %bitcast_convert_type3A_466, %mul3A_471 : vector<16xf32>
      %select_n3A_473 = arith.select %gt3A_469, %mul3A_472, %bitcast_convert_type3A_466 : vector<16xi1>, vector<16xf32>
      %add3A_474 = arith.constant 1 : i32
      %add3A_475 = vector.broadcast %add3A_474 : i32 to vector<16xi32>
      %add3A_476 = arith.addi %sub3A_459, %add3A_475 : vector<16xi32>
      %select_n3A_477 = arith.select %gt3A_469, %add3A_476, %sub3A_459 : vector<16xi1>, vector<16xi32>
      %sub3A_478 = arith.constant 1.000000e+00 : f32
      %sub3A_479 = vector.broadcast %sub3A_478 : f32 to vector<16xf32>
      %sub3A_480 = arith.subf %select_n3A_473, %sub3A_479 : vector<16xf32>
      %broadcast_in_dim3A_481 = arith.constant -0.136236891 : f32
      %broadcast_in_dim3A_482 = vector.broadcast %broadcast_in_dim3A_481 : f32 to vector<16xf32>
      %mul3A_483 = arith.mulf %broadcast_in_dim3A_482, %sub3A_480 : vector<16xf32>
      %add3A_484 = arith.constant 0.221747577 : f32
      %add3A_485 = vector.broadcast %add3A_484 : f32 to vector<16xf32>
      %add3A_486 = arith.addf %mul3A_483, %add3A_485 : vector<16xf32>
      %mul3A_487 = arith.mulf %add3A_486, %sub3A_480 : vector<16xf32>
      %add3A_488 = arith.constant -0.256027222 : f32
      %add3A_489 = vector.broadcast %add3A_488 : f32 to vector<16xf32>
      %add3A_490 = arith.addf %mul3A_487, %add3A_489 : vector<16xf32>
      %mul3A_491 = arith.mulf %add3A_490, %sub3A_480 : vector<16xf32>
      %add3A_492 = arith.constant 0.332424909 : f32
      %add3A_493 = vector.broadcast %add3A_492 : f32 to vector<16xf32>
      %add3A_494 = arith.addf %mul3A_491, %add3A_493 : vector<16xf32>
      %mul3A_495 = arith.mulf %add3A_494, %sub3A_480 : vector<16xf32>
      %add3A_496 = arith.constant -0.499773651 : f32
      %add3A_497 = vector.broadcast %add3A_496 : f32 to vector<16xf32>
      %add3A_498 = arith.addf %mul3A_495, %add3A_497 : vector<16xf32>
      %mul3A_499 = arith.mulf %add3A_498, %sub3A_480 : vector<16xf32>
      %add3A_500 = arith.constant 1.000010e+00 : f32
      %add3A_501 = vector.broadcast %add3A_500 : f32 to vector<16xf32>
      %add3A_502 = arith.addf %mul3A_499, %add3A_501 : vector<16xf32>
      %mul3A_503 = arith.mulf %add3A_502, %sub3A_480 : vector<16xf32>
      %add3A_504 = arith.constant -1.1755003E-6 : f32
      %add3A_505 = vector.broadcast %add3A_504 : f32 to vector<16xf32>
      %add3A_506 = arith.addf %mul3A_503, %add3A_505 : vector<16xf32>
      %convert_element_type3A_507 = arith.sitofp %select_n3A_477 : vector<16xi32> to vector<16xf32>
      %mul3A_508 = arith.constant 0.693147182 : f32
      %mul3A_509 = vector.broadcast %mul3A_508 : f32 to vector<16xf32>
      %mul3A_510 = arith.mulf %convert_element_type3A_507, %mul3A_509 : vector<16xf32>
      %add3A_511 = arith.addf %mul3A_510, %add3A_506 : vector<16xf32>
      %swap3A_512 = arith.index_cast %add3A_449 : i32 to index
      %swap3A_513 = tpu.vector_load %arg7[%swap3A_512] {strides = array<i32>} : memref<512xf32, #tpu.memory_space<vmem>>, vector<16xf32>,
      %swap3A_514 = vector.shape_cast %swap3A_513 : vector<16xf32> to vector<16xf32>
      %swap3A_515 = vector.shape_cast %add3A_511 : vector<16xf32> to vector<16xf32>
      tpu.vector_store %arg7[%swap3A_512], %swap3A_515 {strides = array<i32>} : memref<512xf32, #tpu.memory_space<vmem>>, vector<16xf32>,
    }
    %scan3A_187 = arith.constant 8 : i32
    %add3A_188 = arith.constant 256 : i32
    %add3A_189 = arith.addi %mul3A_2, %add3A_188 : i32
    %dma_start3A_190 = arith.constant 256 : i32
    %dma_start3A_191 = tpu.memref_slice %arg7[%dma_start3A_190] : memref<512xf32, #tpu.memory_space<vmem>> -> memref<128xf32, #tpu.memory_space<vmem>>
    %dma_start3A_192 = tpu.memref_slice %arg4[%add3A_189] : memref<16384xf32, #tpu.memory_space<hbm>> -> memref<128xf32, #tpu.memory_space<hbm>>
    %dma_start3A_193 = tpu.memref_slice %arg4[%add3A_189] : memref<16384xf32, #tpu.memory_space<hbm>> -> memref<128xf32, #tpu.memory_space<hbm>>
    %dma_start3A_194 = arith.constant 256 : i32
    %dma_start3A_195 = tpu.memref_slice %arg7[%dma_start3A_194] : memref<512xf32, #tpu.memory_space<vmem>> -> memref<128xf32, #tpu.memory_space<vmem>>
    tpu.enqueue_dma source(%dma_start3A_195 : memref<128xf32, #tpu.memory_space<vmem>>) target(%dma_start3A_193 : memref<128xf32, #tpu.memory_space<hbm>>) target_semaphore(%arg16 : memref<!tpu.dma_semaphore, #tpu.memory_space<semaphore_mem>>)
    %dma_wait3A_196 = arith.constant 384 : i32
    %dma_wait3A_197 = tpu.memref_slice %arg7[%dma_wait3A_196] : memref<512xf32, #tpu.memory_space<vmem>> -> memref<128xf32, #tpu.memory_space<vmem>>
    %dma_wait3A_198 = arith.constant 384 : i32
    %dma_wait3A_199 = tpu.memref_slice %arg6[%dma_wait3A_198] : memref<512xi32, #tpu.memory_space<vmem>> -> memref<128xi32, #tpu.memory_space<vmem>>
    %dma_wait3A_200 = arith.constant 0 : i32
    %dma_wait3A_201 = tpu.memref_slice %arg3[%dma_wait3A_200] : memref<1048576xf32, #tpu.memory_space<hbm>> -> memref<1048576xf32, #tpu.memory_space<hbm>>
    tpu.wait_indirect_dma semaphore(%arg15 : memref<!tpu.dma_semaphore, #tpu.memory_space<semaphore_mem>>) src(%dma_wait3A_201 : memref<1048576xf32, #tpu.memory_space<hbm>>) dst(%dma_wait3A_197 : memref<128xf32, #tpu.memory_space<vmem>>)
    %scan3A_202 = arith.constant 0 : i32
    %scan3A_203 = arith.constant 0 : i32
    %scan3A_204 = arith.constant 8 : i32
    %scan3A_205 = arith.addi %scan3A_203, %scan3A_204 : i32
    %scan3A_206 = arith.constant 4 : i32
    scf.for %scan3A_240 = %scan3A_203 to %scan3A_205 step %scan3A_206  : i32 {
      %mul3A_241 = arith.constant 16 : i32
      %mul3A_242 = arith.muli %scan3A_240, %mul3A_241 : i32
      %add3A_243 = arith.constant 384 : i32
      %add3A_244 = arith.addi %add3A_243, %mul3A_242 : i32
      %get3A = arith.index_cast %add3A_244 : i32 to index
      %get3A_245 = tpu.vector_load %arg7[%get3A] {strides = array<i32>} : memref<512xf32, #tpu.memory_space<vmem>>, vector<16xf32>,
      %get3A_246 = vector.shape_cast %get3A_245 : vector<16xf32> to vector<16xf32>
      %bitcast_convert_type3A = tpu.bitcast %get3A_246 : vector<16xf32> -> vector<16xi32>
      %shift_right_arithmetic3A = arith.constant 23 : i32
      %shift_right_arithmetic3A_247 = vector.broadcast %shift_right_arithmetic3A : i32 to vector<16xi32>
      %shift_right_arithmetic3A_248 = arith.shrsi %bitcast_convert_type3A, %shift_right_arithmetic3A_247 : vector<16xi32>
      %sub3A = arith.constant 127 : i32
      %sub3A_249 = vector.broadcast %sub3A : i32 to vector<16xi32>
      %sub3A_250 = arith.subi %shift_right_arithmetic3A_248, %sub3A_249 : vector<16xi32>
      %and3A = arith.constant 8388607 : i32
      %and3A_251 = vector.broadcast %and3A : i32 to vector<16xi32>
      %and3A_252 = arith.andi %bitcast_convert_type3A, %and3A_251 : vector<16xi32>
      %or3A = arith.constant 1065353216 : i32
      %or3A_253 = vector.broadcast %or3A : i32 to vector<16xi32>
      %or3A_254 = arith.ori %and3A_252, %or3A_253 : vector<16xi32>
      %bitcast_convert_type3A_255 = tpu.bitcast %or3A_254 : vector<16xi32> -> vector<16xf32>
      %gt3A = arith.constant 1.41421354 : f32
      %gt3A_256 = vector.broadcast %gt3A : f32 to vector<16xf32>
      %gt3A_257 = arith.cmpf ogt, %bitcast_convert_type3A_255, %gt3A_256 : vector<16xf32>
      %mul3A_258 = arith.constant 5.000000e-01 : f32
      %mul3A_259 = vector.broadcast %mul3A_258 : f32 to vector<16xf32>
      %mul3A_260 = arith.mulf %bitcast_convert_type3A_255, %mul3A_259 : vector<16xf32>
      %select_n3A = arith.select %gt3A_257, %mul3A_260, %bitcast_convert_type3A_255 : vector<16xi1>, vector<16xf32>
      %add3A_261 = arith.constant 1 : i32
      %add3A_262 = vector.broadcast %add3A_261 : i32 to vector<16xi32>
      %add3A_263 = arith.addi %sub3A_250, %add3A_262 : vector<16xi32>
      %select_n3A_264 = arith.select %gt3A_257, %add3A_263, %sub3A_250 : vector<16xi1>, vector<16xi32>
      %sub3A_265 = arith.constant 1.000000e+00 : f32
      %sub3A_266 = vector.broadcast %sub3A_265 : f32 to vector<16xf32>
      %sub3A_267 = arith.subf %select_n3A, %sub3A_266 : vector<16xf32>
      %broadcast_in_dim3A = arith.constant -0.136236891 : f32
      %broadcast_in_dim3A_268 = vector.broadcast %broadcast_in_dim3A : f32 to vector<16xf32>
      %mul3A_269 = arith.mulf %broadcast_in_dim3A_268, %sub3A_267 : vector<16xf32>
      %add3A_270 = arith.constant 0.221747577 : f32
      %add3A_271 = vector.broadcast %add3A_270 : f32 to vector<16xf32>
      %add3A_272 = arith.addf %mul3A_269, %add3A_271 : vector<16xf32>
      %mul3A_273 = arith.mulf %add3A_272, %sub3A_267 : vector<16xf32>
      %add3A_274 = arith.constant -0.256027222 : f32
      %add3A_275 = vector.broadcast %add3A_274 : f32 to vector<16xf32>
      %add3A_276 = arith.addf %mul3A_273, %add3A_275 : vector<16xf32>
      %mul3A_277 = arith.mulf %add3A_276, %sub3A_267 : vector<16xf32>
      %add3A_278 = arith.constant 0.332424909 : f32
      %add3A_279 = vector.broadcast %add3A_278 : f32 to vector<16xf32>
      %add3A_280 = arith.addf %mul3A_277, %add3A_279 : vector<16xf32>
      %mul3A_281 = arith.mulf %add3A_280, %sub3A_267 : vector<16xf32>
      %add3A_282 = arith.constant -0.499773651 : f32
      %add3A_283 = vector.broadcast %add3A_282 : f32 to vector<16xf32>
      %add3A_284 = arith.addf %mul3A_281, %add3A_283 : vector<16xf32>
      %mul3A_285 = arith.mulf %add3A_284, %sub3A_267 : vector<16xf32>
      %add3A_286 = arith.constant 1.000010e+00 : f32
      %add3A_287 = vector.broadcast %add3A_286 : f32 to vector<16xf32>
      %add3A_288 = arith.addf %mul3A_285, %add3A_287 : vector<16xf32>
      %mul3A_289 = arith.mulf %add3A_288, %sub3A_267 : vector<16xf32>
      %add3A_290 = arith.constant -1.1755003E-6 : f32
      %add3A_291 = vector.broadcast %add3A_290 : f32 to vector<16xf32>
      %add3A_292 = arith.addf %mul3A_289, %add3A_291 : vector<16xf32>
      %convert_element_type3A = arith.sitofp %select_n3A_264 : vector<16xi32> to vector<16xf32>
      %mul3A_293 = arith.constant 0.693147182 : f32
      %mul3A_294 = vector.broadcast %mul3A_293 : f32 to vector<16xf32>
      %mul3A_295 = arith.mulf %convert_element_type3A, %mul3A_294 : vector<16xf32>
      %add3A_296 = arith.addf %mul3A_295, %add3A_292 : vector<16xf32>
      %swap3A = arith.index_cast %add3A_244 : i32 to index
      %swap3A_297 = tpu.vector_load %arg7[%swap3A] {strides = array<i32>} : memref<512xf32, #tpu.memory_space<vmem>>, vector<16xf32>,
      %swap3A_298 = vector.shape_cast %swap3A_297 : vector<16xf32> to vector<16xf32>
      %swap3A_299 = vector.shape_cast %add3A_296 : vector<16xf32> to vector<16xf32>
      tpu.vector_store %arg7[%swap3A], %swap3A_299 {strides = array<i32>} : memref<512xf32, #tpu.memory_space<vmem>>, vector<16xf32>,
      %scan3A_300 = arith.constant 1 : i32
      %scan3A_301 = arith.addi %scan3A_240, %scan3A_300 : i32
      %mul3A_302 = arith.constant 16 : i32
      %mul3A_303 = arith.muli %scan3A_301, %mul3A_302 : i32
      %add3A_304 = arith.constant 384 : i32
      %add3A_305 = arith.addi %add3A_304, %mul3A_303 : i32
      %get3A_306 = arith.index_cast %add3A_305 : i32 to index
      %get3A_307 = tpu.vector_load %arg7[%get3A_306] {strides = array<i32>} : memref<512xf32, #tpu.memory_space<vmem>>, vector<16xf32>,
      %get3A_308 = vector.shape_cast %get3A_307 : vector<16xf32> to vector<16xf32>
      %bitcast_convert_type3A_309 = tpu.bitcast %get3A_308 : vector<16xf32> -> vector<16xi32>
      %shift_right_arithmetic3A_310 = arith.constant 23 : i32
      %shift_right_arithmetic3A_311 = vector.broadcast %shift_right_arithmetic3A_310 : i32 to vector<16xi32>
      %shift_right_arithmetic3A_312 = arith.shrsi %bitcast_convert_type3A_309, %shift_right_arithmetic3A_311 : vector<16xi32>
      %sub3A_313 = arith.constant 127 : i32
      %sub3A_314 = vector.broadcast %sub3A_313 : i32 to vector<16xi32>
      %sub3A_315 = arith.subi %shift_right_arithmetic3A_312, %sub3A_314 : vector<16xi32>
      %and3A_316 = arith.constant 8388607 : i32
      %and3A_317 = vector.broadcast %and3A_316 : i32 to vector<16xi32>
      %and3A_318 = arith.andi %bitcast_convert_type3A_309, %and3A_317 : vector<16xi32>
      %or3A_319 = arith.constant 1065353216 : i32
      %or3A_320 = vector.broadcast %or3A_319 : i32 to vector<16xi32>
      %or3A_321 = arith.ori %and3A_318, %or3A_320 : vector<16xi32>
      %bitcast_convert_type3A_322 = tpu.bitcast %or3A_321 : vector<16xi32> -> vector<16xf32>
      %gt3A_323 = arith.constant 1.41421354 : f32
      %gt3A_324 = vector.broadcast %gt3A_323 : f32 to vector<16xf32>
      %gt3A_325 = arith.cmpf ogt, %bitcast_convert_type3A_322, %gt3A_324 : vector<16xf32>
      %mul3A_326 = arith.constant 5.000000e-01 : f32
      %mul3A_327 = vector.broadcast %mul3A_326 : f32 to vector<16xf32>
      %mul3A_328 = arith.mulf %bitcast_convert_type3A_322, %mul3A_327 : vector<16xf32>
      %select_n3A_329 = arith.select %gt3A_325, %mul3A_328, %bitcast_convert_type3A_322 : vector<16xi1>, vector<16xf32>
      %add3A_330 = arith.constant 1 : i32
      %add3A_331 = vector.broadcast %add3A_330 : i32 to vector<16xi32>
      %add3A_332 = arith.addi %sub3A_315, %add3A_331 : vector<16xi32>
      %select_n3A_333 = arith.select %gt3A_325, %add3A_332, %sub3A_315 : vector<16xi1>, vector<16xi32>
      %sub3A_334 = arith.constant 1.000000e+00 : f32
      %sub3A_335 = vector.broadcast %sub3A_334 : f32 to vector<16xf32>
      %sub3A_336 = arith.subf %select_n3A_329, %sub3A_335 : vector<16xf32>
      %broadcast_in_dim3A_337 = arith.constant -0.136236891 : f32
      %broadcast_in_dim3A_338 = vector.broadcast %broadcast_in_dim3A_337 : f32 to vector<16xf32>
      %mul3A_339 = arith.mulf %broadcast_in_dim3A_338, %sub3A_336 : vector<16xf32>
      %add3A_340 = arith.constant 0.221747577 : f32
      %add3A_341 = vector.broadcast %add3A_340 : f32 to vector<16xf32>
      %add3A_342 = arith.addf %mul3A_339, %add3A_341 : vector<16xf32>
      %mul3A_343 = arith.mulf %add3A_342, %sub3A_336 : vector<16xf32>
      %add3A_344 = arith.constant -0.256027222 : f32
      %add3A_345 = vector.broadcast %add3A_344 : f32 to vector<16xf32>
      %add3A_346 = arith.addf %mul3A_343, %add3A_345 : vector<16xf32>
      %mul3A_347 = arith.mulf %add3A_346, %sub3A_336 : vector<16xf32>
      %add3A_348 = arith.constant 0.332424909 : f32
      %add3A_349 = vector.broadcast %add3A_348 : f32 to vector<16xf32>
      %add3A_350 = arith.addf %mul3A_347, %add3A_349 : vector<16xf32>
      %mul3A_351 = arith.mulf %add3A_350, %sub3A_336 : vector<16xf32>
      %add3A_352 = arith.constant -0.499773651 : f32
      %add3A_353 = vector.broadcast %add3A_352 : f32 to vector<16xf32>
      %add3A_354 = arith.addf %mul3A_351, %add3A_353 : vector<16xf32>
      %mul3A_355 = arith.mulf %add3A_354, %sub3A_336 : vector<16xf32>
      %add3A_356 = arith.constant 1.000010e+00 : f32
      %add3A_357 = vector.broadcast %add3A_356 : f32 to vector<16xf32>
      %add3A_358 = arith.addf %mul3A_355, %add3A_357 : vector<16xf32>
      %mul3A_359 = arith.mulf %add3A_358, %sub3A_336 : vector<16xf32>
      %add3A_360 = arith.constant -1.1755003E-6 : f32
      %add3A_361 = vector.broadcast %add3A_360 : f32 to vector<16xf32>
      %add3A_362 = arith.addf %mul3A_359, %add3A_361 : vector<16xf32>
      %convert_element_type3A_363 = arith.sitofp %select_n3A_333 : vector<16xi32> to vector<16xf32>
      %mul3A_364 = arith.constant 0.693147182 : f32
      %mul3A_365 = vector.broadcast %mul3A_364 : f32 to vector<16xf32>
      %mul3A_366 = arith.mulf %convert_element_type3A_363, %mul3A_365 : vector<16xf32>
      %add3A_367 = arith.addf %mul3A_366, %add3A_362 : vector<16xf32>
      %swap3A_368 = arith.index_cast %add3A_305 : i32 to index
      %swap3A_369 = tpu.vector_load %arg7[%swap3A_368] {strides = array<i32>} : memref<512xf32, #tpu.memory_space<vmem>>, vector<16xf32>,
      %swap3A_370 = vector.shape_cast %swap3A_369 : vector<16xf32> to vector<16xf32>
      %swap3A_371 = vector.shape_cast %add3A_367 : vector<16xf32> to vector<16xf32>
      tpu.vector_store %arg7[%swap3A_368], %swap3A_371 {strides = array<i32>} : memref<512xf32, #tpu.memory_space<vmem>>, vector<16xf32>,
      %scan3A_372 = arith.constant 2 : i32
      %scan3A_373 = arith.addi %scan3A_240, %scan3A_372 : i32
      %mul3A_374 = arith.constant 16 : i32
      %mul3A_375 = arith.muli %scan3A_373, %mul3A_374 : i32
      %add3A_376 = arith.constant 384 : i32
      %add3A_377 = arith.addi %add3A_376, %mul3A_375 : i32
      %get3A_378 = arith.index_cast %add3A_377 : i32 to index
      %get3A_379 = tpu.vector_load %arg7[%get3A_378] {strides = array<i32>} : memref<512xf32, #tpu.memory_space<vmem>>, vector<16xf32>,
      %get3A_380 = vector.shape_cast %get3A_379 : vector<16xf32> to vector<16xf32>
      %bitcast_convert_type3A_381 = tpu.bitcast %get3A_380 : vector<16xf32> -> vector<16xi32>
      %shift_right_arithmetic3A_382 = arith.constant 23 : i32
      %shift_right_arithmetic3A_383 = vector.broadcast %shift_right_arithmetic3A_382 : i32 to vector<16xi32>
      %shift_right_arithmetic3A_384 = arith.shrsi %bitcast_convert_type3A_381, %shift_right_arithmetic3A_383 : vector<16xi32>
      %sub3A_385 = arith.constant 127 : i32
      %sub3A_386 = vector.broadcast %sub3A_385 : i32 to vector<16xi32>
      %sub3A_387 = arith.subi %shift_right_arithmetic3A_384, %sub3A_386 : vector<16xi32>
      %and3A_388 = arith.constant 8388607 : i32
      %and3A_389 = vector.broadcast %and3A_388 : i32 to vector<16xi32>
      %and3A_390 = arith.andi %bitcast_convert_type3A_381, %and3A_389 : vector<16xi32>
      %or3A_391 = arith.constant 1065353216 : i32
      %or3A_392 = vector.broadcast %or3A_391 : i32 to vector<16xi32>
      %or3A_393 = arith.ori %and3A_390, %or3A_392 : vector<16xi32>
      %bitcast_convert_type3A_394 = tpu.bitcast %or3A_393 : vector<16xi32> -> vector<16xf32>
      %gt3A_395 = arith.constant 1.41421354 : f32
      %gt3A_396 = vector.broadcast %gt3A_395 : f32 to vector<16xf32>
      %gt3A_397 = arith.cmpf ogt, %bitcast_convert_type3A_394, %gt3A_396 : vector<16xf32>
      %mul3A_398 = arith.constant 5.000000e-01 : f32
      %mul3A_399 = vector.broadcast %mul3A_398 : f32 to vector<16xf32>
      %mul3A_400 = arith.mulf %bitcast_convert_type3A_394, %mul3A_399 : vector<16xf32>
      %select_n3A_401 = arith.select %gt3A_397, %mul3A_400, %bitcast_convert_type3A_394 : vector<16xi1>, vector<16xf32>
      %add3A_402 = arith.constant 1 : i32
      %add3A_403 = vector.broadcast %add3A_402 : i32 to vector<16xi32>
      %add3A_404 = arith.addi %sub3A_387, %add3A_403 : vector<16xi32>
      %select_n3A_405 = arith.select %gt3A_397, %add3A_404, %sub3A_387 : vector<16xi1>, vector<16xi32>
      %sub3A_406 = arith.constant 1.000000e+00 : f32
      %sub3A_407 = vector.broadcast %sub3A_406 : f32 to vector<16xf32>
      %sub3A_408 = arith.subf %select_n3A_401, %sub3A_407 : vector<16xf32>
      %broadcast_in_dim3A_409 = arith.constant -0.136236891 : f32
      %broadcast_in_dim3A_410 = vector.broadcast %broadcast_in_dim3A_409 : f32 to vector<16xf32>
      %mul3A_411 = arith.mulf %broadcast_in_dim3A_410, %sub3A_408 : vector<16xf32>
      %add3A_412 = arith.constant 0.221747577 : f32
      %add3A_413 = vector.broadcast %add3A_412 : f32 to vector<16xf32>
      %add3A_414 = arith.addf %mul3A_411, %add3A_413 : vector<16xf32>
      %mul3A_415 = arith.mulf %add3A_414, %sub3A_408 : vector<16xf32>
      %add3A_416 = arith.constant -0.256027222 : f32
      %add3A_417 = vector.broadcast %add3A_416 : f32 to vector<16xf32>
      %add3A_418 = arith.addf %mul3A_415, %add3A_417 : vector<16xf32>
      %mul3A_419 = arith.mulf %add3A_418, %sub3A_408 : vector<16xf32>
      %add3A_420 = arith.constant 0.332424909 : f32
      %add3A_421 = vector.broadcast %add3A_420 : f32 to vector<16xf32>
      %add3A_422 = arith.addf %mul3A_419, %add3A_421 : vector<16xf32>
      %mul3A_423 = arith.mulf %add3A_422, %sub3A_408 : vector<16xf32>
      %add3A_424 = arith.constant -0.499773651 : f32
      %add3A_425 = vector.broadcast %add3A_424 : f32 to vector<16xf32>
      %add3A_426 = arith.addf %mul3A_423, %add3A_425 : vector<16xf32>
      %mul3A_427 = arith.mulf %add3A_426, %sub3A_408 : vector<16xf32>
      %add3A_428 = arith.constant 1.000010e+00 : f32
      %add3A_429 = vector.broadcast %add3A_428 : f32 to vector<16xf32>
      %add3A_430 = arith.addf %mul3A_427, %add3A_429 : vector<16xf32>
      %mul3A_431 = arith.mulf %add3A_430, %sub3A_408 : vector<16xf32>
      %add3A_432 = arith.constant -1.1755003E-6 : f32
      %add3A_433 = vector.broadcast %add3A_432 : f32 to vector<16xf32>
      %add3A_434 = arith.addf %mul3A_431, %add3A_433 : vector<16xf32>
      %convert_element_type3A_435 = arith.sitofp %select_n3A_405 : vector<16xi32> to vector<16xf32>
      %mul3A_436 = arith.constant 0.693147182 : f32
      %mul3A_437 = vector.broadcast %mul3A_436 : f32 to vector<16xf32>
      %mul3A_438 = arith.mulf %convert_element_type3A_435, %mul3A_437 : vector<16xf32>
      %add3A_439 = arith.addf %mul3A_438, %add3A_434 : vector<16xf32>
      %swap3A_440 = arith.index_cast %add3A_377 : i32 to index
      %swap3A_441 = tpu.vector_load %arg7[%swap3A_440] {strides = array<i32>} : memref<512xf32, #tpu.memory_space<vmem>>, vector<16xf32>,
      %swap3A_442 = vector.shape_cast %swap3A_441 : vector<16xf32> to vector<16xf32>
      %swap3A_443 = vector.shape_cast %add3A_439 : vector<16xf32> to vector<16xf32>
      tpu.vector_store %arg7[%swap3A_440], %swap3A_443 {strides = array<i32>} : memref<512xf32, #tpu.memory_space<vmem>>, vector<16xf32>,
      %scan3A_444 = arith.constant 3 : i32
      %scan3A_445 = arith.addi %scan3A_240, %scan3A_444 : i32
      %mul3A_446 = arith.constant 16 : i32
      %mul3A_447 = arith.muli %scan3A_445, %mul3A_446 : i32
      %add3A_448 = arith.constant 384 : i32
      %add3A_449 = arith.addi %add3A_448, %mul3A_447 : i32
      %get3A_450 = arith.index_cast %add3A_449 : i32 to index
      %get3A_451 = tpu.vector_load %arg7[%get3A_450] {strides = array<i32>} : memref<512xf32, #tpu.memory_space<vmem>>, vector<16xf32>,
      %get3A_452 = vector.shape_cast %get3A_451 : vector<16xf32> to vector<16xf32>
      %bitcast_convert_type3A_453 = tpu.bitcast %get3A_452 : vector<16xf32> -> vector<16xi32>
      %shift_right_arithmetic3A_454 = arith.constant 23 : i32
      %shift_right_arithmetic3A_455 = vector.broadcast %shift_right_arithmetic3A_454 : i32 to vector<16xi32>
      %shift_right_arithmetic3A_456 = arith.shrsi %bitcast_convert_type3A_453, %shift_right_arithmetic3A_455 : vector<16xi32>
      %sub3A_457 = arith.constant 127 : i32
      %sub3A_458 = vector.broadcast %sub3A_457 : i32 to vector<16xi32>
      %sub3A_459 = arith.subi %shift_right_arithmetic3A_456, %sub3A_458 : vector<16xi32>
      %and3A_460 = arith.constant 8388607 : i32
      %and3A_461 = vector.broadcast %and3A_460 : i32 to vector<16xi32>
      %and3A_462 = arith.andi %bitcast_convert_type3A_453, %and3A_461 : vector<16xi32>
      %or3A_463 = arith.constant 1065353216 : i32
      %or3A_464 = vector.broadcast %or3A_463 : i32 to vector<16xi32>
      %or3A_465 = arith.ori %and3A_462, %or3A_464 : vector<16xi32>
      %bitcast_convert_type3A_466 = tpu.bitcast %or3A_465 : vector<16xi32> -> vector<16xf32>
      %gt3A_467 = arith.constant 1.41421354 : f32
      %gt3A_468 = vector.broadcast %gt3A_467 : f32 to vector<16xf32>
      %gt3A_469 = arith.cmpf ogt, %bitcast_convert_type3A_466, %gt3A_468 : vector<16xf32>
      %mul3A_470 = arith.constant 5.000000e-01 : f32
      %mul3A_471 = vector.broadcast %mul3A_470 : f32 to vector<16xf32>
      %mul3A_472 = arith.mulf %bitcast_convert_type3A_466, %mul3A_471 : vector<16xf32>
      %select_n3A_473 = arith.select %gt3A_469, %mul3A_472, %bitcast_convert_type3A_466 : vector<16xi1>, vector<16xf32>
      %add3A_474 = arith.constant 1 : i32
      %add3A_475 = vector.broadcast %add3A_474 : i32 to vector<16xi32>
      %add3A_476 = arith.addi %sub3A_459, %add3A_475 : vector<16xi32>
      %select_n3A_477 = arith.select %gt3A_469, %add3A_476, %sub3A_459 : vector<16xi1>, vector<16xi32>
      %sub3A_478 = arith.constant 1.000000e+00 : f32
      %sub3A_479 = vector.broadcast %sub3A_478 : f32 to vector<16xf32>
      %sub3A_480 = arith.subf %select_n3A_473, %sub3A_479 : vector<16xf32>
      %broadcast_in_dim3A_481 = arith.constant -0.136236891 : f32
      %broadcast_in_dim3A_482 = vector.broadcast %broadcast_in_dim3A_481 : f32 to vector<16xf32>
      %mul3A_483 = arith.mulf %broadcast_in_dim3A_482, %sub3A_480 : vector<16xf32>
      %add3A_484 = arith.constant 0.221747577 : f32
      %add3A_485 = vector.broadcast %add3A_484 : f32 to vector<16xf32>
      %add3A_486 = arith.addf %mul3A_483, %add3A_485 : vector<16xf32>
      %mul3A_487 = arith.mulf %add3A_486, %sub3A_480 : vector<16xf32>
      %add3A_488 = arith.constant -0.256027222 : f32
      %add3A_489 = vector.broadcast %add3A_488 : f32 to vector<16xf32>
      %add3A_490 = arith.addf %mul3A_487, %add3A_489 : vector<16xf32>
      %mul3A_491 = arith.mulf %add3A_490, %sub3A_480 : vector<16xf32>
      %add3A_492 = arith.constant 0.332424909 : f32
      %add3A_493 = vector.broadcast %add3A_492 : f32 to vector<16xf32>
      %add3A_494 = arith.addf %mul3A_491, %add3A_493 : vector<16xf32>
      %mul3A_495 = arith.mulf %add3A_494, %sub3A_480 : vector<16xf32>
      %add3A_496 = arith.constant -0.499773651 : f32
      %add3A_497 = vector.broadcast %add3A_496 : f32 to vector<16xf32>
      %add3A_498 = arith.addf %mul3A_495, %add3A_497 : vector<16xf32>
      %mul3A_499 = arith.mulf %add3A_498, %sub3A_480 : vector<16xf32>
      %add3A_500 = arith.constant 1.000010e+00 : f32
      %add3A_501 = vector.broadcast %add3A_500 : f32 to vector<16xf32>
      %add3A_502 = arith.addf %mul3A_499, %add3A_501 : vector<16xf32>
      %mul3A_503 = arith.mulf %add3A_502, %sub3A_480 : vector<16xf32>
      %add3A_504 = arith.constant -1.1755003E-6 : f32
      %add3A_505 = vector.broadcast %add3A_504 : f32 to vector<16xf32>
      %add3A_506 = arith.addf %mul3A_503, %add3A_505 : vector<16xf32>
      %convert_element_type3A_507 = arith.sitofp %select_n3A_477 : vector<16xi32> to vector<16xf32>
      %mul3A_508 = arith.constant 0.693147182 : f32
      %mul3A_509 = vector.broadcast %mul3A_508 : f32 to vector<16xf32>
      %mul3A_510 = arith.mulf %convert_element_type3A_507, %mul3A_509 : vector<16xf32>
      %add3A_511 = arith.addf %mul3A_510, %add3A_506 : vector<16xf32>
      %swap3A_512 = arith.index_cast %add3A_449 : i32 to index
      %swap3A_513 = tpu.vector_load %arg7[%swap3A_512] {strides = array<i32>} : memref<512xf32, #tpu.memory_space<vmem>>, vector<16xf32>,
      %swap3A_514 = vector.shape_cast %swap3A_513 : vector<16xf32> to vector<16xf32>
      %swap3A_515 = vector.shape_cast %add3A_511 : vector<16xf32> to vector<16xf32>
      tpu.vector_store %arg7[%swap3A_512], %swap3A_515 {strides = array<i32>} : memref<512xf32, #tpu.memory_space<vmem>>, vector<16xf32>,
    }
    %scan3A_207 = arith.constant 8 : i32
    %add3A_208 = arith.constant 384 : i32
    %add3A_209 = arith.addi %mul3A_2, %add3A_208 : i32
    %dma_start3A_210 = arith.constant 384 : i32
    %dma_start3A_211 = tpu.memref_slice %arg7[%dma_start3A_210] : memref<512xf32, #tpu.memory_space<vmem>> -> memref<128xf32, #tpu.memory_space<vmem>>
    %dma_start3A_212 = tpu.memref_slice %arg4[%add3A_209] : memref<16384xf32, #tpu.memory_space<hbm>> -> memref<128xf32, #tpu.memory_space<hbm>>
    %dma_start3A_213 = tpu.memref_slice %arg4[%add3A_209] : memref<16384xf32, #tpu.memory_space<hbm>> -> memref<128xf32, #tpu.memory_space<hbm>>
    %dma_start3A_214 = arith.constant 384 : i32
    %dma_start3A_215 = tpu.memref_slice %arg7[%dma_start3A_214] : memref<512xf32, #tpu.memory_space<vmem>> -> memref<128xf32, #tpu.memory_space<vmem>>
    tpu.enqueue_dma source(%dma_start3A_215 : memref<128xf32, #tpu.memory_space<vmem>>) target(%dma_start3A_213 : memref<128xf32, #tpu.memory_space<hbm>>) target_semaphore(%arg16 : memref<!tpu.dma_semaphore, #tpu.memory_space<semaphore_mem>>)
    %dma_wait3A_216 = arith.constant 0 : i32
    %dma_wait3A_217 = tpu.memref_slice %arg7[%dma_wait3A_216] : memref<512xf32, #tpu.memory_space<vmem>> -> memref<128xf32, #tpu.memory_space<vmem>>
    %dma_wait3A_218 = tpu.memref_slice %arg4[%add3A_149] : memref<16384xf32, #tpu.memory_space<hbm>> -> memref<128xf32, #tpu.memory_space<hbm>>
    %dma_wait3A_219 = tpu.memref_slice %arg4[%add3A_149] : memref<16384xf32, #tpu.memory_space<hbm>> -> memref<128xf32, #tpu.memory_space<hbm>>
    %dma_wait3A_220 = arith.constant 0 : i32
    %dma_wait3A_221 = tpu.memref_slice %arg7[%dma_wait3A_220] : memref<512xf32, #tpu.memory_space<vmem>> -> memref<128xf32, #tpu.memory_space<vmem>>
    tpu.wait_dma2 semaphore(%arg16 : memref<!tpu.dma_semaphore, #tpu.memory_space<semaphore_mem>>) src(%dma_wait3A_221 : memref<128xf32, #tpu.memory_space<vmem>>) dst(%dma_wait3A_219 : memref<128xf32, #tpu.memory_space<hbm>>)
    %dma_wait3A_222 = arith.constant 128 : i32
    %dma_wait3A_223 = tpu.memref_slice %arg7[%dma_wait3A_222] : memref<512xf32, #tpu.memory_space<vmem>> -> memref<128xf32, #tpu.memory_space<vmem>>
    %dma_wait3A_224 = tpu.memref_slice %arg4[%add3A_169] : memref<16384xf32, #tpu.memory_space<hbm>> -> memref<128xf32, #tpu.memory_space<hbm>>
    %dma_wait3A_225 = tpu.memref_slice %arg4[%add3A_169] : memref<16384xf32, #tpu.memory_space<hbm>> -> memref<128xf32, #tpu.memory_space<hbm>>
    %dma_wait3A_226 = arith.constant 128 : i32
    %dma_wait3A_227 = tpu.memref_slice %arg7[%dma_wait3A_226] : memref<512xf32, #tpu.memory_space<vmem>> -> memref<128xf32, #tpu.memory_space<vmem>>
    tpu.wait_dma2 semaphore(%arg16 : memref<!tpu.dma_semaphore, #tpu.memory_space<semaphore_mem>>) src(%dma_wait3A_227 : memref<128xf32, #tpu.memory_space<vmem>>) dst(%dma_wait3A_225 : memref<128xf32, #tpu.memory_space<hbm>>)
    %dma_wait3A_228 = arith.constant 256 : i32
    %dma_wait3A_229 = tpu.memref_slice %arg7[%dma_wait3A_228] : memref<512xf32, #tpu.memory_space<vmem>> -> memref<128xf32, #tpu.memory_space<vmem>>
    %dma_wait3A_230 = tpu.memref_slice %arg4[%add3A_189] : memref<16384xf32, #tpu.memory_space<hbm>> -> memref<128xf32, #tpu.memory_space<hbm>>
    %dma_wait3A_231 = tpu.memref_slice %arg4[%add3A_189] : memref<16384xf32, #tpu.memory_space<hbm>> -> memref<128xf32, #tpu.memory_space<hbm>>
    %dma_wait3A_232 = arith.constant 256 : i32
    %dma_wait3A_233 = tpu.memref_slice %arg7[%dma_wait3A_232] : memref<512xf32, #tpu.memory_space<vmem>> -> memref<128xf32, #tpu.memory_space<vmem>>
    tpu.wait_dma2 semaphore(%arg16 : memref<!tpu.dma_semaphore, #tpu.memory_space<semaphore_mem>>) src(%dma_wait3A_233 : memref<128xf32, #tpu.memory_space<vmem>>) dst(%dma_wait3A_231 : memref<128xf32, #tpu.memory_space<hbm>>)
    %dma_wait3A_234 = arith.constant 384 : i32
    %dma_wait3A_235 = tpu.memref_slice %arg7[%dma_wait3A_234] : memref<512xf32, #tpu.memory_space<vmem>> -> memref<128xf32, #tpu.memory_space<vmem>>
    %dma_wait3A_236 = tpu.memref_slice %arg4[%add3A_209] : memref<16384xf32, #tpu.memory_space<hbm>> -> memref<128xf32, #tpu.memory_space<hbm>>
    %dma_wait3A_237 = tpu.memref_slice %arg4[%add3A_209] : memref<16384xf32, #tpu.memory_space<hbm>> -> memref<128xf32, #tpu.memory_space<hbm>>
    %dma_wait3A_238 = arith.constant 384 : i32
    %dma_wait3A_239 = tpu.memref_slice %arg7[%dma_wait3A_238] : memref<512xf32, #tpu.memory_space<vmem>> -> memref<128xf32, #tpu.memory_space<vmem>>
    tpu.wait_dma2 semaphore(%arg16 : memref<!tpu.dma_semaphore, #tpu.memory_space<semaphore_mem>>) src(%dma_wait3A_239 : memref<128xf32, #tpu.memory_space<vmem>>) dst(%dma_wait3A_237 : memref<128xf32, #tpu.memory_space<hbm>>)
    return
  }
}

</mosaic_0001>

<sc_bundles>
// kernel: kernel.3.cloned.1.call-start
scs
__scs_entry_jumppad:
0x0: {  	(pc) =	sbr.rel $0x88, $3  }
0x1: {  	(tag) =	ssettag $0x0;
	lr =	simm.s32 $0x1  }
0x2: {  	[smem:$0x3F9F] =	sst lr;
	_ =	strace $0xD0000000  }
0x3: {  	_ = 	snop  }
0x4: {  	_ = 	snop  }
0x5: {  	_ = 	snop  }
0x6: {  	_ = 	snop  }
0x7: {  	_ = 	snop  }
__scs_overlays_trampoline_lowered:
0x8: {  	[smem:$0x3FAE] =	sst s0  }
0x9: {  	[smem:$0x3FAF] =	sst s1  }
0xa: {  	[smem:$0x3FB0] =	sst s2  }
0xb: {  	[smem:$0x3FB1] =	sst s3  }
0xc: {  	[smem:$0x3FB2] =	sst s4  }
0xd: {  	[smem:$0x3FB3] =	sst s5  }
0xe: {  	[smem:$0x3FB4] =	sst s6  }
0xf: {  	[smem:$0x3FB5] =	sst s7  }
0x10: {  	[smem:$0x3FB6] =	sst s8  }
0x11: {  	[smem:$0x3FB7] =	sst s9;
	s0 =	simm.s32 @!p0 $0x0  }
0x12: {  	s1 =	sld [smem:$0x3F9D];
	s0 =	simm.s32 @p0 $0x1  }
0x13: {  	[smem:$0x3FB8] =	sst s0;
	s0 =	simm.s32 @!p1 $0x0  }
0x14: {  	s2 =	sld [smem:$0x3F9C];
	s0 =	simm.s32 @p1 $0x1  }
0x15: {  	[smem:$0x3FB9] =	sst s0;
	s0 =	simm.s32 @!p2 $0x0  }
0x16: {  	s3 =	sld [smem:$0x3FDB];
	s0 =	simm.s32 @p2 $0x1  }
0x17: {  	s4 =	simm.s32 $0x1BF5;
	[smem:$0x3FBB] =	sst s0  }
0x18: {  	s0 =	sld [smem:$0x3F9E];
	_ =	swait.ge [sflag:s4], $0x0  }
0x19: {  	s7 =	sld [smem:$0x3F9F]  }
0x1a: {  	s8 =	sadd.s32 $0xFFFFE003, lr  }
0x1b: {  	s9 =	sadd.s32 $0xFFFFFEF7, lr;
	s5 =	simm.s32 $0xFFFFFFFF;
	p2 =	slt.u32 s8, $0xFFFFF086  }
0x1c: {  	p1 =	slt.u32 s9, $0xF7A;
	s5 =	simm.s32 @!p2 $0x0  }
0x1d: {  	s5 =	simm.s32 @p1 $0x1;
	p0 =	seq.s32 s7, s2  }
0x1e: {  	s7 =	smul.u32 @!p0 $0xF7A, s2;
	p2 =	seq.s32 @!p0 s5, $0x0  }
0x1f: {  	s9 =	smul.u32 $0xF7A, s1;
	s8 =	simm.s32 @!p0 $0x1BF5;
	p2 =	por !p2, p0  }
0x20: {  	[sflag:s8] =	ssyncset.s32 @!p0 $0xFFFFF086;
	s6 =	sadd.s32 @!p0 s3, s7;
	s7 =	simm.s32 @!p0 $0x108  }
0x21: {  	s3 =	sadd.s32 s3, s9;
	s6 =	sadd.s32 @!p0 $0x88, s6;
	s7 =	simm.s32 @p2 $0x1082  }
0x22: {  	[simem:s7], [sflag:s8] =	dma.local @!p0 [hbm:s6], $0xF7A  }
0x23: {  	s9 =	sor.u32 $0xD0000000, s2;
	s6 =	simm.s32 $0x108;
	_ =	swait.ge @!p0 [sflag:s8], $0x0  }
0x24: {  	s3 =	sadd.s32 $0x88, s3;
	s6 =	simm.s32 @!p1 $0x1082;
	[sflag:s4] =	ssyncset.s32 $0xFFFFF086  }
0x25: {  	[simem:s6], [sflag:s4] =	dma.local [hbm:s3], $0xF7A  }
0x26: {  	[smem:$0x3F9F] =	sst s1;
	(tag) =	ssettag s2;
	_ =	strace s9  }
0x27: {  	s1 =	sld [smem:$0x3FAF]  }
0x28: {  	s2 =	sld [smem:$0x3FB0]  }
0x29: {  	s4 =	sld [smem:$0x3FB2]  }
0x2a: {  	p0 =	seq.s32 s5, $0x0;
	s5 =	sld [smem:$0x3FB3]  }
0x2b: {  	s6 =	sld [smem:$0x3FB4]  }
0x2c: {  	s7 =	sld [smem:$0x3FB5]  }
0x2d: {  	s3 =	simm.s32 $0x108;
	s8 =	sld [smem:$0x3FB6]  }
0x2e: {  	s3 =	simm.s32 @!p0 $0x1082;
	s9 =	sld [smem:$0x3FB7]  }
0x2f: {  	lr =	sadd.s32 s0, s3;
	s0 =	sld [smem:$0x3FAE]  }
0x30: {  	s3 =	sld [smem:$0x3FB1]  }
0x31: {  	[smem:$0x3FBA] =	sst s10  }
0x32: {  	s10 =	sld [smem:$0x3FB8];
	_ =	sdelay $0x3  }
0x33: {  	p0 =	seq.s32 s10, $0x1;
	s10 =	sld [smem:$0x3FBA];
	_ =	sdelay $0x3  }
0x34: {  	[smem:$0x3FBA] =	sst s10  }
0x35: {  	s10 =	sld [smem:$0x3FB9];
	_ =	sdelay $0x3  }
0x36: {  	p1 =	seq.s32 s10, $0x1;
	s10 =	sld [smem:$0x3FBA];
	_ =	sdelay $0x3  }
0x37: {  	[smem:$0x3FBA] =	sst s10  }
0x38: {  	s10 =	sld [smem:$0x3FBB]  }
0x39: {  	_ = 	snop;
	(pc) =	sbr.ind lr, $3  }
0x3a: {  	_ = 	snop  }
0x3b: {  	_ = 	snop  }
0x3c: {  	p2 =	seq.s32 s10, $0x1;
	s10 =	sld [smem:$0x3FBA]  }
0x3d: {  	_ =	shalt  }
0x3e: {  	_ =	shalt  }
0x3f: {  	_ =	shalt  }
0x40: {  	_ =	shalt  }
0x41: {  	_ =	shalt  }
0x42: {  	_ =	shalt  }
0x43: {  	_ =	shalt  }
0x44: {  	_ =	shalt  }
0x45: {  	_ =	shalt  }
0x46: {  	_ =	shalt  }
0x47: {  	_ =	shalt  }
0x48: {  	_ =	shalt  }
0x49: {  	_ =	shalt  }
0x4a: {  	_ =	shalt  }
0x4b: {  	_ =	shalt  }
0x4c: {  	_ =	shalt  }
0x4d: {  	_ =	shalt  }
0x4e: {  	_ =	shalt  }
0x4f: {  	_ =	shalt  }
0x50: {  	_ =	shalt  }
0x51: {  	_ =	shalt  }
0x52: {  	_ =	shalt  }
0x53: {  	_ =	shalt  }
0x54: {  	_ =	shalt  }
0x55: {  	_ =	shalt  }
0x56: {  	_ =	shalt  }
0x57: {  	_ =	shalt  }
0x58: {  	_ =	shalt  }
0x59: {  	_ =	shalt  }
0x5a: {  	_ =	shalt  }
0x5b: {  	_ =	shalt  }
0x5c: {  	_ =	shalt  }
0x5d: {  	_ =	shalt  }
0x5e: {  	_ =	shalt  }
0x5f: {  	_ =	shalt  }
0x60: {  	_ =	shalt  }
0x61: {  	_ =	shalt  }
0x62: {  	_ =	shalt  }
0x63: {  	_ =	shalt  }
0x64: {  	_ =	shalt  }
0x65: {  	_ =	shalt  }
0x66: {  	_ =	shalt  }
0x67: {  	_ =	shalt  }
0x68: {  	_ =	shalt  }
0x69: {  	_ =	shalt  }
0x6a: {  	_ =	shalt  }
0x6b: {  	_ =	shalt  }
0x6c: {  	_ =	shalt  }
0x6d: {  	_ =	shalt  }
0x6e: {  	_ =	shalt  }
0x6f: {  	_ =	shalt  }
0x70: {  	_ =	shalt  }
0x71: {  	_ =	shalt  }
0x72: {  	_ =	shalt  }
0x73: {  	_ =	shalt  }
0x74: {  	_ =	shalt  }
0x75: {  	_ =	shalt  }
0x76: {  	_ =	shalt  }
0x77: {  	_ =	shalt  }
0x78: {  	_ =	shalt  }
0x79: {  	_ =	shalt  }
0x7a: {  	_ =	shalt  }
0x7b: {  	_ =	shalt  }
0x7c: {  	_ =	shalt  }
0x7d: {  	_ =	shalt  }
0x7e: {  	_ =	shalt  }
0x7f: {  	_ =	shalt  }
0x80: {  	_ =	shalt  }
0x81: {  	_ =	shalt  }
0x82: {  	_ =	shalt  }
0x83: {  	_ =	shalt  }
0x84: {  	_ =	shalt  }
0x85: {  	_ =	shalt  }
0x86: {  	_ =	shalt  }
0x87: {  	_ =	shalt  }
.Lfunc_end0:
.L_simem_size_0:
called_computation_lowered:
.L_overlay_start_0:
0x88: {  	s2 =	sld [smem:$0x3FD9]  }
0x89: {  	s3 =	sld [smem:$0x3FFE];
	_ =	sdelay $0x1  }
0x8a: {  	s1 =	srdreg.scid  }
0x8b: {  	s0 =	sand.u32 $0x1, s1  }
0x8c: {  	s17 =	sshll.u32 s0, $0xA;
	s2 =	sadd.s32 s3, s2  }
0x8d: {  	s2 =	sadd.s32 s2, s17  }
0x8e: {  	[smem:$0x3FC6] =	sst s2  }
0x8f: {  	_ = 	snop  }
0x90: {  	s2 =	sld [smem:$0x3FC9]  }
0x91: {  	s18 =	sld [smem:$0x3FC8];
	(tm) =	ssettm $0x1  }
0x92: {  	s4 =	sld [smem:$0x3FFB];
	_ =	sdelay $0x3  }
0x93: {  	_ =	strace s4  }
0x94: {  	s4 =	sld [smem:$0x3FFC];
	_ =	sdelay $0x3  }
0x95: {  	_ =	strace s4  }
0x96: {  	s4 =	sld [smem:$0x3FFD];
	_ =	sdelay $0x3  }
0x97: {  	_ =	strace s4  }
0x98: {  	_ =	strace $0x8FFFFFFF  }
0x99: {  	s19 =	sld [smem:$0x3FDB];
	_ =	sdelay $0x1  }
0x9a: {  	s5 =	simm.s32 $_scs_section_size  }
0x9b: {  	s6 =	simm.s32 $_size__tile_overlayer_lowered;
	s7 =	simm.s32 $_tile_overlayer_lowered  }
0x9c: {  	s22 =	simm.s32 $0x1BFF;
	s21 =	sshll.u32 s7, $0x1;
	s4 =	sadd.s32 s5, s19  }
0x9d: {  	s8 =	simm.s32 $0x0;
	s20 =	sshll.u32 s6, $0x1;
	s6 =	sadd.s32 s21, s4  }
0x9e: {  	[timem:s8], [sflag:s22] =	dma.local [hbm:s6], s20  }
0x9f: {  	_ =	swait.ge [sflag:s22], s20  }
0xa0: {  	s5 =	ssub.s32 $0x0, s20;
	[sflag:s22] =	ssyncset.done $0x0  }
0xa1: {  	[sflag:s22] =	ssyncadd.s32 s5;
	_ =	sdelay $0x1  }
0xa2: {  	s23 =	simm.s32 $0x1B8B  }
0xa3: {  	_ =	swait.ge [sflag:s23], $0x1  }
0xa4: {  	[sflag:s23] =	ssyncset.done $0x0  }
0xa5: {  	s25 =	simm.s32 $0x1B8E;
	s24 =	sld [smem:$0x3FFE];
	[sflag:s23] =	ssyncadd.s32 $0xFFFFFFFF  }
0xa6: {  	s26 =	simm.s32 $execute0_lowered;
	[smem:$0x3FD2] =	sst s25  }
0xa7: {  	s6 =	sshll.u32 s26, $0x1;
	_ =	strace $0x80000046;
	[dreg:$0x1] =	wrdreg $0xFFFFFFFF  }
0xa8: {  	s28 =	simm.s32 $_size_execute0_lowered;
	s4 =	sadd.s32 s4, s6;
	[dreg:$0x0] =	wrdreg $0x0  }
0xa9: {  	s6 =	sshll.u32 s28, $0x1;
	[dreg:$0x2] =	wrdreg s4  }
0xaa: {  	[dreg:$0x3] =	wrdreg s6  }
0xab: {  	[dreg:$0x4] =	wrdreg $0xC0  }
0xac: {  	_ =	task [dreg:s8], $0x5FFFF  }
0xad: {  	[dreg:$0x1] =	wrdreg $0xFFFFFFFF  }
0xae: {  	[dreg:$0x0] =	wrdreg $0x60  }
0xaf: {  	[dreg:$0x2] =	wrdreg s2  }
0xb0: {  	[dreg:$0x3] =	wrdreg s18  }
0xb1: {  	[dreg:$0x4] =	wrdreg s24  }
0xb2: {  	[dreg:$0x5] =	wrdreg $0x9  }
0xb3: {  	_ =	task.clear_ibuf [dreg:s8], $0x6FFFF;
	_ =	strace $0x90000046  }
0xb4: {  	s29 =	simm.s32 $0x9;
	_ =	strace $0x80000048  }
0xb5: {  	_ =	swait.ge [sflag:s29], $0x1  }
0xb6: {  	[sflag:s29] =	ssyncadd.s32 $0xFFFFFFFF  }
0xb7: {  	_ =	strace $0x90000048  }
0xb8: {  	_ =	sfence  }
0xb9: {  	s30 =	sld [smem:$0x0];
	_ =	sdelay $0x2  }
0xba: {  	s31 =	sshll.u32 s1, $0xD;
	s1 =	sshrl.u32 s1, $0x2  }
0xbb: {  	s3 =	sand.u32 $0x4000, s31;
	s1 =	sadd.s32 s1, s30  }
0xbc: {  	s0 =	sor.u32 s3, s0;
	s1 =	sshll.u32 s1, $0x11  }
0xbd: {  	s0 =	sor.u32 s1, s0  }
0xbe: {  	s0 =	sadd.s32 $0x8F2B, s0  }
0xbf: {  	[sflag:s0] =	ssyncadd.remote.s32 $0x1  }
0xc0: {  	_ =	sfence.sel $0xFFFF  }
0xc1: {  	[dreg:$0x0] =	wrdreg $0xFFFFFFFF;
	(pc) =	sbr.abs _section_cstart, $3  }
0xc2: {  	[dreg:$0x1] =	wrdreg $0xFFFFFFFF  }
0xc3: {  	_ =	task.clear_ibuf [dreg:s8], $0x2FFFF;
	_ =	strace $0x9FFFFFFF  }
0xc4: {  	(tm) =	ssettm $0x7FFFFFFF  }
0xc5: {  	_ =	shalt  }
tec
execute0_lowered:
.L_overlay_start_1:
0x0: {  	(tag) =	ssettag $0x1  }
0x1: {  	s0 =	rddreg [dreg:$0x0]  }
0x2: {  	s2 =	rddreg [dreg:$0x1]  }
0x3: {  	s1 =	rddreg [dreg:$0x2];
	s3 =	srdreg.scid  }
0x4: {  	s5 =	stileid.u32;
	s28 =	simm.s32 $0x3;
	s30 =	simm.s32 $0x3300  }
0x5: {  	s31 =	simm.s32 $0x4;
	s29 =	simm.s32 $0x6;
	s4 =	sand.u32 $0x1, s3  }
0x6: {  	s3 =	simm.s32 $0x0;
	s5 =	sshll.u32 s5, $0xA;
	s1 =	sadd.s32 $0x400, s1  }
0x7: {  	s6 =	sshll.u32 s4, $0x9;
	[smem:$0x7FF] =	sst s3;
	s4 =	ssub.s32 $0x2, s4  }
0x8: {  	s6 =	sor.u32 s6, s5;
	_ =	strace $0x80000047;
	s17 =	sshrl.u32 s4, $0x1  }
0x9: {  	s7 =	sshrl.u32 s6, $0x7;
	s9 =	ssub.s32 s4, s17;
	s4 =	sadd.s32 s0, s6  }
0xa: {  	s13 =	sshrl.u32 s6, $0x3;
	s8 =	sor.u32 $0x1, s7;
	s10 =	sor.u32 $0x2, s7  }
0xb: {  	s11 =	sor.u32 $0x3, s7;
	s20 =	sadd.s32 s1, s13;
	s26 =	smax.u32 s9, $0x1  }
0xc: {  	s13 =	sadd.s32 $0x4000, s4;
	s14 =	sadd.s32 $0x8000, s4;
	s9 =	simm.s32 $0x9  }
0xd: {  	s18 =	sshll.u32 s8, $0x7;
	s19 =	sshll.u32 s10, $0x7;
	s12 =	sshll.u32 s11, $0x7  }
0xe: {  	[dreg:$0x4] =	wrdreg s20;
	s21 =	sshll.u32 s8, $0x4;
	s22 =	sshll.u32 s10, $0x4  }
0xf: {  	s23 =	sshll.u32 s11, $0x4;
	[dreg:$0x8] =	wrdreg s26;
	s26 =	simm.s32 $0x3280  }
0x10: {  	s8 =	simm.s32 $0x8;
	s10 =	simm.s32 $0x0;
	s5 =	sadd.s32 s0, s18  }
0x11: {  	s6 =	sadd.s32 s0, s19;
	s7 =	sadd.s32 s0, s12;
	s0 =	sadd.s32 s1, s21  }
0x12: {  	s24 =	sadd.s32 s1, s22;
	s25 =	sadd.s32 s1, s23;
	[dreg:$0x5] =	wrdreg s0  }
0x13: {  	s1 =	simm.s32 $0x1;
	s21 =	simm.s32 $0x80;
	[dreg:$0x6] =	wrdreg s24  }
0x14: {  	s22 =	simm.s32 $0x3380;
	s12 =	simm.s32 $0x3200;
	[dreg:$0x7] =	wrdreg s25  }
0x15: {  	s15 =	sadd.s32 $0x4000, s5;
	s16 =	sadd.s32 $0x8000, s5;
	s17 =	sadd.s32 $0x4000, s6  }
0x16: {  	s18 =	sadd.s32 $0x8000, s6;
	s19 =	sadd.s32 $0x4000, s7;
	s20 =	sadd.s32 $0x8000, s7  }
0x17: {  	v0 =	vimm.s32 $0xFFFFFF81;
	s24 =	simm.s32 $0x2;
	s25 =	simm.s32 $0x5;
	s0 =	simm.s32 $0x7  }
.LBB2_1:
0x18: {  	[tilespmem:s3], [sflag:$0x1] =	stream.linear.gather [hbm4b:s4+s3], $0x400, $0x38;
	[tilespmem:$0x3400] =	vst v63  }
0x19: {  	s11 =	simm.s32 $0x1000  }
0x1a: {  	[tilespmem:s11], [sflag:$0x1] =	stream.linear.gather [hbm4b:s13+s3], $0x400, $0x38;
	[tilespmem:$0x3400] =	vst v63  }
0x1b: {  	s23 =	simm.s32 $0x2000  }
0x1c: {  	[tilespmem:s23], [sflag:$0x1] =	stream.linear.gather [hbm4b:s14+s3], $0x400, $0x38;
	[tilespmem:$0x3400] =	vst v63  }
0x1d: {  	s23 =	simm.s32 $0x400  }
0x1e: {  	[tilespmem:s23], [sflag:$0x2] =	stream.linear.gather [hbm4b:s5+s3], $0x400, $0x38;
	[tilespmem:$0x3400] =	vst v63  }
0x1f: {  	s23 =	simm.s32 $0x1400  }
0x20: {  	[tilespmem:s23], [sflag:$0x2] =	stream.linear.gather [hbm4b:s15+s3], $0x400, $0x38;
	[tilespmem:$0x3400] =	vst v63  }
0x21: {  	s23 =	simm.s32 $0x2400  }
0x22: {  	[tilespmem:s23], [sflag:$0x2] =	stream.linear.gather [hbm4b:s16+s3], $0x400, $0x38;
	[tilespmem:$0x3400] =	vst v63  }
0x23: {  	s23 =	simm.s32 $0x800  }
0x24: {  	[tilespmem:s23], [sflag:$0x3] =	stream.linear.gather [hbm4b:s6+s3], $0x400, $0x38;
	[tilespmem:$0x3400] =	vst v63  }
0x25: {  	s23 =	simm.s32 $0x1800  }
0x26: {  	[tilespmem:s23], [sflag:$0x3] =	stream.linear.gather [hbm4b:s17+s3], $0x400, $0x38;
	[tilespmem:$0x3400] =	vst v63  }
0x27: {  	s23 =	simm.s32 $0x2800  }
0x28: {  	[tilespmem:s23], [sflag:$0x3] =	stream.linear.gather [hbm4b:s18+s3], $0x400, $0x38;
	[tilespmem:$0x3400] =	vst v63  }
0x29: {  	s23 =	simm.s32 $0xC00  }
0x2a: {  	[tilespmem:s23], [sflag:$0x4] =	stream.linear.gather [hbm4b:s7+s3], $0x400, $0x38;
	[tilespmem:$0x3400] =	vst v63  }
0x2b: {  	s23 =	simm.s32 $0x1C00  }
0x2c: {  	[tilespmem:s23], [sflag:$0x4] =	stream.linear.gather [hbm4b:s19+s3], $0x400, $0x38;
	[tilespmem:$0x3400] =	vst v63  }
0x2d: {  	s23 =	simm.s32 $0x2C00  }
0x2e: {  	[tilespmem:s23], [sflag:$0x4] =	stream.linear.gather [hbm4b:s20+s3], $0x400, $0x38;
	[tilespmem:$0x3400] =	vst v63  }
0x2f: {  	_ =	swait.ge [sflag:s1], $0xC00  }
0x30: {  	[sflag:s1] =	ssyncset.done $0x0  }
0x31: {  	p0 =	por $0x1, $0x1;
	s11 =	simm.s32 $0x0;
	[sflag:s1] =	ssyncadd.s32 $0xFFFFF400  }
.LBB2_2:
0x32: {  	v1 =	vld [tilespmem:s11+$0x0]  }
0x33: {  	v2 =	vld [tilespmem:s11+$0x80]  }
0x34: {  	v3 =	vld [tilespmem:s11+$0x100]  }
0x35: {  	v4 =	vld [tilespmem:s11+$0x180]  }
0x36: {  	v5 =	vld [tilespmem:s11+$0x200]  }
0x37: {  	v6 =	vld [tilespmem:s11+$0x280]  }
0x38: {  	v7 =	vld [tilespmem:s11+$0x300]  }
0x39: {  	v8 =	vld [tilespmem:s11+$0x380]  }
0x3a: {  	v9 =	vld [tilespmem:s11+$0x1000]  }
0x3b: {  	v10 =	vld [tilespmem:s11+$0x1080]  }
0x3c: {  	v11 =	vld [tilespmem:s11+$0x1100];
	v1 =	vshll.u32 v1, $0x2;
	v2 =	vshll.u32 v2, $0x1  }
0x3d: {  	v45 =	vld [tilespmem:s11+$0x1200];
	v1 =	vadd.s32 v1, v2  }
0x3e: {  	v47 =	vld [tilespmem:s11+$0x1280];
	v44 =	vshll.u32 v5, $0x2;
	v1 =	vadd.s32 v3, v1;
	v3 =	vshll.u32 v4, $0x3  }
0x3f: {  	v46 =	vshll.u32 v6, $0x1;
	v2 =	vld [tilespmem:s11+$0x1180];
	v1 =	vshll.u32 v1, $0x4;
	v3 =	vadd.s32 v44, v3  }
0x40: {  	v48 =	vld [tilespmem:s11+$0x1300];
	v1 =	vadd.s32 v3, v1;
	v3 =	vadd.s32 v46, v7  }
0x41: {  	v50 =	vld [tilespmem:s11+$0x1380];
	v49 =	vshll.u32 v9, $0x2;
	v1 =	vadd.s32 v1, v3;
	v3 =	vshll.u32 v8, $0x3  }
0x42: {  	v52 =	vld [tilespmem:s11+$0x2000];
	v51 =	vshll.u32 v10, $0x1;
	v1 =	vshll.u32 v1, $0x4;
	v3 =	vadd.s32 v49, v3  }
0x43: {  	v53 =	vld [tilespmem:s11+$0x2080];
	v1 =	vadd.s32 v3, v1;
	v3 =	vadd.s32 v51, v11  }
0x44: {  	v54 =	vld [tilespmem:s11+$0x2100];
	v2 =	vshll.u32 v2, $0x3;
	v1 =	vadd.s32 v1, v3;
	v3 =	vshll.u32 v45, $0x2  }
0x45: {  	v1 =	vshll.u32 v1, $0x4;
	v2 =	vadd.s32 v3, v2;
	v3 =	vshll.u32 v47, $0x1  }
0x46: {  	v1 =	vadd.s32 v2, v1;
	v2 =	vadd.s32 v3, v48  }
0x47: {  	v55 =	vld [tilespmem:s11+$0x2180];
	v3 =	vshll.u32 v52, $0x2;
	v1 =	vadd.s32 v1, v2;
	v2 =	vshll.u32 v50, $0x3  }
0x48: {  	v1 =	vshll.u32 v1, $0x4;
	v2 =	vadd.s32 v3, v2;
	v3 =	vshll.u32 v53, $0x1  }
0x49: {  	v56 =	vld [tilespmem:s11+$0x190];
	v1 =	vadd.s32 v2, v1;
	v2 =	vadd.s32 v3, v54  }
0x4a: {  	v57 =	vld [tilespmem:s11+$0x210];
	v1 =	vadd.s32 v1, v2  }
0x4b: {  	v58 =	vld [tilespmem:s11+$0x290];
	v1 =	vshll.u32 v1, $0x1  }
0x4c: {  	v59 =	vld [tilespmem:s11+$0x310];
	v1 =	vadd.s32 v55, v1  }
0x4d: {  	s23 =	sor.u32 $0x10, s11;
	v2 =	vld [tilespmem:s11+$0x90];
	[tilespmem:s11+$0x3000] =	vst v1  }
0x4e: {  	v1 =	vld [tilespmem:s23+$0x0]  }
0x4f: {  	v60 =	vld [tilespmem:s11+$0x390]  }
0x50: {  	v3 =	vld [tilespmem:s11+$0x110]  }
0x51: {  	v61 =	vld [tilespmem:s11+$0x1010]  }
0x52: {  	v62 =	vld [tilespmem:s11+$0x1090]  }
0x53: {  	v63 =	vld [tilespmem:s11+$0x1110];
	v2 =	vshll.u32 v2, $0x1;
	v1 =	vshll.u32 v1, $0x2  }
0x54: {  	v13 =	vld [tilespmem:s11+$0x1210];
	v1 =	vadd.s32 v1, v2  }
0x55: {  	v15 =	vld [tilespmem:s11+$0x1290];
	v12 =	vshll.u32 v57, $0x2;
	v1 =	vadd.s32 v3, v1;
	v3 =	vshll.u32 v56, $0x3  }
0x56: {  	v14 =	vshll.u32 v58, $0x1;
	v2 =	vld [tilespmem:s11+$0x1190];
	v1 =	vshll.u32 v1, $0x4;
	v3 =	vadd.s32 v12, v3  }
0x57: {  	v16 =	vld [tilespmem:s11+$0x1310];
	v1 =	vadd.s32 v3, v1;
	v3 =	vadd.s32 v14, v59  }
0x58: {  	v18 =	vld [tilespmem:s11+$0x1390];
	v17 =	vshll.u32 v61, $0x2;
	v1 =	vadd.s32 v1, v3;
	v3 =	vshll.u32 v60, $0x3  }
0x59: {  	v20 =	vld [tilespmem:s11+$0x2010];
	v19 =	vshll.u32 v62, $0x1;
	v1 =	vshll.u32 v1, $0x4;
	v3 =	vadd.s32 v17, v3  }
0x5a: {  	v21 =	vld [tilespmem:s11+$0x2090];
	v1 =	vadd.s32 v3, v1;
	v3 =	vadd.s32 v19, v63  }
0x5b: {  	v22 =	vld [tilespmem:s11+$0x2110];
	v2 =	vshll.u32 v2, $0x3;
	v1 =	vadd.s32 v1, v3;
	v3 =	vshll.u32 v13, $0x2  }
0x5c: {  	v1 =	vshll.u32 v1, $0x4;
	v2 =	vadd.s32 v3, v2;
	v3 =	vshll.u32 v15, $0x1  }
0x5d: {  	v1 =	vadd.s32 v2, v1;
	v2 =	vadd.s32 v3, v16  }
0x5e: {  	v23 =	vld [tilespmem:s11+$0x2190];
	v3 =	vshll.u32 v20, $0x2;
	v1 =	vadd.s32 v1, v2;
	v2 =	vshll.u32 v18, $0x3  }
0x5f: {  	v1 =	vshll.u32 v1, $0x4;
	v2 =	vadd.s32 v3, v2;
	v3 =	vshll.u32 v21, $0x1  }
0x60: {  	v24 =	vld [tilespmem:s11+$0x1A0];
	v1 =	vadd.s32 v2, v1;
	v2 =	vadd.s32 v3, v22  }
0x61: {  	v25 =	vld [tilespmem:s11+$0x220];
	v1 =	vadd.s32 v1, v2  }
0x62: {  	v26 =	vld [tilespmem:s11+$0x2A0];
	v1 =	vshll.u32 v1, $0x1  }
0x63: {  	v27 =	vld [tilespmem:s11+$0x320];
	v1 =	vadd.s32 v23, v1  }
0x64: {  	s23 =	sor.u32 $0x20, s11;
	v2 =	vld [tilespmem:s11+$0xA0];
	[tilespmem:s11+$0x3010] =	vst v1  }
0x65: {  	v1 =	vld [tilespmem:s23+$0x0]  }
0x66: {  	v28 =	vld [tilespmem:s11+$0x3A0]  }
0x67: {  	v3 =	vld [tilespmem:s11+$0x120]  }
0x68: {  	v29 =	vld [tilespmem:s11+$0x1020]  }
0x69: {  	v30 =	vld [tilespmem:s11+$0x10A0]  }
0x6a: {  	v31 =	vld [tilespmem:s11+$0x1120];
	v2 =	vshll.u32 v2, $0x1;
	v1 =	vshll.u32 v1, $0x2  }
0x6b: {  	v33 =	vld [tilespmem:s11+$0x1220];
	v1 =	vadd.s32 v1, v2  }
0x6c: {  	v35 =	vld [tilespmem:s11+$0x12A0];
	v32 =	vshll.u32 v25, $0x2;
	v1 =	vadd.s32 v3, v1;
	v3 =	vshll.u32 v24, $0x3  }
0x6d: {  	v34 =	vshll.u32 v26, $0x1;
	v2 =	vld [tilespmem:s11+$0x11A0];
	v1 =	vshll.u32 v1, $0x4;
	v3 =	vadd.s32 v32, v3  }
0x6e: {  	v36 =	vld [tilespmem:s11+$0x1320];
	v1 =	vadd.s32 v3, v1;
	v3 =	vadd.s32 v34, v27  }
0x6f: {  	v38 =	vld [tilespmem:s11+$0x13A0];
	v37 =	vshll.u32 v29, $0x2;
	v1 =	vadd.s32 v1, v3;
	v3 =	vshll.u32 v28, $0x3  }
0x70: {  	v40 =	vld [tilespmem:s11+$0x2020];
	v39 =	vshll.u32 v30, $0x1;
	v1 =	vshll.u32 v1, $0x4;
	v3 =	vadd.s32 v37, v3  }
0x71: {  	v41 =	vld [tilespmem:s11+$0x20A0];
	v1 =	vadd.s32 v3, v1;
	v3 =	vadd.s32 v39, v31  }
0x72: {  	v42 =	vld [tilespmem:s11+$0x2120];
	v2 =	vshll.u32 v2, $0x3;
	v1 =	vadd.s32 v1, v3;
	v3 =	vshll.u32 v33, $0x2  }
0x73: {  	v1 =	vshll.u32 v1, $0x4;
	v2 =	vadd.s32 v3, v2;
	v3 =	vshll.u32 v35, $0x1  }
0x74: {  	v1 =	vadd.s32 v2, v1;
	v2 =	vadd.s32 v3, v36  }
0x75: {  	v43 =	vld [tilespmem:s11+$0x21A0];
	v3 =	vshll.u32 v40, $0x2;
	v1 =	vadd.s32 v1, v2;
	v2 =	vshll.u32 v38, $0x3  }
0x76: {  	v1 =	vshll.u32 v1, $0x4;
	v2 =	vadd.s32 v3, v2;
	v3 =	vshll.u32 v41, $0x1  }
0x77: {  	v58 =	vld [tilespmem:s11+$0x13B0];
	v1 =	vadd.s32 v2, v1;
	v2 =	vadd.s32 v3, v42  }
0x78: {  	v44 =	vld [tilespmem:s11+$0x1B0];
	v1 =	vadd.s32 v1, v2  }
0x79: {  	v46 =	vld [tilespmem:s11+$0x2B0];
	v1 =	vshll.u32 v1, $0x1  }
0x7a: {  	v49 =	vld [tilespmem:s11+$0x1030];
	v1 =	vadd.s32 v43, v1  }
0x7b: {  	s23 =	sor.u32 $0x30, s11;
	v2 =	vld [tilespmem:s11+$0xB0];
	[tilespmem:s11+$0x3020] =	vst v1  }
0x7c: {  	v1 =	vld [tilespmem:s23+$0x0]  }
0x7d: {  	v45 =	vld [tilespmem:s11+$0x230]  }
0x7e: {  	v3 =	vld [tilespmem:s11+$0x130]  }
0x7f: {  	v51 =	vld [tilespmem:s11+$0x1130]  }
0x80: {  	v47 =	vld [tilespmem:s11+$0x330]  }
0x81: {  	v48 =	vld [tilespmem:s11+$0x3B0];
	v2 =	vshll.u32 v2, $0x1;
	v1 =	vshll.u32 v1, $0x2  }
0x82: {  	v50 =	vld [tilespmem:s11+$0x10B0];
	v1 =	vadd.s32 v1, v2  }
0x83: {  	v53 =	vld [tilespmem:s11+$0x1230];
	v52 =	vshll.u32 v45, $0x2;
	v1 =	vadd.s32 v3, v1;
	v3 =	vshll.u32 v44, $0x3  }
0x84: {  	v54 =	vshll.u32 v46, $0x1;
	v2 =	vld [tilespmem:s11+$0x11B0];
	v1 =	vshll.u32 v1, $0x4;
	v3 =	vadd.s32 v52, v3  }
0x85: {  	v55 =	vld [tilespmem:s11+$0x12B0];
	v1 =	vadd.s32 v3, v1;
	v3 =	vadd.s32 v54, v47  }
0x86: {  	v57 =	vshll.u32 v49, $0x2;
	v56 =	vld [tilespmem:s11+$0x1330];
	v1 =	vadd.s32 v1, v3;
	v3 =	vshll.u32 v48, $0x3  }
0x87: {  	v59 =	vshll.u32 v50, $0x1;
	v60 =	vld [tilespmem:s11+$0x2030];
	v1 =	vshll.u32 v1, $0x4;
	v3 =	vadd.s32 v57, v3  }
0x88: {  	v61 =	vld [tilespmem:s11+$0x20B0];
	v1 =	vadd.s32 v3, v1;
	v3 =	vadd.s32 v59, v51  }
0x89: {  	v62 =	vld [tilespmem:s11+$0x2130];
	v2 =	vshll.u32 v2, $0x3;
	v1 =	vadd.s32 v1, v3;
	v3 =	vshll.u32 v53, $0x2  }
0x8a: {  	v2 =	vadd.s32 v3, v2;
	v1 =	vshll.u32 v1, $0x4;
	v3 =	vshll.u32 v55, $0x1  }
0x8b: {  	v1 =	vadd.s32 v2, v1;
	v2 =	vadd.s32 v3, v56  }
0x8c: {  	v63 =	vld [tilespmem:s11+$0x21B0];
	v3 =	vshll.u32 v60, $0x2;
	v1 =	vadd.s32 v1, v2;
	v2 =	vshll.u32 v58, $0x3  }
0x8d: {  	p1 =	por p0, p0;
	v2 =	vadd.s32 v3, v2;
	v1 =	vshll.u32 v1, $0x4;
	v3 =	vshll.u32 v61, $0x1  }
.Ltmp0:
0x8e: {  	v1 =	vadd.s32 v2, v1;
	v2 =	vadd.s32 v3, v62;
	(pc) =	sbr.rel @p1 .LBB2_2-.Ltmp0, $4  }
0x8f: {  	v1 =	vadd.s32 v1, v2  }
0x90: {  	v1 =	vshll.u32 v1, $0x1  }
0x91: {  	v1 =	vadd.s32 v63, v1  }
0x92: {  	p0 =	por $0x0, $0x0;
	[tilespmem:s11+$0x3030] =	vst v1;
	s11 =	simm.s32 $0x40  }
0x93: {  	s11 =	simm.s32 $0x3000;
	s23 =	simm.s32 $0x3200  }
0x94: {  	[tilespmem:s23], [sflag:$0x5] =	stream.indirect.gather [hbm4b:s2+s21], $0x1, s11, s21, $0xb8;
	[tilespmem:$0x3400] =	vst v63  }
0x95: {  	_ =	swait.ge [sflag:s24], $0xC00  }
0x96: {  	[sflag:s24] =	ssyncset.done $0x0  }
0x97: {  	p0 =	por $0x1, $0x1;
	s11 =	simm.s32 $0x0;
	[sflag:s24] =	ssyncadd.s32 $0xFFFFF400  }
.LBB2_4:
0x98: {  	v1 =	vld [tilespmem:s11+$0x400]  }
0x99: {  	v2 =	vld [tilespmem:s11+$0x480]  }
0x9a: {  	v3 =	vld [tilespmem:s11+$0x500]  }
0x9b: {  	v4 =	vld [tilespmem:s11+$0x580]  }
0x9c: {  	v5 =	vld [tilespmem:s11+$0x600]  }
0x9d: {  	v6 =	vld [tilespmem:s11+$0x680]  }
0x9e: {  	v7 =	vld [tilespmem:s11+$0x700]  }
0x9f: {  	v8 =	vld [tilespmem:s11+$0x780]  }
0xa0: {  	v9 =	vld [tilespmem:s11+$0x1400]  }
0xa1: {  	v10 =	vld [tilespmem:s11+$0x1480]  }
0xa2: {  	v11 =	vld [tilespmem:s11+$0x1500];
	v1 =	vshll.u32 v1, $0x2;
	v2 =	vshll.u32 v2, $0x1  }
0xa3: {  	v45 =	vld [tilespmem:s11+$0x1600];
	v1 =	vadd.s32 v1, v2  }
0xa4: {  	v47 =	vld [tilespmem:s11+$0x1680];
	v44 =	vshll.u32 v5, $0x2;
	v1 =	vadd.s32 v3, v1;
	v3 =	vshll.u32 v4, $0x3  }
0xa5: {  	v46 =	vshll.u32 v6, $0x1;
	v2 =	vld [tilespmem:s11+$0x1580];
	v1 =	vshll.u32 v1, $0x4;
	v3 =	vadd.s32 v44, v3  }
0xa6: {  	v48 =	vld [tilespmem:s11+$0x1700];
	v1 =	vadd.s32 v3, v1;
	v3 =	vadd.s32 v46, v7  }
0xa7: {  	v50 =	vld [tilespmem:s11+$0x1780];
	v49 =	vshll.u32 v9, $0x2;
	v1 =	vadd.s32 v1, v3;
	v3 =	vshll.u32 v8, $0x3  }
0xa8: {  	v52 =	vld [tilespmem:s11+$0x2400];
	v51 =	vshll.u32 v10, $0x1;
	v1 =	vshll.u32 v1, $0x4;
	v3 =	vadd.s32 v49, v3  }
0xa9: {  	v53 =	vld [tilespmem:s11+$0x2480];
	v1 =	vadd.s32 v3, v1;
	v3 =	vadd.s32 v51, v11  }
0xaa: {  	v54 =	vld [tilespmem:s11+$0x2500];
	v2 =	vshll.u32 v2, $0x3;
	v1 =	vadd.s32 v1, v3;
	v3 =	vshll.u32 v45, $0x2  }
0xab: {  	v1 =	vshll.u32 v1, $0x4;
	v2 =	vadd.s32 v3, v2;
	v3 =	vshll.u32 v47, $0x1  }
0xac: {  	v1 =	vadd.s32 v2, v1;
	v2 =	vadd.s32 v3, v48  }
0xad: {  	v55 =	vld [tilespmem:s11+$0x2580];
	v3 =	vshll.u32 v52, $0x2;
	v1 =	vadd.s32 v1, v2;
	v2 =	vshll.u32 v50, $0x3  }
0xae: {  	v1 =	vshll.u32 v1, $0x4;
	v2 =	vadd.s32 v3, v2;
	v3 =	vshll.u32 v53, $0x1  }
0xaf: {  	v1 =	vadd.s32 v2, v1;
	v2 =	vadd.s32 v3, v54  }
0xb0: {  	v1 =	vadd.s32 v1, v2  }
0xb1: {  	v1 =	vshll.u32 v1, $0x1  }
0xb2: {  	s23 =	sor.u32 $0x10, s11;
	v1 =	vadd.s32 v55, v1  }
0xb3: {  	s23 =	sand.u32 $0x50, s23;
	[tilespmem:s11+$0x3080] =	vst v1  }
0xb4: {  	v1 =	vld [tilespmem:s23+$0x400]  }
0xb5: {  	v2 =	vld [tilespmem:s23+$0x480]  }
0xb6: {  	v3 =	vld [tilespmem:s23+$0x500]  }
0xb7: {  	v56 =	vld [tilespmem:s23+$0x580]  }
0xb8: {  	v57 =	vld [tilespmem:s23+$0x600]  }
0xb9: {  	v58 =	vld [tilespmem:s23+$0x680]  }
0xba: {  	v59 =	vld [tilespmem:s23+$0x700]  }
0xbb: {  	v60 =	vld [tilespmem:s23+$0x780]  }
0xbc: {  	v61 =	vld [tilespmem:s23+$0x1400]  }
0xbd: {  	v62 =	vld [tilespmem:s23+$0x1480]  }
0xbe: {  	v63 =	vld [tilespmem:s23+$0x1500];
	v1 =	vshll.u32 v1, $0x2;
	v2 =	vshll.u32 v2, $0x1  }
0xbf: {  	v13 =	vld [tilespmem:s23+$0x1600];
	v1 =	vadd.s32 v1, v2  }
0xc0: {  	v15 =	vld [tilespmem:s23+$0x1680];
	v12 =	vshll.u32 v57, $0x2;
	v1 =	vadd.s32 v3, v1;
	v3 =	vshll.u32 v56, $0x3  }
0xc1: {  	v14 =	vshll.u32 v58, $0x1;
	v2 =	vld [tilespmem:s23+$0x1580];
	v1 =	vshll.u32 v1, $0x4;
	v3 =	vadd.s32 v12, v3  }
0xc2: {  	v16 =	vld [tilespmem:s23+$0x1700];
	v1 =	vadd.s32 v3, v1;
	v3 =	vadd.s32 v14, v59  }
0xc3: {  	v18 =	vld [tilespmem:s23+$0x1780];
	v17 =	vshll.u32 v61, $0x2;
	v1 =	vadd.s32 v1, v3;
	v3 =	vshll.u32 v60, $0x3  }
0xc4: {  	v20 =	vld [tilespmem:s23+$0x2400];
	v19 =	vshll.u32 v62, $0x1;
	v1 =	vshll.u32 v1, $0x4;
	v3 =	vadd.s32 v17, v3  }
0xc5: {  	v21 =	vld [tilespmem:s23+$0x2480];
	v1 =	vadd.s32 v3, v1;
	v3 =	vadd.s32 v19, v63  }
0xc6: {  	v22 =	vld [tilespmem:s23+$0x2500];
	v2 =	vshll.u32 v2, $0x3;
	v1 =	vadd.s32 v1, v3;
	v3 =	vshll.u32 v13, $0x2  }
0xc7: {  	v1 =	vshll.u32 v1, $0x4;
	v2 =	vadd.s32 v3, v2;
	v3 =	vshll.u32 v15, $0x1  }
0xc8: {  	v1 =	vadd.s32 v2, v1;
	v2 =	vadd.s32 v3, v16  }
0xc9: {  	v23 =	vld [tilespmem:s23+$0x2580];
	v3 =	vshll.u32 v20, $0x2;
	v1 =	vadd.s32 v1, v2;
	v2 =	vshll.u32 v18, $0x3  }
0xca: {  	v1 =	vshll.u32 v1, $0x4;
	v2 =	vadd.s32 v3, v2;
	v3 =	vshll.u32 v21, $0x1  }
0xcb: {  	v1 =	vadd.s32 v2, v1;
	v2 =	vadd.s32 v3, v22  }
0xcc: {  	v1 =	vadd.s32 v1, v2  }
0xcd: {  	v1 =	vshll.u32 v1, $0x1  }
0xce: {  	s23 =	sor.u32 $0x20, s11;
	v1 =	vadd.s32 v23, v1  }
0xcf: {  	s23 =	sand.u32 $0x60, s23;
	[tilespmem:s11+$0x3090] =	vst v1  }
0xd0: {  	v1 =	vld [tilespmem:s23+$0x400]  }
0xd1: {  	v2 =	vld [tilespmem:s23+$0x480]  }
0xd2: {  	v3 =	vld [tilespmem:s23+$0x500]  }
0xd3: {  	v24 =	vld [tilespmem:s23+$0x580]  }
0xd4: {  	v25 =	vld [tilespmem:s23+$0x600]  }
0xd5: {  	v26 =	vld [tilespmem:s23+$0x680]  }
0xd6: {  	v27 =	vld [tilespmem:s23+$0x700]  }
0xd7: {  	v28 =	vld [tilespmem:s23+$0x780]  }
0xd8: {  	v29 =	vld [tilespmem:s23+$0x1400]  }
0xd9: {  	v30 =	vld [tilespmem:s23+$0x1480]  }
0xda: {  	v31 =	vld [tilespmem:s23+$0x1500];
	v1 =	vshll.u32 v1, $0x2;
	v2 =	vshll.u32 v2, $0x1  }
0xdb: {  	v33 =	vld [tilespmem:s23+$0x1600];
	v1 =	vadd.s32 v1, v2  }
0xdc: {  	v35 =	vld [tilespmem:s23+$0x1680];
	v32 =	vshll.u32 v25, $0x2;
	v1 =	vadd.s32 v3, v1;
	v3 =	vshll.u32 v24, $0x3  }
0xdd: {  	v34 =	vshll.u32 v26, $0x1;
	v2 =	vld [tilespmem:s23+$0x1580];
	v1 =	vshll.u32 v1, $0x4;
	v3 =	vadd.s32 v32, v3  }
0xde: {  	v36 =	vld [tilespmem:s23+$0x1700];
	v1 =	vadd.s32 v3, v1;
	v3 =	vadd.s32 v34, v27  }
0xdf: {  	v38 =	vld [tilespmem:s23+$0x1780];
	v37 =	vshll.u32 v29, $0x2;
	v1 =	vadd.s32 v1, v3;
	v3 =	vshll.u32 v28, $0x3  }
0xe0: {  	v40 =	vld [tilespmem:s23+$0x2400];
	v39 =	vshll.u32 v30, $0x1;
	v1 =	vshll.u32 v1, $0x4;
	v3 =	vadd.s32 v37, v3  }
0xe1: {  	v41 =	vld [tilespmem:s23+$0x2480];
	v1 =	vadd.s32 v3, v1;
	v3 =	vadd.s32 v39, v31  }
0xe2: {  	v42 =	vld [tilespmem:s23+$0x2500];
	v2 =	vshll.u32 v2, $0x3;
	v1 =	vadd.s32 v1, v3;
	v3 =	vshll.u32 v33, $0x2  }
0xe3: {  	v1 =	vshll.u32 v1, $0x4;
	v2 =	vadd.s32 v3, v2;
	v3 =	vshll.u32 v35, $0x1  }
0xe4: {  	v1 =	vadd.s32 v2, v1;
	v2 =	vadd.s32 v3, v36  }
0xe5: {  	v43 =	vld [tilespmem:s23+$0x2580];
	v3 =	vshll.u32 v40, $0x2;
	v1 =	vadd.s32 v1, v2;
	v2 =	vshll.u32 v38, $0x3  }
0xe6: {  	v1 =	vshll.u32 v1, $0x4;
	v2 =	vadd.s32 v3, v2;
	v3 =	vshll.u32 v41, $0x1  }
0xe7: {  	v1 =	vadd.s32 v2, v1;
	v2 =	vadd.s32 v3, v42  }
0xe8: {  	v1 =	vadd.s32 v1, v2  }
0xe9: {  	v1 =	vshll.u32 v1, $0x1  }
0xea: {  	s23 =	sor.u32 $0x30, s11;
	v1 =	vadd.s32 v43, v1  }
0xeb: {  	s23 =	sand.u32 $0x70, s23;
	[tilespmem:s11+$0x30A0] =	vst v1  }
0xec: {  	v1 =	vld [tilespmem:s23+$0x400]  }
0xed: {  	v2 =	vld [tilespmem:s23+$0x480]  }
0xee: {  	v3 =	vld [tilespmem:s23+$0x500]  }
0xef: {  	v44 =	vld [tilespmem:s23+$0x580]  }
0xf0: {  	v45 =	vld [tilespmem:s23+$0x600]  }
0xf1: {  	v46 =	vld [tilespmem:s23+$0x680]  }
0xf2: {  	v47 =	vld [tilespmem:s23+$0x700]  }
0xf3: {  	v48 =	vld [tilespmem:s23+$0x780]  }
0xf4: {  	v49 =	vld [tilespmem:s23+$0x1400]  }
0xf5: {  	v50 =	vld [tilespmem:s23+$0x1480]  }
0xf6: {  	v51 =	vld [tilespmem:s23+$0x1500];
	v1 =	vshll.u32 v1, $0x2;
	v2 =	vshll.u32 v2, $0x1  }
0xf7: {  	v53 =	vld [tilespmem:s23+$0x1600];
	v1 =	vadd.s32 v1, v2  }
0xf8: {  	v55 =	vld [tilespmem:s23+$0x1680];
	v52 =	vshll.u32 v45, $0x2;
	v1 =	vadd.s32 v3, v1;
	v3 =	vshll.u32 v44, $0x3  }
0xf9: {  	v54 =	vshll.u32 v46, $0x1;
	v2 =	vld [tilespmem:s23+$0x1580];
	v1 =	vshll.u32 v1, $0x4;
	v3 =	vadd.s32 v52, v3  }
0xfa: {  	v56 =	vld [tilespmem:s23+$0x1700];
	v1 =	vadd.s32 v3, v1;
	v3 =	vadd.s32 v54, v47  }
0xfb: {  	v58 =	vld [tilespmem:s23+$0x1780];
	v57 =	vshll.u32 v49, $0x2;
	v1 =	vadd.s32 v1, v3;
	v3 =	vshll.u32 v48, $0x3  }
0xfc: {  	v60 =	vld [tilespmem:s23+$0x2400];
	v59 =	vshll.u32 v50, $0x1;
	v1 =	vshll.u32 v1, $0x4;
	v3 =	vadd.s32 v57, v3  }
0xfd: {  	v61 =	vld [tilespmem:s23+$0x2480];
	v1 =	vadd.s32 v3, v1;
	v3 =	vadd.s32 v59, v51  }
0xfe: {  	v62 =	vld [tilespmem:s23+$0x2500];
	v2 =	vshll.u32 v2, $0x3;
	v1 =	vadd.s32 v1, v3;
	v3 =	vshll.u32 v53, $0x2  }
0xff: {  	v2 =	vadd.s32 v3, v2;
	v1 =	vshll.u32 v1, $0x4;
	v3 =	vshll.u32 v55, $0x1  }
0x100: {  	v1 =	vadd.s32 v2, v1;
	v2 =	vadd.s32 v3, v56  }
0x101: {  	v63 =	vld [tilespmem:s23+$0x2580];
	v3 =	vshll.u32 v60, $0x2;
	v1 =	vadd.s32 v1, v2;
	v2 =	vshll.u32 v58, $0x3  }
0x102: {  	p1 =	por p0, p0;
	v2 =	vadd.s32 v3, v2;
	v1 =	vshll.u32 v1, $0x4;
	v3 =	vshll.u32 v61, $0x1  }
.Ltmp1:
0x103: {  	v1 =	vadd.s32 v2, v1;
	v2 =	vadd.s32 v3, v62;
	(pc) =	sbr.rel @p1 .LBB2_4-.Ltmp1, $4  }
0x104: {  	v1 =	vadd.s32 v1, v2  }
0x105: {  	v1 =	vshll.u32 v1, $0x1  }
0x106: {  	v1 =	vadd.s32 v63, v1  }
0x107: {  	p0 =	por $0x0, $0x0;
	[tilespmem:s11+$0x30B0] =	vst v1;
	s11 =	simm.s32 $0x40  }
0x108: {  	s11 =	simm.s32 $0x3080  }
0x109: {  	[tilespmem:s26], [sflag:$0x6] =	stream.indirect.gather [hbm4b:s2+s21], $0x1, s11, s21, $0xb8;
	[tilespmem:$0x3400] =	vst v63  }
0x10a: {  	_ =	swait.ge [sflag:s28], $0xC00  }
0x10b: {  	[sflag:s28] =	ssyncset.done $0x0  }
0x10c: {  	p0 =	por $0x1, $0x1;
	s11 =	simm.s32 $0x0;
	[sflag:s28] =	ssyncadd.s32 $0xFFFFF400  }
.LBB2_6:
0x10d: {  	v1 =	vld [tilespmem:s11+$0x800]  }
0x10e: {  	v2 =	vld [tilespmem:s11+$0x880]  }
0x10f: {  	v3 =	vld [tilespmem:s11+$0x900]  }
0x110: {  	v4 =	vld [tilespmem:s11+$0x980]  }
0x111: {  	v5 =	vld [tilespmem:s11+$0xA00]  }
0x112: {  	v6 =	vld [tilespmem:s11+$0xA80]  }
0x113: {  	v7 =	vld [tilespmem:s11+$0xB00]  }
0x114: {  	v8 =	vld [tilespmem:s11+$0xB80]  }
0x115: {  	v9 =	vld [tilespmem:s11+$0x1800]  }
0x116: {  	v10 =	vld [tilespmem:s11+$0x1880]  }
0x117: {  	v11 =	vld [tilespmem:s11+$0x1900];
	v1 =	vshll.u32 v1, $0x2;
	v2 =	vshll.u32 v2, $0x1  }
0x118: {  	v45 =	vld [tilespmem:s11+$0x1A00];
	v1 =	vadd.s32 v1, v2  }
0x119: {  	v47 =	vld [tilespmem:s11+$0x1A80];
	v44 =	vshll.u32 v5, $0x2;
	v1 =	vadd.s32 v3, v1;
	v3 =	vshll.u32 v4, $0x3  }
0x11a: {  	v46 =	vshll.u32 v6, $0x1;
	v2 =	vld [tilespmem:s11+$0x1980];
	v1 =	vshll.u32 v1, $0x4;
	v3 =	vadd.s32 v44, v3  }
0x11b: {  	v48 =	vld [tilespmem:s11+$0x1B00];
	v1 =	vadd.s32 v3, v1;
	v3 =	vadd.s32 v46, v7  }
0x11c: {  	v50 =	vld [tilespmem:s11+$0x1B80];
	v49 =	vshll.u32 v9, $0x2;
	v1 =	vadd.s32 v1, v3;
	v3 =	vshll.u32 v8, $0x3  }
0x11d: {  	v52 =	vld [tilespmem:s11+$0x2800];
	v51 =	vshll.u32 v10, $0x1;
	v1 =	vshll.u32 v1, $0x4;
	v3 =	vadd.s32 v49, v3  }
0x11e: {  	v53 =	vld [tilespmem:s11+$0x2880];
	v1 =	vadd.s32 v3, v1;
	v3 =	vadd.s32 v51, v11  }
0x11f: {  	v54 =	vld [tilespmem:s11+$0x2900];
	v2 =	vshll.u32 v2, $0x3;
	v1 =	vadd.s32 v1, v3;
	v3 =	vshll.u32 v45, $0x2  }
0x120: {  	v1 =	vshll.u32 v1, $0x4;
	v2 =	vadd.s32 v3, v2;
	v3 =	vshll.u32 v47, $0x1  }
0x121: {  	v1 =	vadd.s32 v2, v1;
	v2 =	vadd.s32 v3, v48  }
0x122: {  	v55 =	vld [tilespmem:s11+$0x2980];
	v3 =	vshll.u32 v52, $0x2;
	v1 =	vadd.s32 v1, v2;
	v2 =	vshll.u32 v50, $0x3  }
0x123: {  	v1 =	vshll.u32 v1, $0x4;
	v2 =	vadd.s32 v3, v2;
	v3 =	vshll.u32 v53, $0x1  }
0x124: {  	v1 =	vadd.s32 v2, v1;
	v2 =	vadd.s32 v3, v54  }
0x125: {  	v1 =	vadd.s32 v1, v2  }
0x126: {  	v1 =	vshll.u32 v1, $0x1  }
0x127: {  	s23 =	sor.u32 $0x10, s11;
	v1 =	vadd.s32 v55, v1  }
0x128: {  	s23 =	sand.u32 $0x50, s23;
	[tilespmem:s11+$0x3100] =	vst v1  }
0x129: {  	v1 =	vld [tilespmem:s23+$0x800]  }
0x12a: {  	v2 =	vld [tilespmem:s23+$0x880]  }
0x12b: {  	v3 =	vld [tilespmem:s23+$0x900]  }
0x12c: {  	v56 =	vld [tilespmem:s23+$0x980]  }
0x12d: {  	v57 =	vld [tilespmem:s23+$0xA00]  }
0x12e: {  	v58 =	vld [tilespmem:s23+$0xA80]  }
0x12f: {  	v59 =	vld [tilespmem:s23+$0xB00]  }
0x130: {  	v60 =	vld [tilespmem:s23+$0xB80]  }
0x131: {  	v61 =	vld [tilespmem:s23+$0x1800]  }
0x132: {  	v62 =	vld [tilespmem:s23+$0x1880]  }
0x133: {  	v63 =	vld [tilespmem:s23+$0x1900];
	v1 =	vshll.u32 v1, $0x2;
	v2 =	vshll.u32 v2, $0x1  }
0x134: {  	v13 =	vld [tilespmem:s23+$0x1A00];
	v1 =	vadd.s32 v1, v2  }
0x135: {  	v15 =	vld [tilespmem:s23+$0x1A80];
	v12 =	vshll.u32 v57, $0x2;
	v1 =	vadd.s32 v3, v1;
	v3 =	vshll.u32 v56, $0x3  }
0x136: {  	v14 =	vshll.u32 v58, $0x1;
	v2 =	vld [tilespmem:s23+$0x1980];
	v1 =	vshll.u32 v1, $0x4;
	v3 =	vadd.s32 v12, v3  }
0x137: {  	v16 =	vld [tilespmem:s23+$0x1B00];
	v1 =	vadd.s32 v3, v1;
	v3 =	vadd.s32 v14, v59  }
0x138: {  	v18 =	vld [tilespmem:s23+$0x1B80];
	v17 =	vshll.u32 v61, $0x2;
	v1 =	vadd.s32 v1, v3;
	v3 =	vshll.u32 v60, $0x3  }
0x139: {  	v20 =	vld [tilespmem:s23+$0x2800];
	v19 =	vshll.u32 v62, $0x1;
	v1 =	vshll.u32 v1, $0x4;
	v3 =	vadd.s32 v17, v3  }
0x13a: {  	v21 =	vld [tilespmem:s23+$0x2880];
	v1 =	vadd.s32 v3, v1;
	v3 =	vadd.s32 v19, v63  }
0x13b: {  	v22 =	vld [tilespmem:s23+$0x2900];
	v2 =	vshll.u32 v2, $0x3;
	v1 =	vadd.s32 v1, v3;
	v3 =	vshll.u32 v13, $0x2  }
0x13c: {  	v1 =	vshll.u32 v1, $0x4;
	v2 =	vadd.s32 v3, v2;
	v3 =	vshll.u32 v15, $0x1  }
0x13d: {  	v1 =	vadd.s32 v2, v1;
	v2 =	vadd.s32 v3, v16  }
0x13e: {  	v23 =	vld [tilespmem:s23+$0x2980];
	v3 =	vshll.u32 v20, $0x2;
	v1 =	vadd.s32 v1, v2;
	v2 =	vshll.u32 v18, $0x3  }
0x13f: {  	v1 =	vshll.u32 v1, $0x4;
	v2 =	vadd.s32 v3, v2;
	v3 =	vshll.u32 v21, $0x1  }
0x140: {  	v1 =	vadd.s32 v2, v1;
	v2 =	vadd.s32 v3, v22  }
0x141: {  	v1 =	vadd.s32 v1, v2  }
0x142: {  	v1 =	vshll.u32 v1, $0x1  }
0x143: {  	s23 =	sor.u32 $0x20, s11;
	v1 =	vadd.s32 v23, v1  }
0x144: {  	s23 =	sand.u32 $0x60, s23;
	[tilespmem:s11+$0x3110] =	vst v1  }
0x145: {  	v1 =	vld [tilespmem:s23+$0x800]  }
0x146: {  	v2 =	vld [tilespmem:s23+$0x880]  }
0x147: {  	v3 =	vld [tilespmem:s23+$0x900]  }
0x148: {  	v24 =	vld [tilespmem:s23+$0x980]  }
0x149: {  	v25 =	vld [tilespmem:s23+$0xA00]  }
0x14a: {  	v26 =	vld [tilespmem:s23+$0xA80]  }
0x14b: {  	v27 =	vld [tilespmem:s23+$0xB00]  }
0x14c: {  	v28 =	vld [tilespmem:s23+$0xB80]  }
0x14d: {  	v29 =	vld [tilespmem:s23+$0x1800]  }
0x14e: {  	v30 =	vld [tilespmem:s23+$0x1880]  }
0x14f: {  	v31 =	vld [tilespmem:s23+$0x1900];
	v1 =	vshll.u32 v1, $0x2;
	v2 =	vshll.u32 v2, $0x1  }
0x150: {  	v33 =	vld [tilespmem:s23+$0x1A00];
	v1 =	vadd.s32 v1, v2  }
0x151: {  	v35 =	vld [tilespmem:s23+$0x1A80];
	v32 =	vshll.u32 v25, $0x2;
	v1 =	vadd.s32 v3, v1;
	v3 =	vshll.u32 v24, $0x3  }
0x152: {  	v34 =	vshll.u32 v26, $0x1;
	v2 =	vld [tilespmem:s23+$0x1980];
	v1 =	vshll.u32 v1, $0x4;
	v3 =	vadd.s32 v32, v3  }
0x153: {  	v36 =	vld [tilespmem:s23+$0x1B00];
	v1 =	vadd.s32 v3, v1;
	v3 =	vadd.s32 v34, v27  }
0x154: {  	v38 =	vld [tilespmem:s23+$0x1B80];
	v37 =	vshll.u32 v29, $0x2;
	v1 =	vadd.s32 v1, v3;
	v3 =	vshll.u32 v28, $0x3  }
0x155: {  	v40 =	vld [tilespmem:s23+$0x2800];
	v39 =	vshll.u32 v30, $0x1;
	v1 =	vshll.u32 v1, $0x4;
	v3 =	vadd.s32 v37, v3  }
0x156: {  	v41 =	vld [tilespmem:s23+$0x2880];
	v1 =	vadd.s32 v3, v1;
	v3 =	vadd.s32 v39, v31  }
0x157: {  	v42 =	vld [tilespmem:s23+$0x2900];
	v2 =	vshll.u32 v2, $0x3;
	v1 =	vadd.s32 v1, v3;
	v3 =	vshll.u32 v33, $0x2  }
0x158: {  	v1 =	vshll.u32 v1, $0x4;
	v2 =	vadd.s32 v3, v2;
	v3 =	vshll.u32 v35, $0x1  }
0x159: {  	v1 =	vadd.s32 v2, v1;
	v2 =	vadd.s32 v3, v36  }
0x15a: {  	v43 =	vld [tilespmem:s23+$0x2980];
	v3 =	vshll.u32 v40, $0x2;
	v1 =	vadd.s32 v1, v2;
	v2 =	vshll.u32 v38, $0x3  }
0x15b: {  	v1 =	vshll.u32 v1, $0x4;
	v2 =	vadd.s32 v3, v2;
	v3 =	vshll.u32 v41, $0x1  }
0x15c: {  	v1 =	vadd.s32 v2, v1;
	v2 =	vadd.s32 v3, v42  }
0x15d: {  	v1 =	vadd.s32 v1, v2  }
0x15e: {  	v1 =	vshll.u32 v1, $0x1  }
0x15f: {  	s23 =	sor.u32 $0x30, s11;
	v1 =	vadd.s32 v43, v1  }
0x160: {  	s23 =	sand.u32 $0x70, s23;
	[tilespmem:s11+$0x3120] =	vst v1  }
0x161: {  	v1 =	vld [tilespmem:s23+$0x800]  }
0x162: {  	v2 =	vld [tilespmem:s23+$0x880]  }
0x163: {  	v3 =	vld [tilespmem:s23+$0x900]  }
0x164: {  	v44 =	vld [tilespmem:s23+$0x980]  }
0x165: {  	v45 =	vld [tilespmem:s23+$0xA00]  }
0x166: {  	v46 =	vld [tilespmem:s23+$0xA80]  }
0x167: {  	v47 =	vld [tilespmem:s23+$0xB00]  }
0x168: {  	v48 =	vld [tilespmem:s23+$0xB80]  }
0x169: {  	v49 =	vld [tilespmem:s23+$0x1800]  }
0x16a: {  	v50 =	vld [tilespmem:s23+$0x1880]  }
0x16b: {  	v51 =	vld [tilespmem:s23+$0x1900];
	v1 =	vshll.u32 v1, $0x2;
	v2 =	vshll.u32 v2, $0x1  }
0x16c: {  	v53 =	vld [tilespmem:s23+$0x1A00];
	v1 =	vadd.s32 v1, v2  }
0x16d: {  	v55 =	vld [tilespmem:s23+$0x1A80];
	v52 =	vshll.u32 v45, $0x2;
	v1 =	vadd.s32 v3, v1;
	v3 =	vshll.u32 v44, $0x3  }
0x16e: {  	v54 =	vshll.u32 v46, $0x1;
	v2 =	vld [tilespmem:s23+$0x1980];
	v1 =	vshll.u32 v1, $0x4;
	v3 =	vadd.s32 v52, v3  }
0x16f: {  	v56 =	vld [tilespmem:s23+$0x1B00];
	v1 =	vadd.s32 v3, v1;
	v3 =	vadd.s32 v54, v47  }
0x170: {  	v58 =	vld [tilespmem:s23+$0x1B80];
	v57 =	vshll.u32 v49, $0x2;
	v1 =	vadd.s32 v1, v3;
	v3 =	vshll.u32 v48, $0x3  }
0x171: {  	v60 =	vld [tilespmem:s23+$0x2800];
	v59 =	vshll.u32 v50, $0x1;
	v1 =	vshll.u32 v1, $0x4;
	v3 =	vadd.s32 v57, v3  }
0x172: {  	v61 =	vld [tilespmem:s23+$0x2880];
	v1 =	vadd.s32 v3, v1;
	v3 =	vadd.s32 v59, v51  }
0x173: {  	v62 =	vld [tilespmem:s23+$0x2900];
	v2 =	vshll.u32 v2, $0x3;
	v1 =	vadd.s32 v1, v3;
	v3 =	vshll.u32 v53, $0x2  }
0x174: {  	v2 =	vadd.s32 v3, v2;
	v1 =	vshll.u32 v1, $0x4;
	v3 =	vshll.u32 v55, $0x1  }
0x175: {  	v1 =	vadd.s32 v2, v1;
	v2 =	vadd.s32 v3, v56  }
0x176: {  	v63 =	vld [tilespmem:s23+$0x2980];
	v3 =	vshll.u32 v60, $0x2;
	v1 =	vadd.s32 v1, v2;
	v2 =	vshll.u32 v58, $0x3  }
0x177: {  	p1 =	por p0, p0;
	v2 =	vadd.s32 v3, v2;
	v1 =	vshll.u32 v1, $0x4;
	v3 =	vshll.u32 v61, $0x1  }
.Ltmp2:
0x178: {  	v1 =	vadd.s32 v2, v1;
	v2 =	vadd.s32 v3, v62;
	(pc) =	sbr.rel @p1 .LBB2_6-.Ltmp2, $4  }
0x179: {  	v1 =	vadd.s32 v1, v2  }
0x17a: {  	v1 =	vshll.u32 v1, $0x1  }
0x17b: {  	v1 =	vadd.s32 v63, v1  }
0x17c: {  	p0 =	por $0x0, $0x0;
	[tilespmem:s11+$0x3130] =	vst v1;
	s11 =	simm.s32 $0x40  }
0x17d: {  	s11 =	simm.s32 $0x3100  }
0x17e: {  	[tilespmem:s30], [sflag:$0x7] =	stream.indirect.gather [hbm4b:s2+s21], $0x1, s11, s21, $0xb8;
	[tilespmem:$0x3400] =	vst v63  }
0x17f: {  	_ =	swait.ge [sflag:s31], $0xC00  }
0x180: {  	[sflag:s31] =	ssyncset.done $0x0  }
0x181: {  	p0 =	por $0x1, $0x1;
	s11 =	simm.s32 $0x0;
	[sflag:s31] =	ssyncadd.s32 $0xFFFFF400  }
.LBB2_8:
0x182: {  	v1 =	vld [tilespmem:s11+$0xC00]  }
0x183: {  	v2 =	vld [tilespmem:s11+$0xC80]  }
0x184: {  	v3 =	vld [tilespmem:s11+$0xD00]  }
0x185: {  	v4 =	vld [tilespmem:s11+$0xD80]  }
0x186: {  	v5 =	vld [tilespmem:s11+$0xE00]  }
0x187: {  	v6 =	vld [tilespmem:s11+$0xE80]  }
0x188: {  	v7 =	vld [tilespmem:s11+$0xF00]  }
0x189: {  	v8 =	vld [tilespmem:s11+$0xF80]  }
0x18a: {  	v9 =	vld [tilespmem:s11+$0x1C00]  }
0x18b: {  	v10 =	vld [tilespmem:s11+$0x1C80]  }
0x18c: {  	v11 =	vld [tilespmem:s11+$0x1D00];
	v1 =	vshll.u32 v1, $0x2;
	v2 =	vshll.u32 v2, $0x1  }
0x18d: {  	v45 =	vld [tilespmem:s11+$0x1E00];
	v1 =	vadd.s32 v1, v2  }
0x18e: {  	v47 =	vld [tilespmem:s11+$0x1E80];
	v44 =	vshll.u32 v5, $0x2;
	v1 =	vadd.s32 v3, v1;
	v3 =	vshll.u32 v4, $0x3  }
0x18f: {  	v46 =	vshll.u32 v6, $0x1;
	v2 =	vld [tilespmem:s11+$0x1D80];
	v1 =	vshll.u32 v1, $0x4;
	v3 =	vadd.s32 v44, v3  }
0x190: {  	v48 =	vld [tilespmem:s11+$0x1F00];
	v1 =	vadd.s32 v3, v1;
	v3 =	vadd.s32 v46, v7  }
0x191: {  	v50 =	vld [tilespmem:s11+$0x1F80];
	v49 =	vshll.u32 v9, $0x2;
	v1 =	vadd.s32 v1, v3;
	v3 =	vshll.u32 v8, $0x3  }
0x192: {  	v52 =	vld [tilespmem:s11+$0x2C00];
	v51 =	vshll.u32 v10, $0x1;
	v1 =	vshll.u32 v1, $0x4;
	v3 =	vadd.s32 v49, v3  }
0x193: {  	v53 =	vld [tilespmem:s11+$0x2C80];
	v1 =	vadd.s32 v3, v1;
	v3 =	vadd.s32 v51, v11  }
0x194: {  	v54 =	vld [tilespmem:s11+$0x2D00];
	v2 =	vshll.u32 v2, $0x3;
	v1 =	vadd.s32 v1, v3;
	v3 =	vshll.u32 v45, $0x2  }
0x195: {  	v1 =	vshll.u32 v1, $0x4;
	v2 =	vadd.s32 v3, v2;
	v3 =	vshll.u32 v47, $0x1  }
0x196: {  	v1 =	vadd.s32 v2, v1;
	v2 =	vadd.s32 v3, v48  }
0x197: {  	v55 =	vld [tilespmem:s11+$0x2D80];
	v3 =	vshll.u32 v52, $0x2;
	v1 =	vadd.s32 v1, v2;
	v2 =	vshll.u32 v50, $0x3  }
0x198: {  	v1 =	vshll.u32 v1, $0x4;
	v2 =	vadd.s32 v3, v2;
	v3 =	vshll.u32 v53, $0x1  }
0x199: {  	v1 =	vadd.s32 v2, v1;
	v2 =	vadd.s32 v3, v54  }
0x19a: {  	v1 =	vadd.s32 v1, v2  }
0x19b: {  	v1 =	vshll.u32 v1, $0x1  }
0x19c: {  	s23 =	sor.u32 $0x10, s11;
	v1 =	vadd.s32 v55, v1  }
0x19d: {  	s23 =	sand.u32 $0x50, s23;
	[tilespmem:s11+$0x3180] =	vst v1  }
0x19e: {  	v1 =	vld [tilespmem:s23+$0xC00]  }
0x19f: {  	v2 =	vld [tilespmem:s23+$0xC80]  }
0x1a0: {  	v3 =	vld [tilespmem:s23+$0xD00]  }
0x1a1: {  	v56 =	vld [tilespmem:s23+$0xD80]  }
0x1a2: {  	v57 =	vld [tilespmem:s23+$0xE00]  }
0x1a3: {  	v58 =	vld [tilespmem:s23+$0xE80]  }
0x1a4: {  	v59 =	vld [tilespmem:s23+$0xF00]  }
0x1a5: {  	v60 =	vld [tilespmem:s23+$0xF80]  }
0x1a6: {  	v61 =	vld [tilespmem:s23+$0x1C00]  }
0x1a7: {  	v62 =	vld [tilespmem:s23+$0x1C80]  }
0x1a8: {  	v63 =	vld [tilespmem:s23+$0x1D00];
	v1 =	vshll.u32 v1, $0x2;
	v2 =	vshll.u32 v2, $0x1  }
0x1a9: {  	v13 =	vld [tilespmem:s23+$0x1E00];
	v1 =	vadd.s32 v1, v2  }
0x1aa: {  	v15 =	vld [tilespmem:s23+$0x1E80];
	v12 =	vshll.u32 v57, $0x2;
	v1 =	vadd.s32 v3, v1;
	v3 =	vshll.u32 v56, $0x3  }
0x1ab: {  	v14 =	vshll.u32 v58, $0x1;
	v2 =	vld [tilespmem:s23+$0x1D80];
	v1 =	vshll.u32 v1, $0x4;
	v3 =	vadd.s32 v12, v3  }
0x1ac: {  	v16 =	vld [tilespmem:s23+$0x1F00];
	v1 =	vadd.s32 v3, v1;
	v3 =	vadd.s32 v14, v59  }
0x1ad: {  	v18 =	vld [tilespmem:s23+$0x1F80];
	v17 =	vshll.u32 v61, $0x2;
	v1 =	vadd.s32 v1, v3;
	v3 =	vshll.u32 v60, $0x3  }
0x1ae: {  	v20 =	vld [tilespmem:s23+$0x2C00];
	v19 =	vshll.u32 v62, $0x1;
	v1 =	vshll.u32 v1, $0x4;
	v3 =	vadd.s32 v17, v3  }
0x1af: {  	v21 =	vld [tilespmem:s23+$0x2C80];
	v1 =	vadd.s32 v3, v1;
	v3 =	vadd.s32 v19, v63  }
0x1b0: {  	v22 =	vld [tilespmem:s23+$0x2D00];
	v2 =	vshll.u32 v2, $0x3;
	v1 =	vadd.s32 v1, v3;
	v3 =	vshll.u32 v13, $0x2  }
0x1b1: {  	v1 =	vshll.u32 v1, $0x4;
	v2 =	vadd.s32 v3, v2;
	v3 =	vshll.u32 v15, $0x1  }
0x1b2: {  	v1 =	vadd.s32 v2, v1;
	v2 =	vadd.s32 v3, v16  }
0x1b3: {  	v23 =	vld [tilespmem:s23+$0x2D80];
	v3 =	vshll.u32 v20, $0x2;
	v1 =	vadd.s32 v1, v2;
	v2 =	vshll.u32 v18, $0x3  }
0x1b4: {  	v1 =	vshll.u32 v1, $0x4;
	v2 =	vadd.s32 v3, v2;
	v3 =	vshll.u32 v21, $0x1  }
0x1b5: {  	v1 =	vadd.s32 v2, v1;
	v2 =	vadd.s32 v3, v22  }
0x1b6: {  	v1 =	vadd.s32 v1, v2  }
0x1b7: {  	v1 =	vshll.u32 v1, $0x1  }
0x1b8: {  	s23 =	sor.u32 $0x20, s11;
	v1 =	vadd.s32 v23, v1  }
0x1b9: {  	s23 =	sand.u32 $0x60, s23;
	[tilespmem:s11+$0x3190] =	vst v1  }
0x1ba: {  	v1 =	vld [tilespmem:s23+$0xC00]  }
0x1bb: {  	v2 =	vld [tilespmem:s23+$0xC80]  }
0x1bc: {  	v3 =	vld [tilespmem:s23+$0xD00]  }
0x1bd: {  	v24 =	vld [tilespmem:s23+$0xD80]  }
0x1be: {  	v25 =	vld [tilespmem:s23+$0xE00]  }
0x1bf: {  	v26 =	vld [tilespmem:s23+$0xE80]  }
0x1c0: {  	v27 =	vld [tilespmem:s23+$0xF00]  }
0x1c1: {  	v28 =	vld [tilespmem:s23+$0xF80]  }
0x1c2: {  	v29 =	vld [tilespmem:s23+$0x1C00]  }
0x1c3: {  	v30 =	vld [tilespmem:s23+$0x1C80]  }
0x1c4: {  	v31 =	vld [tilespmem:s23+$0x1D00];
	v1 =	vshll.u32 v1, $0x2;
	v2 =	vshll.u32 v2, $0x1  }
0x1c5: {  	v33 =	vld [tilespmem:s23+$0x1E00];
	v1 =	vadd.s32 v1, v2  }
0x1c6: {  	v35 =	vld [tilespmem:s23+$0x1E80];
	v32 =	vshll.u32 v25, $0x2;
	v1 =	vadd.s32 v3, v1;
	v3 =	vshll.u32 v24, $0x3  }
0x1c7: {  	v34 =	vshll.u32 v26, $0x1;
	v2 =	vld [tilespmem:s23+$0x1D80];
	v1 =	vshll.u32 v1, $0x4;
	v3 =	vadd.s32 v32, v3  }
0x1c8: {  	v36 =	vld [tilespmem:s23+$0x1F00];
	v1 =	vadd.s32 v3, v1;
	v3 =	vadd.s32 v34, v27  }
0x1c9: {  	v38 =	vld [tilespmem:s23+$0x1F80];
	v37 =	vshll.u32 v29, $0x2;
	v1 =	vadd.s32 v1, v3;
	v3 =	vshll.u32 v28, $0x3  }
0x1ca: {  	v40 =	vld [tilespmem:s23+$0x2C00];
	v39 =	vshll.u32 v30, $0x1;
	v1 =	vshll.u32 v1, $0x4;
	v3 =	vadd.s32 v37, v3  }
0x1cb: {  	v41 =	vld [tilespmem:s23+$0x2C80];
	v1 =	vadd.s32 v3, v1;
	v3 =	vadd.s32 v39, v31  }
0x1cc: {  	v42 =	vld [tilespmem:s23+$0x2D00];
	v2 =	vshll.u32 v2, $0x3;
	v1 =	vadd.s32 v1, v3;
	v3 =	vshll.u32 v33, $0x2  }
0x1cd: {  	v1 =	vshll.u32 v1, $0x4;
	v2 =	vadd.s32 v3, v2;
	v3 =	vshll.u32 v35, $0x1  }
0x1ce: {  	v1 =	vadd.s32 v2, v1;
	v2 =	vadd.s32 v3, v36  }
0x1cf: {  	v43 =	vld [tilespmem:s23+$0x2D80];
	v3 =	vshll.u32 v40, $0x2;
	v1 =	vadd.s32 v1, v2;
	v2 =	vshll.u32 v38, $0x3  }
0x1d0: {  	v1 =	vshll.u32 v1, $0x4;
	v2 =	vadd.s32 v3, v2;
	v3 =	vshll.u32 v41, $0x1  }
0x1d1: {  	v1 =	vadd.s32 v2, v1;
	v2 =	vadd.s32 v3, v42  }
0x1d2: {  	v1 =	vadd.s32 v1, v2  }
0x1d3: {  	v1 =	vshll.u32 v1, $0x1  }
0x1d4: {  	s23 =	sor.u32 $0x30, s11;
	v1 =	vadd.s32 v43, v1  }
0x1d5: {  	s23 =	sand.u32 $0x70, s23;
	[tilespmem:s11+$0x31A0] =	vst v1  }
0x1d6: {  	v1 =	vld [tilespmem:s23+$0xC00]  }
0x1d7: {  	v2 =	vld [tilespmem:s23+$0xC80]  }
0x1d8: {  	v3 =	vld [tilespmem:s23+$0xD00]  }
0x1d9: {  	v44 =	vld [tilespmem:s23+$0xD80]  }
0x1da: {  	v45 =	vld [tilespmem:s23+$0xE00]  }
0x1db: {  	v46 =	vld [tilespmem:s23+$0xE80]  }
0x1dc: {  	v47 =	vld [tilespmem:s23+$0xF00]  }
0x1dd: {  	v48 =	vld [tilespmem:s23+$0xF80]  }
0x1de: {  	v49 =	vld [tilespmem:s23+$0x1C00]  }
0x1df: {  	v50 =	vld [tilespmem:s23+$0x1C80]  }
0x1e0: {  	v51 =	vld [tilespmem:s23+$0x1D00];
	v1 =	vshll.u32 v1, $0x2;
	v2 =	vshll.u32 v2, $0x1  }
0x1e1: {  	v53 =	vld [tilespmem:s23+$0x1E00];
	v1 =	vadd.s32 v1, v2  }
0x1e2: {  	v55 =	vld [tilespmem:s23+$0x1E80];
	v52 =	vshll.u32 v45, $0x2;
	v1 =	vadd.s32 v3, v1;
	v3 =	vshll.u32 v44, $0x3  }
0x1e3: {  	v54 =	vshll.u32 v46, $0x1;
	v2 =	vld [tilespmem:s23+$0x1D80];
	v1 =	vshll.u32 v1, $0x4;
	v3 =	vadd.s32 v52, v3  }
0x1e4: {  	v56 =	vld [tilespmem:s23+$0x1F00];
	v1 =	vadd.s32 v3, v1;
	v3 =	vadd.s32 v54, v47  }
0x1e5: {  	v58 =	vld [tilespmem:s23+$0x1F80];
	v57 =	vshll.u32 v49, $0x2;
	v1 =	vadd.s32 v1, v3;
	v3 =	vshll.u32 v48, $0x3  }
0x1e6: {  	v60 =	vld [tilespmem:s23+$0x2C00];
	v59 =	vshll.u32 v50, $0x1;
	v1 =	vshll.u32 v1, $0x4;
	v3 =	vadd.s32 v57, v3  }
0x1e7: {  	v61 =	vld [tilespmem:s23+$0x2C80];
	v1 =	vadd.s32 v3, v1;
	v3 =	vadd.s32 v59, v51  }
0x1e8: {  	v62 =	vld [tilespmem:s23+$0x2D00];
	v2 =	vshll.u32 v2, $0x3;
	v1 =	vadd.s32 v1, v3;
	v3 =	vshll.u32 v53, $0x2  }
0x1e9: {  	v2 =	vadd.s32 v3, v2;
	v1 =	vshll.u32 v1, $0x4;
	v3 =	vshll.u32 v55, $0x1  }
0x1ea: {  	v1 =	vadd.s32 v2, v1;
	v2 =	vadd.s32 v3, v56  }
0x1eb: {  	v63 =	vld [tilespmem:s23+$0x2D80];
	v3 =	vshll.u32 v60, $0x2;
	v1 =	vadd.s32 v1, v2;
	v2 =	vshll.u32 v58, $0x3  }
0x1ec: {  	p1 =	por p0, p0;
	v2 =	vadd.s32 v3, v2;
	v1 =	vshll.u32 v1, $0x4;
	v3 =	vshll.u32 v61, $0x1  }
.Ltmp3:
0x1ed: {  	v1 =	vadd.s32 v2, v1;
	v2 =	vadd.s32 v3, v62;
	(pc) =	sbr.rel @p1 .LBB2_8-.Ltmp3, $4  }
0x1ee: {  	v1 =	vadd.s32 v1, v2  }
0x1ef: {  	v1 =	vshll.u32 v1, $0x1  }
0x1f0: {  	v1 =	vadd.s32 v63, v1  }
0x1f1: {  	p0 =	por $0x0, $0x0;
	[tilespmem:s11+$0x31B0] =	vst v1;
	s11 =	simm.s32 $0x40  }
0x1f2: {  	s11 =	simm.s32 $0x3180  }
0x1f3: {  	[tilespmem:s22], [sflag:$0x8] =	stream.indirect.gather [hbm4b:s2+s21], $0x1, s11, s21, $0xb8;
	[tilespmem:$0x3400] =	vst v63  }
0x1f4: {  	_ =	swait.ge [sflag:s25], $0x80  }
0x1f5: {  	[sflag:s25] =	ssyncset.done $0x0  }
0x1f6: {  	p0 =	por $0x1, $0x1;
	s11 =	simm.s32 $0x0;
	[sflag:s25] =	ssyncadd.s32 $0xFFFFFF80  }
.LBB2_10:
0x1f7: {  	s11 =	sshra.s32 s11, $0x2  }
0x1f8: {  	v1 =	vld [tilespmem:s11+$0x3200]  }
0x1f9: {  	v3 =	vld [tilespmem:s11+$0x3210]  }
0x1fa: {  	v4 =	vld [tilespmem:s11+$0x3220]  }
0x1fb: {  	v6 =	vld [tilespmem:s11+$0x3230];
	_ =	sdelay $0x2  }
0x1fc: {  	v2 =	vand.u32 $0x7FFFFF, v1  }
0x1fd: {  	v54 =	vand.u32 $0x7FFFFF, v3;
	v7 =	vand.u32 $0x7FFFFF, v4;
	v2 =	vor.u32 $0x3F800000, v2  }
0x1fe: {  	v11 =	vand.u32 $0x7FFFFF, v6;
	v7 =	vor.u32 $0x3F800000, v7;
	v5 =	vmul.f32 $5.000000000e-01, v2  }
0x1ff: {  	v55 =	vor.u32 $0x3F800000, v11;
	vm1 =	vgt.f32 v2, $1.414213540e+00;
	v10 =	vmul.f32 $5.000000000e-01, v7  }
0x200: {  	vm3 =	vgt.f32 v7, $1.414213540e+00;
	v2 =	vsel vm1, v5, v2;
	v5 =	vor.u32 $0x3F800000, v54  }
0x201: {  	v56 =	vmul.f32 $5.000000000e-01, v55;
	v2 =	vadd.f32 $-1.000000000e+00, v2;
	v9 =	vmul.f32 $5.000000000e-01, v5  }
0x202: {  	vm0 =	vgt.f32 v55, $1.414213540e+00;
	v7 =	vsel vm3, v10, v7;
	vm2 =	vgt.f32 v5, $1.414213540e+00  }
0x203: {  	v7 =	vadd.f32 $-1.000000000e+00, v7;
	v8 =	vmul.f32 $1.362368910e-01, v2;
	v5 =	vsel vm2, v9, v5  }
0x204: {  	v9 =	vsel vm0, v56, v55;
	v5 =	vadd.f32 $-1.000000000e+00, v5  }
0x205: {  	v58 =	vmul.f32 $1.362368910e-01, v7;
	v9 =	vadd.f32 $-1.000000000e+00, v9;
	v8 =	vsub.f32 $2.217475770e-01, v8  }
0x206: {  	v57 =	vmul.f32 $1.362368910e-01, v5  }
0x207: {  	v10 =	vsub.f32 $2.217475770e-01, v58;
	v12 =	vmul.f32 $1.362368910e-01, v9;
	v8 =	vmul.f32 v8, v2  }
0x208: {  	v1 =	vshra.s32 v1, $0x17;
	v11 =	vsub.f32 $2.217475770e-01, v57  }
0x209: {  	v10 =	vmul.f32 v10, v7;
	v12 =	vsub.f32 $2.217475770e-01, v12;
	v8 =	vadd.f32 $-2.560272220e-01, v8  }
0x20a: {  	v3 =	vshra.s32 v3, $0x17;
	v4 =	vshra.s32 v4, $0x17;
	v11 =	vmul.f32 v11, v5  }
0x20b: {  	v10 =	vadd.f32 $-2.560272220e-01, v10;
	v12 =	vmul.f32 v12, v9;
	v8 =	vmul.f32 v8, v2  }
0x20c: {  	v6 =	vshra.s32 v6, $0x17;
	v13 =	vsel vm1, $0xFFFFFF82, v0;
	v11 =	vadd.f32 $-2.560272220e-01, v11  }
0x20d: {  	v10 =	vmul.f32 v10, v7;
	v12 =	vadd.f32 $-2.560272220e-01, v12;
	v8 =	vadd.f32 $3.324249090e-01, v8  }
0x20e: {  	v15 =	vsel vm3, $0xFFFFFF82, v0;
	v62 =	vsel vm0, $0xFFFFFF82, v0;
	v11 =	vmul.f32 v11, v5  }
0x20f: {  	v10 =	vadd.f32 $3.324249090e-01, v10;
	v12 =	vmul.f32 v12, v9;
	v8 =	vmul.f32 v8, v2  }
0x210: {  	v1 =	vadd.s32 v1, v13;
	v4 =	vadd.s32 v4, v15;
	v11 =	vadd.f32 $3.324249090e-01, v11  }
0x211: {  	v10 =	vmul.f32 v10, v7;
	v12 =	vadd.f32 $3.324249090e-01, v12;
	v8 =	vadd.f32 $-4.997736510e-01, v8  }
0x212: {  	v6 =	vadd.s32 v6, v62;
	v1 =	vcvt.s32.f32 v1;
	v11 =	vmul.f32 v11, v5  }
0x213: {  	v10 =	vadd.f32 $-4.997736510e-01, v10;
	v12 =	vmul.f32 v12, v9;
	v8 =	vmul.f32 v8, v2  }
0x214: {  	v4 =	vcvt.s32.f32 v4;
	v14 =	vsel vm2, $0xFFFFFF82, v0;
	v11 =	vadd.f32 $-4.997736510e-01, v11  }
0x215: {  	v10 =	vmul.f32 v10, v7;
	v12 =	vadd.f32 $-4.997736510e-01, v12;
	v8 =	vadd.f32 $1.000010010e+00, v8  }
0x216: {  	v6 =	vcvt.s32.f32 v6;
	v3 =	vadd.s32 v3, v14;
	v11 =	vmul.f32 v11, v5  }
0x217: {  	v10 =	vadd.f32 $1.000010010e+00, v10;
	v60 =	vmul.f32 v12, v9;
	v2 =	vmul.f32 v8, v2  }
0x218: {  	v1 =	vmul.f32 $6.931471820e-01, v1;
	v4 =	vmul.f32 $6.931471820e-01, v4;
	v59 =	vadd.f32 $1.000010010e+00, v11  }
0x219: {  	v7 =	vmul.f32 v10, v7;
	v61 =	vadd.f32 $1.000010010e+00, v60;
	v2 =	vadd.f32 $-1.175500300e-06, v2  }
0x21a: {  	v3 =	vcvt.s32.f32 v3;
	v5 =	vmul.f32 v59, v5  }
0x21b: {  	v8 =	vmul.f32 v61, v9;
	v1 =	vadd.f32 v2, v1;
	v2 =	vadd.f32 $-1.175500300e-06, v7  }
0x21c: {  	p1 =	por p0, p0;
	v6 =	vmul.f32 $6.931471820e-01, v6;
	v3 =	vmul.f32 $6.931471820e-01, v3;
	v5 =	vadd.f32 $-1.175500300e-06, v5  }
.Ltmp4:
0x21d: {  	v63 =	vadd.f32 $-1.175500300e-06, v8;
	[tilespmem:s11+$0x3200] =	vst v1;
	v1 =	vadd.f32 v2, v4;
	(pc) =	sbr.rel @p1 .LBB2_10-.Ltmp4, $4  }
0x21e: {  	v3 =	vadd.f32 v5, v3  }
0x21f: {  	v2 =	vadd.f32 v63, v6;
	[tilespmem:s11+$0x3220] =	vst v1  }
0x220: {  	[tilespmem:s11+$0x3210] =	vst v3  }
0x221: {  	p0 =	por $0x0, $0x0;
	[tilespmem:s11+$0x3230] =	vst v2;
	s11 =	simm.s32 $0x100  }
0x222: {  	s11 =	simm.s32 $0x0;
	s23 =	rddreg [dreg:$0x4]  }
0x223: {  	[hbm4b:s23+s11] =	stream.linear.scatter [tilespmem:s12], [sflag:$0x9], $0x80, $0x38;
	[tilespmem:$0x3400] =	vst v63  }
0x224: {  	_ =	swait.ge [sflag:s29], $0x80  }
0x225: {  	[sflag:s29] =	ssyncset.done $0x0  }
0x226: {  	p0 =	por $0x1, $0x1;
	[sflag:s29] =	ssyncadd.s32 $0xFFFFFF80  }
.LBB2_12:
0x227: {  	s11 =	sshra.s32 s11, $0x2  }
0x228: {  	v1 =	vld [tilespmem:s11+$0x3280]  }
0x229: {  	v3 =	vld [tilespmem:s11+$0x3290]  }
0x22a: {  	v4 =	vld [tilespmem:s11+$0x32A0]  }
0x22b: {  	v6 =	vld [tilespmem:s11+$0x32B0];
	_ =	sdelay $0x2  }
0x22c: {  	v2 =	vand.u32 $0x7FFFFF, v1  }
0x22d: {  	v54 =	vand.u32 $0x7FFFFF, v3;
	v7 =	vand.u32 $0x7FFFFF, v4;
	v2 =	vor.u32 $0x3F800000, v2  }
0x22e: {  	v11 =	vand.u32 $0x7FFFFF, v6;
	v7 =	vor.u32 $0x3F800000, v7;
	v5 =	vmul.f32 $5.000000000e-01, v2  }
0x22f: {  	v55 =	vor.u32 $0x3F800000, v11;
	vm1 =	vgt.f32 v2, $1.414213540e+00;
	v10 =	vmul.f32 $5.000000000e-01, v7  }
0x230: {  	vm3 =	vgt.f32 v7, $1.414213540e+00;
	v2 =	vsel vm1, v5, v2;
	v5 =	vor.u32 $0x3F800000, v54  }
0x231: {  	v56 =	vmul.f32 $5.000000000e-01, v55;
	v2 =	vadd.f32 $-1.000000000e+00, v2;
	v9 =	vmul.f32 $5.000000000e-01, v5  }
0x232: {  	vm0 =	vgt.f32 v55, $1.414213540e+00;
	v7 =	vsel vm3, v10, v7;
	vm2 =	vgt.f32 v5, $1.414213540e+00  }
0x233: {  	v7 =	vadd.f32 $-1.000000000e+00, v7;
	v8 =	vmul.f32 $1.362368910e-01, v2;
	v5 =	vsel vm2, v9, v5  }
0x234: {  	v9 =	vsel vm0, v56, v55;
	v5 =	vadd.f32 $-1.000000000e+00, v5  }
0x235: {  	v58 =	vmul.f32 $1.362368910e-01, v7;
	v9 =	vadd.f32 $-1.000000000e+00, v9;
	v8 =	vsub.f32 $2.217475770e-01, v8  }
0x236: {  	v57 =	vmul.f32 $1.362368910e-01, v5  }
0x237: {  	v10 =	vsub.f32 $2.217475770e-01, v58;
	v12 =	vmul.f32 $1.362368910e-01, v9;
	v8 =	vmul.f32 v8, v2  }
0x238: {  	v1 =	vshra.s32 v1, $0x17;
	v11 =	vsub.f32 $2.217475770e-01, v57  }
0x239: {  	v10 =	vmul.f32 v10, v7;
	v12 =	vsub.f32 $2.217475770e-01, v12;
	v8 =	vadd.f32 $-2.560272220e-01, v8  }
0x23a: {  	v3 =	vshra.s32 v3, $0x17;
	v4 =	vshra.s32 v4, $0x17;
	v11 =	vmul.f32 v11, v5  }
0x23b: {  	v10 =	vadd.f32 $-2.560272220e-01, v10;
	v12 =	vmul.f32 v12, v9;
	v8 =	vmul.f32 v8, v2  }
0x23c: {  	v6 =	vshra.s32 v6, $0x17;
	v13 =	vsel vm1, $0xFFFFFF82, v0;
	v11 =	vadd.f32 $-2.560272220e-01, v11  }
0x23d: {  	v10 =	vmul.f32 v10, v7;
	v12 =	vadd.f32 $-2.560272220e-01, v12;
	v8 =	vadd.f32 $3.324249090e-01, v8  }
0x23e: {  	v15 =	vsel vm3, $0xFFFFFF82, v0;
	v62 =	vsel vm0, $0xFFFFFF82, v0;
	v11 =	vmul.f32 v11, v5  }
0x23f: {  	v10 =	vadd.f32 $3.324249090e-01, v10;
	v12 =	vmul.f32 v12, v9;
	v8 =	vmul.f32 v8, v2  }
0x240: {  	v1 =	vadd.s32 v1, v13;
	v4 =	vadd.s32 v4, v15;
	v11 =	vadd.f32 $3.324249090e-01, v11  }
0x241: {  	v10 =	vmul.f32 v10, v7;
	v12 =	vadd.f32 $3.324249090e-01, v12;
	v8 =	vadd.f32 $-4.997736510e-01, v8  }
0x242: {  	v6 =	vadd.s32 v6, v62;
	v1 =	vcvt.s32.f32 v1;
	v11 =	vmul.f32 v11, v5  }
0x243: {  	v10 =	vadd.f32 $-4.997736510e-01, v10;
	v12 =	vmul.f32 v12, v9;
	v8 =	vmul.f32 v8, v2  }
0x244: {  	v4 =	vcvt.s32.f32 v4;
	v14 =	vsel vm2, $0xFFFFFF82, v0;
	v11 =	vadd.f32 $-4.997736510e-01, v11  }
0x245: {  	v10 =	vmul.f32 v10, v7;
	v12 =	vadd.f32 $-4.997736510e-01, v12;
	v8 =	vadd.f32 $1.000010010e+00, v8  }
0x246: {  	v6 =	vcvt.s32.f32 v6;
	v3 =	vadd.s32 v3, v14;
	v11 =	vmul.f32 v11, v5  }
0x247: {  	v10 =	vadd.f32 $1.000010010e+00, v10;
	v60 =	vmul.f32 v12, v9;
	v2 =	vmul.f32 v8, v2  }
0x248: {  	v1 =	vmul.f32 $6.931471820e-01, v1;
	v4 =	vmul.f32 $6.931471820e-01, v4;
	v59 =	vadd.f32 $1.000010010e+00, v11  }
0x249: {  	v7 =	vmul.f32 v10, v7;
	v61 =	vadd.f32 $1.000010010e+00, v60;
	v2 =	vadd.f32 $-1.175500300e-06, v2  }
0x24a: {  	v3 =	vcvt.s32.f32 v3;
	v5 =	vmul.f32 v59, v5  }
0x24b: {  	v8 =	vmul.f32 v61, v9;
	v1 =	vadd.f32 v2, v1;
	v2 =	vadd.f32 $-1.175500300e-06, v7  }
0x24c: {  	p1 =	por p0, p0;
	v6 =	vmul.f32 $6.931471820e-01, v6;
	v3 =	vmul.f32 $6.931471820e-01, v3;
	v5 =	vadd.f32 $-1.175500300e-06, v5  }
.Ltmp5:
0x24d: {  	v63 =	vadd.f32 $-1.175500300e-06, v8;
	[tilespmem:s11+$0x3280] =	vst v1;
	v1 =	vadd.f32 v2, v4;
	(pc) =	sbr.rel @p1 .LBB2_12-.Ltmp5, $4  }
0x24e: {  	v3 =	vadd.f32 v5, v3  }
0x24f: {  	v2 =	vadd.f32 v63, v6;
	[tilespmem:s11+$0x32A0] =	vst v1  }
0x250: {  	[tilespmem:s11+$0x3290] =	vst v3  }
0x251: {  	p0 =	por $0x0, $0x0;
	[tilespmem:s11+$0x32B0] =	vst v2;
	s11 =	simm.s32 $0x100  }
0x252: {  	s11 =	simm.s32 $0x0;
	s23 =	rddreg [dreg:$0x5]  }
0x253: {  	[hbm4b:s23+s11] =	stream.linear.scatter [tilespmem:s26], [sflag:$0x9], $0x80, $0x38;
	[tilespmem:$0x3400] =	vst v63  }
0x254: {  	_ =	swait.ge [sflag:s0], $0x80  }
0x255: {  	[sflag:s0] =	ssyncset.done $0x0  }
0x256: {  	p0 =	por $0x1, $0x1;
	[sflag:s0] =	ssyncadd.s32 $0xFFFFFF80  }
.LBB2_14:
0x257: {  	s11 =	sshra.s32 s11, $0x2  }
0x258: {  	v1 =	vld [tilespmem:s11+$0x3300]  }
0x259: {  	v3 =	vld [tilespmem:s11+$0x3310]  }
0x25a: {  	v4 =	vld [tilespmem:s11+$0x3320]  }
0x25b: {  	v6 =	vld [tilespmem:s11+$0x3330];
	_ =	sdelay $0x2  }
0x25c: {  	v2 =	vand.u32 $0x7FFFFF, v1  }
0x25d: {  	v54 =	vand.u32 $0x7FFFFF, v3;
	v7 =	vand.u32 $0x7FFFFF, v4;
	v2 =	vor.u32 $0x3F800000, v2  }
0x25e: {  	v11 =	vand.u32 $0x7FFFFF, v6;
	v7 =	vor.u32 $0x3F800000, v7;
	v5 =	vmul.f32 $5.000000000e-01, v2  }
0x25f: {  	v55 =	vor.u32 $0x3F800000, v11;
	vm1 =	vgt.f32 v2, $1.414213540e+00;
	v10 =	vmul.f32 $5.000000000e-01, v7  }
0x260: {  	vm3 =	vgt.f32 v7, $1.414213540e+00;
	v2 =	vsel vm1, v5, v2;
	v5 =	vor.u32 $0x3F800000, v54  }
0x261: {  	v56 =	vmul.f32 $5.000000000e-01, v55;
	v2 =	vadd.f32 $-1.000000000e+00, v2;
	v9 =	vmul.f32 $5.000000000e-01, v5  }
0x262: {  	vm0 =	vgt.f32 v55, $1.414213540e+00;
	v7 =	vsel vm3, v10, v7;
	vm2 =	vgt.f32 v5, $1.414213540e+00  }
0x263: {  	v7 =	vadd.f32 $-1.000000000e+00, v7;
	v8 =	vmul.f32 $1.362368910e-01, v2;
	v5 =	vsel vm2, v9, v5  }
0x264: {  	v9 =	vsel vm0, v56, v55;
	v5 =	vadd.f32 $-1.000000000e+00, v5  }
0x265: {  	v58 =	vmul.f32 $1.362368910e-01, v7;
	v9 =	vadd.f32 $-1.000000000e+00, v9;
	v8 =	vsub.f32 $2.217475770e-01, v8  }
0x266: {  	v57 =	vmul.f32 $1.362368910e-01, v5  }
0x267: {  	v10 =	vsub.f32 $2.217475770e-01, v58;
	v12 =	vmul.f32 $1.362368910e-01, v9;
	v8 =	vmul.f32 v8, v2  }
0x268: {  	v1 =	vshra.s32 v1, $0x17;
	v11 =	vsub.f32 $2.217475770e-01, v57  }
0x269: {  	v10 =	vmul.f32 v10, v7;
	v12 =	vsub.f32 $2.217475770e-01, v12;
	v8 =	vadd.f32 $-2.560272220e-01, v8  }
0x26a: {  	v3 =	vshra.s32 v3, $0x17;
	v4 =	vshra.s32 v4, $0x17;
	v11 =	vmul.f32 v11, v5  }
0x26b: {  	v10 =	vadd.f32 $-2.560272220e-01, v10;
	v12 =	vmul.f32 v12, v9;
	v8 =	vmul.f32 v8, v2  }
0x26c: {  	v6 =	vshra.s32 v6, $0x17;
	v13 =	vsel vm1, $0xFFFFFF82, v0;
	v11 =	vadd.f32 $-2.560272220e-01, v11  }
0x26d: {  	v10 =	vmul.f32 v10, v7;
	v12 =	vadd.f32 $-2.560272220e-01, v12;
	v8 =	vadd.f32 $3.324249090e-01, v8  }
0x26e: {  	v15 =	vsel vm3, $0xFFFFFF82, v0;
	v62 =	vsel vm0, $0xFFFFFF82, v0;
	v11 =	vmul.f32 v11, v5  }
0x26f: {  	v10 =	vadd.f32 $3.324249090e-01, v10;
	v12 =	vmul.f32 v12, v9;
	v8 =	vmul.f32 v8, v2  }
0x270: {  	v1 =	vadd.s32 v1, v13;
	v4 =	vadd.s32 v4, v15;
	v11 =	vadd.f32 $3.324249090e-01, v11  }
0x271: {  	v10 =	vmul.f32 v10, v7;
	v12 =	vadd.f32 $3.324249090e-01, v12;
	v8 =	vadd.f32 $-4.997736510e-01, v8  }
0x272: {  	v6 =	vadd.s32 v6, v62;
	v1 =	vcvt.s32.f32 v1;
	v11 =	vmul.f32 v11, v5  }
0x273: {  	v10 =	vadd.f32 $-4.997736510e-01, v10;
	v12 =	vmul.f32 v12, v9;
	v8 =	vmul.f32 v8, v2  }
0x274: {  	v4 =	vcvt.s32.f32 v4;
	v14 =	vsel vm2, $0xFFFFFF82, v0;
	v11 =	vadd.f32 $-4.997736510e-01, v11  }
0x275: {  	v10 =	vmul.f32 v10, v7;
	v12 =	vadd.f32 $-4.997736510e-01, v12;
	v8 =	vadd.f32 $1.000010010e+00, v8  }
0x276: {  	v6 =	vcvt.s32.f32 v6;
	v3 =	vadd.s32 v3, v14;
	v11 =	vmul.f32 v11, v5  }
0x277: {  	v10 =	vadd.f32 $1.000010010e+00, v10;
	v60 =	vmul.f32 v12, v9;
	v2 =	vmul.f32 v8, v2  }
0x278: {  	v1 =	vmul.f32 $6.931471820e-01, v1;
	v4 =	vmul.f32 $6.931471820e-01, v4;
	v59 =	vadd.f32 $1.000010010e+00, v11  }
0x279: {  	v7 =	vmul.f32 v10, v7;
	v61 =	vadd.f32 $1.000010010e+00, v60;
	v2 =	vadd.f32 $-1.175500300e-06, v2  }
0x27a: {  	v3 =	vcvt.s32.f32 v3;
	v5 =	vmul.f32 v59, v5  }
0x27b: {  	v8 =	vmul.f32 v61, v9;
	v1 =	vadd.f32 v2, v1;
	v2 =	vadd.f32 $-1.175500300e-06, v7  }
0x27c: {  	p1 =	por p0, p0;
	v6 =	vmul.f32 $6.931471820e-01, v6;
	v3 =	vmul.f32 $6.931471820e-01, v3;
	v5 =	vadd.f32 $-1.175500300e-06, v5  }
.Ltmp6:
0x27d: {  	v63 =	vadd.f32 $-1.175500300e-06, v8;
	[tilespmem:s11+$0x3300] =	vst v1;
	v1 =	vadd.f32 v2, v4;
	(pc) =	sbr.rel @p1 .LBB2_14-.Ltmp6, $4  }
0x27e: {  	v3 =	vadd.f32 v5, v3  }
0x27f: {  	v2 =	vadd.f32 v63, v6;
	[tilespmem:s11+$0x3320] =	vst v1  }
0x280: {  	[tilespmem:s11+$0x3310] =	vst v3  }
0x281: {  	p0 =	por $0x0, $0x0;
	[tilespmem:s11+$0x3330] =	vst v2;
	s11 =	simm.s32 $0x100  }
0x282: {  	s11 =	simm.s32 $0x0;
	s23 =	rddreg [dreg:$0x6]  }
0x283: {  	[hbm4b:s23+s11] =	stream.linear.scatter [tilespmem:s30], [sflag:$0x9], $0x80, $0x38;
	[tilespmem:$0x3400] =	vst v63  }
0x284: {  	_ =	swait.ge [sflag:s8], $0x80  }
0x285: {  	[sflag:s8] =	ssyncset.done $0x0  }
0x286: {  	p0 =	por $0x1, $0x1;
	[sflag:s8] =	ssyncadd.s32 $0xFFFFFF80  }
.LBB2_16:
0x287: {  	s11 =	sshra.s32 s11, $0x2  }
0x288: {  	v1 =	vld [tilespmem:s11+$0x3380]  }
0x289: {  	v3 =	vld [tilespmem:s11+$0x3390]  }
0x28a: {  	v4 =	vld [tilespmem:s11+$0x33A0]  }
0x28b: {  	v6 =	vld [tilespmem:s11+$0x33B0];
	_ =	sdelay $0x2  }
0x28c: {  	v2 =	vand.u32 $0x7FFFFF, v1  }
0x28d: {  	v54 =	vand.u32 $0x7FFFFF, v3;
	v7 =	vand.u32 $0x7FFFFF, v4;
	v2 =	vor.u32 $0x3F800000, v2  }
0x28e: {  	v11 =	vand.u32 $0x7FFFFF, v6;
	v7 =	vor.u32 $0x3F800000, v7;
	v5 =	vmul.f32 $5.000000000e-01, v2  }
0x28f: {  	v55 =	vor.u32 $0x3F800000, v11;
	vm1 =	vgt.f32 v2, $1.414213540e+00;
	v10 =	vmul.f32 $5.000000000e-01, v7  }
0x290: {  	vm3 =	vgt.f32 v7, $1.414213540e+00;
	v2 =	vsel vm1, v5, v2;
	v5 =	vor.u32 $0x3F800000, v54  }
0x291: {  	v56 =	vmul.f32 $5.000000000e-01, v55;
	v2 =	vadd.f32 $-1.000000000e+00, v2;
	v9 =	vmul.f32 $5.000000000e-01, v5  }
0x292: {  	vm0 =	vgt.f32 v55, $1.414213540e+00;
	v7 =	vsel vm3, v10, v7;
	vm2 =	vgt.f32 v5, $1.414213540e+00  }
0x293: {  	v7 =	vadd.f32 $-1.000000000e+00, v7;
	v8 =	vmul.f32 $1.362368910e-01, v2;
	v5 =	vsel vm2, v9, v5  }
0x294: {  	v9 =	vsel vm0, v56, v55;
	v5 =	vadd.f32 $-1.000000000e+00, v5  }
0x295: {  	v58 =	vmul.f32 $1.362368910e-01, v7;
	v9 =	vadd.f32 $-1.000000000e+00, v9;
	v8 =	vsub.f32 $2.217475770e-01, v8  }
0x296: {  	v57 =	vmul.f32 $1.362368910e-01, v5  }
0x297: {  	v10 =	vsub.f32 $2.217475770e-01, v58;
	v12 =	vmul.f32 $1.362368910e-01, v9;
	v8 =	vmul.f32 v8, v2  }
0x298: {  	v1 =	vshra.s32 v1, $0x17;
	v11 =	vsub.f32 $2.217475770e-01, v57  }
0x299: {  	v10 =	vmul.f32 v10, v7;
	v12 =	vsub.f32 $2.217475770e-01, v12;
	v8 =	vadd.f32 $-2.560272220e-01, v8  }
0x29a: {  	v3 =	vshra.s32 v3, $0x17;
	v4 =	vshra.s32 v4, $0x17;
	v11 =	vmul.f32 v11, v5  }
0x29b: {  	v10 =	vadd.f32 $-2.560272220e-01, v10;
	v12 =	vmul.f32 v12, v9;
	v8 =	vmul.f32 v8, v2  }
0x29c: {  	v6 =	vshra.s32 v6, $0x17;
	v13 =	vsel vm1, $0xFFFFFF82, v0;
	v11 =	vadd.f32 $-2.560272220e-01, v11  }
0x29d: {  	v10 =	vmul.f32 v10, v7;
	v12 =	vadd.f32 $-2.560272220e-01, v12;
	v8 =	vadd.f32 $3.324249090e-01, v8  }
0x29e: {  	v15 =	vsel vm3, $0xFFFFFF82, v0;
	v62 =	vsel vm0, $0xFFFFFF82, v0;
	v11 =	vmul.f32 v11, v5  }
0x29f: {  	v10 =	vadd.f32 $3.324249090e-01, v10;
	v12 =	vmul.f32 v12, v9;
	v8 =	vmul.f32 v8, v2  }
0x2a0: {  	v1 =	vadd.s32 v1, v13;
	v4 =	vadd.s32 v4, v15;
	v11 =	vadd.f32 $3.324249090e-01, v11  }
0x2a1: {  	v10 =	vmul.f32 v10, v7;
	v12 =	vadd.f32 $3.324249090e-01, v12;
	v8 =	vadd.f32 $-4.997736510e-01, v8  }
0x2a2: {  	v6 =	vadd.s32 v6, v62;
	v1 =	vcvt.s32.f32 v1;
	v11 =	vmul.f32 v11, v5  }
0x2a3: {  	v10 =	vadd.f32 $-4.997736510e-01, v10;
	v12 =	vmul.f32 v12, v9;
	v8 =	vmul.f32 v8, v2  }
0x2a4: {  	v4 =	vcvt.s32.f32 v4;
	v14 =	vsel vm2, $0xFFFFFF82, v0;
	v11 =	vadd.f32 $-4.997736510e-01, v11  }
0x2a5: {  	v10 =	vmul.f32 v10, v7;
	v12 =	vadd.f32 $-4.997736510e-01, v12;
	v8 =	vadd.f32 $1.000010010e+00, v8  }
0x2a6: {  	v6 =	vcvt.s32.f32 v6;
	v3 =	vadd.s32 v3, v14;
	v11 =	vmul.f32 v11, v5  }
0x2a7: {  	v10 =	vadd.f32 $1.000010010e+00, v10;
	v60 =	vmul.f32 v12, v9;
	v2 =	vmul.f32 v8, v2  }
0x2a8: {  	v1 =	vmul.f32 $6.931471820e-01, v1;
	v4 =	vmul.f32 $6.931471820e-01, v4;
	v59 =	vadd.f32 $1.000010010e+00, v11  }
0x2a9: {  	v7 =	vmul.f32 v10, v7;
	v61 =	vadd.f32 $1.000010010e+00, v60;
	v2 =	vadd.f32 $-1.175500300e-06, v2  }
0x2aa: {  	v3 =	vcvt.s32.f32 v3;
	v5 =	vmul.f32 v59, v5  }
0x2ab: {  	v8 =	vmul.f32 v61, v9;
	v1 =	vadd.f32 v2, v1;
	v2 =	vadd.f32 $-1.175500300e-06, v7  }
0x2ac: {  	p1 =	por p0, p0;
	v6 =	vmul.f32 $6.931471820e-01, v6;
	v3 =	vmul.f32 $6.931471820e-01, v3;
	v5 =	vadd.f32 $-1.175500300e-06, v5  }
.Ltmp7:
0x2ad: {  	v63 =	vadd.f32 $-1.175500300e-06, v8;
	[tilespmem:s11+$0x3380] =	vst v1;
	v1 =	vadd.f32 v2, v4;
	(pc) =	sbr.rel @p1 .LBB2_16-.Ltmp7, $4  }
0x2ae: {  	v3 =	vadd.f32 v5, v3  }
0x2af: {  	v2 =	vadd.f32 v63, v6;
	[tilespmem:s11+$0x33A0] =	vst v1  }
0x2b0: {  	[tilespmem:s11+$0x3390] =	vst v3  }
0x2b1: {  	p0 =	por $0x0, $0x0;
	[tilespmem:s11+$0x33B0] =	vst v2;
	s11 =	simm.s32 $0x100  }
0x2b2: {  	s11 =	rddreg [dreg:$0x7]  }
0x2b3: {  	[hbm4b:s11+s3] =	stream.linear.scatter [tilespmem:s22], [sflag:$0x9], $0x80, $0x38;
	[tilespmem:$0x3400] =	vst v63  }
0x2b4: {  	_ =	swait.ge [sflag:s9], $0x80  }
0x2b5: {  	[sflag:s9] =	ssyncset.done $0x0  }
0x2b6: {  	[sflag:s9] =	ssyncadd.s32 $0xFFFFFF80  }
0x2b7: {  	_ =	swait.ge [sflag:s9], $0x80  }
0x2b8: {  	[sflag:s9] =	ssyncset.done $0x0  }
0x2b9: {  	[sflag:s9] =	ssyncadd.s32 $0xFFFFFF80  }
0x2ba: {  	_ =	swait.ge [sflag:s9], $0x80  }
0x2bb: {  	[sflag:s9] =	ssyncset.done $0x0  }
0x2bc: {  	[sflag:s9] =	ssyncadd.s32 $0xFFFFFF80  }
0x2bd: {  	_ =	swait.ge [sflag:s9], $0x80  }
0x2be: {  	s10 =	sadd.s32 $0x1, s10;
	s23 =	rddreg [dreg:$0x8]  }
0x2bf: {  	p0 =	sne.s32 s10, s23  }
.Ltmp8:
0x2c0: {  	_ = 	snop;
	(pc) =	sbr.rel @p0 .LBB2_1-.Ltmp8, $3  }
0x2c1: {  	_ =	sdelay $0x1  }
0x2c2: {  	[sflag:s9] =	ssyncset.done $0x0  }
0x2c3: {  	[sflag:s9] =	ssyncadd.s32 $0xFFFFFF80  }
0x2c4: {  	_ =	sfence.sel $0x180000  }
0x2c5: {  	[bflag:$0x0] =	sbarrier.arrive $0xFFFF  }
0x2c6: {  	_ =	strace $0x90000047  }
0x2c7: {  	s0 =	stileid.u32;
	[bflag:$0x2] =	sbarrier.arrive $0xFFFF  }
0x2c8: {  	p0 =	sne.s32 s0, $0x0;
	s0 =	rddreg [dreg:$0x3]  }
0x2c9: {  	s0 =	sadd.s32 @!p0 $0x100000, s0  }
0x2ca: {  	[sflag:s0] =	ssyncadd.tile.s32 @!p0 $0x1;
	_ =	shalt  }
.Lfunc_end2:
_tile_overlayer_lowered:
.L_overlay_start_2:
0x2cb: {  	(tag) =	ssettag $0x2  }
0x2cc: {  	s0 =	rddreg [dreg:$0x0];
	s2 =	stileid.u32  }
0x2cd: {  	s1 =	rddreg [dreg:$0x1];
	p0 =	sne.s32 s2, $0x0  }
0x2ce: {  	s3 =	rddreg [dreg:$0x2];
	[bflag:$0x3] =	sbarrier.arrive $0xFFFF;
	s2 =	simm.s32 @!p0 $0x1C0A  }
0x2cf: {  	[timem:s3], [sflag:s2] =	dma.local @!p0 [hbm:s0], s1  }
0x2d0: {  	s0 =	simm.s32 @!p0 $0xA  }
0x2d1: {  	_ =	swait.ge @!p0 [sflag:s0], s1  }
0x2d2: {  	s1 =	ssub.s32 @!p0 $0x0, s1;
	[sflag:s0] =	ssyncset.done @!p0 $0x0  }
0x2d3: {  	[sflag:s0] =	ssyncadd.s32 @!p0 s1  }
0x2d4: {  	[bflag:$0x3] =	sbarrier.arrive $0xFFFF  }
0x2d5: {  	_ =	shalt  }

</sc_bundles>
